<compile_context>
chip_gen: v7x
topology: tpu7x:2x2x1
jax: 0.10.2.dev20260603
libtpu: 0.0.44.dev20260713+nightly
codegen_flags: <defaults>
</compile_context>

<pallas_src>
import functools

import jax
import jax.numpy as jnp
from jax import lax
from jax.experimental import pallas as pl
from jax.experimental.pallas import tpu as pltpu
from jax.experimental.pallas import tpu_sc as plsc

B = 150000
VOCAB = 100000
H = 64

NC = 2
NS = 16
NW = NC * NS
L = 16

PER_W = 4688
CHUNK = 336
N_CHUNKS = -(-PER_W // CHUNK)
NBUF = 2


def _sc_body(widx_hbm, cidx_hbm, wemb_hbm, cemb_hbm, out_hbm,
             idx_w, idx_c,
             rows_w0, rows_w1, rows_c0, rows_c1,
             out_v0, out_v1,
             sem_gw0, sem_gw1, sem_gc0, sem_gc1, sem_o0, sem_o1):
  rows_w = (rows_w0, rows_w1)
  rows_c = (rows_c0, rows_c1)
  out_v = (out_v0, out_v1)
  sem_gw = (sem_gw0, sem_gw1)
  sem_gc = (sem_gc0, sem_gc1)
  sem_o = (sem_o0, sem_o1)

  wid = lax.axis_index("s") * NC + lax.axis_index("c")
  wstart = wid * PER_W
  wlast = jnp.minimum(wstart + PER_W, B) - CHUNK
  lane = lax.iota(jnp.int32, L)

  sstart = pl.multiple_of(jnp.minimum(wstart, B - PER_W), 16)
  pltpu.sync_copy(widx_hbm.at[pl.ds(sstart, PER_W)], idx_w)
  pltpu.sync_copy(cidx_hbm.at[pl.ds(sstart, PER_W)], idx_c)

  def chunk_base(ci):
    return pl.multiple_of(jnp.minimum(wstart + ci * CHUNK, wlast), 16)

  def stage(ci, b):
    off = pl.multiple_of(chunk_base(ci) - sstart, 16)
    pltpu.async_copy(
        wemb_hbm.at[idx_w.at[pl.ds(off, CHUNK)]], rows_w[b], sem_gw[b])
    pltpu.async_copy(
        cemb_hbm.at[idx_c.at[pl.ds(off, CHUNK)]], rows_c[b], sem_gc[b])

  def wait_stage(ci, b):
    off = pl.multiple_of(chunk_base(ci) - sstart, 16)
    pltpu.make_async_copy(
        wemb_hbm.at[idx_w.at[pl.ds(off, CHUNK)]], rows_w[b], sem_gw[b]).wait()
    pltpu.make_async_copy(
        cemb_hbm.at[idx_c.at[pl.ds(off, CHUNK)]], rows_c[b], sem_gc[b]).wait()

  def compute(b):
    def group_body(g, carry):
      rid = g * L + lane
      acc = jnp.zeros((L,), jnp.float32)
      for j in range(H):
        cj = lax.bitwise_and(lane + j, H - 1)
        vw = plsc.load_gather(rows_w[b], [rid, cj])
        vc = plsc.load_gather(rows_c[b], [rid, cj])
        acc = acc + vw * vc
      out_v[b][pl.ds(g * L, L)] = 1.0 / (1.0 + jnp.exp(-acc))
      return carry

    lax.fori_loop(0, CHUNK // L, group_body, 0)

  stage(jnp.int32(0), 0)

  def pair_body(cc, carry):
    for b in range(NBUF):
      ci = cc * NBUF + b
      nxt = ci + 1

      @pl.when(nxt < N_CHUNKS)
      def _():
        stage(nxt, 1 - b)

      wait_stage(ci, b)

      @pl.when(ci >= NBUF)
      def _():
        pltpu.make_async_copy(
            out_v[b], out_hbm.at[pl.ds(chunk_base(ci - NBUF), CHUNK)],
            sem_o[b]).wait()

      compute(b)
      pltpu.async_copy(
          out_v[b], out_hbm.at[pl.ds(chunk_base(ci), CHUNK)], sem_o[b])
    return carry

  lax.fori_loop(0, N_CHUNKS // NBUF, pair_body, 0)
  for b in range(NBUF):
    ci = N_CHUNKS - NBUF + b
    pltpu.make_async_copy(
        out_v[b], out_hbm.at[pl.ds(chunk_base(ci), CHUNK)], sem_o[b]).wait()


@jax.jit
def _run(widx, cidx, word_emb, context_emb):
  mesh = plsc.VectorSubcoreMesh(core_axis_name="c", subcore_axis_name="s")
  k = functools.partial(
      pl.kernel,
      out_type=jax.ShapeDtypeStruct((B,), jnp.float32),
      mesh=mesh,
      compiler_params=pltpu.CompilerParams(
          needs_layout_passes=False, use_tc_tiling_on_sc=False,
          disable_bounds_checks=True),
      scratch_types=[
          pltpu.VMEM((PER_W,), jnp.int32),
          pltpu.VMEM((PER_W,), jnp.int32),
          pltpu.VMEM((CHUNK, H), jnp.float32),
          pltpu.VMEM((CHUNK, H), jnp.float32),
          pltpu.VMEM((CHUNK, H), jnp.float32),
          pltpu.VMEM((CHUNK, H), jnp.float32),
          pltpu.VMEM((CHUNK,), jnp.float32),
          pltpu.VMEM((CHUNK,), jnp.float32),
          pltpu.SemaphoreType.DMA,
          pltpu.SemaphoreType.DMA,
          pltpu.SemaphoreType.DMA,
          pltpu.SemaphoreType.DMA,
          pltpu.SemaphoreType.DMA,
          pltpu.SemaphoreType.DMA,
      ],
  )(_sc_body)
  return k(widx, cidx, word_emb, context_emb)


def kernel(wrd, cntxt, word_emb, context_emb):
  out = _run(wrd[:, 0].astype(jnp.int32), cntxt[:, 0].astype(jnp.int32),
             word_emb.astype(jnp.float32), context_emb.astype(jnp.float32))
  return out.reshape(B, 1)

# --- scband reference (transcript-rebuilt; emitter-appended) ---
"""Pipeline reference for scband-word2-vec-18356690224021 (READ-ONLY COPY).

The authoritative reference and input builder live on the scoring server;
editing this copy changes nothing except your own understanding.
"""

import jax, jax.numpy as jnp
import numpy as np

BATCH_SIZE = 150000
VOCAB = 100000
HID = 64

def setup_inputs(seed: int = 0) -> dict:
    key = jax.random.key(seed)
    k1, k2, k3, k4 = jax.random.split(key, 4)
    wrd = jax.random.randint(k1, (BATCH_SIZE, 1), 0, VOCAB)
    cntxt = jax.random.randint(k2, (BATCH_SIZE, 1), 0, VOCAB)
    word_emb = jax.random.normal(k3, (VOCAB, HID), dtype=jnp.float32)
    context_emb = jax.random.normal(k4, (VOCAB, HID), dtype=jnp.float32)
    return {"wrd": wrd, "cntxt": cntxt, "word_emb": word_emb, "context_emb": context_emb}

def reference(wrd, cntxt, word_emb, context_emb):
    # nn.Embedding lookup -> gather
    wrd_vec = jnp.take(word_emb, wrd, axis=0)          # [B, 1, H]
    cntxt_vec = jnp.take(context_emb, cntxt, axis=0)   # [B, 1, H]
    # torch.bmm(wrd_vec, cntxt_vec.view(BATCH_SIZE, H, -1)) -> [B, 1, 1]
    res = jnp.matmul(wrd_vec, cntxt_vec.reshape(BATCH_SIZE, HID, -1))
    res = jax.nn.sigmoid(res)
    res = jnp.squeeze(res, axis=1)  # [B, 1]
    return res

if __name__ == "__main__":
    import jax
    _d = setup_inputs()
    print(jax.jit(kernel)(*tuple(_d.values())))

</pallas_src>

<mosaic_0001>
#map = affine_map<(d0, d1) -> (0)>
#map1 = affine_map<(d0, d1) -> (0, 0)>
module attributes {stable_mosaic.version = 14 : i64} {
  func.func @_sc_body(%arg0: i32, %arg1: i32, %arg2: memref<150000xi32, #tpu.memory_space<hbm>>, %arg3: memref<150000xi32, #tpu.memory_space<hbm>>, %arg4: memref<100000x64xf32, #tpu.memory_space<hbm>>, %arg5: memref<100000x64xf32, #tpu.memory_space<hbm>>, %arg6: memref<150000xf32, #tpu.memory_space<hbm>>, %arg7: memref<4688xi32, #tpu.memory_space<vmem>>, %arg8: memref<4688xi32, #tpu.memory_space<vmem>>, %arg9: memref<336x64xf32, #tpu.memory_space<vmem>>, %arg10: memref<336x64xf32, #tpu.memory_space<vmem>>, %arg11: memref<336x64xf32, #tpu.memory_space<vmem>>, %arg12: memref<336x64xf32, #tpu.memory_space<vmem>>, %arg13: memref<336xf32, #tpu.memory_space<vmem>>, %arg14: memref<336xf32, #tpu.memory_space<vmem>>, %arg15: memref<!tpu.dma_semaphore, #tpu.memory_space<semaphore_mem>>, %arg16: memref<!tpu.dma_semaphore, #tpu.memory_space<semaphore_mem>>, %arg17: memref<!tpu.dma_semaphore, #tpu.memory_space<semaphore_mem>>, %arg18: memref<!tpu.dma_semaphore, #tpu.memory_space<semaphore_mem>>, %arg19: memref<!tpu.dma_semaphore, #tpu.memory_space<semaphore_mem>>, %arg20: memref<!tpu.dma_semaphore, #tpu.memory_space<semaphore_mem>>) attributes {dimension_semantics = [#tpu.dimension_semantics<core_parallel>, #tpu.dimension_semantics<subcore_parallel>], iteration_bounds = array<i64: 2, 16>, scalar_prefetch = 0 : i64, scratch_operands = 14 : i64, tpu.core_type = #tpu.core_type<sc_vector_subcore>, window_params = [{transform_indices = #map}, {transform_indices = #map}, {transform_indices = #map1}, {transform_indices = #map1}, {transform_indices = #map}]} {
    %mul3A = arith.constant 2 : i32
    %mul3A_0 = arith.muli %arg1, %mul3A : i32
    %add3A = arith.addi %mul3A_0, %arg0 : i32
    %mul3A_1 = arith.constant 4688 : i32
    %mul3A_2 = arith.muli %add3A, %mul3A_1 : i32
    %add3A_3 = arith.constant 4688 : i32
    %add3A_4 = arith.addi %mul3A_2, %add3A_3 : i32
    %min3A = arith.constant 150000 : i32
    %min3A_5 = arith.minsi %add3A_4, %min3A : i32
    %sub3A = arith.constant 336 : i32
    %sub3A_6 = arith.subi %min3A_5, %sub3A : i32
    %iota3A = tpu.iota {dimensions = array<i32: 0>} : vector<16xi32>
    %min3A_7 = arith.constant 145312 : i32
    %min3A_8 = arith.minsi %mul3A_2, %min3A_7 : i32
    %multiple_of3A = tpu.assume_multiple %min3A_8, 16 : i32
    "tpu.region"() ({
      %run_scoped3A = tpu.sem_alloc : memref<!tpu.dma_semaphore, #tpu.memory_space<semaphore_mem>>
      %dma_start3A_40 = tpu.memref_slice %arg2[%multiple_of3A] : memref<150000xi32, #tpu.memory_space<hbm>> -> memref<4688xi32, #tpu.memory_space<hbm>>
      %dma_start3A_41 = tpu.memref_slice %arg2[%multiple_of3A] : memref<150000xi32, #tpu.memory_space<hbm>> -> memref<4688xi32, #tpu.memory_space<hbm>>
      tpu.enqueue_dma source(%dma_start3A_41 : memref<4688xi32, #tpu.memory_space<hbm>>) target(%arg7 : memref<4688xi32, #tpu.memory_space<vmem>>) target_semaphore(%run_scoped3A : memref<!tpu.dma_semaphore, #tpu.memory_space<semaphore_mem>>)
      %dma_wait3A_42 = tpu.memref_slice %arg2[%multiple_of3A] : memref<150000xi32, #tpu.memory_space<hbm>> -> memref<4688xi32, #tpu.memory_space<hbm>>
      %dma_wait3A_43 = tpu.memref_slice %arg2[%multiple_of3A] : memref<150000xi32, #tpu.memory_space<hbm>> -> memref<4688xi32, #tpu.memory_space<hbm>>
      tpu.wait_dma2 semaphore(%run_scoped3A : memref<!tpu.dma_semaphore, #tpu.memory_space<semaphore_mem>>) src(%dma_wait3A_43 : memref<4688xi32, #tpu.memory_space<hbm>>) dst(%arg7 : memref<4688xi32, #tpu.memory_space<vmem>>)
      tpu.yield
    }) : () -> ()
    "tpu.region"() ({
      %run_scoped3A = tpu.sem_alloc : memref<!tpu.dma_semaphore, #tpu.memory_space<semaphore_mem>>
      %dma_start3A_40 = tpu.memref_slice %arg3[%multiple_of3A] : memref<150000xi32, #tpu.memory_space<hbm>> -> memref<4688xi32, #tpu.memory_space<hbm>>
      %dma_start3A_41 = tpu.memref_slice %arg3[%multiple_of3A] : memref<150000xi32, #tpu.memory_space<hbm>> -> memref<4688xi32, #tpu.memory_space<hbm>>
      tpu.enqueue_dma source(%dma_start3A_41 : memref<4688xi32, #tpu.memory_space<hbm>>) target(%arg8 : memref<4688xi32, #tpu.memory_space<vmem>>) target_semaphore(%run_scoped3A : memref<!tpu.dma_semaphore, #tpu.memory_space<semaphore_mem>>)
      %dma_wait3A_42 = tpu.memref_slice %arg3[%multiple_of3A] : memref<150000xi32, #tpu.memory_space<hbm>> -> memref<4688xi32, #tpu.memory_space<hbm>>
      %dma_wait3A_43 = tpu.memref_slice %arg3[%multiple_of3A] : memref<150000xi32, #tpu.memory_space<hbm>> -> memref<4688xi32, #tpu.memory_space<hbm>>
      tpu.wait_dma2 semaphore(%run_scoped3A : memref<!tpu.dma_semaphore, #tpu.memory_space<semaphore_mem>>) src(%dma_wait3A_43 : memref<4688xi32, #tpu.memory_space<hbm>>) dst(%arg8 : memref<4688xi32, #tpu.memory_space<vmem>>)
      tpu.yield
    }) : () -> ()
    %mul3A_9 = arith.constant 0 : i32
    %mul3A_10 = arith.constant 336 : i32
    %mul3A_11 = arith.muli %mul3A_9, %mul3A_10 : i32
    %add3A_12 = arith.addi %mul3A_2, %mul3A_11 : i32
    %min3A_13 = arith.minsi %add3A_12, %sub3A_6 : i32
    %multiple_of3A_14 = tpu.assume_multiple %min3A_13, 16 : i32
    %sub3A_15 = arith.subi %multiple_of3A_14, %multiple_of3A : i32
    %multiple_of3A_16 = tpu.assume_multiple %sub3A_15, 16 : i32
    %dma_start3A = tpu.memref_slice %arg7[%multiple_of3A_16] : memref<4688xi32, #tpu.memory_space<vmem>> -> memref<336xi32, #tpu.memory_space<vmem>>
    %dma_start3A_17 = arith.constant 0 : i32
    %dma_start3A_18 = arith.constant 0 : i32
    %dma_start3A_19 = tpu.memref_slice %arg4[%dma_start3A_17, %dma_start3A_18] : memref<100000x64xf32, #tpu.memory_space<hbm>> -> memref<100000x64xf32, #tpu.memory_space<hbm>>
    tpu.enqueue_indirect_dma source(%dma_start3A_19 : memref<100000x64xf32, #tpu.memory_space<hbm>>) target(%arg9 : memref<336x64xf32, #tpu.memory_space<vmem>>) offsets(%dma_start3A : memref<336xi32, #tpu.memory_space<vmem>>) semaphore(%arg15 : memref<!tpu.dma_semaphore, #tpu.memory_space<semaphore_mem>>)
    %dma_start3A_20 = tpu.memref_slice %arg8[%multiple_of3A_16] : memref<4688xi32, #tpu.memory_space<vmem>> -> memref<336xi32, #tpu.memory_space<vmem>>
    %dma_start3A_21 = arith.constant 0 : i32
    %dma_start3A_22 = arith.constant 0 : i32
    %dma_start3A_23 = tpu.memref_slice %arg5[%dma_start3A_21, %dma_start3A_22] : memref<100000x64xf32, #tpu.memory_space<hbm>> -> memref<100000x64xf32, #tpu.memory_space<hbm>>
    tpu.enqueue_indirect_dma source(%dma_start3A_23 : memref<100000x64xf32, #tpu.memory_space<hbm>>) target(%arg11 : memref<336x64xf32, #tpu.memory_space<vmem>>) offsets(%dma_start3A_20 : memref<336xi32, #tpu.memory_space<vmem>>) semaphore(%arg17 : memref<!tpu.dma_semaphore, #tpu.memory_space<semaphore_mem>>)
    %scan3A = arith.constant 0 : i32
    %scan3A_24 = arith.constant 0 : i32
    %scan3A_25 = arith.constant 7 : i32
    %scan3A_26 = arith.addi %scan3A_24, %scan3A_25 : i32
    %scan3A_27 = arith.constant 1 : i32
    scf.for %scan3A_40 = %scan3A_24 to %scan3A_26 step %scan3A_27  : i32 {
      %mul3A_41 = arith.constant 2 : i32
      %mul3A_42 = arith.muli %scan3A_40, %mul3A_41 : i32
      %add3A_43 = arith.constant 0 : i32
      %add3A_44 = arith.addi %mul3A_42, %add3A_43 : i32
      %add3A_45 = arith.constant 1 : i32
      %add3A_46 = arith.addi %add3A_44, %add3A_45 : i32
      %lt3A = arith.constant 14 : i32
      %lt3A_47 = arith.cmpi slt, %add3A_46, %lt3A : i32
      %convert_element_type3A = arith.extui %lt3A_47 : i1 to i32
      %cond3A = arith.constant 0 : i32
      %cond3A_48 = arith.cmpi ne, %convert_element_type3A, %cond3A : i32
      scf.if %cond3A_48 {
        %mul3A_125 = arith.constant 336 : i32
        %mul3A_126 = arith.muli %add3A_46, %mul3A_125 : i32
        %add3A_127 = arith.addi %mul3A_2, %mul3A_126 : i32
        %min3A_128 = arith.minsi %add3A_127, %sub3A_6 : i32
        %multiple_of3A_129 = tpu.assume_multiple %min3A_128, 16 : i32
        %sub3A_130 = arith.subi %multiple_of3A_129, %multiple_of3A : i32
        %multiple_of3A_131 = tpu.assume_multiple %sub3A_130, 16 : i32
        %dma_start3A_132 = tpu.memref_slice %arg7[%multiple_of3A_131] : memref<4688xi32, #tpu.memory_space<vmem>> -> memref<336xi32, #tpu.memory_space<vmem>>
        %dma_start3A_133 = arith.constant 0 : i32
        %dma_start3A_134 = arith.constant 0 : i32
        %dma_start3A_135 = tpu.memref_slice %arg4[%dma_start3A_133, %dma_start3A_134] : memref<100000x64xf32, #tpu.memory_space<hbm>> -> memref<100000x64xf32, #tpu.memory_space<hbm>>
        tpu.enqueue_indirect_dma source(%dma_start3A_135 : memref<100000x64xf32, #tpu.memory_space<hbm>>) target(%arg10 : memref<336x64xf32, #tpu.memory_space<vmem>>) offsets(%dma_start3A_132 : memref<336xi32, #tpu.memory_space<vmem>>) semaphore(%arg16 : memref<!tpu.dma_semaphore, #tpu.memory_space<semaphore_mem>>)
        %dma_start3A_136 = tpu.memref_slice %arg8[%multiple_of3A_131] : memref<4688xi32, #tpu.memory_space<vmem>> -> memref<336xi32, #tpu.memory_space<vmem>>
        %dma_start3A_137 = arith.constant 0 : i32
        %dma_start3A_138 = arith.constant 0 : i32
        %dma_start3A_139 = tpu.memref_slice %arg5[%dma_start3A_137, %dma_start3A_138] : memref<100000x64xf32, #tpu.memory_space<hbm>> -> memref<100000x64xf32, #tpu.memory_space<hbm>>
        tpu.enqueue_indirect_dma source(%dma_start3A_139 : memref<100000x64xf32, #tpu.memory_space<hbm>>) target(%arg12 : memref<336x64xf32, #tpu.memory_space<vmem>>) offsets(%dma_start3A_136 : memref<336xi32, #tpu.memory_space<vmem>>) semaphore(%arg18 : memref<!tpu.dma_semaphore, #tpu.memory_space<semaphore_mem>>)
      } else {
      }
      %mul3A_49 = arith.constant 336 : i32
      %mul3A_50 = arith.muli %add3A_44, %mul3A_49 : i32
      %add3A_51 = arith.addi %mul3A_2, %mul3A_50 : i32
      %min3A_52 = arith.minsi %add3A_51, %sub3A_6 : i32
      %multiple_of3A_53 = tpu.assume_multiple %min3A_52, 16 : i32
      %sub3A_54 = arith.subi %multiple_of3A_53, %multiple_of3A : i32
      %multiple_of3A_55 = tpu.assume_multiple %sub3A_54, 16 : i32
      %dma_wait3A_56 = tpu.memref_slice %arg7[%multiple_of3A_55] : memref<4688xi32, #tpu.memory_space<vmem>> -> memref<336xi32, #tpu.memory_space<vmem>>
      %dma_wait3A_57 = arith.constant 0 : i32
      %dma_wait3A_58 = arith.constant 0 : i32
      %dma_wait3A_59 = tpu.memref_slice %arg4[%dma_wait3A_57, %dma_wait3A_58] : memref<100000x64xf32, #tpu.memory_space<hbm>> -> memref<100000x64xf32, #tpu.memory_space<hbm>>
      tpu.wait_indirect_dma semaphore(%arg15 : memref<!tpu.dma_semaphore, #tpu.memory_space<semaphore_mem>>) src(%dma_wait3A_59 : memref<100000x64xf32, #tpu.memory_space<hbm>>) dst(%arg9 : memref<336x64xf32, #tpu.memory_space<vmem>>)
      %dma_wait3A_60 = tpu.memref_slice %arg8[%multiple_of3A_55] : memref<4688xi32, #tpu.memory_space<vmem>> -> memref<336xi32, #tpu.memory_space<vmem>>
      %dma_wait3A_61 = arith.constant 0 : i32
      %dma_wait3A_62 = arith.constant 0 : i32
      %dma_wait3A_63 = tpu.memref_slice %arg5[%dma_wait3A_61, %dma_wait3A_62] : memref<100000x64xf32, #tpu.memory_space<hbm>> -> memref<100000x64xf32, #tpu.memory_space<hbm>>
      tpu.wait_indirect_dma semaphore(%arg17 : memref<!tpu.dma_semaphore, #tpu.memory_space<semaphore_mem>>) src(%dma_wait3A_63 : memref<100000x64xf32, #tpu.memory_space<hbm>>) dst(%arg11 : memref<336x64xf32, #tpu.memory_space<vmem>>)
      %ge3A = arith.constant 2 : i32
      %ge3A_64 = arith.cmpi sge, %add3A_44, %ge3A : i32
      %convert_element_type3A_65 = arith.extui %ge3A_64 : i1 to i32
      %cond3A_66 = arith.constant 0 : i32
      %cond3A_67 = arith.cmpi ne, %convert_element_type3A_65, %cond3A_66 : i32
      scf.if %cond3A_67 {
        %sub3A_125 = arith.constant 2 : i32
        %sub3A_126 = arith.subi %add3A_44, %sub3A_125 : i32
        %mul3A_127 = arith.constant 336 : i32
        %mul3A_128 = arith.muli %sub3A_126, %mul3A_127 : i32
        %add3A_129 = arith.addi %mul3A_2, %mul3A_128 : i32
        %min3A_130 = arith.minsi %add3A_129, %sub3A_6 : i32
        %multiple_of3A_131 = tpu.assume_multiple %min3A_130, 16 : i32
        %dma_wait3A_132 = tpu.memref_slice %arg6[%multiple_of3A_131] : memref<150000xf32, #tpu.memory_space<hbm>> -> memref<336xf32, #tpu.memory_space<hbm>>
        %dma_wait3A_133 = tpu.memref_slice %arg6[%multiple_of3A_131] : memref<150000xf32, #tpu.memory_space<hbm>> -> memref<336xf32, #tpu.memory_space<hbm>>
        tpu.wait_dma2 semaphore(%arg19 : memref<!tpu.dma_semaphore, #tpu.memory_space<semaphore_mem>>) src(%arg13 : memref<336xf32, #tpu.memory_space<vmem>>) dst(%dma_wait3A_133 : memref<336xf32, #tpu.memory_space<hbm>>)
      } else {
      }
      %scan3A_68 = arith.constant 0 : i32
      %scan3A_69 = arith.constant 0 : i32
      %scan3A_70 = arith.constant 21 : i32
      %scan3A_71 = arith.addi %scan3A_69, %scan3A_70 : i32
      %scan3A_72 = arith.constant 1 : i32
      scf.for %scan3A_125 = %scan3A_69 to %scan3A_71 step %scan3A_72  : i32 {
        %mul3A_126 = arith.constant 16 : i32
        %mul3A_127 = arith.muli %scan3A_125, %mul3A_126 : i32
        %add3A_128 = vector.broadcast %mul3A_127 : i32 to vector<16xi32>
        %add3A_129 = arith.addi %add3A_128, %iota3A : vector<16xi32>
        %broadcast_in_dim3A = arith.constant 0.000000e+00 : f32
        %broadcast_in_dim3A_130 = vector.broadcast %broadcast_in_dim3A : f32 to vector<16xf32>
        %add3A_131 = arith.constant 0 : i32
        %add3A_132 = vector.broadcast %add3A_131 : i32 to vector<16xi32>
        %add3A_133 = arith.addi %iota3A, %add3A_132 : vector<16xi32>
        %and3A = arith.constant 63 : i32
        %and3A_134 = vector.broadcast %and3A : i32 to vector<16xi32>
        %and3A_135 = arith.andi %add3A_133, %and3A_134 : vector<16xi32>
        %gather3A = tpu.vector_load_idx %arg9[%add3A_129, %and3A_135] : memref<336x64xf32, #tpu.memory_space<vmem>>[vector<16xi32>, vector<16xi32>], vector<16xf32>,
        %gather3A_136 = tpu.vector_load_idx %arg11[%add3A_129, %and3A_135] : memref<336x64xf32, #tpu.memory_space<vmem>>[vector<16xi32>, vector<16xi32>], vector<16xf32>,
        %mul3A_137 = arith.mulf %gather3A, %gather3A_136 : vector<16xf32>
        %add3A_138 = arith.addf %broadcast_in_dim3A_130, %mul3A_137 : vector<16xf32>
        %add3A_139 = arith.constant 1 : i32
        %add3A_140 = vector.broadcast %add3A_139 : i32 to vector<16xi32>
        %add3A_141 = arith.addi %iota3A, %add3A_140 : vector<16xi32>
        %and3A_142 = arith.constant 63 : i32
        %and3A_143 = vector.broadcast %and3A_142 : i32 to vector<16xi32>
        %and3A_144 = arith.andi %add3A_141, %and3A_143 : vector<16xi32>
        %gather3A_145 = tpu.vector_load_idx %arg9[%add3A_129, %and3A_144] : memref<336x64xf32, #tpu.memory_space<vmem>>[vector<16xi32>, vector<16xi32>], vector<16xf32>,
        %gather3A_146 = tpu.vector_load_idx %arg11[%add3A_129, %and3A_144] : memref<336x64xf32, #tpu.memory_space<vmem>>[vector<16xi32>, vector<16xi32>], vector<16xf32>,
        %mul3A_147 = arith.mulf %gather3A_145, %gather3A_146 : vector<16xf32>
        %add3A_148 = arith.addf %add3A_138, %mul3A_147 : vector<16xf32>
        %add3A_149 = arith.constant 2 : i32
        %add3A_150 = vector.broadcast %add3A_149 : i32 to vector<16xi32>
        %add3A_151 = arith.addi %iota3A, %add3A_150 : vector<16xi32>
        %and3A_152 = arith.constant 63 : i32
        %and3A_153 = vector.broadcast %and3A_152 : i32 to vector<16xi32>
        %and3A_154 = arith.andi %add3A_151, %and3A_153 : vector<16xi32>
        %gather3A_155 = tpu.vector_load_idx %arg9[%add3A_129, %and3A_154] : memref<336x64xf32, #tpu.memory_space<vmem>>[vector<16xi32>, vector<16xi32>], vector<16xf32>,
        %gather3A_156 = tpu.vector_load_idx %arg11[%add3A_129, %and3A_154] : memref<336x64xf32, #tpu.memory_space<vmem>>[vector<16xi32>, vector<16xi32>], vector<16xf32>,
        %mul3A_157 = arith.mulf %gather3A_155, %gather3A_156 : vector<16xf32>
        %add3A_158 = arith.addf %add3A_148, %mul3A_157 : vector<16xf32>
        %add3A_159 = arith.constant 3 : i32
        %add3A_160 = vector.broadcast %add3A_159 : i32 to vector<16xi32>
        %add3A_161 = arith.addi %iota3A, %add3A_160 : vector<16xi32>
        %and3A_162 = arith.constant 63 : i32
        %and3A_163 = vector.broadcast %and3A_162 : i32 to vector<16xi32>
        %and3A_164 = arith.andi %add3A_161, %and3A_163 : vector<16xi32>
        %gather3A_165 = tpu.vector_load_idx %arg9[%add3A_129, %and3A_164] : memref<336x64xf32, #tpu.memory_space<vmem>>[vector<16xi32>, vector<16xi32>], vector<16xf32>,
        %gather3A_166 = tpu.vector_load_idx %arg11[%add3A_129, %and3A_164] : memref<336x64xf32, #tpu.memory_space<vmem>>[vector<16xi32>, vector<16xi32>], vector<16xf32>,
        %mul3A_167 = arith.mulf %gather3A_165, %gather3A_166 : vector<16xf32>
        %add3A_168 = arith.addf %add3A_158, %mul3A_167 : vector<16xf32>
        %add3A_169 = arith.constant 4 : i32
        %add3A_170 = vector.broadcast %add3A_169 : i32 to vector<16xi32>
        %add3A_171 = arith.addi %iota3A, %add3A_170 : vector<16xi32>
        %and3A_172 = arith.constant 63 : i32
        %and3A_173 = vector.broadcast %and3A_172 : i32 to vector<16xi32>
        %and3A_174 = arith.andi %add3A_171, %and3A_173 : vector<16xi32>
        %gather3A_175 = tpu.vector_load_idx %arg9[%add3A_129, %and3A_174] : memref<336x64xf32, #tpu.memory_space<vmem>>[vector<16xi32>, vector<16xi32>], vector<16xf32>,
        %gather3A_176 = tpu.vector_load_idx %arg11[%add3A_129, %and3A_174] : memref<336x64xf32, #tpu.memory_space<vmem>>[vector<16xi32>, vector<16xi32>], vector<16xf32>,
        %mul3A_177 = arith.mulf %gather3A_175, %gather3A_176 : vector<16xf32>
        %add3A_178 = arith.addf %add3A_168, %mul3A_177 : vector<16xf32>
        %add3A_179 = arith.constant 5 : i32
        %add3A_180 = vector.broadcast %add3A_179 : i32 to vector<16xi32>
        %add3A_181 = arith.addi %iota3A, %add3A_180 : vector<16xi32>
        %and3A_182 = arith.constant 63 : i32
        %and3A_183 = vector.broadcast %and3A_182 : i32 to vector<16xi32>
        %and3A_184 = arith.andi %add3A_181, %and3A_183 : vector<16xi32>
        %gather3A_185 = tpu.vector_load_idx %arg9[%add3A_129, %and3A_184] : memref<336x64xf32, #tpu.memory_space<vmem>>[vector<16xi32>, vector<16xi32>], vector<16xf32>,
        %gather3A_186 = tpu.vector_load_idx %arg11[%add3A_129, %and3A_184] : memref<336x64xf32, #tpu.memory_space<vmem>>[vector<16xi32>, vector<16xi32>], vector<16xf32>,
        %mul3A_187 = arith.mulf %gather3A_185, %gather3A_186 : vector<16xf32>
        %add3A_188 = arith.addf %add3A_178, %mul3A_187 : vector<16xf32>
        %add3A_189 = arith.constant 6 : i32
        %add3A_190 = vector.broadcast %add3A_189 : i32 to vector<16xi32>
        %add3A_191 = arith.addi %iota3A, %add3A_190 : vector<16xi32>
        %and3A_192 = arith.constant 63 : i32
        %and3A_193 = vector.broadcast %and3A_192 : i32 to vector<16xi32>
        %and3A_194 = arith.andi %add3A_191, %and3A_193 : vector<16xi32>
        %gather3A_195 = tpu.vector_load_idx %arg9[%add3A_129, %and3A_194] : memref<336x64xf32, #tpu.memory_space<vmem>>[vector<16xi32>, vector<16xi32>], vector<16xf32>,
        %gather3A_196 = tpu.vector_load_idx %arg11[%add3A_129, %and3A_194] : memref<336x64xf32, #tpu.memory_space<vmem>>[vector<16xi32>, vector<16xi32>], vector<16xf32>,
        %mul3A_197 = arith.mulf %gather3A_195, %gather3A_196 : vector<16xf32>
        %add3A_198 = arith.addf %add3A_188, %mul3A_197 : vector<16xf32>
        %add3A_199 = arith.constant 7 : i32
        %add3A_200 = vector.broadcast %add3A_199 : i32 to vector<16xi32>
        %add3A_201 = arith.addi %iota3A, %add3A_200 : vector<16xi32>
        %and3A_202 = arith.constant 63 : i32
        %and3A_203 = vector.broadcast %and3A_202 : i32 to vector<16xi32>
        %and3A_204 = arith.andi %add3A_201, %and3A_203 : vector<16xi32>
        %gather3A_205 = tpu.vector_load_idx %arg9[%add3A_129, %and3A_204] : memref<336x64xf32, #tpu.memory_space<vmem>>[vector<16xi32>, vector<16xi32>], vector<16xf32>,
        %gather3A_206 = tpu.vector_load_idx %arg11[%add3A_129, %and3A_204] : memref<336x64xf32, #tpu.memory_space<vmem>>[vector<16xi32>, vector<16xi32>], vector<16xf32>,
        %mul3A_207 = arith.mulf %gather3A_205, %gather3A_206 : vector<16xf32>
        %add3A_208 = arith.addf %add3A_198, %mul3A_207 : vector<16xf32>
        %add3A_209 = arith.constant 8 : i32
        %add3A_210 = vector.broadcast %add3A_209 : i32 to vector<16xi32>
        %add3A_211 = arith.addi %iota3A, %add3A_210 : vector<16xi32>
        %and3A_212 = arith.constant 63 : i32
        %and3A_213 = vector.broadcast %and3A_212 : i32 to vector<16xi32>
        %and3A_214 = arith.andi %add3A_211, %and3A_213 : vector<16xi32>
        %gather3A_215 = tpu.vector_load_idx %arg9[%add3A_129, %and3A_214] : memref<336x64xf32, #tpu.memory_space<vmem>>[vector<16xi32>, vector<16xi32>], vector<16xf32>,
        %gather3A_216 = tpu.vector_load_idx %arg11[%add3A_129, %and3A_214] : memref<336x64xf32, #tpu.memory_space<vmem>>[vector<16xi32>, vector<16xi32>], vector<16xf32>,
        %mul3A_217 = arith.mulf %gather3A_215, %gather3A_216 : vector<16xf32>
        %add3A_218 = arith.addf %add3A_208, %mul3A_217 : vector<16xf32>
        %add3A_219 = arith.constant 9 : i32
        %add3A_220 = vector.broadcast %add3A_219 : i32 to vector<16xi32>
        %add3A_221 = arith.addi %iota3A, %add3A_220 : vector<16xi32>
        %and3A_222 = arith.constant 63 : i32
        %and3A_223 = vector.broadcast %and3A_222 : i32 to vector<16xi32>
        %and3A_224 = arith.andi %add3A_221, %and3A_223 : vector<16xi32>
        %gather3A_225 = tpu.vector_load_idx %arg9[%add3A_129, %and3A_224] : memref<336x64xf32, #tpu.memory_space<vmem>>[vector<16xi32>, vector<16xi32>], vector<16xf32>,
        %gather3A_226 = tpu.vector_load_idx %arg11[%add3A_129, %and3A_224] : memref<336x64xf32, #tpu.memory_space<vmem>>[vector<16xi32>, vector<16xi32>], vector<16xf32>,
        %mul3A_227 = arith.mulf %gather3A_225, %gather3A_226 : vector<16xf32>
        %add3A_228 = arith.addf %add3A_218, %mul3A_227 : vector<16xf32>
        %add3A_229 = arith.constant 10 : i32
        %add3A_230 = vector.broadcast %add3A_229 : i32 to vector<16xi32>
        %add3A_231 = arith.addi %iota3A, %add3A_230 : vector<16xi32>
        %and3A_232 = arith.constant 63 : i32
        %and3A_233 = vector.broadcast %and3A_232 : i32 to vector<16xi32>
        %and3A_234 = arith.andi %add3A_231, %and3A_233 : vector<16xi32>
        %gather3A_235 = tpu.vector_load_idx %arg9[%add3A_129, %and3A_234] : memref<336x64xf32, #tpu.memory_space<vmem>>[vector<16xi32>, vector<16xi32>], vector<16xf32>,
        %gather3A_236 = tpu.vector_load_idx %arg11[%add3A_129, %and3A_234] : memref<336x64xf32, #tpu.memory_space<vmem>>[vector<16xi32>, vector<16xi32>], vector<16xf32>,
        %mul3A_237 = arith.mulf %gather3A_235, %gather3A_236 : vector<16xf32>
        %add3A_238 = arith.addf %add3A_228, %mul3A_237 : vector<16xf32>
        %add3A_239 = arith.constant 11 : i32
        %add3A_240 = vector.broadcast %add3A_239 : i32 to vector<16xi32>
        %add3A_241 = arith.addi %iota3A, %add3A_240 : vector<16xi32>
        %and3A_242 = arith.constant 63 : i32
        %and3A_243 = vector.broadcast %and3A_242 : i32 to vector<16xi32>
        %and3A_244 = arith.andi %add3A_241, %and3A_243 : vector<16xi32>
        %gather3A_245 = tpu.vector_load_idx %arg9[%add3A_129, %and3A_244] : memref<336x64xf32, #tpu.memory_space<vmem>>[vector<16xi32>, vector<16xi32>], vector<16xf32>,
        %gather3A_246 = tpu.vector_load_idx %arg11[%add3A_129, %and3A_244] : memref<336x64xf32, #tpu.memory_space<vmem>>[vector<16xi32>, vector<16xi32>], vector<16xf32>,
        %mul3A_247 = arith.mulf %gather3A_245, %gather3A_246 : vector<16xf32>
        %add3A_248 = arith.addf %add3A_238, %mul3A_247 : vector<16xf32>
        %add3A_249 = arith.constant 12 : i32
        %add3A_250 = vector.broadcast %add3A_249 : i32 to vector<16xi32>
        %add3A_251 = arith.addi %iota3A, %add3A_250 : vector<16xi32>
        %and3A_252 = arith.constant 63 : i32
        %and3A_253 = vector.broadcast %and3A_252 : i32 to vector<16xi32>
        %and3A_254 = arith.andi %add3A_251, %and3A_253 : vector<16xi32>
        %gather3A_255 = tpu.vector_load_idx %arg9[%add3A_129, %and3A_254] : memref<336x64xf32, #tpu.memory_space<vmem>>[vector<16xi32>, vector<16xi32>], vector<16xf32>,
        %gather3A_256 = tpu.vector_load_idx %arg11[%add3A_129, %and3A_254] : memref<336x64xf32, #tpu.memory_space<vmem>>[vector<16xi32>, vector<16xi32>], vector<16xf32>,
        %mul3A_257 = arith.mulf %gather3A_255, %gather3A_256 : vector<16xf32>
        %add3A_258 = arith.addf %add3A_248, %mul3A_257 : vector<16xf32>
        %add3A_259 = arith.constant 13 : i32
        %add3A_260 = vector.broadcast %add3A_259 : i32 to vector<16xi32>
        %add3A_261 = arith.addi %iota3A, %add3A_260 : vector<16xi32>
        %and3A_262 = arith.constant 63 : i32
        %and3A_263 = vector.broadcast %and3A_262 : i32 to vector<16xi32>
        %and3A_264 = arith.andi %add3A_261, %and3A_263 : vector<16xi32>
        %gather3A_265 = tpu.vector_load_idx %arg9[%add3A_129, %and3A_264] : memref<336x64xf32, #tpu.memory_space<vmem>>[vector<16xi32>, vector<16xi32>], vector<16xf32>,
        %gather3A_266 = tpu.vector_load_idx %arg11[%add3A_129, %and3A_264] : memref<336x64xf32, #tpu.memory_space<vmem>>[vector<16xi32>, vector<16xi32>], vector<16xf32>,
        %mul3A_267 = arith.mulf %gather3A_265, %gather3A_266 : vector<16xf32>
        %add3A_268 = arith.addf %add3A_258, %mul3A_267 : vector<16xf32>
        %add3A_269 = arith.constant 14 : i32
        %add3A_270 = vector.broadcast %add3A_269 : i32 to vector<16xi32>
        %add3A_271 = arith.addi %iota3A, %add3A_270 : vector<16xi32>
        %and3A_272 = arith.constant 63 : i32
        %and3A_273 = vector.broadcast %and3A_272 : i32 to vector<16xi32>
        %and3A_274 = arith.andi %add3A_271, %and3A_273 : vector<16xi32>
        %gather3A_275 = tpu.vector_load_idx %arg9[%add3A_129, %and3A_274] : memref<336x64xf32, #tpu.memory_space<vmem>>[vector<16xi32>, vector<16xi32>], vector<16xf32>,
        %gather3A_276 = tpu.vector_load_idx %arg11[%add3A_129, %and3A_274] : memref<336x64xf32, #tpu.memory_space<vmem>>[vector<16xi32>, vector<16xi32>], vector<16xf32>,
        %mul3A_277 = arith.mulf %gather3A_275, %gather3A_276 : vector<16xf32>
        %add3A_278 = arith.addf %add3A_268, %mul3A_277 : vector<16xf32>
        %add3A_279 = arith.constant 15 : i32
        %add3A_280 = vector.broadcast %add3A_279 : i32 to vector<16xi32>
        %add3A_281 = arith.addi %iota3A, %add3A_280 : vector<16xi32>
        %and3A_282 = arith.constant 63 : i32
        %and3A_283 = vector.broadcast %and3A_282 : i32 to vector<16xi32>
        %and3A_284 = arith.andi %add3A_281, %and3A_283 : vector<16xi32>
        %gather3A_285 = tpu.vector_load_idx %arg9[%add3A_129, %and3A_284] : memref<336x64xf32, #tpu.memory_space<vmem>>[vector<16xi32>, vector<16xi32>], vector<16xf32>,
        %gather3A_286 = tpu.vector_load_idx %arg11[%add3A_129, %and3A_284] : memref<336x64xf32, #tpu.memory_space<vmem>>[vector<16xi32>, vector<16xi32>], vector<16xf32>,
        %mul3A_287 = arith.mulf %gather3A_285, %gather3A_286 : vector<16xf32>
        %add3A_288 = arith.addf %add3A_278, %mul3A_287 : vector<16xf32>
        %add3A_289 = arith.constant 16 : i32
        %add3A_290 = vector.broadcast %add3A_289 : i32 to vector<16xi32>
        %add3A_291 = arith.addi %iota3A, %add3A_290 : vector<16xi32>
        %and3A_292 = arith.constant 63 : i32
        %and3A_293 = vector.broadcast %and3A_292 : i32 to vector<16xi32>
        %and3A_294 = arith.andi %add3A_291, %and3A_293 : vector<16xi32>
        %gather3A_295 = tpu.vector_load_idx %arg9[%add3A_129, %and3A_294] : memref<336x64xf32, #tpu.memory_space<vmem>>[vector<16xi32>, vector<16xi32>], vector<16xf32>,
        %gather3A_296 = tpu.vector_load_idx %arg11[%add3A_129, %and3A_294] : memref<336x64xf32, #tpu.memory_space<vmem>>[vector<16xi32>, vector<16xi32>], vector<16xf32>,
        %mul3A_297 = arith.mulf %gather3A_295, %gather3A_296 : vector<16xf32>
        %add3A_298 = arith.addf %add3A_288, %mul3A_297 : vector<16xf32>
        %add3A_299 = arith.constant 17 : i32
        %add3A_300 = vector.broadcast %add3A_299 : i32 to vector<16xi32>
        %add3A_301 = arith.addi %iota3A, %add3A_300 : vector<16xi32>
        %and3A_302 = arith.constant 63 : i32
        %and3A_303 = vector.broadcast %and3A_302 : i32 to vector<16xi32>
        %and3A_304 = arith.andi %add3A_301, %and3A_303 : vector<16xi32>
        %gather3A_305 = tpu.vector_load_idx %arg9[%add3A_129, %and3A_304] : memref<336x64xf32, #tpu.memory_space<vmem>>[vector<16xi32>, vector<16xi32>], vector<16xf32>,
        %gather3A_306 = tpu.vector_load_idx %arg11[%add3A_129, %and3A_304] : memref<336x64xf32, #tpu.memory_space<vmem>>[vector<16xi32>, vector<16xi32>], vector<16xf32>,
        %mul3A_307 = arith.mulf %gather3A_305, %gather3A_306 : vector<16xf32>
        %add3A_308 = arith.addf %add3A_298, %mul3A_307 : vector<16xf32>
        %add3A_309 = arith.constant 18 : i32
        %add3A_310 = vector.broadcast %add3A_309 : i32 to vector<16xi32>
        %add3A_311 = arith.addi %iota3A, %add3A_310 : vector<16xi32>
        %and3A_312 = arith.constant 63 : i32
        %and3A_313 = vector.broadcast %and3A_312 : i32 to vector<16xi32>
        %and3A_314 = arith.andi %add3A_311, %and3A_313 : vector<16xi32>
        %gather3A_315 = tpu.vector_load_idx %arg9[%add3A_129, %and3A_314] : memref<336x64xf32, #tpu.memory_space<vmem>>[vector<16xi32>, vector<16xi32>], vector<16xf32>,
        %gather3A_316 = tpu.vector_load_idx %arg11[%add3A_129, %and3A_314] : memref<336x64xf32, #tpu.memory_space<vmem>>[vector<16xi32>, vector<16xi32>], vector<16xf32>,
        %mul3A_317 = arith.mulf %gather3A_315, %gather3A_316 : vector<16xf32>
        %add3A_318 = arith.addf %add3A_308, %mul3A_317 : vector<16xf32>
        %add3A_319 = arith.constant 19 : i32
        %add3A_320 = vector.broadcast %add3A_319 : i32 to vector<16xi32>
        %add3A_321 = arith.addi %iota3A, %add3A_320 : vector<16xi32>
        %and3A_322 = arith.constant 63 : i32
        %and3A_323 = vector.broadcast %and3A_322 : i32 to vector<16xi32>
        %and3A_324 = arith.andi %add3A_321, %and3A_323 : vector<16xi32>
        %gather3A_325 = tpu.vector_load_idx %arg9[%add3A_129, %and3A_324] : memref<336x64xf32, #tpu.memory_space<vmem>>[vector<16xi32>, vector<16xi32>], vector<16xf32>,
        %gather3A_326 = tpu.vector_load_idx %arg11[%add3A_129, %and3A_324] : memref<336x64xf32, #tpu.memory_space<vmem>>[vector<16xi32>, vector<16xi32>], vector<16xf32>,
        %mul3A_327 = arith.mulf %gather3A_325, %gather3A_326 : vector<16xf32>
        %add3A_328 = arith.addf %add3A_318, %mul3A_327 : vector<16xf32>
        %add3A_329 = arith.constant 20 : i32
        %add3A_330 = vector.broadcast %add3A_329 : i32 to vector<16xi32>
        %add3A_331 = arith.addi %iota3A, %add3A_330 : vector<16xi32>
        %and3A_332 = arith.constant 63 : i32
        %and3A_333 = vector.broadcast %and3A_332 : i32 to vector<16xi32>
        %and3A_334 = arith.andi %add3A_331, %and3A_333 : vector<16xi32>
        %gather3A_335 = tpu.vector_load_idx %arg9[%add3A_129, %and3A_334] : memref<336x64xf32, #tpu.memory_space<vmem>>[vector<16xi32>, vector<16xi32>], vector<16xf32>,
        %gather3A_336 = tpu.vector_load_idx %arg11[%add3A_129, %and3A_334] : memref<336x64xf32, #tpu.memory_space<vmem>>[vector<16xi32>, vector<16xi32>], vector<16xf32>,
        %mul3A_337 = arith.mulf %gather3A_335, %gather3A_336 : vector<16xf32>
        %add3A_338 = arith.addf %add3A_328, %mul3A_337 : vector<16xf32>
        %add3A_339 = arith.constant 21 : i32
        %add3A_340 = vector.broadcast %add3A_339 : i32 to vector<16xi32>
        %add3A_341 = arith.addi %iota3A, %add3A_340 : vector<16xi32>
        %and3A_342 = arith.constant 63 : i32
        %and3A_343 = vector.broadcast %and3A_342 : i32 to vector<16xi32>
        %and3A_344 = arith.andi %add3A_341, %and3A_343 : vector<16xi32>
        %gather3A_345 = tpu.vector_load_idx %arg9[%add3A_129, %and3A_344] : memref<336x64xf32, #tpu.memory_space<vmem>>[vector<16xi32>, vector<16xi32>], vector<16xf32>,
        %gather3A_346 = tpu.vector_load_idx %arg11[%add3A_129, %and3A_344] : memref<336x64xf32, #tpu.memory_space<vmem>>[vector<16xi32>, vector<16xi32>], vector<16xf32>,
        %mul3A_347 = arith.mulf %gather3A_345, %gather3A_346 : vector<16xf32>
        %add3A_348 = arith.addf %add3A_338, %mul3A_347 : vector<16xf32>
        %add3A_349 = arith.constant 22 : i32
        %add3A_350 = vector.broadcast %add3A_349 : i32 to vector<16xi32>
        %add3A_351 = arith.addi %iota3A, %add3A_350 : vector<16xi32>
        %and3A_352 = arith.constant 63 : i32
        %and3A_353 = vector.broadcast %and3A_352 : i32 to vector<16xi32>
        %and3A_354 = arith.andi %add3A_351, %and3A_353 : vector<16xi32>
        %gather3A_355 = tpu.vector_load_idx %arg9[%add3A_129, %and3A_354] : memref<336x64xf32, #tpu.memory_space<vmem>>[vector<16xi32>, vector<16xi32>], vector<16xf32>,
        %gather3A_356 = tpu.vector_load_idx %arg11[%add3A_129, %and3A_354] : memref<336x64xf32, #tpu.memory_space<vmem>>[vector<16xi32>, vector<16xi32>], vector<16xf32>,
        %mul3A_357 = arith.mulf %gather3A_355, %gather3A_356 : vector<16xf32>
        %add3A_358 = arith.addf %add3A_348, %mul3A_357 : vector<16xf32>
        %add3A_359 = arith.constant 23 : i32
        %add3A_360 = vector.broadcast %add3A_359 : i32 to vector<16xi32>
        %add3A_361 = arith.addi %iota3A, %add3A_360 : vector<16xi32>
        %and3A_362 = arith.constant 63 : i32
        %and3A_363 = vector.broadcast %and3A_362 : i32 to vector<16xi32>
        %and3A_364 = arith.andi %add3A_361, %and3A_363 : vector<16xi32>
        %gather3A_365 = tpu.vector_load_idx %arg9[%add3A_129, %and3A_364] : memref<336x64xf32, #tpu.memory_space<vmem>>[vector<16xi32>, vector<16xi32>], vector<16xf32>,
        %gather3A_366 = tpu.vector_load_idx %arg11[%add3A_129, %and3A_364] : memref<336x64xf32, #tpu.memory_space<vmem>>[vector<16xi32>, vector<16xi32>], vector<16xf32>,
        %mul3A_367 = arith.mulf %gather3A_365, %gather3A_366 : vector<16xf32>
        %add3A_368 = arith.addf %add3A_358, %mul3A_367 : vector<16xf32>
        %add3A_369 = arith.constant 24 : i32
        %add3A_370 = vector.broadcast %add3A_369 : i32 to vector<16xi32>
        %add3A_371 = arith.addi %iota3A, %add3A_370 : vector<16xi32>
        %and3A_372 = arith.constant 63 : i32
        %and3A_373 = vector.broadcast %and3A_372 : i32 to vector<16xi32>
        %and3A_374 = arith.andi %add3A_371, %and3A_373 : vector<16xi32>
        %gather3A_375 = tpu.vector_load_idx %arg9[%add3A_129, %and3A_374] : memref<336x64xf32, #tpu.memory_space<vmem>>[vector<16xi32>, vector<16xi32>], vector<16xf32>,
        %gather3A_376 = tpu.vector_load_idx %arg11[%add3A_129, %and3A_374] : memref<336x64xf32, #tpu.memory_space<vmem>>[vector<16xi32>, vector<16xi32>], vector<16xf32>,
        %mul3A_377 = arith.mulf %gather3A_375, %gather3A_376 : vector<16xf32>
        %add3A_378 = arith.addf %add3A_368, %mul3A_377 : vector<16xf32>
        %add3A_379 = arith.constant 25 : i32
        %add3A_380 = vector.broadcast %add3A_379 : i32 to vector<16xi32>
        %add3A_381 = arith.addi %iota3A, %add3A_380 : vector<16xi32>
        %and3A_382 = arith.constant 63 : i32
        %and3A_383 = vector.broadcast %and3A_382 : i32 to vector<16xi32>
        %and3A_384 = arith.andi %add3A_381, %and3A_383 : vector<16xi32>
        %gather3A_385 = tpu.vector_load_idx %arg9[%add3A_129, %and3A_384] : memref<336x64xf32, #tpu.memory_space<vmem>>[vector<16xi32>, vector<16xi32>], vector<16xf32>,
        %gather3A_386 = tpu.vector_load_idx %arg11[%add3A_129, %and3A_384] : memref<336x64xf32, #tpu.memory_space<vmem>>[vector<16xi32>, vector<16xi32>], vector<16xf32>,
        %mul3A_387 = arith.mulf %gather3A_385, %gather3A_386 : vector<16xf32>
        %add3A_388 = arith.addf %add3A_378, %mul3A_387 : vector<16xf32>
        %add3A_389 = arith.constant 26 : i32
        %add3A_390 = vector.broadcast %add3A_389 : i32 to vector<16xi32>
        %add3A_391 = arith.addi %iota3A, %add3A_390 : vector<16xi32>
        %and3A_392 = arith.constant 63 : i32
        %and3A_393 = vector.broadcast %and3A_392 : i32 to vector<16xi32>
        %and3A_394 = arith.andi %add3A_391, %and3A_393 : vector<16xi32>
        %gather3A_395 = tpu.vector_load_idx %arg9[%add3A_129, %and3A_394] : memref<336x64xf32, #tpu.memory_space<vmem>>[vector<16xi32>, vector<16xi32>], vector<16xf32>,
        %gather3A_396 = tpu.vector_load_idx %arg11[%add3A_129, %and3A_394] : memref<336x64xf32, #tpu.memory_space<vmem>>[vector<16xi32>, vector<16xi32>], vector<16xf32>,
        %mul3A_397 = arith.mulf %gather3A_395, %gather3A_396 : vector<16xf32>
        %add3A_398 = arith.addf %add3A_388, %mul3A_397 : vector<16xf32>
        %add3A_399 = arith.constant 27 : i32
        %add3A_400 = vector.broadcast %add3A_399 : i32 to vector<16xi32>
        %add3A_401 = arith.addi %iota3A, %add3A_400 : vector<16xi32>
        %and3A_402 = arith.constant 63 : i32
        %and3A_403 = vector.broadcast %and3A_402 : i32 to vector<16xi32>
        %and3A_404 = arith.andi %add3A_401, %and3A_403 : vector<16xi32>
        %gather3A_405 = tpu.vector_load_idx %arg9[%add3A_129, %and3A_404] : memref<336x64xf32, #tpu.memory_space<vmem>>[vector<16xi32>, vector<16xi32>], vector<16xf32>,
        %gather3A_406 = tpu.vector_load_idx %arg11[%add3A_129, %and3A_404] : memref<336x64xf32, #tpu.memory_space<vmem>>[vector<16xi32>, vector<16xi32>], vector<16xf32>,
        %mul3A_407 = arith.mulf %gather3A_405, %gather3A_406 : vector<16xf32>
        %add3A_408 = arith.addf %add3A_398, %mul3A_407 : vector<16xf32>
        %add3A_409 = arith.constant 28 : i32
        %add3A_410 = vector.broadcast %add3A_409 : i32 to vector<16xi32>
        %add3A_411 = arith.addi %iota3A, %add3A_410 : vector<16xi32>
        %and3A_412 = arith.constant 63 : i32
        %and3A_413 = vector.broadcast %and3A_412 : i32 to vector<16xi32>
        %and3A_414 = arith.andi %add3A_411, %and3A_413 : vector<16xi32>
        %gather3A_415 = tpu.vector_load_idx %arg9[%add3A_129, %and3A_414] : memref<336x64xf32, #tpu.memory_space<vmem>>[vector<16xi32>, vector<16xi32>], vector<16xf32>,
        %gather3A_416 = tpu.vector_load_idx %arg11[%add3A_129, %and3A_414] : memref<336x64xf32, #tpu.memory_space<vmem>>[vector<16xi32>, vector<16xi32>], vector<16xf32>,
        %mul3A_417 = arith.mulf %gather3A_415, %gather3A_416 : vector<16xf32>
        %add3A_418 = arith.addf %add3A_408, %mul3A_417 : vector<16xf32>
        %add3A_419 = arith.constant 29 : i32
        %add3A_420 = vector.broadcast %add3A_419 : i32 to vector<16xi32>
        %add3A_421 = arith.addi %iota3A, %add3A_420 : vector<16xi32>
        %and3A_422 = arith.constant 63 : i32
        %and3A_423 = vector.broadcast %and3A_422 : i32 to vector<16xi32>
        %and3A_424 = arith.andi %add3A_421, %and3A_423 : vector<16xi32>
        %gather3A_425 = tpu.vector_load_idx %arg9[%add3A_129, %and3A_424] : memref<336x64xf32, #tpu.memory_space<vmem>>[vector<16xi32>, vector<16xi32>], vector<16xf32>,
        %gather3A_426 = tpu.vector_load_idx %arg11[%add3A_129, %and3A_424] : memref<336x64xf32, #tpu.memory_space<vmem>>[vector<16xi32>, vector<16xi32>], vector<16xf32>,
        %mul3A_427 = arith.mulf %gather3A_425, %gather3A_426 : vector<16xf32>
        %add3A_428 = arith.addf %add3A_418, %mul3A_427 : vector<16xf32>
        %add3A_429 = arith.constant 30 : i32
        %add3A_430 = vector.broadcast %add3A_429 : i32 to vector<16xi32>
        %add3A_431 = arith.addi %iota3A, %add3A_430 : vector<16xi32>
        %and3A_432 = arith.constant 63 : i32
        %and3A_433 = vector.broadcast %and3A_432 : i32 to vector<16xi32>
        %and3A_434 = arith.andi %add3A_431, %and3A_433 : vector<16xi32>
        %gather3A_435 = tpu.vector_load_idx %arg9[%add3A_129, %and3A_434] : memref<336x64xf32, #tpu.memory_space<vmem>>[vector<16xi32>, vector<16xi32>], vector<16xf32>,
        %gather3A_436 = tpu.vector_load_idx %arg11[%add3A_129, %and3A_434] : memref<336x64xf32, #tpu.memory_space<vmem>>[vector<16xi32>, vector<16xi32>], vector<16xf32>,
        %mul3A_437 = arith.mulf %gather3A_435, %gather3A_436 : vector<16xf32>
        %add3A_438 = arith.addf %add3A_428, %mul3A_437 : vector<16xf32>
        %add3A_439 = arith.constant 31 : i32
        %add3A_440 = vector.broadcast %add3A_439 : i32 to vector<16xi32>
        %add3A_441 = arith.addi %iota3A, %add3A_440 : vector<16xi32>
        %and3A_442 = arith.constant 63 : i32
        %and3A_443 = vector.broadcast %and3A_442 : i32 to vector<16xi32>
        %and3A_444 = arith.andi %add3A_441, %and3A_443 : vector<16xi32>
        %gather3A_445 = tpu.vector_load_idx %arg9[%add3A_129, %and3A_444] : memref<336x64xf32, #tpu.memory_space<vmem>>[vector<16xi32>, vector<16xi32>], vector<16xf32>,
        %gather3A_446 = tpu.vector_load_idx %arg11[%add3A_129, %and3A_444] : memref<336x64xf32, #tpu.memory_space<vmem>>[vector<16xi32>, vector<16xi32>], vector<16xf32>,
        %mul3A_447 = arith.mulf %gather3A_445, %gather3A_446 : vector<16xf32>
        %add3A_448 = arith.addf %add3A_438, %mul3A_447 : vector<16xf32>
        %add3A_449 = arith.constant 32 : i32
        %add3A_450 = vector.broadcast %add3A_449 : i32 to vector<16xi32>
        %add3A_451 = arith.addi %iota3A, %add3A_450 : vector<16xi32>
        %and3A_452 = arith.constant 63 : i32
        %and3A_453 = vector.broadcast %and3A_452 : i32 to vector<16xi32>
        %and3A_454 = arith.andi %add3A_451, %and3A_453 : vector<16xi32>
        %gather3A_455 = tpu.vector_load_idx %arg9[%add3A_129, %and3A_454] : memref<336x64xf32, #tpu.memory_space<vmem>>[vector<16xi32>, vector<16xi32>], vector<16xf32>,
        %gather3A_456 = tpu.vector_load_idx %arg11[%add3A_129, %and3A_454] : memref<336x64xf32, #tpu.memory_space<vmem>>[vector<16xi32>, vector<16xi32>], vector<16xf32>,
        %mul3A_457 = arith.mulf %gather3A_455, %gather3A_456 : vector<16xf32>
        %add3A_458 = arith.addf %add3A_448, %mul3A_457 : vector<16xf32>
        %add3A_459 = arith.constant 33 : i32
        %add3A_460 = vector.broadcast %add3A_459 : i32 to vector<16xi32>
        %add3A_461 = arith.addi %iota3A, %add3A_460 : vector<16xi32>
        %and3A_462 = arith.constant 63 : i32
        %and3A_463 = vector.broadcast %and3A_462 : i32 to vector<16xi32>
        %and3A_464 = arith.andi %add3A_461, %and3A_463 : vector<16xi32>
        %gather3A_465 = tpu.vector_load_idx %arg9[%add3A_129, %and3A_464] : memref<336x64xf32, #tpu.memory_space<vmem>>[vector<16xi32>, vector<16xi32>], vector<16xf32>,
        %gather3A_466 = tpu.vector_load_idx %arg11[%add3A_129, %and3A_464] : memref<336x64xf32, #tpu.memory_space<vmem>>[vector<16xi32>, vector<16xi32>], vector<16xf32>,
        %mul3A_467 = arith.mulf %gather3A_465, %gather3A_466 : vector<16xf32>
        %add3A_468 = arith.addf %add3A_458, %mul3A_467 : vector<16xf32>
        %add3A_469 = arith.constant 34 : i32
        %add3A_470 = vector.broadcast %add3A_469 : i32 to vector<16xi32>
        %add3A_471 = arith.addi %iota3A, %add3A_470 : vector<16xi32>
        %and3A_472 = arith.constant 63 : i32
        %and3A_473 = vector.broadcast %and3A_472 : i32 to vector<16xi32>
        %and3A_474 = arith.andi %add3A_471, %and3A_473 : vector<16xi32>
        %gather3A_475 = tpu.vector_load_idx %arg9[%add3A_129, %and3A_474] : memref<336x64xf32, #tpu.memory_space<vmem>>[vector<16xi32>, vector<16xi32>], vector<16xf32>,
        %gather3A_476 = tpu.vector_load_idx %arg11[%add3A_129, %and3A_474] : memref<336x64xf32, #tpu.memory_space<vmem>>[vector<16xi32>, vector<16xi32>], vector<16xf32>,
        %mul3A_477 = arith.mulf %gather3A_475, %gather3A_476 : vector<16xf32>
        %add3A_478 = arith.addf %add3A_468, %mul3A_477 : vector<16xf32>
        %add3A_479 = arith.constant 35 : i32
        %add3A_480 = vector.broadcast %add3A_479 : i32 to vector<16xi32>
        %add3A_481 = arith.addi %iota3A, %add3A_480 : vector<16xi32>
        %and3A_482 = arith.constant 63 : i32
        %and3A_483 = vector.broadcast %and3A_482 : i32 to vector<16xi32>
        %and3A_484 = arith.andi %add3A_481, %and3A_483 : vector<16xi32>
        %gather3A_485 = tpu.vector_load_idx %arg9[%add3A_129, %and3A_484] : memref<336x64xf32, #tpu.memory_space<vmem>>[vector<16xi32>, vector<16xi32>], vector<16xf32>,
        %gather3A_486 = tpu.vector_load_idx %arg11[%add3A_129, %and3A_484] : memref<336x64xf32, #tpu.memory_space<vmem>>[vector<16xi32>, vector<16xi32>], vector<16xf32>,
        %mul3A_487 = arith.mulf %gather3A_485, %gather3A_486 : vector<16xf32>
        %add3A_488 = arith.addf %add3A_478, %mul3A_487 : vector<16xf32>
        %add3A_489 = arith.constant 36 : i32
        %add3A_490 = vector.broadcast %add3A_489 : i32 to vector<16xi32>
        %add3A_491 = arith.addi %iota3A, %add3A_490 : vector<16xi32>
        %and3A_492 = arith.constant 63 : i32
        %and3A_493 = vector.broadcast %and3A_492 : i32 to vector<16xi32>
        %and3A_494 = arith.andi %add3A_491, %and3A_493 : vector<16xi32>
        %gather3A_495 = tpu.vector_load_idx %arg9[%add3A_129, %and3A_494] : memref<336x64xf32, #tpu.memory_space<vmem>>[vector<16xi32>, vector<16xi32>], vector<16xf32>,
        %gather3A_496 = tpu.vector_load_idx %arg11[%add3A_129, %and3A_494] : memref<336x64xf32, #tpu.memory_space<vmem>>[vector<16xi32>, vector<16xi32>], vector<16xf32>,
        %mul3A_497 = arith.mulf %gather3A_495, %gather3A_496 : vector<16xf32>
        %add3A_498 = arith.addf %add3A_488, %mul3A_497 : vector<16xf32>
        %add3A_499 = arith.constant 37 : i32
        %add3A_500 = vector.broadcast %add3A_499 : i32 to vector<16xi32>
        %add3A_501 = arith.addi %iota3A, %add3A_500 : vector<16xi32>
        %and3A_502 = arith.constant 63 : i32
        %and3A_503 = vector.broadcast %and3A_502 : i32 to vector<16xi32>
        %and3A_504 = arith.andi %add3A_501, %and3A_503 : vector<16xi32>
        %gather3A_505 = tpu.vector_load_idx %arg9[%add3A_129, %and3A_504] : memref<336x64xf32, #tpu.memory_space<vmem>>[vector<16xi32>, vector<16xi32>], vector<16xf32>,
        %gather3A_506 = tpu.vector_load_idx %arg11[%add3A_129, %and3A_504] : memref<336x64xf32, #tpu.memory_space<vmem>>[vector<16xi32>, vector<16xi32>], vector<16xf32>,
        %mul3A_507 = arith.mulf %gather3A_505, %gather3A_506 : vector<16xf32>
        %add3A_508 = arith.addf %add3A_498, %mul3A_507 : vector<16xf32>
        %add3A_509 = arith.constant 38 : i32
        %add3A_510 = vector.broadcast %add3A_509 : i32 to vector<16xi32>
        %add3A_511 = arith.addi %iota3A, %add3A_510 : vector<16xi32>
        %and3A_512 = arith.constant 63 : i32
        %and3A_513 = vector.broadcast %and3A_512 : i32 to vector<16xi32>
        %and3A_514 = arith.andi %add3A_511, %and3A_513 : vector<16xi32>
        %gather3A_515 = tpu.vector_load_idx %arg9[%add3A_129, %and3A_514] : memref<336x64xf32, #tpu.memory_space<vmem>>[vector<16xi32>, vector<16xi32>], vector<16xf32>,
        %gather3A_516 = tpu.vector_load_idx %arg11[%add3A_129, %and3A_514] : memref<336x64xf32, #tpu.memory_space<vmem>>[vector<16xi32>, vector<16xi32>], vector<16xf32>,
        %mul3A_517 = arith.mulf %gather3A_515, %gather3A_516 : vector<16xf32>
        %add3A_518 = arith.addf %add3A_508, %mul3A_517 : vector<16xf32>
        %add3A_519 = arith.constant 39 : i32
        %add3A_520 = vector.broadcast %add3A_519 : i32 to vector<16xi32>
        %add3A_521 = arith.addi %iota3A, %add3A_520 : vector<16xi32>
        %and3A_522 = arith.constant 63 : i32
        %and3A_523 = vector.broadcast %and3A_522 : i32 to vector<16xi32>
        %and3A_524 = arith.andi %add3A_521, %and3A_523 : vector<16xi32>
        %gather3A_525 = tpu.vector_load_idx %arg9[%add3A_129, %and3A_524] : memref<336x64xf32, #tpu.memory_space<vmem>>[vector<16xi32>, vector<16xi32>], vector<16xf32>,
        %gather3A_526 = tpu.vector_load_idx %arg11[%add3A_129, %and3A_524] : memref<336x64xf32, #tpu.memory_space<vmem>>[vector<16xi32>, vector<16xi32>], vector<16xf32>,
        %mul3A_527 = arith.mulf %gather3A_525, %gather3A_526 : vector<16xf32>
        %add3A_528 = arith.addf %add3A_518, %mul3A_527 : vector<16xf32>
        %add3A_529 = arith.constant 40 : i32
        %add3A_530 = vector.broadcast %add3A_529 : i32 to vector<16xi32>
        %add3A_531 = arith.addi %iota3A, %add3A_530 : vector<16xi32>
        %and3A_532 = arith.constant 63 : i32
        %and3A_533 = vector.broadcast %and3A_532 : i32 to vector<16xi32>
        %and3A_534 = arith.andi %add3A_531, %and3A_533 : vector<16xi32>
        %gather3A_535 = tpu.vector_load_idx %arg9[%add3A_129, %and3A_534] : memref<336x64xf32, #tpu.memory_space<vmem>>[vector<16xi32>, vector<16xi32>], vector<16xf32>,
        %gather3A_536 = tpu.vector_load_idx %arg11[%add3A_129, %and3A_534] : memref<336x64xf32, #tpu.memory_space<vmem>>[vector<16xi32>, vector<16xi32>], vector<16xf32>,
        %mul3A_537 = arith.mulf %gather3A_535, %gather3A_536 : vector<16xf32>
        %add3A_538 = arith.addf %add3A_528, %mul3A_537 : vector<16xf32>
        %add3A_539 = arith.constant 41 : i32
        %add3A_540 = vector.broadcast %add3A_539 : i32 to vector<16xi32>
        %add3A_541 = arith.addi %iota3A, %add3A_540 : vector<16xi32>
        %and3A_542 = arith.constant 63 : i32
        %and3A_543 = vector.broadcast %and3A_542 : i32 to vector<16xi32>
        %and3A_544 = arith.andi %add3A_541, %and3A_543 : vector<16xi32>
        %gather3A_545 = tpu.vector_load_idx %arg9[%add3A_129, %and3A_544] : memref<336x64xf32, #tpu.memory_space<vmem>>[vector<16xi32>, vector<16xi32>], vector<16xf32>,
        %gather3A_546 = tpu.vector_load_idx %arg11[%add3A_129, %and3A_544] : memref<336x64xf32, #tpu.memory_space<vmem>>[vector<16xi32>, vector<16xi32>], vector<16xf32>,
        %mul3A_547 = arith.mulf %gather3A_545, %gather3A_546 : vector<16xf32>
        %add3A_548 = arith.addf %add3A_538, %mul3A_547 : vector<16xf32>
        %add3A_549 = arith.constant 42 : i32
        %add3A_550 = vector.broadcast %add3A_549 : i32 to vector<16xi32>
        %add3A_551 = arith.addi %iota3A, %add3A_550 : vector<16xi32>
        %and3A_552 = arith.constant 63 : i32
        %and3A_553 = vector.broadcast %and3A_552 : i32 to vector<16xi32>
        %and3A_554 = arith.andi %add3A_551, %and3A_553 : vector<16xi32>
        %gather3A_555 = tpu.vector_load_idx %arg9[%add3A_129, %and3A_554] : memref<336x64xf32, #tpu.memory_space<vmem>>[vector<16xi32>, vector<16xi32>], vector<16xf32>,
        %gather3A_556 = tpu.vector_load_idx %arg11[%add3A_129, %and3A_554] : memref<336x64xf32, #tpu.memory_space<vmem>>[vector<16xi32>, vector<16xi32>], vector<16xf32>,
        %mul3A_557 = arith.mulf %gather3A_555, %gather3A_556 : vector<16xf32>
        %add3A_558 = arith.addf %add3A_548, %mul3A_557 : vector<16xf32>
        %add3A_559 = arith.constant 43 : i32
        %add3A_560 = vector.broadcast %add3A_559 : i32 to vector<16xi32>
        %add3A_561 = arith.addi %iota3A, %add3A_560 : vector<16xi32>
        %and3A_562 = arith.constant 63 : i32
        %and3A_563 = vector.broadcast %and3A_562 : i32 to vector<16xi32>
        %and3A_564 = arith.andi %add3A_561, %and3A_563 : vector<16xi32>
        %gather3A_565 = tpu.vector_load_idx %arg9[%add3A_129, %and3A_564] : memref<336x64xf32, #tpu.memory_space<vmem>>[vector<16xi32>, vector<16xi32>], vector<16xf32>,
        %gather3A_566 = tpu.vector_load_idx %arg11[%add3A_129, %and3A_564] : memref<336x64xf32, #tpu.memory_space<vmem>>[vector<16xi32>, vector<16xi32>], vector<16xf32>,
        %mul3A_567 = arith.mulf %gather3A_565, %gather3A_566 : vector<16xf32>
        %add3A_568 = arith.addf %add3A_558, %mul3A_567 : vector<16xf32>
        %add3A_569 = arith.constant 44 : i32
        %add3A_570 = vector.broadcast %add3A_569 : i32 to vector<16xi32>
        %add3A_571 = arith.addi %iota3A, %add3A_570 : vector<16xi32>
        %and3A_572 = arith.constant 63 : i32
        %and3A_573 = vector.broadcast %and3A_572 : i32 to vector<16xi32>
        %and3A_574 = arith.andi %add3A_571, %and3A_573 : vector<16xi32>
        %gather3A_575 = tpu.vector_load_idx %arg9[%add3A_129, %and3A_574] : memref<336x64xf32, #tpu.memory_space<vmem>>[vector<16xi32>, vector<16xi32>], vector<16xf32>,
        %gather3A_576 = tpu.vector_load_idx %arg11[%add3A_129, %and3A_574] : memref<336x64xf32, #tpu.memory_space<vmem>>[vector<16xi32>, vector<16xi32>], vector<16xf32>,
        %mul3A_577 = arith.mulf %gather3A_575, %gather3A_576 : vector<16xf32>
        %add3A_578 = arith.addf %add3A_568, %mul3A_577 : vector<16xf32>
        %add3A_579 = arith.constant 45 : i32
        %add3A_580 = vector.broadcast %add3A_579 : i32 to vector<16xi32>
        %add3A_581 = arith.addi %iota3A, %add3A_580 : vector<16xi32>
        %and3A_582 = arith.constant 63 : i32
        %and3A_583 = vector.broadcast %and3A_582 : i32 to vector<16xi32>
        %and3A_584 = arith.andi %add3A_581, %and3A_583 : vector<16xi32>
        %gather3A_585 = tpu.vector_load_idx %arg9[%add3A_129, %and3A_584] : memref<336x64xf32, #tpu.memory_space<vmem>>[vector<16xi32>, vector<16xi32>], vector<16xf32>,
        %gather3A_586 = tpu.vector_load_idx %arg11[%add3A_129, %and3A_584] : memref<336x64xf32, #tpu.memory_space<vmem>>[vector<16xi32>, vector<16xi32>], vector<16xf32>,
        %mul3A_587 = arith.mulf %gather3A_585, %gather3A_586 : vector<16xf32>
        %add3A_588 = arith.addf %add3A_578, %mul3A_587 : vector<16xf32>
        %add3A_589 = arith.constant 46 : i32
        %add3A_590 = vector.broadcast %add3A_589 : i32 to vector<16xi32>
        %add3A_591 = arith.addi %iota3A, %add3A_590 : vector<16xi32>
        %and3A_592 = arith.constant 63 : i32
        %and3A_593 = vector.broadcast %and3A_592 : i32 to vector<16xi32>
        %and3A_594 = arith.andi %add3A_591, %and3A_593 : vector<16xi32>
        %gather3A_595 = tpu.vector_load_idx %arg9[%add3A_129, %and3A_594] : memref<336x64xf32, #tpu.memory_space<vmem>>[vector<16xi32>, vector<16xi32>], vector<16xf32>,
        %gather3A_596 = tpu.vector_load_idx %arg11[%add3A_129, %and3A_594] : memref<336x64xf32, #tpu.memory_space<vmem>>[vector<16xi32>, vector<16xi32>], vector<16xf32>,
        %mul3A_597 = arith.mulf %gather3A_595, %gather3A_596 : vector<16xf32>
        %add3A_598 = arith.addf %add3A_588, %mul3A_597 : vector<16xf32>
        %add3A_599 = arith.constant 47 : i32
        %add3A_600 = vector.broadcast %add3A_599 : i32 to vector<16xi32>
        %add3A_601 = arith.addi %iota3A, %add3A_600 : vector<16xi32>
        %and3A_602 = arith.constant 63 : i32
        %and3A_603 = vector.broadcast %and3A_602 : i32 to vector<16xi32>
        %and3A_604 = arith.andi %add3A_601, %and3A_603 : vector<16xi32>
        %gather3A_605 = tpu.vector_load_idx %arg9[%add3A_129, %and3A_604] : memref<336x64xf32, #tpu.memory_space<vmem>>[vector<16xi32>, vector<16xi32>], vector<16xf32>,
        %gather3A_606 = tpu.vector_load_idx %arg11[%add3A_129, %and3A_604] : memref<336x64xf32, #tpu.memory_space<vmem>>[vector<16xi32>, vector<16xi32>], vector<16xf32>,
        %mul3A_607 = arith.mulf %gather3A_605, %gather3A_606 : vector<16xf32>
        %add3A_608 = arith.addf %add3A_598, %mul3A_607 : vector<16xf32>
        %add3A_609 = arith.constant 48 : i32
        %add3A_610 = vector.broadcast %add3A_609 : i32 to vector<16xi32>
        %add3A_611 = arith.addi %iota3A, %add3A_610 : vector<16xi32>
        %and3A_612 = arith.constant 63 : i32
        %and3A_613 = vector.broadcast %and3A_612 : i32 to vector<16xi32>
        %and3A_614 = arith.andi %add3A_611, %and3A_613 : vector<16xi32>
        %gather3A_615 = tpu.vector_load_idx %arg9[%add3A_129, %and3A_614] : memref<336x64xf32, #tpu.memory_space<vmem>>[vector<16xi32>, vector<16xi32>], vector<16xf32>,
        %gather3A_616 = tpu.vector_load_idx %arg11[%add3A_129, %and3A_614] : memref<336x64xf32, #tpu.memory_space<vmem>>[vector<16xi32>, vector<16xi32>], vector<16xf32>,
        %mul3A_617 = arith.mulf %gather3A_615, %gather3A_616 : vector<16xf32>
        %add3A_618 = arith.addf %add3A_608, %mul3A_617 : vector<16xf32>
        %add3A_619 = arith.constant 49 : i32
        %add3A_620 = vector.broadcast %add3A_619 : i32 to vector<16xi32>
        %add3A_621 = arith.addi %iota3A, %add3A_620 : vector<16xi32>
        %and3A_622 = arith.constant 63 : i32
        %and3A_623 = vector.broadcast %and3A_622 : i32 to vector<16xi32>
        %and3A_624 = arith.andi %add3A_621, %and3A_623 : vector<16xi32>
        %gather3A_625 = tpu.vector_load_idx %arg9[%add3A_129, %and3A_624] : memref<336x64xf32, #tpu.memory_space<vmem>>[vector<16xi32>, vector<16xi32>], vector<16xf32>,
        %gather3A_626 = tpu.vector_load_idx %arg11[%add3A_129, %and3A_624] : memref<336x64xf32, #tpu.memory_space<vmem>>[vector<16xi32>, vector<16xi32>], vector<16xf32>,
        %mul3A_627 = arith.mulf %gather3A_625, %gather3A_626 : vector<16xf32>
        %add3A_628 = arith.addf %add3A_618, %mul3A_627 : vector<16xf32>
        %add3A_629 = arith.constant 50 : i32
        %add3A_630 = vector.broadcast %add3A_629 : i32 to vector<16xi32>
        %add3A_631 = arith.addi %iota3A, %add3A_630 : vector<16xi32>
        %and3A_632 = arith.constant 63 : i32
        %and3A_633 = vector.broadcast %and3A_632 : i32 to vector<16xi32>
        %and3A_634 = arith.andi %add3A_631, %and3A_633 : vector<16xi32>
        %gather3A_635 = tpu.vector_load_idx %arg9[%add3A_129, %and3A_634] : memref<336x64xf32, #tpu.memory_space<vmem>>[vector<16xi32>, vector<16xi32>], vector<16xf32>,
        %gather3A_636 = tpu.vector_load_idx %arg11[%add3A_129, %and3A_634] : memref<336x64xf32, #tpu.memory_space<vmem>>[vector<16xi32>, vector<16xi32>], vector<16xf32>,
        %mul3A_637 = arith.mulf %gather3A_635, %gather3A_636 : vector<16xf32>
        %add3A_638 = arith.addf %add3A_628, %mul3A_637 : vector<16xf32>
        %add3A_639 = arith.constant 51 : i32
        %add3A_640 = vector.broadcast %add3A_639 : i32 to vector<16xi32>
        %add3A_641 = arith.addi %iota3A, %add3A_640 : vector<16xi32>
        %and3A_642 = arith.constant 63 : i32
        %and3A_643 = vector.broadcast %and3A_642 : i32 to vector<16xi32>
        %and3A_644 = arith.andi %add3A_641, %and3A_643 : vector<16xi32>
        %gather3A_645 = tpu.vector_load_idx %arg9[%add3A_129, %and3A_644] : memref<336x64xf32, #tpu.memory_space<vmem>>[vector<16xi32>, vector<16xi32>], vector<16xf32>,
        %gather3A_646 = tpu.vector_load_idx %arg11[%add3A_129, %and3A_644] : memref<336x64xf32, #tpu.memory_space<vmem>>[vector<16xi32>, vector<16xi32>], vector<16xf32>,
        %mul3A_647 = arith.mulf %gather3A_645, %gather3A_646 : vector<16xf32>
        %add3A_648 = arith.addf %add3A_638, %mul3A_647 : vector<16xf32>
        %add3A_649 = arith.constant 52 : i32
        %add3A_650 = vector.broadcast %add3A_649 : i32 to vector<16xi32>
        %add3A_651 = arith.addi %iota3A, %add3A_650 : vector<16xi32>
        %and3A_652 = arith.constant 63 : i32
        %and3A_653 = vector.broadcast %and3A_652 : i32 to vector<16xi32>
        %and3A_654 = arith.andi %add3A_651, %and3A_653 : vector<16xi32>
        %gather3A_655 = tpu.vector_load_idx %arg9[%add3A_129, %and3A_654] : memref<336x64xf32, #tpu.memory_space<vmem>>[vector<16xi32>, vector<16xi32>], vector<16xf32>,
        %gather3A_656 = tpu.vector_load_idx %arg11[%add3A_129, %and3A_654] : memref<336x64xf32, #tpu.memory_space<vmem>>[vector<16xi32>, vector<16xi32>], vector<16xf32>,
        %mul3A_657 = arith.mulf %gather3A_655, %gather3A_656 : vector<16xf32>
        %add3A_658 = arith.addf %add3A_648, %mul3A_657 : vector<16xf32>
        %add3A_659 = arith.constant 53 : i32
        %add3A_660 = vector.broadcast %add3A_659 : i32 to vector<16xi32>
        %add3A_661 = arith.addi %iota3A, %add3A_660 : vector<16xi32>
        %and3A_662 = arith.constant 63 : i32
        %and3A_663 = vector.broadcast %and3A_662 : i32 to vector<16xi32>
        %and3A_664 = arith.andi %add3A_661, %and3A_663 : vector<16xi32>
        %gather3A_665 = tpu.vector_load_idx %arg9[%add3A_129, %and3A_664] : memref<336x64xf32, #tpu.memory_space<vmem>>[vector<16xi32>, vector<16xi32>], vector<16xf32>,
        %gather3A_666 = tpu.vector_load_idx %arg11[%add3A_129, %and3A_664] : memref<336x64xf32, #tpu.memory_space<vmem>>[vector<16xi32>, vector<16xi32>], vector<16xf32>,
        %mul3A_667 = arith.mulf %gather3A_665, %gather3A_666 : vector<16xf32>
        %add3A_668 = arith.addf %add3A_658, %mul3A_667 : vector<16xf32>
        %add3A_669 = arith.constant 54 : i32
        %add3A_670 = vector.broadcast %add3A_669 : i32 to vector<16xi32>
        %add3A_671 = arith.addi %iota3A, %add3A_670 : vector<16xi32>
        %and3A_672 = arith.constant 63 : i32
        %and3A_673 = vector.broadcast %and3A_672 : i32 to vector<16xi32>
        %and3A_674 = arith.andi %add3A_671, %and3A_673 : vector<16xi32>
        %gather3A_675 = tpu.vector_load_idx %arg9[%add3A_129, %and3A_674] : memref<336x64xf32, #tpu.memory_space<vmem>>[vector<16xi32>, vector<16xi32>], vector<16xf32>,
        %gather3A_676 = tpu.vector_load_idx %arg11[%add3A_129, %and3A_674] : memref<336x64xf32, #tpu.memory_space<vmem>>[vector<16xi32>, vector<16xi32>], vector<16xf32>,
        %mul3A_677 = arith.mulf %gather3A_675, %gather3A_676 : vector<16xf32>
        %add3A_678 = arith.addf %add3A_668, %mul3A_677 : vector<16xf32>
        %add3A_679 = arith.constant 55 : i32
        %add3A_680 = vector.broadcast %add3A_679 : i32 to vector<16xi32>
        %add3A_681 = arith.addi %iota3A, %add3A_680 : vector<16xi32>
        %and3A_682 = arith.constant 63 : i32
        %and3A_683 = vector.broadcast %and3A_682 : i32 to vector<16xi32>
        %and3A_684 = arith.andi %add3A_681, %and3A_683 : vector<16xi32>
        %gather3A_685 = tpu.vector_load_idx %arg9[%add3A_129, %and3A_684] : memref<336x64xf32, #tpu.memory_space<vmem>>[vector<16xi32>, vector<16xi32>], vector<16xf32>,
        %gather3A_686 = tpu.vector_load_idx %arg11[%add3A_129, %and3A_684] : memref<336x64xf32, #tpu.memory_space<vmem>>[vector<16xi32>, vector<16xi32>], vector<16xf32>,
        %mul3A_687 = arith.mulf %gather3A_685, %gather3A_686 : vector<16xf32>
        %add3A_688 = arith.addf %add3A_678, %mul3A_687 : vector<16xf32>
        %add3A_689 = arith.constant 56 : i32
        %add3A_690 = vector.broadcast %add3A_689 : i32 to vector<16xi32>
        %add3A_691 = arith.addi %iota3A, %add3A_690 : vector<16xi32>
        %and3A_692 = arith.constant 63 : i32
        %and3A_693 = vector.broadcast %and3A_692 : i32 to vector<16xi32>
        %and3A_694 = arith.andi %add3A_691, %and3A_693 : vector<16xi32>
        %gather3A_695 = tpu.vector_load_idx %arg9[%add3A_129, %and3A_694] : memref<336x64xf32, #tpu.memory_space<vmem>>[vector<16xi32>, vector<16xi32>], vector<16xf32>,
        %gather3A_696 = tpu.vector_load_idx %arg11[%add3A_129, %and3A_694] : memref<336x64xf32, #tpu.memory_space<vmem>>[vector<16xi32>, vector<16xi32>], vector<16xf32>,
        %mul3A_697 = arith.mulf %gather3A_695, %gather3A_696 : vector<16xf32>
        %add3A_698 = arith.addf %add3A_688, %mul3A_697 : vector<16xf32>
        %add3A_699 = arith.constant 57 : i32
        %add3A_700 = vector.broadcast %add3A_699 : i32 to vector<16xi32>
        %add3A_701 = arith.addi %iota3A, %add3A_700 : vector<16xi32>
        %and3A_702 = arith.constant 63 : i32
        %and3A_703 = vector.broadcast %and3A_702 : i32 to vector<16xi32>
        %and3A_704 = arith.andi %add3A_701, %and3A_703 : vector<16xi32>
        %gather3A_705 = tpu.vector_load_idx %arg9[%add3A_129, %and3A_704] : memref<336x64xf32, #tpu.memory_space<vmem>>[vector<16xi32>, vector<16xi32>], vector<16xf32>,
        %gather3A_706 = tpu.vector_load_idx %arg11[%add3A_129, %and3A_704] : memref<336x64xf32, #tpu.memory_space<vmem>>[vector<16xi32>, vector<16xi32>], vector<16xf32>,
        %mul3A_707 = arith.mulf %gather3A_705, %gather3A_706 : vector<16xf32>
        %add3A_708 = arith.addf %add3A_698, %mul3A_707 : vector<16xf32>
        %add3A_709 = arith.constant 58 : i32
        %add3A_710 = vector.broadcast %add3A_709 : i32 to vector<16xi32>
        %add3A_711 = arith.addi %iota3A, %add3A_710 : vector<16xi32>
        %and3A_712 = arith.constant 63 : i32
        %and3A_713 = vector.broadcast %and3A_712 : i32 to vector<16xi32>
        %and3A_714 = arith.andi %add3A_711, %and3A_713 : vector<16xi32>
        %gather3A_715 = tpu.vector_load_idx %arg9[%add3A_129, %and3A_714] : memref<336x64xf32, #tpu.memory_space<vmem>>[vector<16xi32>, vector<16xi32>], vector<16xf32>,
        %gather3A_716 = tpu.vector_load_idx %arg11[%add3A_129, %and3A_714] : memref<336x64xf32, #tpu.memory_space<vmem>>[vector<16xi32>, vector<16xi32>], vector<16xf32>,
        %mul3A_717 = arith.mulf %gather3A_715, %gather3A_716 : vector<16xf32>
        %add3A_718 = arith.addf %add3A_708, %mul3A_717 : vector<16xf32>
        %add3A_719 = arith.constant 59 : i32
        %add3A_720 = vector.broadcast %add3A_719 : i32 to vector<16xi32>
        %add3A_721 = arith.addi %iota3A, %add3A_720 : vector<16xi32>
        %and3A_722 = arith.constant 63 : i32
        %and3A_723 = vector.broadcast %and3A_722 : i32 to vector<16xi32>
        %and3A_724 = arith.andi %add3A_721, %and3A_723 : vector<16xi32>
        %gather3A_725 = tpu.vector_load_idx %arg9[%add3A_129, %and3A_724] : memref<336x64xf32, #tpu.memory_space<vmem>>[vector<16xi32>, vector<16xi32>], vector<16xf32>,
        %gather3A_726 = tpu.vector_load_idx %arg11[%add3A_129, %and3A_724] : memref<336x64xf32, #tpu.memory_space<vmem>>[vector<16xi32>, vector<16xi32>], vector<16xf32>,
        %mul3A_727 = arith.mulf %gather3A_725, %gather3A_726 : vector<16xf32>
        %add3A_728 = arith.addf %add3A_718, %mul3A_727 : vector<16xf32>
        %add3A_729 = arith.constant 60 : i32
        %add3A_730 = vector.broadcast %add3A_729 : i32 to vector<16xi32>
        %add3A_731 = arith.addi %iota3A, %add3A_730 : vector<16xi32>
        %and3A_732 = arith.constant 63 : i32
        %and3A_733 = vector.broadcast %and3A_732 : i32 to vector<16xi32>
        %and3A_734 = arith.andi %add3A_731, %and3A_733 : vector<16xi32>
        %gather3A_735 = tpu.vector_load_idx %arg9[%add3A_129, %and3A_734] : memref<336x64xf32, #tpu.memory_space<vmem>>[vector<16xi32>, vector<16xi32>], vector<16xf32>,
        %gather3A_736 = tpu.vector_load_idx %arg11[%add3A_129, %and3A_734] : memref<336x64xf32, #tpu.memory_space<vmem>>[vector<16xi32>, vector<16xi32>], vector<16xf32>,
        %mul3A_737 = arith.mulf %gather3A_735, %gather3A_736 : vector<16xf32>
        %add3A_738 = arith.addf %add3A_728, %mul3A_737 : vector<16xf32>
        %add3A_739 = arith.constant 61 : i32
        %add3A_740 = vector.broadcast %add3A_739 : i32 to vector<16xi32>
        %add3A_741 = arith.addi %iota3A, %add3A_740 : vector<16xi32>
        %and3A_742 = arith.constant 63 : i32
        %and3A_743 = vector.broadcast %and3A_742 : i32 to vector<16xi32>
        %and3A_744 = arith.andi %add3A_741, %and3A_743 : vector<16xi32>
        %gather3A_745 = tpu.vector_load_idx %arg9[%add3A_129, %and3A_744] : memref<336x64xf32, #tpu.memory_space<vmem>>[vector<16xi32>, vector<16xi32>], vector<16xf32>,
        %gather3A_746 = tpu.vector_load_idx %arg11[%add3A_129, %and3A_744] : memref<336x64xf32, #tpu.memory_space<vmem>>[vector<16xi32>, vector<16xi32>], vector<16xf32>,
        %mul3A_747 = arith.mulf %gather3A_745, %gather3A_746 : vector<16xf32>
        %add3A_748 = arith.addf %add3A_738, %mul3A_747 : vector<16xf32>
        %add3A_749 = arith.constant 62 : i32
        %add3A_750 = vector.broadcast %add3A_749 : i32 to vector<16xi32>
        %add3A_751 = arith.addi %iota3A, %add3A_750 : vector<16xi32>
        %and3A_752 = arith.constant 63 : i32
        %and3A_753 = vector.broadcast %and3A_752 : i32 to vector<16xi32>
        %and3A_754 = arith.andi %add3A_751, %and3A_753 : vector<16xi32>
        %gather3A_755 = tpu.vector_load_idx %arg9[%add3A_129, %and3A_754] : memref<336x64xf32, #tpu.memory_space<vmem>>[vector<16xi32>, vector<16xi32>], vector<16xf32>,
        %gather3A_756 = tpu.vector_load_idx %arg11[%add3A_129, %and3A_754] : memref<336x64xf32, #tpu.memory_space<vmem>>[vector<16xi32>, vector<16xi32>], vector<16xf32>,
        %mul3A_757 = arith.mulf %gather3A_755, %gather3A_756 : vector<16xf32>
        %add3A_758 = arith.addf %add3A_748, %mul3A_757 : vector<16xf32>
        %add3A_759 = arith.constant 63 : i32
        %add3A_760 = vector.broadcast %add3A_759 : i32 to vector<16xi32>
        %add3A_761 = arith.addi %iota3A, %add3A_760 : vector<16xi32>
        %and3A_762 = arith.constant 63 : i32
        %and3A_763 = vector.broadcast %and3A_762 : i32 to vector<16xi32>
        %and3A_764 = arith.andi %add3A_761, %and3A_763 : vector<16xi32>
        %gather3A_765 = tpu.vector_load_idx %arg9[%add3A_129, %and3A_764] : memref<336x64xf32, #tpu.memory_space<vmem>>[vector<16xi32>, vector<16xi32>], vector<16xf32>,
        %gather3A_766 = tpu.vector_load_idx %arg11[%add3A_129, %and3A_764] : memref<336x64xf32, #tpu.memory_space<vmem>>[vector<16xi32>, vector<16xi32>], vector<16xf32>,
        %mul3A_767 = arith.mulf %gather3A_765, %gather3A_766 : vector<16xf32>
        %add3A_768 = arith.addf %add3A_758, %mul3A_767 : vector<16xf32>
        %neg3A = arith.constant 0.000000e+00 : f32
        %neg3A_769 = vector.broadcast %neg3A : f32 to vector<16xf32>
        %neg3A_770 = arith.subf %neg3A_769, %add3A_768 : vector<16xf32>
        %exp3A = math.exp %neg3A_770 : vector<16xf32>
        %add3A_771 = arith.constant 1.000000e+00 : f32
        %add3A_772 = vector.broadcast %add3A_771 : f32 to vector<16xf32>
        %add3A_773 = arith.addf %add3A_772, %exp3A : vector<16xf32>
        %div3A = arith.constant 1.000000e+00 : f32
        %div3A_774 = vector.broadcast %div3A : f32 to vector<16xf32>
        %div3A_775 = arith.divf %div3A_774, %add3A_773 : vector<16xf32>
        %mul3A_776 = arith.constant 16 : i32
        %mul3A_777 = arith.muli %scan3A_125, %mul3A_776 : i32
        %swap3A = arith.index_cast %mul3A_777 : i32 to index
        %swap3A_778 = tpu.vector_load %arg13[%swap3A] {strides = array<i32>} : memref<336xf32, #tpu.memory_space<vmem>>, vector<16xf32>,
        tpu.vector_store %arg13[%swap3A], %div3A_775 {strides = array<i32>} : memref<336xf32, #tpu.memory_space<vmem>>, vector<16xf32>,
      }
      %scan3A_73 = arith.constant 21 : i32
      %mul3A_74 = arith.constant 336 : i32
      %mul3A_75 = arith.muli %add3A_44, %mul3A_74 : i32
      %add3A_76 = arith.addi %mul3A_2, %mul3A_75 : i32
      %min3A_77 = arith.minsi %add3A_76, %sub3A_6 : i32
      %multiple_of3A_78 = tpu.assume_multiple %min3A_77, 16 : i32
      %dma_start3A_79 = tpu.memref_slice %arg6[%multiple_of3A_78] : memref<150000xf32, #tpu.memory_space<hbm>> -> memref<336xf32, #tpu.memory_space<hbm>>
      %dma_start3A_80 = tpu.memref_slice %arg6[%multiple_of3A_78] : memref<150000xf32, #tpu.memory_space<hbm>> -> memref<336xf32, #tpu.memory_space<hbm>>
      tpu.enqueue_dma source(%arg13 : memref<336xf32, #tpu.memory_space<vmem>>) target(%dma_start3A_80 : memref<336xf32, #tpu.memory_space<hbm>>) target_semaphore(%arg19 : memref<!tpu.dma_semaphore, #tpu.memory_space<semaphore_mem>>)
      %mul3A_81 = arith.constant 2 : i32
      %mul3A_82 = arith.muli %scan3A_40, %mul3A_81 : i32
      %add3A_83 = arith.constant 1 : i32
      %add3A_84 = arith.addi %mul3A_82, %add3A_83 : i32
      %add3A_85 = arith.constant 1 : i32
      %add3A_86 = arith.addi %add3A_84, %add3A_85 : i32
      %lt3A_87 = arith.constant 14 : i32
      %lt3A_88 = arith.cmpi slt, %add3A_86, %lt3A_87 : i32
      %convert_element_type3A_89 = arith.extui %lt3A_88 : i1 to i32
      %cond3A_90 = arith.constant 0 : i32
      %cond3A_91 = arith.cmpi ne, %convert_element_type3A_89, %cond3A_90 : i32
      scf.if %cond3A_91 {
        %mul3A_125 = arith.constant 336 : i32
        %mul3A_126 = arith.muli %add3A_86, %mul3A_125 : i32
        %add3A_127 = arith.addi %mul3A_2, %mul3A_126 : i32
        %min3A_128 = arith.minsi %add3A_127, %sub3A_6 : i32
        %multiple_of3A_129 = tpu.assume_multiple %min3A_128, 16 : i32
        %sub3A_130 = arith.subi %multiple_of3A_129, %multiple_of3A : i32
        %multiple_of3A_131 = tpu.assume_multiple %sub3A_130, 16 : i32
        %dma_start3A_132 = tpu.memref_slice %arg7[%multiple_of3A_131] : memref<4688xi32, #tpu.memory_space<vmem>> -> memref<336xi32, #tpu.memory_space<vmem>>
        %dma_start3A_133 = arith.constant 0 : i32
        %dma_start3A_134 = arith.constant 0 : i32
        %dma_start3A_135 = tpu.memref_slice %arg4[%dma_start3A_133, %dma_start3A_134] : memref<100000x64xf32, #tpu.memory_space<hbm>> -> memref<100000x64xf32, #tpu.memory_space<hbm>>
        tpu.enqueue_indirect_dma source(%dma_start3A_135 : memref<100000x64xf32, #tpu.memory_space<hbm>>) target(%arg9 : memref<336x64xf32, #tpu.memory_space<vmem>>) offsets(%dma_start3A_132 : memref<336xi32, #tpu.memory_space<vmem>>) semaphore(%arg15 : memref<!tpu.dma_semaphore, #tpu.memory_space<semaphore_mem>>)
        %dma_start3A_136 = tpu.memref_slice %arg8[%multiple_of3A_131] : memref<4688xi32, #tpu.memory_space<vmem>> -> memref<336xi32, #tpu.memory_space<vmem>>
        %dma_start3A_137 = arith.constant 0 : i32
        %dma_start3A_138 = arith.constant 0 : i32
        %dma_start3A_139 = tpu.memref_slice %arg5[%dma_start3A_137, %dma_start3A_138] : memref<100000x64xf32, #tpu.memory_space<hbm>> -> memref<100000x64xf32, #tpu.memory_space<hbm>>
        tpu.enqueue_indirect_dma source(%dma_start3A_139 : memref<100000x64xf32, #tpu.memory_space<hbm>>) target(%arg11 : memref<336x64xf32, #tpu.memory_space<vmem>>) offsets(%dma_start3A_136 : memref<336xi32, #tpu.memory_space<vmem>>) semaphore(%arg17 : memref<!tpu.dma_semaphore, #tpu.memory_space<semaphore_mem>>)
      } else {
      }
      %mul3A_92 = arith.constant 336 : i32
      %mul3A_93 = arith.muli %add3A_84, %mul3A_92 : i32
      %add3A_94 = arith.addi %mul3A_2, %mul3A_93 : i32
      %min3A_95 = arith.minsi %add3A_94, %sub3A_6 : i32
      %multiple_of3A_96 = tpu.assume_multiple %min3A_95, 16 : i32
      %sub3A_97 = arith.subi %multiple_of3A_96, %multiple_of3A : i32
      %multiple_of3A_98 = tpu.assume_multiple %sub3A_97, 16 : i32
      %dma_wait3A_99 = tpu.memref_slice %arg7[%multiple_of3A_98] : memref<4688xi32, #tpu.memory_space<vmem>> -> memref<336xi32, #tpu.memory_space<vmem>>
      %dma_wait3A_100 = arith.constant 0 : i32
      %dma_wait3A_101 = arith.constant 0 : i32
      %dma_wait3A_102 = tpu.memref_slice %arg4[%dma_wait3A_100, %dma_wait3A_101] : memref<100000x64xf32, #tpu.memory_space<hbm>> -> memref<100000x64xf32, #tpu.memory_space<hbm>>
      tpu.wait_indirect_dma semaphore(%arg16 : memref<!tpu.dma_semaphore, #tpu.memory_space<semaphore_mem>>) src(%dma_wait3A_102 : memref<100000x64xf32, #tpu.memory_space<hbm>>) dst(%arg10 : memref<336x64xf32, #tpu.memory_space<vmem>>)
      %dma_wait3A_103 = tpu.memref_slice %arg8[%multiple_of3A_98] : memref<4688xi32, #tpu.memory_space<vmem>> -> memref<336xi32, #tpu.memory_space<vmem>>
      %dma_wait3A_104 = arith.constant 0 : i32
      %dma_wait3A_105 = arith.constant 0 : i32
      %dma_wait3A_106 = tpu.memref_slice %arg5[%dma_wait3A_104, %dma_wait3A_105] : memref<100000x64xf32, #tpu.memory_space<hbm>> -> memref<100000x64xf32, #tpu.memory_space<hbm>>
      tpu.wait_indirect_dma semaphore(%arg18 : memref<!tpu.dma_semaphore, #tpu.memory_space<semaphore_mem>>) src(%dma_wait3A_106 : memref<100000x64xf32, #tpu.memory_space<hbm>>) dst(%arg12 : memref<336x64xf32, #tpu.memory_space<vmem>>)
      %ge3A_107 = arith.constant 2 : i32
      %ge3A_108 = arith.cmpi sge, %add3A_84, %ge3A_107 : i32
      %convert_element_type3A_109 = arith.extui %ge3A_108 : i1 to i32
      %cond3A_110 = arith.constant 0 : i32
      %cond3A_111 = arith.cmpi ne, %convert_element_type3A_109, %cond3A_110 : i32
      scf.if %cond3A_111 {
        %sub3A_125 = arith.constant 2 : i32
        %sub3A_126 = arith.subi %add3A_84, %sub3A_125 : i32
        %mul3A_127 = arith.constant 336 : i32
        %mul3A_128 = arith.muli %sub3A_126, %mul3A_127 : i32
        %add3A_129 = arith.addi %mul3A_2, %mul3A_128 : i32
        %min3A_130 = arith.minsi %add3A_129, %sub3A_6 : i32
        %multiple_of3A_131 = tpu.assume_multiple %min3A_130, 16 : i32
        %dma_wait3A_132 = tpu.memref_slice %arg6[%multiple_of3A_131] : memref<150000xf32, #tpu.memory_space<hbm>> -> memref<336xf32, #tpu.memory_space<hbm>>
        %dma_wait3A_133 = tpu.memref_slice %arg6[%multiple_of3A_131] : memref<150000xf32, #tpu.memory_space<hbm>> -> memref<336xf32, #tpu.memory_space<hbm>>
        tpu.wait_dma2 semaphore(%arg20 : memref<!tpu.dma_semaphore, #tpu.memory_space<semaphore_mem>>) src(%arg14 : memref<336xf32, #tpu.memory_space<vmem>>) dst(%dma_wait3A_133 : memref<336xf32, #tpu.memory_space<hbm>>)
      } else {
      }
      %scan3A_112 = arith.constant 0 : i32
      %scan3A_113 = arith.constant 0 : i32
      %scan3A_114 = arith.constant 21 : i32
      %scan3A_115 = arith.addi %scan3A_113, %scan3A_114 : i32
      %scan3A_116 = arith.constant 1 : i32
      scf.for %scan3A_125 = %scan3A_113 to %scan3A_115 step %scan3A_116  : i32 {
        %mul3A_126 = arith.constant 16 : i32
        %mul3A_127 = arith.muli %scan3A_125, %mul3A_126 : i32
        %add3A_128 = vector.broadcast %mul3A_127 : i32 to vector<16xi32>
        %add3A_129 = arith.addi %add3A_128, %iota3A : vector<16xi32>
        %broadcast_in_dim3A = arith.constant 0.000000e+00 : f32
        %broadcast_in_dim3A_130 = vector.broadcast %broadcast_in_dim3A : f32 to vector<16xf32>
        %add3A_131 = arith.constant 0 : i32
        %add3A_132 = vector.broadcast %add3A_131 : i32 to vector<16xi32>
        %add3A_133 = arith.addi %iota3A, %add3A_132 : vector<16xi32>
        %and3A = arith.constant 63 : i32
        %and3A_134 = vector.broadcast %and3A : i32 to vector<16xi32>
        %and3A_135 = arith.andi %add3A_133, %and3A_134 : vector<16xi32>
        %gather3A = tpu.vector_load_idx %arg10[%add3A_129, %and3A_135] : memref<336x64xf32, #tpu.memory_space<vmem>>[vector<16xi32>, vector<16xi32>], vector<16xf32>,
        %gather3A_136 = tpu.vector_load_idx %arg12[%add3A_129, %and3A_135] : memref<336x64xf32, #tpu.memory_space<vmem>>[vector<16xi32>, vector<16xi32>], vector<16xf32>,
        %mul3A_137 = arith.mulf %gather3A, %gather3A_136 : vector<16xf32>
        %add3A_138 = arith.addf %broadcast_in_dim3A_130, %mul3A_137 : vector<16xf32>
        %add3A_139 = arith.constant 1 : i32
        %add3A_140 = vector.broadcast %add3A_139 : i32 to vector<16xi32>
        %add3A_141 = arith.addi %iota3A, %add3A_140 : vector<16xi32>
        %and3A_142 = arith.constant 63 : i32
        %and3A_143 = vector.broadcast %and3A_142 : i32 to vector<16xi32>
        %and3A_144 = arith.andi %add3A_141, %and3A_143 : vector<16xi32>
        %gather3A_145 = tpu.vector_load_idx %arg10[%add3A_129, %and3A_144] : memref<336x64xf32, #tpu.memory_space<vmem>>[vector<16xi32>, vector<16xi32>], vector<16xf32>,
        %gather3A_146 = tpu.vector_load_idx %arg12[%add3A_129, %and3A_144] : memref<336x64xf32, #tpu.memory_space<vmem>>[vector<16xi32>, vector<16xi32>], vector<16xf32>,
        %mul3A_147 = arith.mulf %gather3A_145, %gather3A_146 : vector<16xf32>
        %add3A_148 = arith.addf %add3A_138, %mul3A_147 : vector<16xf32>
        %add3A_149 = arith.constant 2 : i32
        %add3A_150 = vector.broadcast %add3A_149 : i32 to vector<16xi32>
        %add3A_151 = arith.addi %iota3A, %add3A_150 : vector<16xi32>
        %and3A_152 = arith.constant 63 : i32
        %and3A_153 = vector.broadcast %and3A_152 : i32 to vector<16xi32>
        %and3A_154 = arith.andi %add3A_151, %and3A_153 : vector<16xi32>
        %gather3A_155 = tpu.vector_load_idx %arg10[%add3A_129, %and3A_154] : memref<336x64xf32, #tpu.memory_space<vmem>>[vector<16xi32>, vector<16xi32>], vector<16xf32>,
        %gather3A_156 = tpu.vector_load_idx %arg12[%add3A_129, %and3A_154] : memref<336x64xf32, #tpu.memory_space<vmem>>[vector<16xi32>, vector<16xi32>], vector<16xf32>,
        %mul3A_157 = arith.mulf %gather3A_155, %gather3A_156 : vector<16xf32>
        %add3A_158 = arith.addf %add3A_148, %mul3A_157 : vector<16xf32>
        %add3A_159 = arith.constant 3 : i32
        %add3A_160 = vector.broadcast %add3A_159 : i32 to vector<16xi32>
        %add3A_161 = arith.addi %iota3A, %add3A_160 : vector<16xi32>
        %and3A_162 = arith.constant 63 : i32
        %and3A_163 = vector.broadcast %and3A_162 : i32 to vector<16xi32>
        %and3A_164 = arith.andi %add3A_161, %and3A_163 : vector<16xi32>
        %gather3A_165 = tpu.vector_load_idx %arg10[%add3A_129, %and3A_164] : memref<336x64xf32, #tpu.memory_space<vmem>>[vector<16xi32>, vector<16xi32>], vector<16xf32>,
        %gather3A_166 = tpu.vector_load_idx %arg12[%add3A_129, %and3A_164] : memref<336x64xf32, #tpu.memory_space<vmem>>[vector<16xi32>, vector<16xi32>], vector<16xf32>,
        %mul3A_167 = arith.mulf %gather3A_165, %gather3A_166 : vector<16xf32>
        %add3A_168 = arith.addf %add3A_158, %mul3A_167 : vector<16xf32>
        %add3A_169 = arith.constant 4 : i32
        %add3A_170 = vector.broadcast %add3A_169 : i32 to vector<16xi32>
        %add3A_171 = arith.addi %iota3A, %add3A_170 : vector<16xi32>
        %and3A_172 = arith.constant 63 : i32
        %and3A_173 = vector.broadcast %and3A_172 : i32 to vector<16xi32>
        %and3A_174 = arith.andi %add3A_171, %and3A_173 : vector<16xi32>
        %gather3A_175 = tpu.vector_load_idx %arg10[%add3A_129, %and3A_174] : memref<336x64xf32, #tpu.memory_space<vmem>>[vector<16xi32>, vector<16xi32>], vector<16xf32>,
        %gather3A_176 = tpu.vector_load_idx %arg12[%add3A_129, %and3A_174] : memref<336x64xf32, #tpu.memory_space<vmem>>[vector<16xi32>, vector<16xi32>], vector<16xf32>,
        %mul3A_177 = arith.mulf %gather3A_175, %gather3A_176 : vector<16xf32>
        %add3A_178 = arith.addf %add3A_168, %mul3A_177 : vector<16xf32>
        %add3A_179 = arith.constant 5 : i32
        %add3A_180 = vector.broadcast %add3A_179 : i32 to vector<16xi32>
        %add3A_181 = arith.addi %iota3A, %add3A_180 : vector<16xi32>
        %and3A_182 = arith.constant 63 : i32
        %and3A_183 = vector.broadcast %and3A_182 : i32 to vector<16xi32>
        %and3A_184 = arith.andi %add3A_181, %and3A_183 : vector<16xi32>
        %gather3A_185 = tpu.vector_load_idx %arg10[%add3A_129, %and3A_184] : memref<336x64xf32, #tpu.memory_space<vmem>>[vector<16xi32>, vector<16xi32>], vector<16xf32>,
        %gather3A_186 = tpu.vector_load_idx %arg12[%add3A_129, %and3A_184] : memref<336x64xf32, #tpu.memory_space<vmem>>[vector<16xi32>, vector<16xi32>], vector<16xf32>,
        %mul3A_187 = arith.mulf %gather3A_185, %gather3A_186 : vector<16xf32>
        %add3A_188 = arith.addf %add3A_178, %mul3A_187 : vector<16xf32>
        %add3A_189 = arith.constant 6 : i32
        %add3A_190 = vector.broadcast %add3A_189 : i32 to vector<16xi32>
        %add3A_191 = arith.addi %iota3A, %add3A_190 : vector<16xi32>
        %and3A_192 = arith.constant 63 : i32
        %and3A_193 = vector.broadcast %and3A_192 : i32 to vector<16xi32>
        %and3A_194 = arith.andi %add3A_191, %and3A_193 : vector<16xi32>
        %gather3A_195 = tpu.vector_load_idx %arg10[%add3A_129, %and3A_194] : memref<336x64xf32, #tpu.memory_space<vmem>>[vector<16xi32>, vector<16xi32>], vector<16xf32>,
        %gather3A_196 = tpu.vector_load_idx %arg12[%add3A_129, %and3A_194] : memref<336x64xf32, #tpu.memory_space<vmem>>[vector<16xi32>, vector<16xi32>], vector<16xf32>,
        %mul3A_197 = arith.mulf %gather3A_195, %gather3A_196 : vector<16xf32>
        %add3A_198 = arith.addf %add3A_188, %mul3A_197 : vector<16xf32>
        %add3A_199 = arith.constant 7 : i32
        %add3A_200 = vector.broadcast %add3A_199 : i32 to vector<16xi32>
        %add3A_201 = arith.addi %iota3A, %add3A_200 : vector<16xi32>
        %and3A_202 = arith.constant 63 : i32
        %and3A_203 = vector.broadcast %and3A_202 : i32 to vector<16xi32>
        %and3A_204 = arith.andi %add3A_201, %and3A_203 : vector<16xi32>
        %gather3A_205 = tpu.vector_load_idx %arg10[%add3A_129, %and3A_204] : memref<336x64xf32, #tpu.memory_space<vmem>>[vector<16xi32>, vector<16xi32>], vector<16xf32>,
        %gather3A_206 = tpu.vector_load_idx %arg12[%add3A_129, %and3A_204] : memref<336x64xf32, #tpu.memory_space<vmem>>[vector<16xi32>, vector<16xi32>], vector<16xf32>,
        %mul3A_207 = arith.mulf %gather3A_205, %gather3A_206 : vector<16xf32>
        %add3A_208 = arith.addf %add3A_198, %mul3A_207 : vector<16xf32>
        %add3A_209 = arith.constant 8 : i32
        %add3A_210 = vector.broadcast %add3A_209 : i32 to vector<16xi32>
        %add3A_211 = arith.addi %iota3A, %add3A_210 : vector<16xi32>
        %and3A_212 = arith.constant 63 : i32
        %and3A_213 = vector.broadcast %and3A_212 : i32 to vector<16xi32>
        %and3A_214 = arith.andi %add3A_211, %and3A_213 : vector<16xi32>
        %gather3A_215 = tpu.vector_load_idx %arg10[%add3A_129, %and3A_214] : memref<336x64xf32, #tpu.memory_space<vmem>>[vector<16xi32>, vector<16xi32>], vector<16xf32>,
        %gather3A_216 = tpu.vector_load_idx %arg12[%add3A_129, %and3A_214] : memref<336x64xf32, #tpu.memory_space<vmem>>[vector<16xi32>, vector<16xi32>], vector<16xf32>,
        %mul3A_217 = arith.mulf %gather3A_215, %gather3A_216 : vector<16xf32>
        %add3A_218 = arith.addf %add3A_208, %mul3A_217 : vector<16xf32>
        %add3A_219 = arith.constant 9 : i32
        %add3A_220 = vector.broadcast %add3A_219 : i32 to vector<16xi32>
        %add3A_221 = arith.addi %iota3A, %add3A_220 : vector<16xi32>
        %and3A_222 = arith.constant 63 : i32
        %and3A_223 = vector.broadcast %and3A_222 : i32 to vector<16xi32>
        %and3A_224 = arith.andi %add3A_221, %and3A_223 : vector<16xi32>
        %gather3A_225 = tpu.vector_load_idx %arg10[%add3A_129, %and3A_224] : memref<336x64xf32, #tpu.memory_space<vmem>>[vector<16xi32>, vector<16xi32>], vector<16xf32>,
        %gather3A_226 = tpu.vector_load_idx %arg12[%add3A_129, %and3A_224] : memref<336x64xf32, #tpu.memory_space<vmem>>[vector<16xi32>, vector<16xi32>], vector<16xf32>,
        %mul3A_227 = arith.mulf %gather3A_225, %gather3A_226 : vector<16xf32>
        %add3A_228 = arith.addf %add3A_218, %mul3A_227 : vector<16xf32>
        %add3A_229 = arith.constant 10 : i32
        %add3A_230 = vector.broadcast %add3A_229 : i32 to vector<16xi32>
        %add3A_231 = arith.addi %iota3A, %add3A_230 : vector<16xi32>
        %and3A_232 = arith.constant 63 : i32
        %and3A_233 = vector.broadcast %and3A_232 : i32 to vector<16xi32>
        %and3A_234 = arith.andi %add3A_231, %and3A_233 : vector<16xi32>
        %gather3A_235 = tpu.vector_load_idx %arg10[%add3A_129, %and3A_234] : memref<336x64xf32, #tpu.memory_space<vmem>>[vector<16xi32>, vector<16xi32>], vector<16xf32>,
        %gather3A_236 = tpu.vector_load_idx %arg12[%add3A_129, %and3A_234] : memref<336x64xf32, #tpu.memory_space<vmem>>[vector<16xi32>, vector<16xi32>], vector<16xf32>,
        %mul3A_237 = arith.mulf %gather3A_235, %gather3A_236 : vector<16xf32>
        %add3A_238 = arith.addf %add3A_228, %mul3A_237 : vector<16xf32>
        %add3A_239 = arith.constant 11 : i32
        %add3A_240 = vector.broadcast %add3A_239 : i32 to vector<16xi32>
        %add3A_241 = arith.addi %iota3A, %add3A_240 : vector<16xi32>
        %and3A_242 = arith.constant 63 : i32
        %and3A_243 = vector.broadcast %and3A_242 : i32 to vector<16xi32>
        %and3A_244 = arith.andi %add3A_241, %and3A_243 : vector<16xi32>
        %gather3A_245 = tpu.vector_load_idx %arg10[%add3A_129, %and3A_244] : memref<336x64xf32, #tpu.memory_space<vmem>>[vector<16xi32>, vector<16xi32>], vector<16xf32>,
        %gather3A_246 = tpu.vector_load_idx %arg12[%add3A_129, %and3A_244] : memref<336x64xf32, #tpu.memory_space<vmem>>[vector<16xi32>, vector<16xi32>], vector<16xf32>,
        %mul3A_247 = arith.mulf %gather3A_245, %gather3A_246 : vector<16xf32>
        %add3A_248 = arith.addf %add3A_238, %mul3A_247 : vector<16xf32>
        %add3A_249 = arith.constant 12 : i32
        %add3A_250 = vector.broadcast %add3A_249 : i32 to vector<16xi32>
        %add3A_251 = arith.addi %iota3A, %add3A_250 : vector<16xi32>
        %and3A_252 = arith.constant 63 : i32
        %and3A_253 = vector.broadcast %and3A_252 : i32 to vector<16xi32>
        %and3A_254 = arith.andi %add3A_251, %and3A_253 : vector<16xi32>
        %gather3A_255 = tpu.vector_load_idx %arg10[%add3A_129, %and3A_254] : memref<336x64xf32, #tpu.memory_space<vmem>>[vector<16xi32>, vector<16xi32>], vector<16xf32>,
        %gather3A_256 = tpu.vector_load_idx %arg12[%add3A_129, %and3A_254] : memref<336x64xf32, #tpu.memory_space<vmem>>[vector<16xi32>, vector<16xi32>], vector<16xf32>,
        %mul3A_257 = arith.mulf %gather3A_255, %gather3A_256 : vector<16xf32>
        %add3A_258 = arith.addf %add3A_248, %mul3A_257 : vector<16xf32>
        %add3A_259 = arith.constant 13 : i32
        %add3A_260 = vector.broadcast %add3A_259 : i32 to vector<16xi32>
        %add3A_261 = arith.addi %iota3A, %add3A_260 : vector<16xi32>
        %and3A_262 = arith.constant 63 : i32
        %and3A_263 = vector.broadcast %and3A_262 : i32 to vector<16xi32>
        %and3A_264 = arith.andi %add3A_261, %and3A_263 : vector<16xi32>
        %gather3A_265 = tpu.vector_load_idx %arg10[%add3A_129, %and3A_264] : memref<336x64xf32, #tpu.memory_space<vmem>>[vector<16xi32>, vector<16xi32>], vector<16xf32>,
        %gather3A_266 = tpu.vector_load_idx %arg12[%add3A_129, %and3A_264] : memref<336x64xf32, #tpu.memory_space<vmem>>[vector<16xi32>, vector<16xi32>], vector<16xf32>,
        %mul3A_267 = arith.mulf %gather3A_265, %gather3A_266 : vector<16xf32>
        %add3A_268 = arith.addf %add3A_258, %mul3A_267 : vector<16xf32>
        %add3A_269 = arith.constant 14 : i32
        %add3A_270 = vector.broadcast %add3A_269 : i32 to vector<16xi32>
        %add3A_271 = arith.addi %iota3A, %add3A_270 : vector<16xi32>
        %and3A_272 = arith.constant 63 : i32
        %and3A_273 = vector.broadcast %and3A_272 : i32 to vector<16xi32>
        %and3A_274 = arith.andi %add3A_271, %and3A_273 : vector<16xi32>
        %gather3A_275 = tpu.vector_load_idx %arg10[%add3A_129, %and3A_274] : memref<336x64xf32, #tpu.memory_space<vmem>>[vector<16xi32>, vector<16xi32>], vector<16xf32>,
        %gather3A_276 = tpu.vector_load_idx %arg12[%add3A_129, %and3A_274] : memref<336x64xf32, #tpu.memory_space<vmem>>[vector<16xi32>, vector<16xi32>], vector<16xf32>,
        %mul3A_277 = arith.mulf %gather3A_275, %gather3A_276 : vector<16xf32>
        %add3A_278 = arith.addf %add3A_268, %mul3A_277 : vector<16xf32>
        %add3A_279 = arith.constant 15 : i32
        %add3A_280 = vector.broadcast %add3A_279 : i32 to vector<16xi32>
        %add3A_281 = arith.addi %iota3A, %add3A_280 : vector<16xi32>
        %and3A_282 = arith.constant 63 : i32
        %and3A_283 = vector.broadcast %and3A_282 : i32 to vector<16xi32>
        %and3A_284 = arith.andi %add3A_281, %and3A_283 : vector<16xi32>
        %gather3A_285 = tpu.vector_load_idx %arg10[%add3A_129, %and3A_284] : memref<336x64xf32, #tpu.memory_space<vmem>>[vector<16xi32>, vector<16xi32>], vector<16xf32>,
        %gather3A_286 = tpu.vector_load_idx %arg12[%add3A_129, %and3A_284] : memref<336x64xf32, #tpu.memory_space<vmem>>[vector<16xi32>, vector<16xi32>], vector<16xf32>,
        %mul3A_287 = arith.mulf %gather3A_285, %gather3A_286 : vector<16xf32>
        %add3A_288 = arith.addf %add3A_278, %mul3A_287 : vector<16xf32>
        %add3A_289 = arith.constant 16 : i32
        %add3A_290 = vector.broadcast %add3A_289 : i32 to vector<16xi32>
        %add3A_291 = arith.addi %iota3A, %add3A_290 : vector<16xi32>
        %and3A_292 = arith.constant 63 : i32
        %and3A_293 = vector.broadcast %and3A_292 : i32 to vector<16xi32>
        %and3A_294 = arith.andi %add3A_291, %and3A_293 : vector<16xi32>
        %gather3A_295 = tpu.vector_load_idx %arg10[%add3A_129, %and3A_294] : memref<336x64xf32, #tpu.memory_space<vmem>>[vector<16xi32>, vector<16xi32>], vector<16xf32>,
        %gather3A_296 = tpu.vector_load_idx %arg12[%add3A_129, %and3A_294] : memref<336x64xf32, #tpu.memory_space<vmem>>[vector<16xi32>, vector<16xi32>], vector<16xf32>,
        %mul3A_297 = arith.mulf %gather3A_295, %gather3A_296 : vector<16xf32>
        %add3A_298 = arith.addf %add3A_288, %mul3A_297 : vector<16xf32>
        %add3A_299 = arith.constant 17 : i32
        %add3A_300 = vector.broadcast %add3A_299 : i32 to vector<16xi32>
        %add3A_301 = arith.addi %iota3A, %add3A_300 : vector<16xi32>
        %and3A_302 = arith.constant 63 : i32
        %and3A_303 = vector.broadcast %and3A_302 : i32 to vector<16xi32>
        %and3A_304 = arith.andi %add3A_301, %and3A_303 : vector<16xi32>
        %gather3A_305 = tpu.vector_load_idx %arg10[%add3A_129, %and3A_304] : memref<336x64xf32, #tpu.memory_space<vmem>>[vector<16xi32>, vector<16xi32>], vector<16xf32>,
        %gather3A_306 = tpu.vector_load_idx %arg12[%add3A_129, %and3A_304] : memref<336x64xf32, #tpu.memory_space<vmem>>[vector<16xi32>, vector<16xi32>], vector<16xf32>,
        %mul3A_307 = arith.mulf %gather3A_305, %gather3A_306 : vector<16xf32>
        %add3A_308 = arith.addf %add3A_298, %mul3A_307 : vector<16xf32>
        %add3A_309 = arith.constant 18 : i32
        %add3A_310 = vector.broadcast %add3A_309 : i32 to vector<16xi32>
        %add3A_311 = arith.addi %iota3A, %add3A_310 : vector<16xi32>
        %and3A_312 = arith.constant 63 : i32
        %and3A_313 = vector.broadcast %and3A_312 : i32 to vector<16xi32>
        %and3A_314 = arith.andi %add3A_311, %and3A_313 : vector<16xi32>
        %gather3A_315 = tpu.vector_load_idx %arg10[%add3A_129, %and3A_314] : memref<336x64xf32, #tpu.memory_space<vmem>>[vector<16xi32>, vector<16xi32>], vector<16xf32>,
        %gather3A_316 = tpu.vector_load_idx %arg12[%add3A_129, %and3A_314] : memref<336x64xf32, #tpu.memory_space<vmem>>[vector<16xi32>, vector<16xi32>], vector<16xf32>,
        %mul3A_317 = arith.mulf %gather3A_315, %gather3A_316 : vector<16xf32>
        %add3A_318 = arith.addf %add3A_308, %mul3A_317 : vector<16xf32>
        %add3A_319 = arith.constant 19 : i32
        %add3A_320 = vector.broadcast %add3A_319 : i32 to vector<16xi32>
        %add3A_321 = arith.addi %iota3A, %add3A_320 : vector<16xi32>
        %and3A_322 = arith.constant 63 : i32
        %and3A_323 = vector.broadcast %and3A_322 : i32 to vector<16xi32>
        %and3A_324 = arith.andi %add3A_321, %and3A_323 : vector<16xi32>
        %gather3A_325 = tpu.vector_load_idx %arg10[%add3A_129, %and3A_324] : memref<336x64xf32, #tpu.memory_space<vmem>>[vector<16xi32>, vector<16xi32>], vector<16xf32>,
        %gather3A_326 = tpu.vector_load_idx %arg12[%add3A_129, %and3A_324] : memref<336x64xf32, #tpu.memory_space<vmem>>[vector<16xi32>, vector<16xi32>], vector<16xf32>,
        %mul3A_327 = arith.mulf %gather3A_325, %gather3A_326 : vector<16xf32>
        %add3A_328 = arith.addf %add3A_318, %mul3A_327 : vector<16xf32>
        %add3A_329 = arith.constant 20 : i32
        %add3A_330 = vector.broadcast %add3A_329 : i32 to vector<16xi32>
        %add3A_331 = arith.addi %iota3A, %add3A_330 : vector<16xi32>
        %and3A_332 = arith.constant 63 : i32
        %and3A_333 = vector.broadcast %and3A_332 : i32 to vector<16xi32>
        %and3A_334 = arith.andi %add3A_331, %and3A_333 : vector<16xi32>
        %gather3A_335 = tpu.vector_load_idx %arg10[%add3A_129, %and3A_334] : memref<336x64xf32, #tpu.memory_space<vmem>>[vector<16xi32>, vector<16xi32>], vector<16xf32>,
        %gather3A_336 = tpu.vector_load_idx %arg12[%add3A_129, %and3A_334] : memref<336x64xf32, #tpu.memory_space<vmem>>[vector<16xi32>, vector<16xi32>], vector<16xf32>,
        %mul3A_337 = arith.mulf %gather3A_335, %gather3A_336 : vector<16xf32>
        %add3A_338 = arith.addf %add3A_328, %mul3A_337 : vector<16xf32>
        %add3A_339 = arith.constant 21 : i32
        %add3A_340 = vector.broadcast %add3A_339 : i32 to vector<16xi32>
        %add3A_341 = arith.addi %iota3A, %add3A_340 : vector<16xi32>
        %and3A_342 = arith.constant 63 : i32
        %and3A_343 = vector.broadcast %and3A_342 : i32 to vector<16xi32>
        %and3A_344 = arith.andi %add3A_341, %and3A_343 : vector<16xi32>
        %gather3A_345 = tpu.vector_load_idx %arg10[%add3A_129, %and3A_344] : memref<336x64xf32, #tpu.memory_space<vmem>>[vector<16xi32>, vector<16xi32>], vector<16xf32>,
        %gather3A_346 = tpu.vector_load_idx %arg12[%add3A_129, %and3A_344] : memref<336x64xf32, #tpu.memory_space<vmem>>[vector<16xi32>, vector<16xi32>], vector<16xf32>,
        %mul3A_347 = arith.mulf %gather3A_345, %gather3A_346 : vector<16xf32>
        %add3A_348 = arith.addf %add3A_338, %mul3A_347 : vector<16xf32>
        %add3A_349 = arith.constant 22 : i32
        %add3A_350 = vector.broadcast %add3A_349 : i32 to vector<16xi32>
        %add3A_351 = arith.addi %iota3A, %add3A_350 : vector<16xi32>
        %and3A_352 = arith.constant 63 : i32
        %and3A_353 = vector.broadcast %and3A_352 : i32 to vector<16xi32>
        %and3A_354 = arith.andi %add3A_351, %and3A_353 : vector<16xi32>
        %gather3A_355 = tpu.vector_load_idx %arg10[%add3A_129, %and3A_354] : memref<336x64xf32, #tpu.memory_space<vmem>>[vector<16xi32>, vector<16xi32>], vector<16xf32>,
        %gather3A_356 = tpu.vector_load_idx %arg12[%add3A_129, %and3A_354] : memref<336x64xf32, #tpu.memory_space<vmem>>[vector<16xi32>, vector<16xi32>], vector<16xf32>,
        %mul3A_357 = arith.mulf %gather3A_355, %gather3A_356 : vector<16xf32>
        %add3A_358 = arith.addf %add3A_348, %mul3A_357 : vector<16xf32>
        %add3A_359 = arith.constant 23 : i32
        %add3A_360 = vector.broadcast %add3A_359 : i32 to vector<16xi32>
        %add3A_361 = arith.addi %iota3A, %add3A_360 : vector<16xi32>
        %and3A_362 = arith.constant 63 : i32
        %and3A_363 = vector.broadcast %and3A_362 : i32 to vector<16xi32>
        %and3A_364 = arith.andi %add3A_361, %and3A_363 : vector<16xi32>
        %gather3A_365 = tpu.vector_load_idx %arg10[%add3A_129, %and3A_364] : memref<336x64xf32, #tpu.memory_space<vmem>>[vector<16xi32>, vector<16xi32>], vector<16xf32>,
        %gather3A_366 = tpu.vector_load_idx %arg12[%add3A_129, %and3A_364] : memref<336x64xf32, #tpu.memory_space<vmem>>[vector<16xi32>, vector<16xi32>], vector<16xf32>,
        %mul3A_367 = arith.mulf %gather3A_365, %gather3A_366 : vector<16xf32>
        %add3A_368 = arith.addf %add3A_358, %mul3A_367 : vector<16xf32>
        %add3A_369 = arith.constant 24 : i32
        %add3A_370 = vector.broadcast %add3A_369 : i32 to vector<16xi32>
        %add3A_371 = arith.addi %iota3A, %add3A_370 : vector<16xi32>
        %and3A_372 = arith.constant 63 : i32
        %and3A_373 = vector.broadcast %and3A_372 : i32 to vector<16xi32>
        %and3A_374 = arith.andi %add3A_371, %and3A_373 : vector<16xi32>
        %gather3A_375 = tpu.vector_load_idx %arg10[%add3A_129, %and3A_374] : memref<336x64xf32, #tpu.memory_space<vmem>>[vector<16xi32>, vector<16xi32>], vector<16xf32>,
        %gather3A_376 = tpu.vector_load_idx %arg12[%add3A_129, %and3A_374] : memref<336x64xf32, #tpu.memory_space<vmem>>[vector<16xi32>, vector<16xi32>], vector<16xf32>,
        %mul3A_377 = arith.mulf %gather3A_375, %gather3A_376 : vector<16xf32>
        %add3A_378 = arith.addf %add3A_368, %mul3A_377 : vector<16xf32>
        %add3A_379 = arith.constant 25 : i32
        %add3A_380 = vector.broadcast %add3A_379 : i32 to vector<16xi32>
        %add3A_381 = arith.addi %iota3A, %add3A_380 : vector<16xi32>
        %and3A_382 = arith.constant 63 : i32
        %and3A_383 = vector.broadcast %and3A_382 : i32 to vector<16xi32>
        %and3A_384 = arith.andi %add3A_381, %and3A_383 : vector<16xi32>
        %gather3A_385 = tpu.vector_load_idx %arg10[%add3A_129, %and3A_384] : memref<336x64xf32, #tpu.memory_space<vmem>>[vector<16xi32>, vector<16xi32>], vector<16xf32>,
        %gather3A_386 = tpu.vector_load_idx %arg12[%add3A_129, %and3A_384] : memref<336x64xf32, #tpu.memory_space<vmem>>[vector<16xi32>, vector<16xi32>], vector<16xf32>,
        %mul3A_387 = arith.mulf %gather3A_385, %gather3A_386 : vector<16xf32>
        %add3A_388 = arith.addf %add3A_378, %mul3A_387 : vector<16xf32>
        %add3A_389 = arith.constant 26 : i32
        %add3A_390 = vector.broadcast %add3A_389 : i32 to vector<16xi32>
        %add3A_391 = arith.addi %iota3A, %add3A_390 : vector<16xi32>
        %and3A_392 = arith.constant 63 : i32
        %and3A_393 = vector.broadcast %and3A_392 : i32 to vector<16xi32>
        %and3A_394 = arith.andi %add3A_391, %and3A_393 : vector<16xi32>
        %gather3A_395 = tpu.vector_load_idx %arg10[%add3A_129, %and3A_394] : memref<336x64xf32, #tpu.memory_space<vmem>>[vector<16xi32>, vector<16xi32>], vector<16xf32>,
        %gather3A_396 = tpu.vector_load_idx %arg12[%add3A_129, %and3A_394] : memref<336x64xf32, #tpu.memory_space<vmem>>[vector<16xi32>, vector<16xi32>], vector<16xf32>,
        %mul3A_397 = arith.mulf %gather3A_395, %gather3A_396 : vector<16xf32>
        %add3A_398 = arith.addf %add3A_388, %mul3A_397 : vector<16xf32>
        %add3A_399 = arith.constant 27 : i32
        %add3A_400 = vector.broadcast %add3A_399 : i32 to vector<16xi32>
        %add3A_401 = arith.addi %iota3A, %add3A_400 : vector<16xi32>
        %and3A_402 = arith.constant 63 : i32
        %and3A_403 = vector.broadcast %and3A_402 : i32 to vector<16xi32>
        %and3A_404 = arith.andi %add3A_401, %and3A_403 : vector<16xi32>
        %gather3A_405 = tpu.vector_load_idx %arg10[%add3A_129, %and3A_404] : memref<336x64xf32, #tpu.memory_space<vmem>>[vector<16xi32>, vector<16xi32>], vector<16xf32>,
        %gather3A_406 = tpu.vector_load_idx %arg12[%add3A_129, %and3A_404] : memref<336x64xf32, #tpu.memory_space<vmem>>[vector<16xi32>, vector<16xi32>], vector<16xf32>,
        %mul3A_407 = arith.mulf %gather3A_405, %gather3A_406 : vector<16xf32>
        %add3A_408 = arith.addf %add3A_398, %mul3A_407 : vector<16xf32>
        %add3A_409 = arith.constant 28 : i32
        %add3A_410 = vector.broadcast %add3A_409 : i32 to vector<16xi32>
        %add3A_411 = arith.addi %iota3A, %add3A_410 : vector<16xi32>
        %and3A_412 = arith.constant 63 : i32
        %and3A_413 = vector.broadcast %and3A_412 : i32 to vector<16xi32>
        %and3A_414 = arith.andi %add3A_411, %and3A_413 : vector<16xi32>
        %gather3A_415 = tpu.vector_load_idx %arg10[%add3A_129, %and3A_414] : memref<336x64xf32, #tpu.memory_space<vmem>>[vector<16xi32>, vector<16xi32>], vector<16xf32>,
        %gather3A_416 = tpu.vector_load_idx %arg12[%add3A_129, %and3A_414] : memref<336x64xf32, #tpu.memory_space<vmem>>[vector<16xi32>, vector<16xi32>], vector<16xf32>,
        %mul3A_417 = arith.mulf %gather3A_415, %gather3A_416 : vector<16xf32>
        %add3A_418 = arith.addf %add3A_408, %mul3A_417 : vector<16xf32>
        %add3A_419 = arith.constant 29 : i32
        %add3A_420 = vector.broadcast %add3A_419 : i32 to vector<16xi32>
        %add3A_421 = arith.addi %iota3A, %add3A_420 : vector<16xi32>
        %and3A_422 = arith.constant 63 : i32
        %and3A_423 = vector.broadcast %and3A_422 : i32 to vector<16xi32>
        %and3A_424 = arith.andi %add3A_421, %and3A_423 : vector<16xi32>
        %gather3A_425 = tpu.vector_load_idx %arg10[%add3A_129, %and3A_424] : memref<336x64xf32, #tpu.memory_space<vmem>>[vector<16xi32>, vector<16xi32>], vector<16xf32>,
        %gather3A_426 = tpu.vector_load_idx %arg12[%add3A_129, %and3A_424] : memref<336x64xf32, #tpu.memory_space<vmem>>[vector<16xi32>, vector<16xi32>], vector<16xf32>,
        %mul3A_427 = arith.mulf %gather3A_425, %gather3A_426 : vector<16xf32>
        %add3A_428 = arith.addf %add3A_418, %mul3A_427 : vector<16xf32>
        %add3A_429 = arith.constant 30 : i32
        %add3A_430 = vector.broadcast %add3A_429 : i32 to vector<16xi32>
        %add3A_431 = arith.addi %iota3A, %add3A_430 : vector<16xi32>
        %and3A_432 = arith.constant 63 : i32
        %and3A_433 = vector.broadcast %and3A_432 : i32 to vector<16xi32>
        %and3A_434 = arith.andi %add3A_431, %and3A_433 : vector<16xi32>
        %gather3A_435 = tpu.vector_load_idx %arg10[%add3A_129, %and3A_434] : memref<336x64xf32, #tpu.memory_space<vmem>>[vector<16xi32>, vector<16xi32>], vector<16xf32>,
        %gather3A_436 = tpu.vector_load_idx %arg12[%add3A_129, %and3A_434] : memref<336x64xf32, #tpu.memory_space<vmem>>[vector<16xi32>, vector<16xi32>], vector<16xf32>,
        %mul3A_437 = arith.mulf %gather3A_435, %gather3A_436 : vector<16xf32>
        %add3A_438 = arith.addf %add3A_428, %mul3A_437 : vector<16xf32>
        %add3A_439 = arith.constant 31 : i32
        %add3A_440 = vector.broadcast %add3A_439 : i32 to vector<16xi32>
        %add3A_441 = arith.addi %iota3A, %add3A_440 : vector<16xi32>
        %and3A_442 = arith.constant 63 : i32
        %and3A_443 = vector.broadcast %and3A_442 : i32 to vector<16xi32>
        %and3A_444 = arith.andi %add3A_441, %and3A_443 : vector<16xi32>
        %gather3A_445 = tpu.vector_load_idx %arg10[%add3A_129, %and3A_444] : memref<336x64xf32, #tpu.memory_space<vmem>>[vector<16xi32>, vector<16xi32>], vector<16xf32>,
        %gather3A_446 = tpu.vector_load_idx %arg12[%add3A_129, %and3A_444] : memref<336x64xf32, #tpu.memory_space<vmem>>[vector<16xi32>, vector<16xi32>], vector<16xf32>,
        %mul3A_447 = arith.mulf %gather3A_445, %gather3A_446 : vector<16xf32>
        %add3A_448 = arith.addf %add3A_438, %mul3A_447 : vector<16xf32>
        %add3A_449 = arith.constant 32 : i32
        %add3A_450 = vector.broadcast %add3A_449 : i32 to vector<16xi32>
        %add3A_451 = arith.addi %iota3A, %add3A_450 : vector<16xi32>
        %and3A_452 = arith.constant 63 : i32
        %and3A_453 = vector.broadcast %and3A_452 : i32 to vector<16xi32>
        %and3A_454 = arith.andi %add3A_451, %and3A_453 : vector<16xi32>
        %gather3A_455 = tpu.vector_load_idx %arg10[%add3A_129, %and3A_454] : memref<336x64xf32, #tpu.memory_space<vmem>>[vector<16xi32>, vector<16xi32>], vector<16xf32>,
        %gather3A_456 = tpu.vector_load_idx %arg12[%add3A_129, %and3A_454] : memref<336x64xf32, #tpu.memory_space<vmem>>[vector<16xi32>, vector<16xi32>], vector<16xf32>,
        %mul3A_457 = arith.mulf %gather3A_455, %gather3A_456 : vector<16xf32>
        %add3A_458 = arith.addf %add3A_448, %mul3A_457 : vector<16xf32>
        %add3A_459 = arith.constant 33 : i32
        %add3A_460 = vector.broadcast %add3A_459 : i32 to vector<16xi32>
        %add3A_461 = arith.addi %iota3A, %add3A_460 : vector<16xi32>
        %and3A_462 = arith.constant 63 : i32
        %and3A_463 = vector.broadcast %and3A_462 : i32 to vector<16xi32>
        %and3A_464 = arith.andi %add3A_461, %and3A_463 : vector<16xi32>
        %gather3A_465 = tpu.vector_load_idx %arg10[%add3A_129, %and3A_464] : memref<336x64xf32, #tpu.memory_space<vmem>>[vector<16xi32>, vector<16xi32>], vector<16xf32>,
        %gather3A_466 = tpu.vector_load_idx %arg12[%add3A_129, %and3A_464] : memref<336x64xf32, #tpu.memory_space<vmem>>[vector<16xi32>, vector<16xi32>], vector<16xf32>,
        %mul3A_467 = arith.mulf %gather3A_465, %gather3A_466 : vector<16xf32>
        %add3A_468 = arith.addf %add3A_458, %mul3A_467 : vector<16xf32>
        %add3A_469 = arith.constant 34 : i32
        %add3A_470 = vector.broadcast %add3A_469 : i32 to vector<16xi32>
        %add3A_471 = arith.addi %iota3A, %add3A_470 : vector<16xi32>
        %and3A_472 = arith.constant 63 : i32
        %and3A_473 = vector.broadcast %and3A_472 : i32 to vector<16xi32>
        %and3A_474 = arith.andi %add3A_471, %and3A_473 : vector<16xi32>
        %gather3A_475 = tpu.vector_load_idx %arg10[%add3A_129, %and3A_474] : memref<336x64xf32, #tpu.memory_space<vmem>>[vector<16xi32>, vector<16xi32>], vector<16xf32>,
        %gather3A_476 = tpu.vector_load_idx %arg12[%add3A_129, %and3A_474] : memref<336x64xf32, #tpu.memory_space<vmem>>[vector<16xi32>, vector<16xi32>], vector<16xf32>,
        %mul3A_477 = arith.mulf %gather3A_475, %gather3A_476 : vector<16xf32>
        %add3A_478 = arith.addf %add3A_468, %mul3A_477 : vector<16xf32>
        %add3A_479 = arith.constant 35 : i32
        %add3A_480 = vector.broadcast %add3A_479 : i32 to vector<16xi32>
        %add3A_481 = arith.addi %iota3A, %add3A_480 : vector<16xi32>
        %and3A_482 = arith.constant 63 : i32
        %and3A_483 = vector.broadcast %and3A_482 : i32 to vector<16xi32>
        %and3A_484 = arith.andi %add3A_481, %and3A_483 : vector<16xi32>
        %gather3A_485 = tpu.vector_load_idx %arg10[%add3A_129, %and3A_484] : memref<336x64xf32, #tpu.memory_space<vmem>>[vector<16xi32>, vector<16xi32>], vector<16xf32>,
        %gather3A_486 = tpu.vector_load_idx %arg12[%add3A_129, %and3A_484] : memref<336x64xf32, #tpu.memory_space<vmem>>[vector<16xi32>, vector<16xi32>], vector<16xf32>,
        %mul3A_487 = arith.mulf %gather3A_485, %gather3A_486 : vector<16xf32>
        %add3A_488 = arith.addf %add3A_478, %mul3A_487 : vector<16xf32>
        %add3A_489 = arith.constant 36 : i32
        %add3A_490 = vector.broadcast %add3A_489 : i32 to vector<16xi32>
        %add3A_491 = arith.addi %iota3A, %add3A_490 : vector<16xi32>
        %and3A_492 = arith.constant 63 : i32
        %and3A_493 = vector.broadcast %and3A_492 : i32 to vector<16xi32>
        %and3A_494 = arith.andi %add3A_491, %and3A_493 : vector<16xi32>
        %gather3A_495 = tpu.vector_load_idx %arg10[%add3A_129, %and3A_494] : memref<336x64xf32, #tpu.memory_space<vmem>>[vector<16xi32>, vector<16xi32>], vector<16xf32>,
        %gather3A_496 = tpu.vector_load_idx %arg12[%add3A_129, %and3A_494] : memref<336x64xf32, #tpu.memory_space<vmem>>[vector<16xi32>, vector<16xi32>], vector<16xf32>,
        %mul3A_497 = arith.mulf %gather3A_495, %gather3A_496 : vector<16xf32>
        %add3A_498 = arith.addf %add3A_488, %mul3A_497 : vector<16xf32>
        %add3A_499 = arith.constant 37 : i32
        %add3A_500 = vector.broadcast %add3A_499 : i32 to vector<16xi32>
        %add3A_501 = arith.addi %iota3A, %add3A_500 : vector<16xi32>
        %and3A_502 = arith.constant 63 : i32
        %and3A_503 = vector.broadcast %and3A_502 : i32 to vector<16xi32>
        %and3A_504 = arith.andi %add3A_501, %and3A_503 : vector<16xi32>
        %gather3A_505 = tpu.vector_load_idx %arg10[%add3A_129, %and3A_504] : memref<336x64xf32, #tpu.memory_space<vmem>>[vector<16xi32>, vector<16xi32>], vector<16xf32>,
        %gather3A_506 = tpu.vector_load_idx %arg12[%add3A_129, %and3A_504] : memref<336x64xf32, #tpu.memory_space<vmem>>[vector<16xi32>, vector<16xi32>], vector<16xf32>,
        %mul3A_507 = arith.mulf %gather3A_505, %gather3A_506 : vector<16xf32>
        %add3A_508 = arith.addf %add3A_498, %mul3A_507 : vector<16xf32>
        %add3A_509 = arith.constant 38 : i32
        %add3A_510 = vector.broadcast %add3A_509 : i32 to vector<16xi32>
        %add3A_511 = arith.addi %iota3A, %add3A_510 : vector<16xi32>
        %and3A_512 = arith.constant 63 : i32
        %and3A_513 = vector.broadcast %and3A_512 : i32 to vector<16xi32>
        %and3A_514 = arith.andi %add3A_511, %and3A_513 : vector<16xi32>
        %gather3A_515 = tpu.vector_load_idx %arg10[%add3A_129, %and3A_514] : memref<336x64xf32, #tpu.memory_space<vmem>>[vector<16xi32>, vector<16xi32>], vector<16xf32>,
        %gather3A_516 = tpu.vector_load_idx %arg12[%add3A_129, %and3A_514] : memref<336x64xf32, #tpu.memory_space<vmem>>[vector<16xi32>, vector<16xi32>], vector<16xf32>,
        %mul3A_517 = arith.mulf %gather3A_515, %gather3A_516 : vector<16xf32>
        %add3A_518 = arith.addf %add3A_508, %mul3A_517 : vector<16xf32>
        %add3A_519 = arith.constant 39 : i32
        %add3A_520 = vector.broadcast %add3A_519 : i32 to vector<16xi32>
        %add3A_521 = arith.addi %iota3A, %add3A_520 : vector<16xi32>
        %and3A_522 = arith.constant 63 : i32
        %and3A_523 = vector.broadcast %and3A_522 : i32 to vector<16xi32>
        %and3A_524 = arith.andi %add3A_521, %and3A_523 : vector<16xi32>
        %gather3A_525 = tpu.vector_load_idx %arg10[%add3A_129, %and3A_524] : memref<336x64xf32, #tpu.memory_space<vmem>>[vector<16xi32>, vector<16xi32>], vector<16xf32>,
        %gather3A_526 = tpu.vector_load_idx %arg12[%add3A_129, %and3A_524] : memref<336x64xf32, #tpu.memory_space<vmem>>[vector<16xi32>, vector<16xi32>], vector<16xf32>,
        %mul3A_527 = arith.mulf %gather3A_525, %gather3A_526 : vector<16xf32>
        %add3A_528 = arith.addf %add3A_518, %mul3A_527 : vector<16xf32>
        %add3A_529 = arith.constant 40 : i32
        %add3A_530 = vector.broadcast %add3A_529 : i32 to vector<16xi32>
        %add3A_531 = arith.addi %iota3A, %add3A_530 : vector<16xi32>
        %and3A_532 = arith.constant 63 : i32
        %and3A_533 = vector.broadcast %and3A_532 : i32 to vector<16xi32>
        %and3A_534 = arith.andi %add3A_531, %and3A_533 : vector<16xi32>
        %gather3A_535 = tpu.vector_load_idx %arg10[%add3A_129, %and3A_534] : memref<336x64xf32, #tpu.memory_space<vmem>>[vector<16xi32>, vector<16xi32>], vector<16xf32>,
        %gather3A_536 = tpu.vector_load_idx %arg12[%add3A_129, %and3A_534] : memref<336x64xf32, #tpu.memory_space<vmem>>[vector<16xi32>, vector<16xi32>], vector<16xf32>,
        %mul3A_537 = arith.mulf %gather3A_535, %gather3A_536 : vector<16xf32>
        %add3A_538 = arith.addf %add3A_528, %mul3A_537 : vector<16xf32>
        %add3A_539 = arith.constant 41 : i32
        %add3A_540 = vector.broadcast %add3A_539 : i32 to vector<16xi32>
        %add3A_541 = arith.addi %iota3A, %add3A_540 : vector<16xi32>
        %and3A_542 = arith.constant 63 : i32
        %and3A_543 = vector.broadcast %and3A_542 : i32 to vector<16xi32>
        %and3A_544 = arith.andi %add3A_541, %and3A_543 : vector<16xi32>
        %gather3A_545 = tpu.vector_load_idx %arg10[%add3A_129, %and3A_544] : memref<336x64xf32, #tpu.memory_space<vmem>>[vector<16xi32>, vector<16xi32>], vector<16xf32>,
        %gather3A_546 = tpu.vector_load_idx %arg12[%add3A_129, %and3A_544] : memref<336x64xf32, #tpu.memory_space<vmem>>[vector<16xi32>, vector<16xi32>], vector<16xf32>,
        %mul3A_547 = arith.mulf %gather3A_545, %gather3A_546 : vector<16xf32>
        %add3A_548 = arith.addf %add3A_538, %mul3A_547 : vector<16xf32>
        %add3A_549 = arith.constant 42 : i32
        %add3A_550 = vector.broadcast %add3A_549 : i32 to vector<16xi32>
        %add3A_551 = arith.addi %iota3A, %add3A_550 : vector<16xi32>
        %and3A_552 = arith.constant 63 : i32
        %and3A_553 = vector.broadcast %and3A_552 : i32 to vector<16xi32>
        %and3A_554 = arith.andi %add3A_551, %and3A_553 : vector<16xi32>
        %gather3A_555 = tpu.vector_load_idx %arg10[%add3A_129, %and3A_554] : memref<336x64xf32, #tpu.memory_space<vmem>>[vector<16xi32>, vector<16xi32>], vector<16xf32>,
        %gather3A_556 = tpu.vector_load_idx %arg12[%add3A_129, %and3A_554] : memref<336x64xf32, #tpu.memory_space<vmem>>[vector<16xi32>, vector<16xi32>], vector<16xf32>,
        %mul3A_557 = arith.mulf %gather3A_555, %gather3A_556 : vector<16xf32>
        %add3A_558 = arith.addf %add3A_548, %mul3A_557 : vector<16xf32>
        %add3A_559 = arith.constant 43 : i32
        %add3A_560 = vector.broadcast %add3A_559 : i32 to vector<16xi32>
        %add3A_561 = arith.addi %iota3A, %add3A_560 : vector<16xi32>
        %and3A_562 = arith.constant 63 : i32
        %and3A_563 = vector.broadcast %and3A_562 : i32 to vector<16xi32>
        %and3A_564 = arith.andi %add3A_561, %and3A_563 : vector<16xi32>
        %gather3A_565 = tpu.vector_load_idx %arg10[%add3A_129, %and3A_564] : memref<336x64xf32, #tpu.memory_space<vmem>>[vector<16xi32>, vector<16xi32>], vector<16xf32>,
        %gather3A_566 = tpu.vector_load_idx %arg12[%add3A_129, %and3A_564] : memref<336x64xf32, #tpu.memory_space<vmem>>[vector<16xi32>, vector<16xi32>], vector<16xf32>,
        %mul3A_567 = arith.mulf %gather3A_565, %gather3A_566 : vector<16xf32>
        %add3A_568 = arith.addf %add3A_558, %mul3A_567 : vector<16xf32>
        %add3A_569 = arith.constant 44 : i32
        %add3A_570 = vector.broadcast %add3A_569 : i32 to vector<16xi32>
        %add3A_571 = arith.addi %iota3A, %add3A_570 : vector<16xi32>
        %and3A_572 = arith.constant 63 : i32
        %and3A_573 = vector.broadcast %and3A_572 : i32 to vector<16xi32>
        %and3A_574 = arith.andi %add3A_571, %and3A_573 : vector<16xi32>
        %gather3A_575 = tpu.vector_load_idx %arg10[%add3A_129, %and3A_574] : memref<336x64xf32, #tpu.memory_space<vmem>>[vector<16xi32>, vector<16xi32>], vector<16xf32>,
        %gather3A_576 = tpu.vector_load_idx %arg12[%add3A_129, %and3A_574] : memref<336x64xf32, #tpu.memory_space<vmem>>[vector<16xi32>, vector<16xi32>], vector<16xf32>,
        %mul3A_577 = arith.mulf %gather3A_575, %gather3A_576 : vector<16xf32>
        %add3A_578 = arith.addf %add3A_568, %mul3A_577 : vector<16xf32>
        %add3A_579 = arith.constant 45 : i32
        %add3A_580 = vector.broadcast %add3A_579 : i32 to vector<16xi32>
        %add3A_581 = arith.addi %iota3A, %add3A_580 : vector<16xi32>
        %and3A_582 = arith.constant 63 : i32
        %and3A_583 = vector.broadcast %and3A_582 : i32 to vector<16xi32>
        %and3A_584 = arith.andi %add3A_581, %and3A_583 : vector<16xi32>
        %gather3A_585 = tpu.vector_load_idx %arg10[%add3A_129, %and3A_584] : memref<336x64xf32, #tpu.memory_space<vmem>>[vector<16xi32>, vector<16xi32>], vector<16xf32>,
        %gather3A_586 = tpu.vector_load_idx %arg12[%add3A_129, %and3A_584] : memref<336x64xf32, #tpu.memory_space<vmem>>[vector<16xi32>, vector<16xi32>], vector<16xf32>,
        %mul3A_587 = arith.mulf %gather3A_585, %gather3A_586 : vector<16xf32>
        %add3A_588 = arith.addf %add3A_578, %mul3A_587 : vector<16xf32>
        %add3A_589 = arith.constant 46 : i32
        %add3A_590 = vector.broadcast %add3A_589 : i32 to vector<16xi32>
        %add3A_591 = arith.addi %iota3A, %add3A_590 : vector<16xi32>
        %and3A_592 = arith.constant 63 : i32
        %and3A_593 = vector.broadcast %and3A_592 : i32 to vector<16xi32>
        %and3A_594 = arith.andi %add3A_591, %and3A_593 : vector<16xi32>
        %gather3A_595 = tpu.vector_load_idx %arg10[%add3A_129, %and3A_594] : memref<336x64xf32, #tpu.memory_space<vmem>>[vector<16xi32>, vector<16xi32>], vector<16xf32>,
        %gather3A_596 = tpu.vector_load_idx %arg12[%add3A_129, %and3A_594] : memref<336x64xf32, #tpu.memory_space<vmem>>[vector<16xi32>, vector<16xi32>], vector<16xf32>,
        %mul3A_597 = arith.mulf %gather3A_595, %gather3A_596 : vector<16xf32>
        %add3A_598 = arith.addf %add3A_588, %mul3A_597 : vector<16xf32>
        %add3A_599 = arith.constant 47 : i32
        %add3A_600 = vector.broadcast %add3A_599 : i32 to vector<16xi32>
        %add3A_601 = arith.addi %iota3A, %add3A_600 : vector<16xi32>
        %and3A_602 = arith.constant 63 : i32
        %and3A_603 = vector.broadcast %and3A_602 : i32 to vector<16xi32>
        %and3A_604 = arith.andi %add3A_601, %and3A_603 : vector<16xi32>
        %gather3A_605 = tpu.vector_load_idx %arg10[%add3A_129, %and3A_604] : memref<336x64xf32, #tpu.memory_space<vmem>>[vector<16xi32>, vector<16xi32>], vector<16xf32>,
        %gather3A_606 = tpu.vector_load_idx %arg12[%add3A_129, %and3A_604] : memref<336x64xf32, #tpu.memory_space<vmem>>[vector<16xi32>, vector<16xi32>], vector<16xf32>,
        %mul3A_607 = arith.mulf %gather3A_605, %gather3A_606 : vector<16xf32>
        %add3A_608 = arith.addf %add3A_598, %mul3A_607 : vector<16xf32>
        %add3A_609 = arith.constant 48 : i32
        %add3A_610 = vector.broadcast %add3A_609 : i32 to vector<16xi32>
        %add3A_611 = arith.addi %iota3A, %add3A_610 : vector<16xi32>
        %and3A_612 = arith.constant 63 : i32
        %and3A_613 = vector.broadcast %and3A_612 : i32 to vector<16xi32>
        %and3A_614 = arith.andi %add3A_611, %and3A_613 : vector<16xi32>
        %gather3A_615 = tpu.vector_load_idx %arg10[%add3A_129, %and3A_614] : memref<336x64xf32, #tpu.memory_space<vmem>>[vector<16xi32>, vector<16xi32>], vector<16xf32>,
        %gather3A_616 = tpu.vector_load_idx %arg12[%add3A_129, %and3A_614] : memref<336x64xf32, #tpu.memory_space<vmem>>[vector<16xi32>, vector<16xi32>], vector<16xf32>,
        %mul3A_617 = arith.mulf %gather3A_615, %gather3A_616 : vector<16xf32>
        %add3A_618 = arith.addf %add3A_608, %mul3A_617 : vector<16xf32>
        %add3A_619 = arith.constant 49 : i32
        %add3A_620 = vector.broadcast %add3A_619 : i32 to vector<16xi32>
        %add3A_621 = arith.addi %iota3A, %add3A_620 : vector<16xi32>
        %and3A_622 = arith.constant 63 : i32
        %and3A_623 = vector.broadcast %and3A_622 : i32 to vector<16xi32>
        %and3A_624 = arith.andi %add3A_621, %and3A_623 : vector<16xi32>
        %gather3A_625 = tpu.vector_load_idx %arg10[%add3A_129, %and3A_624] : memref<336x64xf32, #tpu.memory_space<vmem>>[vector<16xi32>, vector<16xi32>], vector<16xf32>,
        %gather3A_626 = tpu.vector_load_idx %arg12[%add3A_129, %and3A_624] : memref<336x64xf32, #tpu.memory_space<vmem>>[vector<16xi32>, vector<16xi32>], vector<16xf32>,
        %mul3A_627 = arith.mulf %gather3A_625, %gather3A_626 : vector<16xf32>
        %add3A_628 = arith.addf %add3A_618, %mul3A_627 : vector<16xf32>
        %add3A_629 = arith.constant 50 : i32
        %add3A_630 = vector.broadcast %add3A_629 : i32 to vector<16xi32>
        %add3A_631 = arith.addi %iota3A, %add3A_630 : vector<16xi32>
        %and3A_632 = arith.constant 63 : i32
        %and3A_633 = vector.broadcast %and3A_632 : i32 to vector<16xi32>
        %and3A_634 = arith.andi %add3A_631, %and3A_633 : vector<16xi32>
        %gather3A_635 = tpu.vector_load_idx %arg10[%add3A_129, %and3A_634] : memref<336x64xf32, #tpu.memory_space<vmem>>[vector<16xi32>, vector<16xi32>], vector<16xf32>,
        %gather3A_636 = tpu.vector_load_idx %arg12[%add3A_129, %and3A_634] : memref<336x64xf32, #tpu.memory_space<vmem>>[vector<16xi32>, vector<16xi32>], vector<16xf32>,
        %mul3A_637 = arith.mulf %gather3A_635, %gather3A_636 : vector<16xf32>
        %add3A_638 = arith.addf %add3A_628, %mul3A_637 : vector<16xf32>
        %add3A_639 = arith.constant 51 : i32
        %add3A_640 = vector.broadcast %add3A_639 : i32 to vector<16xi32>
        %add3A_641 = arith.addi %iota3A, %add3A_640 : vector<16xi32>
        %and3A_642 = arith.constant 63 : i32
        %and3A_643 = vector.broadcast %and3A_642 : i32 to vector<16xi32>
        %and3A_644 = arith.andi %add3A_641, %and3A_643 : vector<16xi32>
        %gather3A_645 = tpu.vector_load_idx %arg10[%add3A_129, %and3A_644] : memref<336x64xf32, #tpu.memory_space<vmem>>[vector<16xi32>, vector<16xi32>], vector<16xf32>,
        %gather3A_646 = tpu.vector_load_idx %arg12[%add3A_129, %and3A_644] : memref<336x64xf32, #tpu.memory_space<vmem>>[vector<16xi32>, vector<16xi32>], vector<16xf32>,
        %mul3A_647 = arith.mulf %gather3A_645, %gather3A_646 : vector<16xf32>
        %add3A_648 = arith.addf %add3A_638, %mul3A_647 : vector<16xf32>
        %add3A_649 = arith.constant 52 : i32
        %add3A_650 = vector.broadcast %add3A_649 : i32 to vector<16xi32>
        %add3A_651 = arith.addi %iota3A, %add3A_650 : vector<16xi32>
        %and3A_652 = arith.constant 63 : i32
        %and3A_653 = vector.broadcast %and3A_652 : i32 to vector<16xi32>
        %and3A_654 = arith.andi %add3A_651, %and3A_653 : vector<16xi32>
        %gather3A_655 = tpu.vector_load_idx %arg10[%add3A_129, %and3A_654] : memref<336x64xf32, #tpu.memory_space<vmem>>[vector<16xi32>, vector<16xi32>], vector<16xf32>,
        %gather3A_656 = tpu.vector_load_idx %arg12[%add3A_129, %and3A_654] : memref<336x64xf32, #tpu.memory_space<vmem>>[vector<16xi32>, vector<16xi32>], vector<16xf32>,
        %mul3A_657 = arith.mulf %gather3A_655, %gather3A_656 : vector<16xf32>
        %add3A_658 = arith.addf %add3A_648, %mul3A_657 : vector<16xf32>
        %add3A_659 = arith.constant 53 : i32
        %add3A_660 = vector.broadcast %add3A_659 : i32 to vector<16xi32>
        %add3A_661 = arith.addi %iota3A, %add3A_660 : vector<16xi32>
        %and3A_662 = arith.constant 63 : i32
        %and3A_663 = vector.broadcast %and3A_662 : i32 to vector<16xi32>
        %and3A_664 = arith.andi %add3A_661, %and3A_663 : vector<16xi32>
        %gather3A_665 = tpu.vector_load_idx %arg10[%add3A_129, %and3A_664] : memref<336x64xf32, #tpu.memory_space<vmem>>[vector<16xi32>, vector<16xi32>], vector<16xf32>,
        %gather3A_666 = tpu.vector_load_idx %arg12[%add3A_129, %and3A_664] : memref<336x64xf32, #tpu.memory_space<vmem>>[vector<16xi32>, vector<16xi32>], vector<16xf32>,
        %mul3A_667 = arith.mulf %gather3A_665, %gather3A_666 : vector<16xf32>
        %add3A_668 = arith.addf %add3A_658, %mul3A_667 : vector<16xf32>
        %add3A_669 = arith.constant 54 : i32
        %add3A_670 = vector.broadcast %add3A_669 : i32 to vector<16xi32>
        %add3A_671 = arith.addi %iota3A, %add3A_670 : vector<16xi32>
        %and3A_672 = arith.constant 63 : i32
        %and3A_673 = vector.broadcast %and3A_672 : i32 to vector<16xi32>
        %and3A_674 = arith.andi %add3A_671, %and3A_673 : vector<16xi32>
        %gather3A_675 = tpu.vector_load_idx %arg10[%add3A_129, %and3A_674] : memref<336x64xf32, #tpu.memory_space<vmem>>[vector<16xi32>, vector<16xi32>], vector<16xf32>,
        %gather3A_676 = tpu.vector_load_idx %arg12[%add3A_129, %and3A_674] : memref<336x64xf32, #tpu.memory_space<vmem>>[vector<16xi32>, vector<16xi32>], vector<16xf32>,
        %mul3A_677 = arith.mulf %gather3A_675, %gather3A_676 : vector<16xf32>
        %add3A_678 = arith.addf %add3A_668, %mul3A_677 : vector<16xf32>
        %add3A_679 = arith.constant 55 : i32
        %add3A_680 = vector.broadcast %add3A_679 : i32 to vector<16xi32>
        %add3A_681 = arith.addi %iota3A, %add3A_680 : vector<16xi32>
        %and3A_682 = arith.constant 63 : i32
        %and3A_683 = vector.broadcast %and3A_682 : i32 to vector<16xi32>
        %and3A_684 = arith.andi %add3A_681, %and3A_683 : vector<16xi32>
        %gather3A_685 = tpu.vector_load_idx %arg10[%add3A_129, %and3A_684] : memref<336x64xf32, #tpu.memory_space<vmem>>[vector<16xi32>, vector<16xi32>], vector<16xf32>,
        %gather3A_686 = tpu.vector_load_idx %arg12[%add3A_129, %and3A_684] : memref<336x64xf32, #tpu.memory_space<vmem>>[vector<16xi32>, vector<16xi32>], vector<16xf32>,
        %mul3A_687 = arith.mulf %gather3A_685, %gather3A_686 : vector<16xf32>
        %add3A_688 = arith.addf %add3A_678, %mul3A_687 : vector<16xf32>
        %add3A_689 = arith.constant 56 : i32
        %add3A_690 = vector.broadcast %add3A_689 : i32 to vector<16xi32>
        %add3A_691 = arith.addi %iota3A, %add3A_690 : vector<16xi32>
        %and3A_692 = arith.constant 63 : i32
        %and3A_693 = vector.broadcast %and3A_692 : i32 to vector<16xi32>
        %and3A_694 = arith.andi %add3A_691, %and3A_693 : vector<16xi32>
        %gather3A_695 = tpu.vector_load_idx %arg10[%add3A_129, %and3A_694] : memref<336x64xf32, #tpu.memory_space<vmem>>[vector<16xi32>, vector<16xi32>], vector<16xf32>,
        %gather3A_696 = tpu.vector_load_idx %arg12[%add3A_129, %and3A_694] : memref<336x64xf32, #tpu.memory_space<vmem>>[vector<16xi32>, vector<16xi32>], vector<16xf32>,
        %mul3A_697 = arith.mulf %gather3A_695, %gather3A_696 : vector<16xf32>
        %add3A_698 = arith.addf %add3A_688, %mul3A_697 : vector<16xf32>
        %add3A_699 = arith.constant 57 : i32
        %add3A_700 = vector.broadcast %add3A_699 : i32 to vector<16xi32>
        %add3A_701 = arith.addi %iota3A, %add3A_700 : vector<16xi32>
        %and3A_702 = arith.constant 63 : i32
        %and3A_703 = vector.broadcast %and3A_702 : i32 to vector<16xi32>
        %and3A_704 = arith.andi %add3A_701, %and3A_703 : vector<16xi32>
        %gather3A_705 = tpu.vector_load_idx %arg10[%add3A_129, %and3A_704] : memref<336x64xf32, #tpu.memory_space<vmem>>[vector<16xi32>, vector<16xi32>], vector<16xf32>,
        %gather3A_706 = tpu.vector_load_idx %arg12[%add3A_129, %and3A_704] : memref<336x64xf32, #tpu.memory_space<vmem>>[vector<16xi32>, vector<16xi32>], vector<16xf32>,
        %mul3A_707 = arith.mulf %gather3A_705, %gather3A_706 : vector<16xf32>
        %add3A_708 = arith.addf %add3A_698, %mul3A_707 : vector<16xf32>
        %add3A_709 = arith.constant 58 : i32
        %add3A_710 = vector.broadcast %add3A_709 : i32 to vector<16xi32>
        %add3A_711 = arith.addi %iota3A, %add3A_710 : vector<16xi32>
        %and3A_712 = arith.constant 63 : i32
        %and3A_713 = vector.broadcast %and3A_712 : i32 to vector<16xi32>
        %and3A_714 = arith.andi %add3A_711, %and3A_713 : vector<16xi32>
        %gather3A_715 = tpu.vector_load_idx %arg10[%add3A_129, %and3A_714] : memref<336x64xf32, #tpu.memory_space<vmem>>[vector<16xi32>, vector<16xi32>], vector<16xf32>,
        %gather3A_716 = tpu.vector_load_idx %arg12[%add3A_129, %and3A_714] : memref<336x64xf32, #tpu.memory_space<vmem>>[vector<16xi32>, vector<16xi32>], vector<16xf32>,
        %mul3A_717 = arith.mulf %gather3A_715, %gather3A_716 : vector<16xf32>
        %add3A_718 = arith.addf %add3A_708, %mul3A_717 : vector<16xf32>
        %add3A_719 = arith.constant 59 : i32
        %add3A_720 = vector.broadcast %add3A_719 : i32 to vector<16xi32>
        %add3A_721 = arith.addi %iota3A, %add3A_720 : vector<16xi32>
        %and3A_722 = arith.constant 63 : i32
        %and3A_723 = vector.broadcast %and3A_722 : i32 to vector<16xi32>
        %and3A_724 = arith.andi %add3A_721, %and3A_723 : vector<16xi32>
        %gather3A_725 = tpu.vector_load_idx %arg10[%add3A_129, %and3A_724] : memref<336x64xf32, #tpu.memory_space<vmem>>[vector<16xi32>, vector<16xi32>], vector<16xf32>,
        %gather3A_726 = tpu.vector_load_idx %arg12[%add3A_129, %and3A_724] : memref<336x64xf32, #tpu.memory_space<vmem>>[vector<16xi32>, vector<16xi32>], vector<16xf32>,
        %mul3A_727 = arith.mulf %gather3A_725, %gather3A_726 : vector<16xf32>
        %add3A_728 = arith.addf %add3A_718, %mul3A_727 : vector<16xf32>
        %add3A_729 = arith.constant 60 : i32
        %add3A_730 = vector.broadcast %add3A_729 : i32 to vector<16xi32>
        %add3A_731 = arith.addi %iota3A, %add3A_730 : vector<16xi32>
        %and3A_732 = arith.constant 63 : i32
        %and3A_733 = vector.broadcast %and3A_732 : i32 to vector<16xi32>
        %and3A_734 = arith.andi %add3A_731, %and3A_733 : vector<16xi32>
        %gather3A_735 = tpu.vector_load_idx %arg10[%add3A_129, %and3A_734] : memref<336x64xf32, #tpu.memory_space<vmem>>[vector<16xi32>, vector<16xi32>], vector<16xf32>,
        %gather3A_736 = tpu.vector_load_idx %arg12[%add3A_129, %and3A_734] : memref<336x64xf32, #tpu.memory_space<vmem>>[vector<16xi32>, vector<16xi32>], vector<16xf32>,
        %mul3A_737 = arith.mulf %gather3A_735, %gather3A_736 : vector<16xf32>
        %add3A_738 = arith.addf %add3A_728, %mul3A_737 : vector<16xf32>
        %add3A_739 = arith.constant 61 : i32
        %add3A_740 = vector.broadcast %add3A_739 : i32 to vector<16xi32>
        %add3A_741 = arith.addi %iota3A, %add3A_740 : vector<16xi32>
        %and3A_742 = arith.constant 63 : i32
        %and3A_743 = vector.broadcast %and3A_742 : i32 to vector<16xi32>
        %and3A_744 = arith.andi %add3A_741, %and3A_743 : vector<16xi32>
        %gather3A_745 = tpu.vector_load_idx %arg10[%add3A_129, %and3A_744] : memref<336x64xf32, #tpu.memory_space<vmem>>[vector<16xi32>, vector<16xi32>], vector<16xf32>,
        %gather3A_746 = tpu.vector_load_idx %arg12[%add3A_129, %and3A_744] : memref<336x64xf32, #tpu.memory_space<vmem>>[vector<16xi32>, vector<16xi32>], vector<16xf32>,
        %mul3A_747 = arith.mulf %gather3A_745, %gather3A_746 : vector<16xf32>
        %add3A_748 = arith.addf %add3A_738, %mul3A_747 : vector<16xf32>
        %add3A_749 = arith.constant 62 : i32
        %add3A_750 = vector.broadcast %add3A_749 : i32 to vector<16xi32>
        %add3A_751 = arith.addi %iota3A, %add3A_750 : vector<16xi32>
        %and3A_752 = arith.constant 63 : i32
        %and3A_753 = vector.broadcast %and3A_752 : i32 to vector<16xi32>
        %and3A_754 = arith.andi %add3A_751, %and3A_753 : vector<16xi32>
        %gather3A_755 = tpu.vector_load_idx %arg10[%add3A_129, %and3A_754] : memref<336x64xf32, #tpu.memory_space<vmem>>[vector<16xi32>, vector<16xi32>], vector<16xf32>,
        %gather3A_756 = tpu.vector_load_idx %arg12[%add3A_129, %and3A_754] : memref<336x64xf32, #tpu.memory_space<vmem>>[vector<16xi32>, vector<16xi32>], vector<16xf32>,
        %mul3A_757 = arith.mulf %gather3A_755, %gather3A_756 : vector<16xf32>
        %add3A_758 = arith.addf %add3A_748, %mul3A_757 : vector<16xf32>
        %add3A_759 = arith.constant 63 : i32
        %add3A_760 = vector.broadcast %add3A_759 : i32 to vector<16xi32>
        %add3A_761 = arith.addi %iota3A, %add3A_760 : vector<16xi32>
        %and3A_762 = arith.constant 63 : i32
        %and3A_763 = vector.broadcast %and3A_762 : i32 to vector<16xi32>
        %and3A_764 = arith.andi %add3A_761, %and3A_763 : vector<16xi32>
        %gather3A_765 = tpu.vector_load_idx %arg10[%add3A_129, %and3A_764] : memref<336x64xf32, #tpu.memory_space<vmem>>[vector<16xi32>, vector<16xi32>], vector<16xf32>,
        %gather3A_766 = tpu.vector_load_idx %arg12[%add3A_129, %and3A_764] : memref<336x64xf32, #tpu.memory_space<vmem>>[vector<16xi32>, vector<16xi32>], vector<16xf32>,
        %mul3A_767 = arith.mulf %gather3A_765, %gather3A_766 : vector<16xf32>
        %add3A_768 = arith.addf %add3A_758, %mul3A_767 : vector<16xf32>
        %neg3A = arith.constant 0.000000e+00 : f32
        %neg3A_769 = vector.broadcast %neg3A : f32 to vector<16xf32>
        %neg3A_770 = arith.subf %neg3A_769, %add3A_768 : vector<16xf32>
        %exp3A = math.exp %neg3A_770 : vector<16xf32>
        %add3A_771 = arith.constant 1.000000e+00 : f32
        %add3A_772 = vector.broadcast %add3A_771 : f32 to vector<16xf32>
        %add3A_773 = arith.addf %add3A_772, %exp3A : vector<16xf32>
        %div3A = arith.constant 1.000000e+00 : f32
        %div3A_774 = vector.broadcast %div3A : f32 to vector<16xf32>
        %div3A_775 = arith.divf %div3A_774, %add3A_773 : vector<16xf32>
        %mul3A_776 = arith.constant 16 : i32
        %mul3A_777 = arith.muli %scan3A_125, %mul3A_776 : i32
        %swap3A = arith.index_cast %mul3A_777 : i32 to index
        %swap3A_778 = tpu.vector_load %arg14[%swap3A] {strides = array<i32>} : memref<336xf32, #tpu.memory_space<vmem>>, vector<16xf32>,
        tpu.vector_store %arg14[%swap3A], %div3A_775 {strides = array<i32>} : memref<336xf32, #tpu.memory_space<vmem>>, vector<16xf32>,
      }
      %scan3A_117 = arith.constant 21 : i32
      %mul3A_118 = arith.constant 336 : i32
      %mul3A_119 = arith.muli %add3A_84, %mul3A_118 : i32
      %add3A_120 = arith.addi %mul3A_2, %mul3A_119 : i32
      %min3A_121 = arith.minsi %add3A_120, %sub3A_6 : i32
      %multiple_of3A_122 = tpu.assume_multiple %min3A_121, 16 : i32
      %dma_start3A_123 = tpu.memref_slice %arg6[%multiple_of3A_122] : memref<150000xf32, #tpu.memory_space<hbm>> -> memref<336xf32, #tpu.memory_space<hbm>>
      %dma_start3A_124 = tpu.memref_slice %arg6[%multiple_of3A_122] : memref<150000xf32, #tpu.memory_space<hbm>> -> memref<336xf32, #tpu.memory_space<hbm>>
      tpu.enqueue_dma source(%arg14 : memref<336xf32, #tpu.memory_space<vmem>>) target(%dma_start3A_124 : memref<336xf32, #tpu.memory_space<hbm>>) target_semaphore(%arg20 : memref<!tpu.dma_semaphore, #tpu.memory_space<semaphore_mem>>)
    }
    %scan3A_28 = arith.constant 7 : i32
    %add3A_29 = arith.constant 4032 : i32
    %add3A_30 = arith.addi %mul3A_2, %add3A_29 : i32
    %min3A_31 = arith.minsi %add3A_30, %sub3A_6 : i32
    %multiple_of3A_32 = tpu.assume_multiple %min3A_31, 16 : i32
    %dma_wait3A = tpu.memref_slice %arg6[%multiple_of3A_32] : memref<150000xf32, #tpu.memory_space<hbm>> -> memref<336xf32, #tpu.memory_space<hbm>>
    %dma_wait3A_33 = tpu.memref_slice %arg6[%multiple_of3A_32] : memref<150000xf32, #tpu.memory_space<hbm>> -> memref<336xf32, #tpu.memory_space<hbm>>
    tpu.wait_dma2 semaphore(%arg19 : memref<!tpu.dma_semaphore, #tpu.memory_space<semaphore_mem>>) src(%arg13 : memref<336xf32, #tpu.memory_space<vmem>>) dst(%dma_wait3A_33 : memref<336xf32, #tpu.memory_space<hbm>>)
    %add3A_34 = arith.constant 4368 : i32
    %add3A_35 = arith.addi %mul3A_2, %add3A_34 : i32
    %min3A_36 = arith.minsi %add3A_35, %sub3A_6 : i32
    %multiple_of3A_37 = tpu.assume_multiple %min3A_36, 16 : i32
    %dma_wait3A_38 = tpu.memref_slice %arg6[%multiple_of3A_37] : memref<150000xf32, #tpu.memory_space<hbm>> -> memref<336xf32, #tpu.memory_space<hbm>>
    %dma_wait3A_39 = tpu.memref_slice %arg6[%multiple_of3A_37] : memref<150000xf32, #tpu.memory_space<hbm>> -> memref<336xf32, #tpu.memory_space<hbm>>
    tpu.wait_dma2 semaphore(%arg20 : memref<!tpu.dma_semaphore, #tpu.memory_space<semaphore_mem>>) src(%arg14 : memref<336xf32, #tpu.memory_space<vmem>>) dst(%dma_wait3A_39 : memref<336xf32, #tpu.memory_space<hbm>>)
    return
  }
}

</mosaic_0001>

<sc_bundles>
// kernel: _run.3.cloned.1.call-start
scs
__scs_entry_jumppad:
0x0: {  	(pc) =	sbr.rel $0x88, $3  }
0x1: {  	(tag) =	ssettag $0x0;
	lr =	simm.s32 $0x1  }
0x2: {  	[smem:$0x3F9D] =	sst lr;
	_ =	strace $0xD0000000  }
0x3: {  	_ = 	snop  }
0x4: {  	_ = 	snop  }
0x5: {  	_ = 	snop  }
0x6: {  	_ = 	snop  }
0x7: {  	_ = 	snop  }
__scs_overlays_trampoline_lowered:
0x8: {  	[smem:$0x3FAC] =	sst s0  }
0x9: {  	[smem:$0x3FAD] =	sst s1  }
0xa: {  	[smem:$0x3FAE] =	sst s2  }
0xb: {  	[smem:$0x3FAF] =	sst s3  }
0xc: {  	[smem:$0x3FB0] =	sst s4  }
0xd: {  	[smem:$0x3FB1] =	sst s5  }
0xe: {  	[smem:$0x3FB2] =	sst s6  }
0xf: {  	[smem:$0x3FB3] =	sst s7  }
0x10: {  	[smem:$0x3FB4] =	sst s8  }
0x11: {  	[smem:$0x3FB5] =	sst s9;
	s0 =	simm.s32 @!p0 $0x0  }
0x12: {  	s1 =	sld [smem:$0x3F9B];
	s0 =	simm.s32 @p0 $0x1  }
0x13: {  	[smem:$0x3FB6] =	sst s0;
	s0 =	simm.s32 @!p1 $0x0  }
0x14: {  	s2 =	sld [smem:$0x3F9A];
	s0 =	simm.s32 @p1 $0x1  }
0x15: {  	[smem:$0x3FB7] =	sst s0;
	s0 =	simm.s32 @!p2 $0x0  }
0x16: {  	s3 =	sld [smem:$0x3FDB];
	s0 =	simm.s32 @p2 $0x1  }
0x17: {  	s4 =	simm.s32 $0x1BF5;
	[smem:$0x3FB9] =	sst s0  }
0x18: {  	s0 =	sld [smem:$0x3F9C];
	_ =	swait.ge [sflag:s4], $0x0  }
0x19: {  	s7 =	sld [smem:$0x3F9D]  }
0x1a: {  	s8 =	sadd.s32 $0xFFFFE003, lr  }
0x1b: {  	s9 =	sadd.s32 $0xFFFFFEF7, lr;
	s5 =	simm.s32 $0xFFFFFFFF;
	p2 =	slt.u32 s8, $0xFFFFF086  }
0x1c: {  	p1 =	slt.u32 s9, $0xF7A;
	s5 =	simm.s32 @!p2 $0x0  }
0x1d: {  	s5 =	simm.s32 @p1 $0x1;
	p0 =	seq.s32 s7, s2  }
0x1e: {  	s7 =	smul.u32 @!p0 $0xF7A, s2;
	p2 =	seq.s32 @!p0 s5, $0x0  }
0x1f: {  	s9 =	smul.u32 $0xF7A, s1;
	s8 =	simm.s32 @!p0 $0x1BF5;
	p2 =	por !p2, p0  }
0x20: {  	[sflag:s8] =	ssyncset.s32 @!p0 $0xFFFFF086;
	s6 =	sadd.s32 @!p0 s3, s7;
	s7 =	simm.s32 @!p0 $0x108  }
0x21: {  	s3 =	sadd.s32 s3, s9;
	s6 =	sadd.s32 @!p0 $0x88, s6;
	s7 =	simm.s32 @p2 $0x1082  }
0x22: {  	[simem:s7], [sflag:s8] =	dma.local @!p0 [hbm:s6], $0xF7A  }
0x23: {  	s9 =	sor.u32 $0xD0000000, s2;
	s6 =	simm.s32 $0x108;
	_ =	swait.ge @!p0 [sflag:s8], $0x0  }
0x24: {  	s3 =	sadd.s32 $0x88, s3;
	s6 =	simm.s32 @!p1 $0x1082;
	[sflag:s4] =	ssyncset.s32 $0xFFFFF086  }
0x25: {  	[simem:s6], [sflag:s4] =	dma.local [hbm:s3], $0xF7A  }
0x26: {  	[smem:$0x3F9D] =	sst s1;
	(tag) =	ssettag s2;
	_ =	strace s9  }
0x27: {  	s1 =	sld [smem:$0x3FAD]  }
0x28: {  	s2 =	sld [smem:$0x3FAE]  }
0x29: {  	s4 =	sld [smem:$0x3FB0]  }
0x2a: {  	p0 =	seq.s32 s5, $0x0;
	s5 =	sld [smem:$0x3FB1]  }
0x2b: {  	s6 =	sld [smem:$0x3FB2]  }
0x2c: {  	s7 =	sld [smem:$0x3FB3]  }
0x2d: {  	s3 =	simm.s32 $0x108;
	s8 =	sld [smem:$0x3FB4]  }
0x2e: {  	s3 =	simm.s32 @!p0 $0x1082;
	s9 =	sld [smem:$0x3FB5]  }
0x2f: {  	lr =	sadd.s32 s0, s3;
	s0 =	sld [smem:$0x3FAC]  }
0x30: {  	s3 =	sld [smem:$0x3FAF]  }
0x31: {  	[smem:$0x3FB8] =	sst s10  }
0x32: {  	s10 =	sld [smem:$0x3FB6];
	_ =	sdelay $0x3  }
0x33: {  	p0 =	seq.s32 s10, $0x1;
	s10 =	sld [smem:$0x3FB8];
	_ =	sdelay $0x3  }
0x34: {  	[smem:$0x3FB8] =	sst s10  }
0x35: {  	s10 =	sld [smem:$0x3FB7];
	_ =	sdelay $0x3  }
0x36: {  	p1 =	seq.s32 s10, $0x1;
	s10 =	sld [smem:$0x3FB8];
	_ =	sdelay $0x3  }
0x37: {  	[smem:$0x3FB8] =	sst s10  }
0x38: {  	s10 =	sld [smem:$0x3FB9]  }
0x39: {  	_ = 	snop;
	(pc) =	sbr.ind lr, $3  }
0x3a: {  	_ = 	snop  }
0x3b: {  	_ = 	snop  }
0x3c: {  	p2 =	seq.s32 s10, $0x1;
	s10 =	sld [smem:$0x3FB8]  }
0x3d: {  	_ =	shalt  }
0x3e: {  	_ =	shalt  }
0x3f: {  	_ =	shalt  }
0x40: {  	_ =	shalt  }
0x41: {  	_ =	shalt  }
0x42: {  	_ =	shalt  }
0x43: {  	_ =	shalt  }
0x44: {  	_ =	shalt  }
0x45: {  	_ =	shalt  }
0x46: {  	_ =	shalt  }
0x47: {  	_ =	shalt  }
0x48: {  	_ =	shalt  }
0x49: {  	_ =	shalt  }
0x4a: {  	_ =	shalt  }
0x4b: {  	_ =	shalt  }
0x4c: {  	_ =	shalt  }
0x4d: {  	_ =	shalt  }
0x4e: {  	_ =	shalt  }
0x4f: {  	_ =	shalt  }
0x50: {  	_ =	shalt  }
0x51: {  	_ =	shalt  }
0x52: {  	_ =	shalt  }
0x53: {  	_ =	shalt  }
0x54: {  	_ =	shalt  }
0x55: {  	_ =	shalt  }
0x56: {  	_ =	shalt  }
0x57: {  	_ =	shalt  }
0x58: {  	_ =	shalt  }
0x59: {  	_ =	shalt  }
0x5a: {  	_ =	shalt  }
0x5b: {  	_ =	shalt  }
0x5c: {  	_ =	shalt  }
0x5d: {  	_ =	shalt  }
0x5e: {  	_ =	shalt  }
0x5f: {  	_ =	shalt  }
0x60: {  	_ =	shalt  }
0x61: {  	_ =	shalt  }
0x62: {  	_ =	shalt  }
0x63: {  	_ =	shalt  }
0x64: {  	_ =	shalt  }
0x65: {  	_ =	shalt  }
0x66: {  	_ =	shalt  }
0x67: {  	_ =	shalt  }
0x68: {  	_ =	shalt  }
0x69: {  	_ =	shalt  }
0x6a: {  	_ =	shalt  }
0x6b: {  	_ =	shalt  }
0x6c: {  	_ =	shalt  }
0x6d: {  	_ =	shalt  }
0x6e: {  	_ =	shalt  }
0x6f: {  	_ =	shalt  }
0x70: {  	_ =	shalt  }
0x71: {  	_ =	shalt  }
0x72: {  	_ =	shalt  }
0x73: {  	_ =	shalt  }
0x74: {  	_ =	shalt  }
0x75: {  	_ =	shalt  }
0x76: {  	_ =	shalt  }
0x77: {  	_ =	shalt  }
0x78: {  	_ =	shalt  }
0x79: {  	_ =	shalt  }
0x7a: {  	_ =	shalt  }
0x7b: {  	_ =	shalt  }
0x7c: {  	_ =	shalt  }
0x7d: {  	_ =	shalt  }
0x7e: {  	_ =	shalt  }
0x7f: {  	_ =	shalt  }
0x80: {  	_ =	shalt  }
0x81: {  	_ =	shalt  }
0x82: {  	_ =	shalt  }
0x83: {  	_ =	shalt  }
0x84: {  	_ =	shalt  }
0x85: {  	_ =	shalt  }
0x86: {  	_ =	shalt  }
0x87: {  	_ =	shalt  }
.Lfunc_end0:
.L_simem_size_0:
called_computation_lowered:
.L_overlay_start_0:
0x88: {  	s2 =	sld [smem:$0x3FD9]  }
0x89: {  	s3 =	sld [smem:$0x3FFE];
	_ =	sdelay $0x1  }
0x8a: {  	s1 =	srdreg.scid  }
0x8b: {  	s0 =	sand.u32 $0x1, s1  }
0x8c: {  	s17 =	sshll.u32 s0, $0xA;
	s2 =	sadd.s32 s3, s2  }
0x8d: {  	s2 =	sadd.s32 s2, s17  }
0x8e: {  	[smem:$0x3FC4] =	sst s2  }
0x8f: {  	_ = 	snop  }
0x90: {  	s2 =	sld [smem:$0x3FC9]  }
0x91: {  	s18 =	sld [smem:$0x3FC8]  }
0x92: {  	s4 =	sld [smem:$0x3FD0];
	(tm) =	ssettm $0x1  }
0x93: {  	s5 =	sld [smem:$0x3FFB];
	_ =	sdelay $0x3  }
0x94: {  	_ =	strace s5  }
0x95: {  	s5 =	sld [smem:$0x3FFC];
	_ =	sdelay $0x3  }
0x96: {  	_ =	strace s5  }
0x97: {  	s5 =	sld [smem:$0x3FFD];
	_ =	sdelay $0x3  }
0x98: {  	_ =	strace s5  }
0x99: {  	_ =	strace $0x8FFFFFFF  }
0x9a: {  	s19 =	sld [smem:$0x3FDB];
	_ =	sdelay $0x1  }
0x9b: {  	s6 =	simm.s32 $_scs_section_size  }
0x9c: {  	s7 =	simm.s32 $_size__tile_overlayer_lowered;
	s8 =	simm.s32 $_tile_overlayer_lowered  }
0x9d: {  	s22 =	simm.s32 $0x1BFF;
	s21 =	sshll.u32 s8, $0x1;
	s5 =	sadd.s32 s6, s19  }
0x9e: {  	s9 =	simm.s32 $0x0;
	s20 =	sshll.u32 s7, $0x1;
	s7 =	sadd.s32 s21, s5  }
0x9f: {  	[timem:s9], [sflag:s22] =	dma.local [hbm:s7], s20  }
0xa0: {  	_ =	swait.ge [sflag:s22], s20  }
0xa1: {  	s6 =	ssub.s32 $0x0, s20;
	[sflag:s22] =	ssyncset.done $0x0  }
0xa2: {  	[sflag:s22] =	ssyncadd.s32 s6;
	_ =	sdelay $0x1  }
0xa3: {  	s23 =	simm.s32 $0x1B8B  }
0xa4: {  	_ =	swait.ge [sflag:s23], $0x1  }
0xa5: {  	[sflag:s23] =	ssyncset.done $0x0  }
0xa6: {  	s25 =	simm.s32 $0x1B8E;
	s24 =	sld [smem:$0x3FFE];
	[sflag:s23] =	ssyncadd.s32 $0xFFFFFFFF  }
0xa7: {  	s26 =	simm.s32 $execute0_lowered;
	[smem:$0x3FD2] =	sst s25  }
0xa8: {  	s7 =	sshll.u32 s26, $0x1;
	_ =	strace $0x80000046;
	[dreg:$0x1] =	wrdreg $0xFFFFFFFF  }
0xa9: {  	s28 =	simm.s32 $_size_execute0_lowered;
	s5 =	sadd.s32 s5, s7;
	[dreg:$0x0] =	wrdreg $0x0  }
0xaa: {  	s7 =	sshll.u32 s28, $0x1;
	[dreg:$0x2] =	wrdreg s5  }
0xab: {  	[dreg:$0x3] =	wrdreg s7  }
0xac: {  	[dreg:$0x4] =	wrdreg $0xC0  }
0xad: {  	_ =	task [dreg:s9], $0x5FFFF  }
0xae: {  	[dreg:$0x1] =	wrdreg $0xFFFFFFFF  }
0xaf: {  	[dreg:$0x0] =	wrdreg $0x60  }
0xb0: {  	[dreg:$0x2] =	wrdreg s2  }
0xb1: {  	[dreg:$0x3] =	wrdreg s18  }
0xb2: {  	[dreg:$0x4] =	wrdreg s24  }
0xb3: {  	[dreg:$0x5] =	wrdreg s4  }
0xb4: {  	[dreg:$0x6] =	wrdreg $0x9  }
0xb5: {  	_ =	task.clear_ibuf [dreg:s9], $0x7FFFF;
	_ =	strace $0x90000046  }
0xb6: {  	s29 =	simm.s32 $0x9;
	_ =	strace $0x80000048  }
0xb7: {  	_ =	swait.ge [sflag:s29], $0x1  }
0xb8: {  	[sflag:s29] =	ssyncadd.s32 $0xFFFFFFFF  }
0xb9: {  	_ =	strace $0x90000048  }
0xba: {  	_ =	sfence  }
0xbb: {  	s30 =	sld [smem:$0x0];
	_ =	sdelay $0x2  }
0xbc: {  	s31 =	sshll.u32 s1, $0xD;
	s1 =	sshrl.u32 s1, $0x2  }
0xbd: {  	s3 =	sand.u32 $0x4000, s31;
	s1 =	sadd.s32 s1, s30  }
0xbe: {  	s0 =	sor.u32 s3, s0;
	s1 =	sshll.u32 s1, $0x11  }
0xbf: {  	s0 =	sor.u32 s1, s0  }
0xc0: {  	s0 =	sadd.s32 $0x8F2B, s0  }
0xc1: {  	[sflag:s0] =	ssyncadd.remote.s32 $0x1  }
0xc2: {  	_ =	sfence.sel $0xFFFF  }
0xc3: {  	[dreg:$0x0] =	wrdreg $0xFFFFFFFF;
	(pc) =	sbr.abs _section_cstart, $3  }
0xc4: {  	[dreg:$0x1] =	wrdreg $0xFFFFFFFF  }
0xc5: {  	_ =	task.clear_ibuf [dreg:s9], $0x2FFFF;
	_ =	strace $0x9FFFFFFF  }
0xc6: {  	(tm) =	ssettm $0x7FFFFFFF  }
0xc7: {  	_ =	shalt  }
tec
execute0_lowered:
.L_overlay_start_1:
0x0: {  	(tag) =	ssettag $0x1  }
0x1: {  	v13 =	vlaneseq.u32  }
0x2: {  	v1 =	vimm.s32 $0x38373635;
	v37 =	vimm.s32 $0x3C3B3A39;
	v7 =	vimm.s32 $0x3F3E3D  }
0x3: {  	vm0 =	vcmask $0x1F10;
	v54 =	vimm.s32 $0x35343332;
	v40 =	vimm.s32 $0x39383736  }
0x4: {  	v41 =	vimm.s32 $0x3D3C3B3A;
	v8 =	vimm.s32 $0x1003F3E;
	v55 =	vimm.s32 $0x36353433  }
0x5: {  	v56 =	vimm.s32 $0x3020100;
	v46 =	vimm.s32 $0x3A393837;
	v0 =	vadd.s32 $0x5, v13  }
0x6: {  	v48 =	vimm.s32 $0x3F3E3D3C;
	v49 =	vimm.s32 $0x37363534;
	[tilespmem:$0x1FB90] =	vst v0;
	v0 =	vadd.s32 $0x6, v13  }
0x7: {  	v50 =	vimm.s32 $0x3B3A3938;
	v5 =	vunpack.c.0.s8.s32 v1;
	[tilespmem:$0x1FBA0] =	vst v0;
	v0 =	vadd.s32 $0x7, v13  }
0x8: {  	v6 =	vunpack.c.0.s8.s32 v37;
	v1 =	vunpack.c.0.s8.s32 v7;
	[tilespmem:$0x1FBB0] =	vst v0;
	v0 =	vimm.s32 $0x34333231  }
0x9: {  	v52 =	vimm.s32 $0x87654321;
	v37 =	vunpack.c.0.s8.s32 v54;
	v0 =	vunpack.c.0.s8.s32 v0  }
0xa: {  	v38 =	vunpack.c.0.s8.s32 v49;
	[tilespmem:$0x1FBD0] =	vst v6;
	v15 =	vsel vm0, v1, v6;
	v6 =	vunpack.c.0.s8.s32 v41  }
0xb: {  	[tilespmem:$0x1FBC0] =	vst v5;
	v0 =	vsel vm0, v5, v0;
	v5 =	vunpack.c.0.s8.s32 v40;
	v40 =	vunpack.c.0.s8.s32 v8  }
0xc: {  	v10 =	vunpack.c.0.s8.s32 v50;
	v41 =	vunpack.c.0.s8.s32 v56;
	v9 =	vcombine.low v0, v15  }
0xd: {  	[tilespmem:$0x1FBF0] =	vst v6;
	v0 =	vsel vm0, v5, v37;
	v37 =	vsel vm0, v40, v6;
	v6 =	vunpack.c.0.s8.s32 v48  }
0xe: {  	v4 =	vadd.s32 $0x1D, v13;
	v54 =	vsel vm0, v10, v38;
	[tilespmem:$0x1FBE0] =	vst v5;
	v5 =	vcombine.low v0, v37  }
0xf: {  	v0 =	vunpack.c.0.s8.s32 v55;
	v55 =	vimm.s32 $0x4030201;
	v41 =	vsel vm0, v41, v6  }
0x10: {  	[tilespmem:$0x1FC00] =	vst v10;
	v38 =	vimm.s32 $0x5040302;
	v10 =	vcombine.low v54, v41;
	v41 =	vunpack.c.0.s8.s32 v55  }
0x11: {  	s0 =	rddreg [dreg:$0x0];
	v50 =	vmovc v4;
	v4 =	vunpack.c.0.s8.s32 v46;
	v46 =	vunpack.c.l.s4.s8 v52;
	v48 =	vunpack.c.0.s8.s32 v38  }
0x12: {  	v47 =	vimm.s32 $0x201003F;
	s1 =	rddreg [dreg:$0x1];
	s3 =	srdreg.scid;
	v56 =	vimm.s32 $0x32107654;
	[tilespmem:$0x1FC30] =	vst v6;
	v12 =	vsel vm0, v41, v1  }
0x13: {  	s7 =	rddreg [dreg:$0x2];
	s8 =	sand.u32 $0x1, s3;
	s3 =	simm.s32 $0x0;
	v52 =	vimm.s32 $0x98765432;
	v46 =	vunpack.c.0.s8.s32 v46;
	[tilespmem:$0x1FC10] =	vst v12;
	v12 =	vsel vm0, v48, v40  }
0x14: {  	v11 =	vunpack.c.0.s8.s32 v47;
	[smem:$0x7FF] =	sst s3;
	v47 =	vunpack.c.l.s4.s8 v56;
	v49 =	vunpack.c.l.s4.s8 v52;
	[tilespmem:$0x1FC20] =	vst v12  }
0x15: {  	s2 =	rddreg [dreg:$0x3];
	v56 =	vimm.s32 $0x43218765;
	v46 =	vand.u32 $0xF, v46;
	v0 =	vsel vm0, v4, v0;
	_ =	strace $0x80000047;
	[tilespmem:$0x1FC40] =	vst v4  }
0x16: {  	v20 =	vadd.s32 $0x28, v13;
	v55 =	vcombine.low v15, v46;
	v46 =	vunpack.c.l.s4.s8 v56;
	[tilespmem:$0x1FC50] =	vst v0  }
0x17: {  	v47 =	vunpack.c.0.s8.s32 v47;
	v15 =	vunpack.c.0.s8.s32 v49;
	v49 =	vimm.s32 $0x6543A987;
	[tilespmem:$0x1FC70] =	vst v11  }
0x18: {  	vm1 =	vcmask $0x2F10;
	v63 =	vadd.s32 $0x22, v13;
	v46 =	vunpack.c.0.s8.s32 v46;
	[tilespmem:$0x1FD10] =	vst v20  }
0x19: {  	v60 =	vadd.s32 $0x23, v13;
	v8 =	vadd.s32 $0x26, v13;
	v54 =	vand.u32 $0xF, v47;
	[tilespmem:$0x1FD30] =	vst v63  }
0x1a: {  	v41 =	vsel vm1, v54, v6;
	v6 =	vand.u32 $0xF, v46;
	v46 =	vunpack.c.l.s4.s8 v49;
	v49 =	vmovc v8;
	[tilespmem:$0x1FD40] =	vst v60  }
0x1b: {  	[tilespmem:$0x1FD50] =	vst v49  }
0x1c: {  	v14 =	vadd.s32 $0x2E, v13;
	[tilespmem:$0x1FD60] =	vst v5  }
0x1d: {  	v16 =	vadd.s32 $0x2, v13;
	[tilespmem:$0x1FD80] =	vst v14  }
0x1e: {  	v22 =	vadd.s32 $0x9, v13;
	[tilespmem:$0x1FDA0] =	vst v16  }
0x1f: {  	v24 =	vadd.s32 $0xB, v13;
	[tilespmem:$0x1FDB0] =	vst v22  }
0x20: {  	v25 =	vadd.s32 $0xC, v13;
	[tilespmem:$0x1FDC0] =	vst v24  }
0x21: {  	v28 =	vadd.s32 $0xF, v13;
	[tilespmem:$0x1FDD0] =	vst v25  }
0x22: {  	v29 =	vor.u32 $0x10, v13;
	[tilespmem:$0x1FDE0] =	vst v28  }
0x23: {  	v30 =	vadd.s32 $0x11, v13;
	[tilespmem:$0x1FDF0] =	vst v29  }
0x24: {  	v31 =	vadd.s32 $0x12, v13;
	[tilespmem:$0x1FE00] =	vst v30  }
0x25: {  	v32 =	vadd.s32 $0x13, v13;
	[tilespmem:$0x1FE10] =	vst v31  }
0x26: {  	v33 =	vadd.s32 $0x14, v13;
	[tilespmem:$0x1FE20] =	vst v32  }
0x27: {  	v34 =	vadd.s32 $0x15, v13;
	[tilespmem:$0x1FE30] =	vst v33  }
0x28: {  	v35 =	vadd.s32 $0x16, v13;
	[tilespmem:$0x1FE40] =	vst v34  }
0x29: {  	[tilespmem:$0x1FE50] =	vst v35  }
0x2a: {  	v61 =	vadd.s32 $0x1E, v13;
	[tilespmem:$0x1FE60] =	vst v50  }
0x2b: {  	v36 =	vadd.s32 $0x17, v13;
	[tilespmem:$0x1FE70] =	vst v61  }
0x2c: {  	v39 =	vadd.s32 $0x18, v13;
	[tilespmem:$0x1FE80] =	vst v36  }
0x2d: {  	v43 =	vadd.s32 $0x19, v13;
	[tilespmem:$0x1FE90] =	vst v39  }
0x2e: {  	v57 =	vadd.s32 $0x1B, v13;
	v38 =	vimm.s32 $0xB0A0908;
	[tilespmem:$0x1FEA0] =	vst v43  }
0x2f: {  	v51 =	vadd.s32 $0x1F, v13;
	v47 =	vunpack.c.0.s8.s32 v38;
	[tilespmem:$0x1FEB0] =	vst v57  }
0x30: {  	vm2 =	vcmask $0x3F30;
	v58 =	vor.u32 $0x20, v13;
	[tilespmem:$0x1FEC0] =	vst v51  }
0x31: {  	v54 =	vsel vm2, v47, v41;
	[tilespmem:$0x1FED0] =	vst v58  }
0x32: {  	v18 =	vadd.s32 $0x4, v13;
	[tilespmem:$0x1FF00] =	vst v54  }
0x33: {  	v2 =	vmul.u32 $0x40, v13;
	v62 =	vadd.s32 $0x1, v13;
	[tilespmem:$0x1FF40] =	vst v18  }
0x34: {  	[tilespmem:$0x1FF50] =	vst v62  }
0x35: {  	v44 =	vadd.s32 $0x1A, v13;
	[tilespmem:$0x1FF60] =	vst v2  }
0x36: {  	[tilespmem:$0x1FF70] =	vst v44  }
0x37: {  	v7 =	vadd.s32 $0x24, v13;
	[tilespmem:$0x1FF80] =	vst v55  }
0x38: {  	v17 =	vadd.s32 $0x3, v13;
	[tilespmem:$0x1FF90] =	vst v7  }
0x39: {  	v21 =	vadd.s32 $0x8, v13;
	[tilespmem:$0x1FFA0] =	vst v17  }
0x3a: {  	v26 =	vadd.s32 $0xD, v13;
	[tilespmem:$0x1FFB0] =	vst v21  }
0x3b: {  	v59 =	vadd.s32 $0x1C, v13;
	v15 =	vand.u32 $0xF, v15;
	[tilespmem:$0x1FFC0] =	vst v26  }
0x3c: {  	v45 =	vimm.s32 $0x54329876;
	v23 =	vadd.s32 $0xA, v13;
	v3 =	vadd.s32 $0x21, v13;
	[tilespmem:$0x1FFD0] =	vst v59  }
0x3d: {  	v56 =	vunpack.c.l.s4.s8 v45;
	v19 =	vcombine.low v37, v15;
	v48 =	vimm.s32 $0xC0B0A09;
	[tilespmem:$0x1FFE0] =	vst v3  }
0x3e: {  	v41 =	vunpack.c.0.s8.s32 v48;
	v15 =	vmov v10;
	[tilespmem:$0x1FFF0] =	vst v23  }
0x3f: {  	v52 =	vimm.s32 $0x6050403;
	v37 =	vunpack.c.0.s8.s32 v56;
	v1 =	vsel vm1, v6, v1;
	v8 =	vmovc v19;
	[tilespmem:$0x1FD90] =	vst v15  }
0x40: {  	v38 =	vimm.s32 $0xD0C0B0A;
	v48 =	vunpack.c.0.s8.s32 v52;
	v45 =	vsel vm2, v41, v1;
	[tilespmem:$0x1FEF0] =	vst v8  }
0x41: {  	v1 =	vand.u32 $0xF, v37;
	v56 =	vunpack.c.0.s8.s32 v46;
	v46 =	vimm.s32 $0xE0D0C0B;
	v12 =	vmovc v9;
	[tilespmem:$0x1FD70] =	vst v45  }
0x42: {  	v9 =	vadd.s32 $0x2D, v13;
	v1 =	vsel vm1, v1, v40;
	v40 =	vunpack.c.0.s8.s32 v38;
	[tilespmem:$0x1FEE0] =	vst v12  }
0x43: {  	v38 =	vadd.s32 $0x29, v13;
	[tilespmem:$0x1FF30] =	vst v9;
	v37 =	vand.u32 $0xF, v56;
	v56 =	vimm.s32 $0x3E3D3C3B  }
0x44: {  	s4 =	stileid.u32;
	s16 =	simm.s32 $0x7;
	s18 =	simm.s32 $0x150;
	v41 =	vunpack.c.0.s8.s32 v46;
	[tilespmem:$0x1FD00] =	vst v38;
	v52 =	vsel vm2, v40, v1;
	v0 =	vunpack.c.0.s8.s32 v56  }
0x45: {  	s19 =	simm.s32 $0x24A0;
	s20 =	simm.s32 $0xCCA0;
	s4 =	sshll.u32 s4, $0x1;
	v6 =	vimm.s32 $0xA9876543;
	v37 =	vsel vm1, v37, v11;
	[tilespmem:$0x1FCC0] =	vst v52  }
0x46: {  	s21 =	simm.s32 $0x78A0;
	s22 =	simm.s32 $0x120A0;
	s4 =	sor.u32 s8, s4;
	v1 =	vimm.s32 $0x76543210;
	v10 =	vsel vm2, v41, v37;
	v41 =	vor.u32 $0x30, v13;
	[tilespmem:$0x1FC60] =	vst v0  }
0x47: {  	s23 =	simm.s32 $0x1;
	s28 =	simm.s32 $0x4;
	s4 =	smul.u32 $0x1250, s4;
	v6 =	vunpack.c.l.s4.s8 v6;
	v1 =	vunpack.c.l.s4.s8 v1;
	v37 =	vadd.s32 $0x2A, v13;
	[tilespmem:$0x1FCD0] =	vst v41  }
0x48: {  	s29 =	simm.s32 $0x175F0;
	s30 =	simm.s32 $0x5;
	s31 =	simm.s32 $0x6;
	v0 =	vsel vm0, v48, v11;
	[tilespmem:$0x1FCF0] =	vst v37  }
0x49: {  	s5 =	sadd.s32 $0x188A00, s7;
	s9 =	ssub.s32 $0x2, s8;
	s6 =	smin.u32 s4, $0x237A0;
	v6 =	vunpack.c.0.s8.s32 v6;
	v11 =	vadd.s32 $0x2C, v13;
	[tilespmem:$0x1FC80] =	vst v0;
	v0 =	vunpack.c.0.s8.s32 v1  }
0x4a: {  	s10 =	sshrl.u32 s9, $0x1;
	s17 =	sadd.s32 $0x1100, s6;
	s11 =	sshrl.u32 s6, $0x3;
	[tilespmem:$0x1FF10] =	vst v11  }
0x4b: {  	s9 =	ssub.s32 s9, s10;
	s12 =	smin.u32 s4, s17;
	s0 =	sadd.s32 s0, s11;
	[tilespmem:$0x1FC90] =	vst v0;
	v0 =	vand.u32 $0xF, v6  }
0x4c: {  	s24 =	sadd.s32 s1, s11;
	s10 =	ssub.s32 s12, s6;
	[dreg:$0x5] =	wrdreg s0;
	v1 =	vmov v10;
	[tilespmem:$0x1FCA0] =	vst v0  }
0x4d: {  	s7 =	sadd.s32 $0x24C000, s7;
	s25 =	sadd.s32 $0x1250, s10;
	[dreg:$0x6] =	wrdreg s24;
	v10 =	vadd.s32 $0x2F, v13;
	[tilespmem:$0x1FCB0] =	vst v1  }
0x4e: {  	s13 =	sadd.s32 $0x150, s4;
	s26 =	smax.u32 s9, $0x1;
	[dreg:$0x7] =	wrdreg s25;
	v6 =	vadd.s32 $0x2B, v13;
	[tilespmem:$0x1FCE0] =	vst v10  }
0x4f: {  	s14 =	sadd.s32 $0x2A0, s4;
	s1 =	simm.s32 $0x0;
	[dreg:$0x8] =	wrdreg s26;
	v0 =	vadd.s32 $0x27, v13;
	[tilespmem:$0x1FF20] =	vst v6  }
0x50: {  	v27 =	vadd.s32 $0xE, v13;
	v53 =	vadd.s32 $0x25, v13;
	v4 =	vmovc v7;
	s24 =	simm.s32 $0x3;
	s25 =	simm.s32 $0x174A0;
	s26 =	simm.s32 $0x2;
	v19 =	vmov v52;
	[tilespmem:$0x1FD20] =	vst v0  }
.LBB2_1:
0x51: {  	s0 =	rddreg [dreg:$0x5]  }
0x52: {  	[tilespmem:s3], [sflag:$0x7] =	stream.linear.gather [hbm4b:s0+s3], $0x1250, $0x38;
	[tilespmem:$0x17740] =	vst v63  }
0x53: {  	_ =	swait.ge [sflag:s16], $0x1250  }
0x54: {  	[sflag:s16] =	ssyncset.done $0x0  }
0x55: {  	s8 =	simm.s32 $0x1250;
	s12 =	rddreg [dreg:$0x6];
	[sflag:s16] =	ssyncadd.s32 $0xFFFFEDB0  }
0x56: {  	[tilespmem:s8], [sflag:$0x7] =	stream.linear.gather [hbm4b:s12+s3], $0x1250, $0x38;
	[tilespmem:$0x17740] =	vst v63  }
0x57: {  	_ =	swait.ge [sflag:s16], $0x1250  }
0x58: {  	[sflag:s16] =	ssyncset.done $0x0  }
0x59: {  	[sflag:s16] =	ssyncadd.s32 $0xFFFFEDB0  }
0x5a: {  	v49 =	vmov v3;
	v3 =	vld [tilespmem:$0x1FB90];
	[tilespmem:s19], [sflag:$0x1] =	stream.indirect.gather [hbm4b:s5+s18], $0x40, s10, s18, $0xb8  }
0x5b: {  	v46 =	vmov v44;
	v5 =	vmov v19;
	s0 =	simm.s32 $0x0;
	s15 =	rddreg [dreg:$0x7];
	v19 =	vld [tilespmem:$0x1FBA0]  }
0x5c: {  	v47 =	vmovc v59;
	v48 =	vmovc v61;
	v52 =	vmov v50;
	v59 =	vmov v38;
	v60 =	vmov v20;
	v40 =	vld [tilespmem:$0x1FBB0];
	[tilespmem:s20], [sflag:$0x3] =	stream.indirect.gather [hbm4b:s7+s18], $0x40, s15, s18, $0xb8  }
.LBB2_2:
0x5d: {  	s9 =	smul.u32 $0x2A0, s0;
	_ =	sdelay $0x1  }
0x5e: {  	s11 =	sadd.s32 s9, s13  }
0x5f: {  	s15 =	smov.u32 s17;
	p0 =	slt.s32 s11, s17  }
0x60: {  	s15 =	smov.u32 @p0 s11  }
0x61: {  	s11 =	ssub.s32 s15, s6  }
0x62: {  	[tilespmem:s21], [sflag:$0x2] =	stream.indirect.gather [hbm4b:s5+s18], $0x40, s11, s18, $0xb8;
	[tilespmem:$0x17740] =	vst v63  }
0x63: {  	s11 =	sadd.s32 $0x1250, s11  }
0x64: {  	[tilespmem:s22], [sflag:$0x4] =	stream.indirect.gather [hbm4b:s7+s18], $0x40, s11, s18, $0xb8;
	[tilespmem:$0x17740] =	vst v63  }
0x65: {  	s8 =	simm.s32 $0x0;
	_ =	swait.ge [sflag:s23], $0x5400  }
0x66: {  	v50 =	vmov v0;
	v0 =	vmov s8;
	[sflag:s23] =	ssyncset.done $0x0  }
0x67: {  	v0 =	vshll.u32 v0, $0x6;
	[sflag:s23] =	ssyncadd.s32 $0xFFFFAC00  }
0x68: {  	v1 =	vor.u32 v2, v0;
	_ =	swait.ge [sflag:s24], $0x5400  }
0x69: {  	p0 =	seq.s32 s0, $0x0;
	v0 =	vor.u32 v13, v1;
	[sflag:s24] =	ssyncset.done $0x0  }
0x6a: {  	s11 =	simm.s32 @!p0 $0x5;
	[sflag:s24] =	ssyncadd.s32 $0xFFFFAC00  }
0x6b: {  	v38 =	vor.u32 v62, v1;
	_ =	swait.ge @!p0 [sflag:s11], $0x150  }
0x6c: {  	[sflag:s11] =	ssyncset.done @!p0 $0x0  }
0x6d: {  	[sflag:s11] =	ssyncadd.s32 @!p0 $0xFFFFFEB0  }
0x6e: {  	v63 =	vld.idx.msk [tilespmem:v0+s20+$0x0], $0xffff  }
0x6f: {  	v61 =	vld.idx.msk [tilespmem:v0+s19+$0x0], $0xffff  }
0x70: {  	v44 =	vor.u32 v16, v1;
	v0 =	vld.idx.msk [tilespmem:v38+s20+$0x0], $0xffff;
	_ =	sdelay $0x2  }
0x71: {  	v7 =	vor.u32 v17, v1  }
0x72: {  	v56 =	vld.idx.msk [tilespmem:v38+s19+$0x0], $0xffff  }
0x73: {  	v38 =	vld.idx.msk [tilespmem:v44+s19+$0x0], $0xffff;
	[tilespmem:$0x1FA60] =	vst v0;
	v0 =	vor.u32 v18, v1  }
0x74: {  	v18 =	vld [tilespmem:$0x1FA60]  }
0x75: {  	v42 =	vmov v59;
	v59 =	vor.u32 v3, v1;
	v44 =	vld.idx.msk [tilespmem:v44+s20+$0x0], $0xffff  }
0x76: {  	v54 =	vld.idx.msk [tilespmem:v7+s19+$0x0], $0xffff  }
0x77: {  	v62 =	vld.idx.msk [tilespmem:v7+s20+$0x0], $0xffff;
	v61 =	vmul.f32 v63, v61;
	v63 =	vor.u32 v19, v1  }
0x78: {  	v7 =	vld.idx.msk [tilespmem:v0+s19+$0x0], $0xffff  }
0x79: {  	v20 =	vmovc v60;
	v61 =	vadd.f32 $0.0e+00, v61;
	v60 =	vmul.f32 v18, v56;
	v56 =	vld.idx.msk [tilespmem:v0+s20+$0x0], $0xffff;
	v0 =	vor.u32 v40, v1  }
0x7a: {  	v18 =	vld.idx.msk [tilespmem:v59+s19+$0x0], $0xffff  }
0x7b: {  	v60 =	vadd.f32 v60, v61;
	v61 =	vmul.f32 v44, v38;
	v38 =	vld.idx.msk [tilespmem:v59+s20+$0x0], $0xffff;
	v59 =	vor.u32 v21, v1  }
0x7c: {  	v44 =	vld.idx.msk [tilespmem:v63+s19+$0x0], $0xffff  }
0x7d: {  	v60 =	vadd.f32 v61, v60;
	v61 =	vmul.f32 v62, v54;
	v62 =	vld.idx.msk [tilespmem:v63+s20+$0x0], $0xffff;
	v63 =	vor.u32 v22, v1  }
0x7e: {  	v54 =	vld.idx.msk [tilespmem:v0+s19+$0x0], $0xffff  }
0x7f: {  	v60 =	vadd.f32 v61, v60;
	v61 =	vmul.f32 v56, v7;
	v56 =	vld.idx.msk [tilespmem:v0+s20+$0x0], $0xffff;
	v0 =	vor.u32 v23, v1  }
0x80: {  	v7 =	vld.idx.msk [tilespmem:v59+s19+$0x0], $0xffff  }
0x81: {  	v60 =	vadd.f32 v61, v60;
	v61 =	vmul.f32 v38, v18;
	v38 =	vld.idx.msk [tilespmem:v59+s20+$0x0], $0xffff;
	v59 =	vor.u32 v24, v1  }
0x82: {  	v18 =	vld.idx.msk [tilespmem:v63+s19+$0x0], $0xffff  }
0x83: {  	v60 =	vadd.f32 v61, v60;
	v61 =	vmul.f32 v62, v44;
	v62 =	vld.idx.msk [tilespmem:v63+s20+$0x0], $0xffff;
	v63 =	vor.u32 v25, v1  }
0x84: {  	v44 =	vld.idx.msk [tilespmem:v0+s19+$0x0], $0xffff  }
0x85: {  	v60 =	vadd.f32 v61, v60;
	v61 =	vmul.f32 v56, v54;
	v56 =	vld.idx.msk [tilespmem:v0+s20+$0x0], $0xffff;
	v0 =	vor.u32 v26, v1  }
0x86: {  	v54 =	vld.idx.msk [tilespmem:v59+s19+$0x0], $0xffff  }
0x87: {  	v60 =	vadd.f32 v61, v60;
	v61 =	vmul.f32 v38, v7;
	v38 =	vld.idx.msk [tilespmem:v59+s20+$0x0], $0xffff;
	v59 =	vor.u32 v27, v1  }
0x88: {  	v7 =	vld.idx.msk [tilespmem:v63+s19+$0x0], $0xffff  }
0x89: {  	v60 =	vadd.f32 v61, v60;
	v61 =	vmul.f32 v62, v18;
	v62 =	vld.idx.msk [tilespmem:v63+s20+$0x0], $0xffff;
	v63 =	vor.u32 v28, v1  }
0x8a: {  	v18 =	vld.idx.msk [tilespmem:v0+s19+$0x0], $0xffff  }
0x8b: {  	v60 =	vadd.f32 v61, v60;
	v61 =	vmul.f32 v56, v44;
	v56 =	vld.idx.msk [tilespmem:v0+s20+$0x0], $0xffff;
	v0 =	vor.u32 v29, v1  }
0x8c: {  	v44 =	vld.idx.msk [tilespmem:v59+s19+$0x0], $0xffff  }
0x8d: {  	v54 =	vmul.f32 v38, v54;
	v38 =	vld.idx.msk [tilespmem:v59+s20+$0x0], $0xffff;
	v59 =	vor.u32 v30, v1;
	v60 =	vadd.f32 v61, v60  }
0x8e: {  	v30 =	vld.idx.msk [tilespmem:v63+s19+$0x0], $0xffff  }
0x8f: {  	v60 =	vadd.f32 v54, v60;
	v54 =	vmul.f32 v62, v7;
	v62 =	vld.idx.msk [tilespmem:v63+s20+$0x0], $0xffff;
	v63 =	vor.u32 v31, v1  }
0x90: {  	v7 =	vld.idx.msk [tilespmem:v0+s19+$0x0], $0xffff  }
0x91: {  	v61 =	vmul.f32 v56, v18;
	v60 =	vadd.f32 v54, v60;
	v54 =	vld.idx.msk [tilespmem:v0+s20+$0x0], $0xffff;
	v0 =	vor.u32 v32, v1  }
0x92: {  	v18 =	vld.idx.msk [tilespmem:v59+s19+$0x0], $0xffff  }
0x93: {  	v60 =	vadd.f32 v61, v60;
	v61 =	vmul.f32 v38, v44;
	v38 =	vld.idx.msk [tilespmem:v59+s20+$0x0], $0xffff;
	v59 =	vor.u32 v33, v1  }
0x94: {  	v44 =	vld.idx.msk [tilespmem:v63+s19+$0x0], $0xffff  }
0x95: {  	v56 =	vmul.f32 v62, v30;
	v62 =	vld.idx.msk [tilespmem:v63+s20+$0x0], $0xffff;
	v63 =	vor.u32 v34, v1;
	v60 =	vadd.f32 v61, v60  }
0x96: {  	v30 =	vld.idx.msk [tilespmem:v0+s19+$0x0], $0xffff  }
0x97: {  	v61 =	vmul.f32 v54, v7;
	v54 =	vld.idx.msk [tilespmem:v0+s20+$0x0], $0xffff;
	v0 =	vor.u32 v35, v1;
	v60 =	vadd.f32 v56, v60  }
0x98: {  	v7 =	vld.idx.msk [tilespmem:v59+s19+$0x0], $0xffff  }
0x99: {  	v60 =	vadd.f32 v61, v60;
	v61 =	vmul.f32 v38, v18;
	v38 =	vld.idx.msk [tilespmem:v59+s20+$0x0], $0xffff;
	v59 =	vor.u32 v36, v1  }
0x9a: {  	v18 =	vld.idx.msk [tilespmem:v63+s19+$0x0], $0xffff  }
0x9b: {  	v56 =	vmul.f32 v62, v44;
	v62 =	vld.idx.msk [tilespmem:v63+s20+$0x0], $0xffff;
	v63 =	vor.u32 v39, v1;
	v60 =	vadd.f32 v61, v60  }
0x9c: {  	v44 =	vmov v39;
	v39 =	vld.idx.msk [tilespmem:v0+s19+$0x0], $0xffff  }
0x9d: {  	v61 =	vmul.f32 v54, v30;
	v36 =	vld.idx.msk [tilespmem:v0+s20+$0x0], $0xffff;
	v0 =	vor.u32 v43, v1;
	v60 =	vadd.f32 v56, v60  }
0x9e: {  	v54 =	vld.idx.msk [tilespmem:v59+s19+$0x0], $0xffff  }
0x9f: {  	v60 =	vadd.f32 v61, v60;
	v61 =	vmul.f32 v38, v7;
	v38 =	vld.idx.msk [tilespmem:v59+s20+$0x0], $0xffff;
	v59 =	vor.u32 v46, v1  }
0xa0: {  	v56 =	vmul.f32 v62, v18;
	v62 =	vld.idx.msk [tilespmem:v63+s20+$0x0], $0xffff  }
0xa1: {  	v7 =	vld.idx.msk [tilespmem:v63+s19+$0x0], $0xffff;
	v63 =	vor.u32 v57, v1  }
0xa2: {  	v18 =	vld.idx.msk [tilespmem:v0+s19+$0x0], $0xffff;
	v60 =	vadd.f32 v61, v60  }
0xa3: {  	v46 =	vmul.f32 v36, v39;
	v36 =	vld.idx.msk [tilespmem:v0+s20+$0x0], $0xffff;
	v0 =	vor.u32 v47, v1  }
0xa4: {  	v60 =	vadd.f32 v56, v60;
	v39 =	vld.idx.msk [tilespmem:v59+s19+$0x0], $0xffff  }
0xa5: {  	v54 =	vmul.f32 v38, v54;
	v38 =	vld.idx.msk [tilespmem:v59+s20+$0x0], $0xffff  }
0xa6: {  	v61 =	vmul.f32 v62, v7;
	v62 =	vld.idx.msk [tilespmem:v63+s20+$0x0], $0xffff;
	v60 =	vadd.f32 v46, v60  }
0xa7: {  	v59 =	vor.u32 v52, v1;
	v46 =	vld.idx.msk [tilespmem:v63+s19+$0x0], $0xffff  }
0xa8: {  	v7 =	vld.idx.msk [tilespmem:v0+s19+$0x0], $0xffff;
	v60 =	vadd.f32 v54, v60  }
0xa9: {  	v56 =	vmul.f32 v36, v18;
	v36 =	vld.idx.msk [tilespmem:v0+s20+$0x0], $0xffff  }
0xaa: {  	v60 =	vadd.f32 v61, v60  }
0xab: {  	v63 =	vor.u32 v48, v1;
	v0 =	vor.u32 v51, v1  }
0xac: {  	v54 =	vmov v48;
	v48 =	vld.idx.msk [tilespmem:v59+s19+$0x0], $0xffff;
	v51 =	vmul.f32 v38, v39;
	v60 =	vadd.f32 v56, v60  }
0xad: {  	v38 =	vld.idx.msk [tilespmem:v59+s20+$0x0], $0xffff;
	v59 =	vor.u32 v58, v1  }
0xae: {  	v56 =	vmovc v58;
	v58 =	vmul.f32 v62, v46;
	v60 =	vadd.f32 v51, v60;
	v51 =	vmul.f32 v36, v7  }
0xaf: {  	v36 =	vmovc v35;
	v35 =	vmovc v34;
	v34 =	vmov v33;
	v33 =	vmov v32;
	v32 =	vmov v31;
	v31 =	vld [tilespmem:$0x1FD30]  }
0xb0: {  	v39 =	vld.idx.msk [tilespmem:v63+s19+$0x0], $0xffff  }
0xb1: {  	v62 =	vld.idx.msk [tilespmem:v63+s20+$0x0], $0xffff;
	v60 =	vadd.f32 v58, v60  }
0xb2: {  	v46 =	vld.idx.msk [tilespmem:v0+s19+$0x0], $0xffff  }
0xb3: {  	v60 =	vadd.f32 v51, v60;
	v51 =	vld [tilespmem:$0x1FD40]  }
0xb4: {  	v58 =	vld.idx.msk [tilespmem:v0+s20+$0x0], $0xffff;
	v0 =	vor.u32 v31, v1;
	_ =	sdelay $0x1  }
0xb5: {  	v26 =	vmov v22;
	v22 =	vld [tilespmem:$0x1FD50];
	v63 =	vor.u32 v49, v1  }
0xb6: {  	v7 =	vld.idx.msk [tilespmem:v59+s19+$0x0], $0xffff;
	v61 =	vmul.f32 v38, v48  }
0xb7: {  	v38 =	vld.idx.msk [tilespmem:v59+s20+$0x0], $0xffff;
	v59 =	vor.u32 v51, v1  }
0xb8: {  	v60 =	vadd.f32 v61, v60;
	v61 =	vmul.f32 v62, v39;
	v39 =	vld.idx.msk [tilespmem:v0+s19+$0x0], $0xffff  }
0xb9: {  	v0 =	vld.idx.msk [tilespmem:v0+s20+$0x0], $0xffff  }
0xba: {  	v48 =	vld.idx.msk [tilespmem:v63+s19+$0x0], $0xffff  }
0xbb: {  	v62 =	vld.idx.msk [tilespmem:v63+s20+$0x0], $0xffff  }
0xbc: {  	v58 =	vmul.f32 v58, v46;
	v46 =	vld.idx.msk [tilespmem:v59+s19+$0x0], $0xffff  }
0xbd: {  	v63 =	vor.u32 v4, v1;
	v59 =	vld.idx.msk [tilespmem:v59+s20+$0x0], $0xffff  }
0xbe: {  	[tilespmem:$0x1FA70] =	vst v0  }
0xbf: {  	v38 =	vmul.f32 v38, v7;
	v60 =	vadd.f32 v61, v60;
	v7 =	vld [tilespmem:$0x1FA70]  }
0xc0: {  	v0 =	vor.u32 v53, v1  }
0xc1: {  	v60 =	vadd.f32 v58, v60  }
0xc2: {  	v58 =	vld.idx.msk [tilespmem:v63+s19+$0x0], $0xffff;
	[tilespmem:$0x1FA80] =	vst v59;
	v59 =	vor.u32 v22, v1  }
0xc3: {  	v60 =	vadd.f32 v38, v60;
	v38 =	vmul.f32 v62, v48;
	v62 =	vld.idx.msk [tilespmem:v63+s20+$0x0], $0xffff  }
0xc4: {  	v63 =	vor.u32 v50, v1;
	v39 =	vmul.f32 v7, v39;
	v7 =	vld [tilespmem:$0x1FA80]  }
0xc5: {  	v48 =	vld.idx.msk [tilespmem:v0+s19+$0x0], $0xffff  }
0xc6: {  	v50 =	vld.idx.msk [tilespmem:v0+s20+$0x0], $0xffff;
	v0 =	vor.u32 v20, v1  }
0xc7: {  	v60 =	vadd.f32 v38, v60;
	v20 =	vld.idx.msk [tilespmem:v59+s19+$0x0], $0xffff  }
0xc8: {  	v38 =	vld.idx.msk [tilespmem:v59+s20+$0x0], $0xffff;
	v59 =	vor.u32 v42, v1  }
0xc9: {  	v60 =	vadd.f32 v39, v60;
	v39 =	vld.idx.msk [tilespmem:v63+s19+$0x0], $0xffff;
	v46 =	vmul.f32 v7, v46  }
0xca: {  	v7 =	vmul.f32 v62, v58;
	v62 =	vld.idx.msk [tilespmem:v63+s20+$0x0], $0xffff;
	v63 =	vor.u32 v37, v1  }
0xcb: {  	v42 =	vld.idx.msk [tilespmem:v0+s19+$0x0], $0xffff;
	v60 =	vadd.f32 v46, v60  }
0xcc: {  	v37 =	vmul.f32 v50, v48;
	v48 =	vld.idx.msk [tilespmem:v0+s20+$0x0], $0xffff  }
0xcd: {  	v0 =	vor.u32 v6, v1;
	v6 =	vld.idx.msk [tilespmem:v59+s19+$0x0], $0xffff;
	v60 =	vadd.f32 v7, v60  }
0xce: {  	v50 =	vmul.f32 v38, v20;
	v38 =	vld.idx.msk [tilespmem:v59+s20+$0x0], $0xffff  }
0xcf: {  	v20 =	vld.idx.msk [tilespmem:v63+s19+$0x0], $0xffff;
	v60 =	vadd.f32 v37, v60  }
0xd0: {  	v7 =	vld.idx.msk [tilespmem:v63+s20+$0x0], $0xffff  }
0xd1: {  	v58 =	vmul.f32 v62, v39;
	v60 =	vadd.f32 v50, v60  }
0xd2: {  	v59 =	vor.u32 v11, v1  }
0xd3: {  	v11 =	vmul.f32 v48, v42;
	v60 =	vadd.f32 v58, v60;
	_ =	sdelay $0x1  }
0xd4: {  	v50 =	vmul.f32 v38, v6;
	v7 =	vmul.f32 v7, v20;
	v46 =	vadd.f32 v11, v60  }
0xd5: {  	v39 =	vmov v3;
	v3 =	vld [tilespmem:$0x1FC70]  }
0xd6: {  	v42 =	vld.idx.msk [tilespmem:v59+s19+$0x0], $0xffff;
	v6 =	vadd.f32 v50, v46  }
0xd7: {  	v58 =	vld.idx.msk [tilespmem:v59+s20+$0x0], $0xffff  }
0xd8: {  	v59 =	vadd.f32 v7, v6;
	v7 =	vmov v5;
	v5 =	vld [tilespmem:$0x1FC60];
	_ =	sdelay $0x4  }
0xd9: {  	v60 =	vor.u32 v10, v1;
	v6 =	vmov v19;
	v19 =	vsel vm0, v3, v5;
	v3 =	vld [tilespmem:$0x1FC50];
	_ =	sdelay $0x4  }
0xda: {  	v61 =	vor.u32 v41, v1;
	v38 =	vmul.f32 v58, v42;
	v42 =	vcombine.low v3, v19;
	v3 =	vld.idx.msk [tilespmem:v60+s20+$0x0], $0xffff;
	_ =	sdelay $0x2  }
0xdb: {  	v63 =	vor.u32 v9, v1;
	_ =	sdelay $0x1  }
0xdc: {  	[tilespmem:$0x1FA90] =	vst v3;
	v3 =	vld.idx.msk [tilespmem:v61+s19+$0x0], $0xffff  }
0xdd: {  	v9 =	vld.idx.msk [tilespmem:v0+s19+$0x0], $0xffff  }
0xde: {  	v37 =	vld.idx.msk [tilespmem:v0+s20+$0x0], $0xffff;
	v0 =	vor.u32 v14, v1  }
0xdf: {  	v11 =	vld.idx.msk [tilespmem:v63+s19+$0x0], $0xffff  }
0xe0: {  	v46 =	vld.idx.msk [tilespmem:v63+s20+$0x0], $0xffff  }
0xe1: {  	[tilespmem:$0x1FAA0] =	vst v3;
	v3 =	vld.idx.msk [tilespmem:v61+s20+$0x0], $0xffff;
	_ =	sdelay $0x1  }
0xe2: {  	v62 =	vmul.f32 v37, v9;
	v9 =	vld.idx.msk [tilespmem:v0+s20+$0x0], $0xffff  }
0xe3: {  	v50 =	vld.idx.msk [tilespmem:v0+s19+$0x0], $0xffff  }
0xe4: {  	v46 =	vmul.f32 v46, v11;
	v11 =	vld [tilespmem:$0x1FBD0]  }
0xe5: {  	v0 =	vor.u32 v12, v1;
	[tilespmem:$0x1FAB0] =	vst v3;
	v3 =	vld [tilespmem:$0x1FBC0];
	_ =	sdelay $0x2  }
0xe6: {  	v37 =	vadd.f32 v62, v59;
	_ =	sdelay $0x1  }
0xe7: {  	v62 =	vadd.f32 v38, v37;
	v38 =	vsel vm0, v11, v3;
	v3 =	vld.idx.msk [tilespmem:v0+s19+$0x0], $0xffff;
	_ =	sdelay $0x3  }
0xe8: {  	v0 =	vld.idx.msk [tilespmem:v0+s20+$0x0], $0xffff  }
0xe9: {  	[tilespmem:$0x1FAC0] =	vst v3;
	v3 =	vld [tilespmem:$0x1FC10];
	_ =	sdelay $0x3  }
0xea: {  	[tilespmem:$0x1FAD0] =	vst v0;
	v0 =	vld [tilespmem:$0x1FBE0]  }
0xeb: {  	v62 =	vadd.f32 v46, v62;
	v46 =	vmul.f32 v9, v50;
	v50 =	vcombine.low v38, v3;
	v3 =	vld [tilespmem:$0x1FBF0];
	_ =	sdelay $0x2  }
0xec: {  	v48 =	vld.idx.msk [tilespmem:v60+s19+$0x0], $0xffff  }
0xed: {  	v59 =	vld [tilespmem:$0x1FD60]  }
0xee: {  	v0 =	vsel vm0, v3, v0;
	v3 =	vld [tilespmem:$0x1FA90];
	_ =	sdelay $0x4  }
0xef: {  	v60 =	vor.u32 v59, v1;
	v38 =	vmul.f32 v3, v48;
	v3 =	vld [tilespmem:$0x1FC20];
	_ =	sdelay $0x4  }
0xf0: {  	v48 =	vcombine.low v0, v3;
	v0 =	vld.idx.msk [tilespmem:v60+s20+$0x0], $0xffff;
	_ =	sdelay $0x4  }
0xf1: {  	[tilespmem:$0x1FAE0] =	vst v0;
	v0 =	vld [tilespmem:$0x1FC40];
	_ =	sdelay $0x3  }
0xf2: {  	v63 =	vld [tilespmem:$0x1FAB0]  }
0xf3: {  	v58 =	vmov v4;
	v4 =	vadd.f32 v46, v62;
	v46 =	vsel vm0, v5, v0;
	v0 =	vld [tilespmem:$0x1FAA0];
	_ =	sdelay $0x2  }
0xf4: {  	v37 =	vor.u32 v42, v1;
	_ =	sdelay $0x1  }
0xf5: {  	v11 =	vor.u32 v15, v1;
	v15 =	vmul.f32 v63, v0;
	v0 =	vld [tilespmem:$0x1FC80];
	_ =	sdelay $0x2  }
0xf6: {  	v62 =	vld.idx.msk [tilespmem:v37+s19+$0x0], $0xffff  }
0xf7: {  	v3 =	vld [tilespmem:$0x1FC30]  }
0xf8: {  	v5 =	vcombine.low v46, v0;
	v0 =	vld.idx.msk [tilespmem:v37+s20+$0x0], $0xffff  }
0xf9: {  	v37 =	vld [tilespmem:$0x1FC00];
	_ =	sdelay $0x3  }
0xfa: {  	v46 =	vld [tilespmem:$0x1FAD0]  }
0xfb: {  	v14 =	vadd.f32 v38, v4;
	v38 =	vsel vm0, v3, v37;
	v3 =	vld [tilespmem:$0x1FAC0];
	_ =	sdelay $0x4  }
0xfc: {  	v14 =	vadd.f32 v15, v14;
	v15 =	vmul.f32 v46, v3;
	v3 =	vld [tilespmem:$0x1FC90];
	_ =	sdelay $0x1  }
0xfd: {  	v61 =	vld.idx.msk [tilespmem:v60+s19+$0x0], $0xffff  }
0xfe: {  	v63 =	vld.idx.msk [tilespmem:v11+s19+$0x0], $0xffff  }
0xff: {  	v9 =	vor.u32 v50, v1;
	v11 =	vld.idx.msk [tilespmem:v11+s20+$0x0], $0xffff  }
0x100: {  	v60 =	vmov v9;
	v20 =	vcombine.low v38, v3;
	v38 =	vld [tilespmem:$0x1FAE0];
	_ =	sdelay $0x3  }
0x101: {  	[tilespmem:$0x1FB00] =	vst v11  }
0x102: {  	[tilespmem:$0x1FAF0] =	vst v0;
	v0 =	vor.u32 v48, v1;
	v11 =	vmul.f32 v38, v61;
	v61 =	vld.idx.msk [tilespmem:v60+s20+$0x0], $0xffff  }
0x103: {  	v60 =	vld [tilespmem:$0x1FAF0];
	_ =	sdelay $0x1  }
0x104: {  	v3 =	vadd.f32 v15, v14;
	_ =	sdelay $0x1  }
0x105: {  	v3 =	vadd.f32 v11, v3;
	v11 =	vld.idx.msk [tilespmem:v0+s19+$0x0], $0xffff  }
0x106: {  	v14 =	vmul.f32 v60, v62;
	v62 =	vld.idx.msk [tilespmem:v0+s20+$0x0], $0xffff  }
0x107: {  	v0 =	vld [tilespmem:$0x1FB00]  }
0x108: {  	v4 =	vmov v42;
	v42 =	vor.u32 v5, v1;
	_ =	sdelay $0x1  }
0x109: {  	v46 =	vor.u32 v20, v1  }
0x10a: {  	v9 =	vld.idx.msk [tilespmem:v9+s19+$0x0], $0xffff  }
0x10b: {  	v3 =	vadd.f32 v14, v3;
	v14 =	vmul.f32 v0, v63;
	v0 =	vld [tilespmem:$0x1FCA0]  }
0x10c: {  	v37 =	vld.idx.msk [tilespmem:v42+s19+$0x0], $0xffff  }
0x10d: {  	v42 =	vld.idx.msk [tilespmem:v42+s20+$0x0], $0xffff;
	v60 =	vmov v55;
	v55 =	vor.u32 v55, v1  }
0x10e: {  	v38 =	vld.idx.msk [tilespmem:v46+s20+$0x0], $0xffff  }
0x10f: {  	v30 =	vmov v24;
	v24 =	vmov v8;
	v63 =	vor.u32 v8, v1;
	v8 =	vld [tilespmem:$0x1FF00]  }
0x110: {  	v18 =	vcombine.low v19, v0;
	v19 =	vld.idx.msk [tilespmem:v46+s19+$0x0], $0xffff  }
0x111: {  	v0 =	vadd.f32 v14, v3;
	v3 =	vmul.f32 v61, v9  }
0x112: {  	v46 =	vld.idx.msk [tilespmem:v55+s19+$0x0], $0xffff;
	v61 =	vor.u32 v18, v1  }
0x113: {  	v55 =	vld.idx.msk [tilespmem:v55+s20+$0x0], $0xffff;
	v0 =	vadd.f32 v3, v0;
	v3 =	vmul.f32 v62, v11  }
0x114: {  	v14 =	vor.u32 v8, v1;
	v11 =	vld.idx.msk [tilespmem:v63+s19+$0x0], $0xffff  }
0x115: {  	v0 =	vadd.f32 v3, v0;
	v3 =	vmul.f32 v42, v37;
	v19 =	vmul.f32 v38, v19;
	v38 =	vld [tilespmem:$0x1FCB0]  }
0x116: {  	v42 =	vld.idx.msk [tilespmem:v63+s20+$0x0], $0xffff;
	v63 =	vor.u32 v45, v1  }
0x117: {  	v15 =	vadd.f32 v3, v0;
	v37 =	vld.idx.msk [tilespmem:v61+s19+$0x0], $0xffff  }
0x118: {  	v3 =	vor.u32 v7, v1;
	v0 =	vld.idx.msk [tilespmem:v61+s20+$0x0], $0xffff  }
0x119: {  	v62 =	vld.idx.msk [tilespmem:v14+s20+$0x0], $0xffff;
	v61 =	vmul.f32 v55, v46;
	v15 =	vadd.f32 v19, v15  }
0x11a: {  	v19 =	vld.idx.msk [tilespmem:v14+s19+$0x0], $0xffff;
	v1 =	vor.u32 v38, v1  }
0x11b: {  	v55 =	vld.idx.msk [tilespmem:v63+s19+$0x0], $0xffff;
	v42 =	vmul.f32 v42, v11;
	v15 =	vadd.f32 v61, v15  }
0x11c: {  	v14 =	vld.idx.msk [tilespmem:v63+s20+$0x0], $0xffff  }
0x11d: {  	v61 =	vld.idx.msk [tilespmem:v3+s19+$0x0], $0xffff;
	v15 =	vadd.f32 v42, v15;
	v37 =	vmul.f32 v0, v37  }
0x11e: {  	v3 =	vld.idx.msk [tilespmem:v3+s20+$0x0], $0xffff  }
0x11f: {  	v19 =	vmul.f32 v62, v19;
	v15 =	vadd.f32 v37, v15;
	v0 =	vld.idx.msk [tilespmem:v1+s19+$0x0], $0xffff  }
0x120: {  	v62 =	vld.idx.msk [tilespmem:v1+s20+$0x0], $0xffff  }
0x121: {  	v1 =	vmul.f32 v14, v55;
	v15 =	vadd.f32 v19, v15;
	_ =	sdelay $0x1  }
0x122: {  	v7 =	vadd.f32 v1, v15;
	v1 =	vmul.f32 v3, v61;
	_ =	sdelay $0x1  }
0x123: {  	v3 =	vadd.f32 v1, v7;
	v1 =	vmul.f32 v62, v0;
	_ =	sdelay $0x1  }
0x124: {  	v1 =	vadd.f32 v1, v3;
	_ =	sdelay $0x1  }
0x125: {  	v1 =	vsub.f32 $0.0e+00, v1;
	_ =	sdelay $0x1  }
0x126: {  	v1 =	vmul.f32 $1.442695020e+00, v1;
	_ =	sdelay $0x1  }
0x127: {  	(erf) = vpow2.f32 v1;
	_ =	sdelay $0x8  }
0x128: {  	v1 =	vpop (erf)  }
0x129: {  	v1 =	vadd.f32 $1.000000000e+00, v1;
	_ =	sdelay $0x1  }
0x12a: {  	(erf) = vrcp.f32 v1;
	_ =	sdelay $0x1  }
0x12b: {  	s12 =	simm.s32 $0x10  }
0x12c: {  	v55 =	vmov v41;
	v41 =	vld [tilespmem:$0x1FF50];
	v1 =	vmov s12  }
0x12d: {  	v1 =	vshll.u32 v1, $0x6  }
0x12e: {  	v1 =	vor.u32 v2, v1  }
0x12f: {  	v63 =	vor.u32 v13, v1  }
0x130: {  	v61 =	vld [tilespmem:$0x1FF40]  }
0x131: {  	v0 =	vor.u32 v41, v1  }
0x132: {  	s11 =	simm.s32 $0x174A0;
	v37 =	vpop (erf)  }
0x133: {  	v3 =	vor.u32 v16, v1;
	[tilespmem:s11+$0x0] =	vst v37  }
0x134: {  	v16 =	vld.idx.msk [tilespmem:v63+s20+$0x0], $0xffff  }
0x135: {  	v15 =	vor.u32 v61, v1;
	v19 =	vld.idx.msk [tilespmem:v63+s19+$0x0], $0xffff  }
0x136: {  	v63 =	vmov v17;
	v17 =	vor.u32 v17, v1;
	v42 =	vld.idx.msk [tilespmem:v0+s19+$0x0], $0xffff  }
0x137: {  	v46 =	vld.idx.msk [tilespmem:v0+s20+$0x0], $0xffff  }
0x138: {  	v14 =	vld.idx.msk [tilespmem:v3+s19+$0x0], $0xffff  }
0x139: {  	v0 =	vld.idx.msk [tilespmem:v3+s20+$0x0], $0xffff;
	v3 =	vor.u32 v39, v1  }
0x13a: {  	v62 =	vld.idx.msk [tilespmem:v15+s20+$0x0], $0xffff  }
0x13b: {  	v9 =	vld.idx.msk [tilespmem:v17+s19+$0x0], $0xffff;
	v16 =	vmul.f32 v16, v19;
	v19 =	vor.u32 v6, v1  }
0x13c: {  	v17 =	vld.idx.msk [tilespmem:v17+s20+$0x0], $0xffff  }
0x13d: {  	v6 =	vld.idx.msk [tilespmem:v15+s19+$0x0], $0xffff;
	v7 =	vmul.f32 v46, v42;
	v46 =	vor.u32 v40, v1;
	v16 =	vadd.f32 $0.0e+00, v16  }
0x13e: {  	v11 =	vld.idx.msk [tilespmem:v3+s19+$0x0], $0xffff  }
0x13f: {  	v0 =	vmul.f32 v0, v14;
	v14 =	vld.idx.msk [tilespmem:v3+s20+$0x0], $0xffff;
	v42 =	vor.u32 v21, v1;
	v7 =	vadd.f32 v7, v16  }
0x140: {  	v16 =	vld.idx.msk [tilespmem:v19+s19+$0x0], $0xffff  }
0x141: {  	v3 =	vmul.f32 v17, v9;
	v17 =	vld.idx.msk [tilespmem:v19+s20+$0x0], $0xffff;
	v19 =	vor.u32 v26, v1;
	v0 =	vadd.f32 v0, v7  }
0x142: {  	v9 =	vld.idx.msk [tilespmem:v46+s19+$0x0], $0xffff  }
0x143: {  	v0 =	vadd.f32 v3, v0;
	v3 =	vmul.f32 v62, v6;
	v62 =	vld.idx.msk [tilespmem:v46+s20+$0x0], $0xffff  }
0x144: {  	v37 =	vor.u32 v23, v1;
	v23 =	vmov v30;
	v46 =	vld.idx.msk [tilespmem:v42+s19+$0x0], $0xffff  }
0x145: {  	v30 =	vor.u32 v30, v1;
	v42 =	vld.idx.msk [tilespmem:v42+s20+$0x0], $0xffff;
	v0 =	vadd.f32 v3, v0;
	v3 =	vmul.f32 v14, v11  }
0x146: {  	v11 =	vld.idx.msk [tilespmem:v19+s19+$0x0], $0xffff  }
0x147: {  	v0 =	vadd.f32 v3, v0;
	v3 =	vmul.f32 v17, v16;
	v17 =	vld.idx.msk [tilespmem:v19+s20+$0x0], $0xffff  }
0x148: {  	v19 =	vor.u32 v25, v1;
	v25 =	vld [tilespmem:$0x1FFC0];
	_ =	sdelay $0x1  }
0x149: {  	v0 =	vadd.f32 v3, v0;
	v3 =	vmul.f32 v62, v9;
	v9 =	vld.idx.msk [tilespmem:v30+s19+$0x0], $0xffff  }
0x14a: {  	v30 =	vld.idx.msk [tilespmem:v30+s20+$0x0], $0xffff  }
0x14b: {  	v16 =	vld.idx.msk [tilespmem:v37+s19+$0x0], $0xffff  }
0x14c: {  	v62 =	vld.idx.msk [tilespmem:v37+s20+$0x0], $0xffff;
	v0 =	vadd.f32 v3, v0;
	v3 =	vmul.f32 v42, v46;
	v37 =	vor.u32 v25, v1  }
0x14d: {  	v39 =	vld [tilespmem:$0x1FE80]  }
0x14e: {  	v42 =	vor.u32 v27, v1;
	v46 =	vld.idx.msk [tilespmem:v19+s19+$0x0], $0xffff;
	v0 =	vadd.f32 v3, v0;
	v3 =	vmul.f32 v17, v11  }
0x14f: {  	v9 =	vmul.f32 v30, v9;
	v30 =	vld [tilespmem:$0x1FE00]  }
0x150: {  	v17 =	vld.idx.msk [tilespmem:v19+s20+$0x0], $0xffff;
	v19 =	vor.u32 v28, v1;
	v0 =	vadd.f32 v3, v0  }
0x151: {  	v3 =	vmul.f32 v62, v16;
	v11 =	vld.idx.msk [tilespmem:v37+s19+$0x0], $0xffff  }
0x152: {  	v62 =	vld.idx.msk [tilespmem:v37+s20+$0x0], $0xffff;
	v37 =	vor.u32 v29, v1  }
0x153: {  	v16 =	vld.idx.msk [tilespmem:v42+s19+$0x0], $0xffff;
	v3 =	vadd.f32 v3, v0  }
0x154: {  	v42 =	vld.idx.msk [tilespmem:v42+s20+$0x0], $0xffff;
	v0 =	vmov v10;
	v10 =	vor.u32 v30, v1  }
0x155: {  	v6 =	vmul.f32 v17, v46;
	v17 =	vld.idx.msk [tilespmem:v19+s20+$0x0], $0xffff;
	v3 =	vadd.f32 v9, v3  }
0x156: {  	v9 =	vld.idx.msk [tilespmem:v19+s19+$0x0], $0xffff;
	v19 =	vor.u32 v32, v1  }
0x157: {  	v3 =	vadd.f32 v6, v3;
	v46 =	vld.idx.msk [tilespmem:v37+s19+$0x0], $0xffff;
	v11 =	vmul.f32 v62, v11  }
0x158: {  	v21 =	vmov v26;
	v26 =	vld.idx.msk [tilespmem:v37+s20+$0x0], $0xffff;
	v62 =	vor.u32 v33, v1  }
0x159: {  	v3 =	vadd.f32 v11, v3;
	v11 =	vld.idx.msk [tilespmem:v10+s19+$0x0], $0xffff  }
0x15a: {  	v7 =	vmov v12;
	v12 =	vmul.f32 v42, v16;
	v10 =	vld.idx.msk [tilespmem:v10+s20+$0x0], $0xffff  }
0x15b: {  	v37 =	vor.u32 v34, v1;
	v16 =	vld.idx.msk [tilespmem:v19+s19+$0x0], $0xffff  }
0x15c: {  	v42 =	vor.u32 v35, v1;
	v9 =	vmul.f32 v17, v9;
	v17 =	vld.idx.msk [tilespmem:v19+s20+$0x0], $0xffff;
	v3 =	vadd.f32 v12, v3  }
0x15d: {  	v6 =	vmul.f32 v26, v46;
	v26 =	vld.idx.msk [tilespmem:v62+s20+$0x0], $0xffff  }
0x15e: {  	v3 =	vadd.f32 v9, v3;
	v9 =	vld.idx.msk [tilespmem:v62+s19+$0x0], $0xffff  }
0x15f: {  	v14 =	vld [tilespmem:$0x1FEC0]  }
0x160: {  	v46 =	vor.u32 v36, v1;
	v11 =	vmul.f32 v10, v11;
	v10 =	vld.idx.msk [tilespmem:v37+s20+$0x0], $0xffff  }
0x161: {  	v12 =	vmul.f32 v17, v16;
	v16 =	vld.idx.msk [tilespmem:v42+s20+$0x0], $0xffff;
	v3 =	vadd.f32 v6, v3  }
0x162: {  	v6 =	vld.idx.msk [tilespmem:v37+s19+$0x0], $0xffff;
	v37 =	vor.u32 v39, v1  }
0x163: {  	v3 =	vadd.f32 v11, v3;
	v9 =	vmul.f32 v26, v9;
	v26 =	vld [tilespmem:$0x1FF70]  }
0x164: {  	v17 =	vor.u32 v44, v1;
	v11 =	vld.idx.msk [tilespmem:v42+s19+$0x0], $0xffff  }
0x165: {  	v15 =	vld.idx.msk [tilespmem:v46+s19+$0x0], $0xffff;
	v3 =	vadd.f32 v12, v3  }
0x166: {  	v19 =	vmov v44;
	v44 =	vor.u32 v43, v1;
	v42 =	vld.idx.msk [tilespmem:v46+s20+$0x0], $0xffff  }
0x167: {  	v6 =	vmul.f32 v10, v6;
	v3 =	vadd.f32 v9, v3;
	v9 =	vld.idx.msk [tilespmem:v37+s19+$0x0], $0xffff  }
0x168: {  	v62 =	vmov v53;
	v37 =	vld.idx.msk [tilespmem:v37+s20+$0x0], $0xffff;
	v53 =	vor.u32 v26, v1  }
0x169: {  	v11 =	vmul.f32 v16, v11;
	v16 =	vld.idx.msk [tilespmem:v17+s20+$0x0], $0xffff;
	v3 =	vadd.f32 v6, v3  }
0x16a: {  	v6 =	vld.idx.msk [tilespmem:v17+s19+$0x0], $0xffff;
	v17 =	vor.u32 v57, v1  }
0x16b: {  	v12 =	vmul.f32 v42, v15;
	v42 =	vld.idx.msk [tilespmem:v44+s20+$0x0], $0xffff;
	v3 =	vadd.f32 v11, v3  }
0x16c: {  	v11 =	vld.idx.msk [tilespmem:v44+s19+$0x0], $0xffff;
	v44 =	vor.u32 v47, v1  }
0x16d: {  	v9 =	vmul.f32 v37, v9;
	v3 =	vadd.f32 v12, v3;
	v15 =	vld.idx.msk [tilespmem:v53+s19+$0x0], $0xffff  }
0x16e: {  	v37 =	vld.idx.msk [tilespmem:v53+s20+$0x0], $0xffff;
	v53 =	vor.u32 v52, v1  }
0x16f: {  	v6 =	vmul.f32 v16, v6;
	v16 =	vld.idx.msk [tilespmem:v17+s20+$0x0], $0xffff;
	v3 =	vadd.f32 v9, v3  }
0x170: {  	v9 =	vld.idx.msk [tilespmem:v17+s19+$0x0], $0xffff;
	v17 =	vor.u32 v54, v1  }
0x171: {  	v11 =	vmul.f32 v42, v11;
	v42 =	vld.idx.msk [tilespmem:v44+s20+$0x0], $0xffff;
	v3 =	vadd.f32 v6, v3  }
0x172: {  	v6 =	vld.idx.msk [tilespmem:v44+s19+$0x0], $0xffff;
	v44 =	vor.u32 v14, v1  }
0x173: {  	v3 =	vadd.f32 v11, v3;
	v11 =	vld.idx.msk [tilespmem:v53+s19+$0x0], $0xffff  }
0x174: {  	v12 =	vmul.f32 v37, v15;
	v37 =	vld.idx.msk [tilespmem:v53+s20+$0x0], $0xffff;
	v53 =	vor.u32 v56, v1  }
0x175: {  	v15 =	vld.idx.msk [tilespmem:v17+s19+$0x0], $0xffff  }
0x176: {  	v9 =	vmul.f32 v16, v9;
	v16 =	vld.idx.msk [tilespmem:v17+s20+$0x0], $0xffff;
	v17 =	vor.u32 v49, v1;
	v3 =	vadd.f32 v12, v3  }
0x177: {  	v6 =	vmul.f32 v42, v6;
	v42 =	vld.idx.msk [tilespmem:v44+s20+$0x0], $0xffff  }
0x178: {  	v3 =	vadd.f32 v9, v3;
	v9 =	vld.idx.msk [tilespmem:v44+s19+$0x0], $0xffff  }
0x179: {  	v44 =	vor.u32 v31, v1;
	v10 =	vld.idx.msk [tilespmem:v53+s20+$0x0], $0xffff  }
0x17a: {  	v3 =	vadd.f32 v6, v3;
	v6 =	vld.idx.msk [tilespmem:v53+s19+$0x0], $0xffff  }
0x17b: {  	v11 =	vmul.f32 v37, v11;
	v37 =	vor.u32 v51, v1;
	v53 =	vld.idx.msk [tilespmem:v17+s19+$0x0], $0xffff  }
0x17c: {  	v12 =	vmul.f32 v16, v15;
	v15 =	vld.idx.msk [tilespmem:v17+s20+$0x0], $0xffff  }
0x17d: {  	v3 =	vadd.f32 v11, v3  }
0x17e: {  	v17 =	vor.u32 v58, v1;
	v16 =	vld.idx.msk [tilespmem:v44+s19+$0x0], $0xffff  }
0x17f: {  	v9 =	vmul.f32 v42, v9;
	v42 =	vld.idx.msk [tilespmem:v44+s20+$0x0], $0xffff;
	v3 =	vadd.f32 v12, v3  }
0x180: {  	v44 =	vor.u32 v62, v1;
	v6 =	vmul.f32 v10, v6;
	v10 =	vld.idx.msk [tilespmem:v37+s20+$0x0], $0xffff  }
0x181: {  	v11 =	vmul.f32 v15, v53;
	v15 =	vld [tilespmem:$0x1FD20];
	v3 =	vadd.f32 v9, v3  }
0x182: {  	v9 =	vld.idx.msk [tilespmem:v37+s19+$0x0], $0xffff  }
0x183: {  	v37 =	vor.u32 v22, v1;
	v3 =	vadd.f32 v6, v3;
	v6 =	vld.idx.msk [tilespmem:v17+s19+$0x0], $0xffff  }
0x184: {  	v17 =	vld.idx.msk [tilespmem:v17+s20+$0x0], $0xffff  }
0x185: {  	v12 =	vmul.f32 v42, v16;
	v42 =	vld.idx.msk [tilespmem:v44+s20+$0x0], $0xffff;
	v3 =	vadd.f32 v11, v3  }
0x186: {  	v46 =	vmov v58;
	v58 =	vor.u32 v15, v1;
	v15 =	vld [tilespmem:$0x1FD10]  }
0x187: {  	v11 =	vld.idx.msk [tilespmem:v44+s19+$0x0], $0xffff;
	v9 =	vmul.f32 v10, v9;
	v3 =	vadd.f32 v12, v3  }
0x188: {  	v16 =	vld.idx.msk [tilespmem:v37+s19+$0x0], $0xffff  }
0x189: {  	v12 =	vadd.f32 v9, v3;
	v3 =	vld [tilespmem:$0x1FCF0]  }
0x18a: {  	v10 =	vld.idx.msk [tilespmem:v37+s20+$0x0], $0xffff  }
0x18b: {  	v44 =	vor.u32 v15, v1;
	v15 =	vld [tilespmem:$0x1FD00]  }
0x18c: {  	v6 =	vmul.f32 v17, v6;
	v37 =	vld.idx.msk [tilespmem:v58+s19+$0x0], $0xffff  }
0x18d: {  	v53 =	vld.idx.msk [tilespmem:v58+s20+$0x0], $0xffff  }
0x18e: {  	v11 =	vmul.f32 v42, v11;
	v58 =	vor.u32 v3, v1;
	v3 =	vadd.f32 v6, v12;
	_ =	sdelay $0x1  }
0x18f: {  	v16 =	vmul.f32 v10, v16;
	v40 =	vor.u32 v15, v1;
	v15 =	vld.idx.msk [tilespmem:v44+s19+$0x0], $0xffff;
	v12 =	vadd.f32 v11, v3  }
0x190: {  	v42 =	vld.idx.msk [tilespmem:v44+s20+$0x0], $0xffff  }
0x191: {  	v37 =	vmul.f32 v53, v37;
	v12 =	vadd.f32 v16, v12;
	_ =	sdelay $0x1  }
0x192: {  	v12 =	vadd.f32 v37, v12;
	_ =	sdelay $0x1  }
0x193: {  	[tilespmem:$0x1FB10] =	vst v12;
	v12 =	vmul.f32 v42, v15  }
0x194: {  	v6 =	vld [tilespmem:$0x1FF20]  }
0x195: {  	v15 =	vld [tilespmem:$0x1FB10];
	[tilespmem:$0x1FB20] =	vst v12  }
0x196: {  	v37 =	vld [tilespmem:$0x1FB20]  }
0x197: {  	v9 =	vld [tilespmem:$0x1FF30]  }
0x198: {  	v11 =	vld [tilespmem:$0x1FF10]  }
0x199: {  	v16 =	vld.idx.msk [tilespmem:v58+s19+$0x0], $0xffff  }
0x19a: {  	v17 =	vld.idx.msk [tilespmem:v40+s19+$0x0], $0xffff  }
0x19b: {  	v44 =	vor.u32 v6, v1;
	v42 =	vld [tilespmem:$0x1FD80];
	v15 =	vadd.f32 v37, v15  }
0x19c: {  	v10 =	vld.idx.msk [tilespmem:v40+s20+$0x0], $0xffff  }
0x19d: {  	v53 =	vld.idx.msk [tilespmem:v58+s20+$0x0], $0xffff;
	v58 =	vor.u32 v9, v1;
	[tilespmem:$0x1FB30] =	vst v15  }
0x19e: {  	v3 =	vmov v45;
	v45 =	vor.u32 v11, v1;
	v37 =	vld [tilespmem:$0x1FB30];
	_ =	sdelay $0x1  }
0x19f: {  	v40 =	vld.idx.msk [tilespmem:v44+s19+$0x0], $0xffff;
	v12 =	vor.u32 v42, v1  }
0x1a0: {  	v44 =	vld.idx.msk [tilespmem:v44+s20+$0x0], $0xffff;
	v17 =	vmul.f32 v10, v17  }
0x1a1: {  	v16 =	vmul.f32 v53, v16;
	v53 =	vld.idx.msk [tilespmem:v58+s20+$0x0], $0xffff  }
0x1a2: {  	v15 =	vld.idx.msk [tilespmem:v45+s19+$0x0], $0xffff;
	v17 =	vadd.f32 v17, v37  }
0x1a3: {  	v0 =	vor.u32 v0, v1;
	v45 =	vld.idx.msk [tilespmem:v45+s20+$0x0], $0xffff  }
0x1a4: {  	v17 =	vadd.f32 v16, v17;
	v16 =	vld.idx.msk [tilespmem:v12+s19+$0x0], $0xffff  }
0x1a5: {  	v12 =	vld.idx.msk [tilespmem:v12+s20+$0x0], $0xffff  }
0x1a6: {  	v10 =	vld.idx.msk [tilespmem:v58+s19+$0x0], $0xffff;
	v58 =	vmul.f32 v44, v40;
	v40 =	vor.u32 v7, v1  }
0x1a7: {  	v55 =	vor.u32 v55, v1  }
0x1a8: {  	v37 =	vadd.f32 v58, v17;
	v17 =	vld.idx.msk [tilespmem:v0+s19+$0x0], $0xffff  }
0x1a9: {  	v15 =	vmul.f32 v45, v15;
	v0 =	vld.idx.msk [tilespmem:v0+s20+$0x0], $0xffff  }
0x1aa: {  	[tilespmem:$0x1FB40] =	vst v4;
	v44 =	vor.u32 v59, v1;
	v16 =	vmul.f32 v12, v16;
	v12 =	vld [tilespmem:$0x1FD90]  }
0x1ab: {  	v10 =	vmul.f32 v53, v10;
	v53 =	vor.u32 v4, v1;
	v4 =	vld.idx.msk [tilespmem:v40+s19+$0x0], $0xffff;
	v58 =	vadd.f32 v15, v37  }
0x1ac: {  	v45 =	vld.idx.msk [tilespmem:v55+s20+$0x0], $0xffff  }
0x1ad: {  	v15 =	vld.idx.msk [tilespmem:v55+s19+$0x0], $0xffff;
	v10 =	vadd.f32 v10, v58  }
0x1ae: {  	v40 =	vld.idx.msk [tilespmem:v40+s20+$0x0], $0xffff  }
0x1af: {  	v58 =	vmul.f32 v0, v17;
	v0 =	vld.idx.msk [tilespmem:v44+s20+$0x0], $0xffff;
	v16 =	vadd.f32 v16, v10;
	v55 =	vor.u32 v12, v1  }
0x1b0: {  	v10 =	vld.idx.msk [tilespmem:v44+s19+$0x0], $0xffff  }
0x1b1: {  	v17 =	vor.u32 v50, v1;
	v37 =	vadd.f32 v58, v16;
	v16 =	vld.idx.msk [tilespmem:v53+s19+$0x0], $0xffff  }
0x1b2: {  	v15 =	vmul.f32 v45, v15;
	v53 =	vld.idx.msk [tilespmem:v53+s20+$0x0], $0xffff  }
0x1b3: {  	v58 =	vor.u32 v48, v1  }
0x1b4: {  	[tilespmem:$0x1FB50] =	vst v50;
	v4 =	vmul.f32 v40, v4;
	v50 =	vadd.f32 v15, v37;
	v15 =	vld.idx.msk [tilespmem:v55+s19+$0x0], $0xffff  }
0x1b5: {  	[tilespmem:$0x1FB70] =	vst v5;
	v40 =	vld.idx.msk [tilespmem:v55+s20+$0x0], $0xffff  }
0x1b6: {  	v37 =	vor.u32 v5, v1;
	v5 =	vld.idx.msk [tilespmem:v17+s19+$0x0], $0xffff;
	v10 =	vmul.f32 v0, v10;
	v4 =	vadd.f32 v4, v50  }
0x1b7: {  	v0 =	vld.idx.msk [tilespmem:v17+s20+$0x0], $0xffff;
	v16 =	vmul.f32 v53, v16  }
0x1b8: {  	v55 =	vmov v60;
	v60 =	vor.u32 v60, v1;
	v50 =	vadd.f32 v10, v4;
	v10 =	vld.idx.msk [tilespmem:v58+s19+$0x0], $0xffff  }
0x1b9: {  	v17 =	vor.u32 v20, v1;
	v58 =	vld.idx.msk [tilespmem:v58+s20+$0x0], $0xffff  }
0x1ba: {  	v4 =	vadd.f32 v16, v50;
	v15 =	vmul.f32 v40, v15  }
0x1bb: {  	v16 =	vld.idx.msk [tilespmem:v37+s19+$0x0], $0xffff  }
0x1bc: {  	v0 =	vmul.f32 v0, v5;
	v40 =	vld.idx.msk [tilespmem:v37+s20+$0x0], $0xffff;
	v37 =	vadd.f32 v15, v4  }
0x1bd: {  	v50 =	vor.u32 v24, v1;
	v44 =	vld.idx.msk [tilespmem:v60+s20+$0x0], $0xffff  }
0x1be: {  	v53 =	vmul.f32 v58, v10;
	v15 =	vld.idx.msk [tilespmem:v17+s19+$0x0], $0xffff;
	v5 =	vadd.f32 v0, v37  }
0x1bf: {  	[tilespmem:$0x1FB80] =	vst v18;
	v18 =	vor.u32 v18, v1;
	v17 =	vld.idx.msk [tilespmem:v17+s20+$0x0], $0xffff  }
0x1c0: {  	v58 =	vadd.f32 v53, v5;
	v53 =	vld [tilespmem:$0x1FCC0]  }
0x1c1: {  	v10 =	vor.u32 v8, v1;
	v0 =	vld.idx.msk [tilespmem:v60+s19+$0x0], $0xffff  }
0x1c2: {  	v60 =	vld.idx.msk [tilespmem:v50+s19+$0x0], $0xffff;
	v16 =	vmul.f32 v40, v16  }
0x1c3: {  	v3 =	vor.u32 v3, v1;
	v37 =	vld.idx.msk [tilespmem:v50+s20+$0x0], $0xffff  }
0x1c4: {  	v17 =	vmul.f32 v17, v15;
	v15 =	vld.idx.msk [tilespmem:v18+s20+$0x0], $0xffff;
	v50 =	vadd.f32 v16, v58  }
0x1c5: {  	[tilespmem:$0x1FB60] =	vst v48;
	v48 =	vmov v8;
	v16 =	vld.idx.msk [tilespmem:v18+s19+$0x0], $0xffff;
	v8 =	vor.u32 v53, v1  }
0x1c6: {  	v18 =	vmul.f32 v44, v0;
	v0 =	vld.idx.msk [tilespmem:v10+s19+$0x0], $0xffff;
	v17 =	vadd.f32 v17, v50  }
0x1c7: {  	v10 =	vld.idx.msk [tilespmem:v10+s20+$0x0], $0xffff;
	v1 =	vor.u32 v38, v1  }
0x1c8: {  	v58 =	vld.idx.msk [tilespmem:v3+s19+$0x0], $0xffff;
	v17 =	vadd.f32 v18, v17;
	v18 =	vmul.f32 v37, v60  }
0x1c9: {  	v3 =	vld.idx.msk [tilespmem:v3+s20+$0x0], $0xffff  }
0x1ca: {  	v16 =	vmul.f32 v15, v16;
	v17 =	vadd.f32 v18, v17;
	v15 =	vld.idx.msk [tilespmem:v8+s19+$0x0], $0xffff  }
0x1cb: {  	v8 =	vld.idx.msk [tilespmem:v8+s20+$0x0], $0xffff  }
0x1cc: {  	v16 =	vadd.f32 v16, v17;
	v17 =	vmul.f32 v10, v0;
	v0 =	vld.idx.msk [tilespmem:v1+s19+$0x0], $0xffff  }
0x1cd: {  	v60 =	vld.idx.msk [tilespmem:v1+s20+$0x0], $0xffff  }
0x1ce: {  	v1 =	vmul.f32 v3, v58;
	v16 =	vadd.f32 v17, v16;
	_ =	sdelay $0x1  }
0x1cf: {  	v3 =	vadd.f32 v1, v16;
	v1 =	vmul.f32 v8, v15;
	_ =	sdelay $0x1  }
0x1d0: {  	v3 =	vadd.f32 v1, v3;
	v1 =	vmul.f32 v60, v0;
	_ =	sdelay $0x1  }
0x1d1: {  	v1 =	vadd.f32 v1, v3;
	_ =	sdelay $0x1  }
0x1d2: {  	v1 =	vsub.f32 $0.0e+00, v1;
	_ =	sdelay $0x1  }
0x1d3: {  	v1 =	vmul.f32 $1.442695020e+00, v1;
	_ =	sdelay $0x1  }
0x1d4: {  	(erf) = vpow2.f32 v1;
	_ =	sdelay $0x6  }
0x1d5: {  	v45 =	vmovc v24;
	v24 =	vld [tilespmem:$0x1FFF0];
	v40 =	vmov v31;
	v31 =	vmov v30;
	v30 =	vmov v29  }
0x1d6: {  	v29 =	vmovc v28;
	v28 =	vmovc v27;
	v27 =	vmov v25;
	v25 =	vmov v23;
	v23 =	vmov v21;
	v21 =	vld [tilespmem:$0x1FBB0]  }
0x1d7: {  	v38 =	vmov v20;
	v20 =	vld [tilespmem:$0x1FBA0];
	v1 =	vpop (erf)  }
0x1d8: {  	v53 =	vmov v59;
	v59 =	vld [tilespmem:$0x1FB90];
	v1 =	vadd.f32 $1.000000000e+00, v1  }
0x1d9: {  	s12 =	simm.s32 $0x20;
	v44 =	vmov v7;
	v18 =	vmov v22;
	v22 =	vld [tilespmem:$0x1FFB0]  }
0x1da: {  	v37 =	vmovc v63;
	v50 =	vmovc v6;
	v63 =	vmov v11;
	v58 =	vld [tilespmem:$0x1FDA0];
	v0 =	vmov s12;
	(erf) = vrcp.f32 v1  }
0x1db: {  	v17 =	vmovc v26;
	v26 =	vld [tilespmem:$0x1FDD0];
	v15 =	vmovc v12;
	v16 =	vmov v14;
	s12 =	simm.s32 $0x30;
	v60 =	vmov v9;
	v1 =	vshll.u32 v0, $0x6  }
.LBB2_3:
0x1dc: {  	_ =	sdelay $0x2  }
0x1dd: {  	v1 =	vor.u32 v2, v1  }
0x1de: {  	v14 =	vmov v2;
	v2 =	vor.u32 v13, v1;
	_ =	sdelay $0x1  }
0x1df: {  	v3 =	vor.u32 v41, v1  }
0x1e0: {  	s11 =	sadd.s32 $0x10, s11;
	v4 =	vpop (erf)  }
0x1e1: {  	v5 =	vor.u32 v58, v1;
	[tilespmem:s11+$0x0] =	vst v4  }
0x1e2: {  	v4 =	vld.idx.msk [tilespmem:v2+s20+$0x0], $0xffff  }
0x1e3: {  	v6 =	vor.u32 v37, v1;
	v2 =	vld.idx.msk [tilespmem:v2+s19+$0x0], $0xffff  }
0x1e4: {  	v7 =	vld.idx.msk [tilespmem:v3+s19+$0x0], $0xffff  }
0x1e5: {  	v8 =	vor.u32 v61, v1;
	v3 =	vld.idx.msk [tilespmem:v3+s20+$0x0], $0xffff  }
0x1e6: {  	v9 =	vld.idx.msk [tilespmem:v5+s19+$0x0], $0xffff  }
0x1e7: {  	v10 =	vor.u32 v59, v1;
	v5 =	vld.idx.msk [tilespmem:v5+s20+$0x0], $0xffff  }
0x1e8: {  	v11 =	vld.idx.msk [tilespmem:v6+s19+$0x0], $0xffff  }
0x1e9: {  	v2 =	vmul.f32 v4, v2;
	v4 =	vld.idx.msk [tilespmem:v6+s20+$0x0], $0xffff;
	v6 =	vor.u32 v20, v1  }
0x1ea: {  	v12 =	vld.idx.msk [tilespmem:v8+s19+$0x0], $0xffff  }
0x1eb: {  	v3 =	vmul.f32 v3, v7;
	v7 =	vld.idx.msk [tilespmem:v8+s20+$0x0], $0xffff;
	v8 =	vor.u32 v21, v1;
	v2 =	vadd.f32 $0.0e+00, v2  }
0x1ec: {  	v13 =	vld.idx.msk [tilespmem:v10+s19+$0x0], $0xffff  }
0x1ed: {  	v2 =	vadd.f32 v3, v2;
	v3 =	vmul.f32 v5, v9;
	v5 =	vld.idx.msk [tilespmem:v10+s20+$0x0], $0xffff;
	v9 =	vor.u32 v22, v1  }
0x1ee: {  	v10 =	vld.idx.msk [tilespmem:v6+s19+$0x0], $0xffff  }
0x1ef: {  	v2 =	vadd.f32 v3, v2;
	v3 =	vmul.f32 v4, v11;
	v4 =	vld.idx.msk [tilespmem:v6+s20+$0x0], $0xffff;
	v6 =	vor.u32 v23, v1  }
0x1f0: {  	v11 =	vld.idx.msk [tilespmem:v8+s19+$0x0], $0xffff  }
0x1f1: {  	v2 =	vadd.f32 v3, v2;
	v3 =	vmul.f32 v7, v12;
	v7 =	vld.idx.msk [tilespmem:v8+s20+$0x0], $0xffff;
	v8 =	vor.u32 v24, v1  }
0x1f2: {  	v12 =	vld.idx.msk [tilespmem:v9+s19+$0x0], $0xffff  }
0x1f3: {  	v2 =	vadd.f32 v3, v2;
	v3 =	vmul.f32 v5, v13;
	v5 =	vld.idx.msk [tilespmem:v9+s20+$0x0], $0xffff;
	v9 =	vor.u32 v25, v1  }
0x1f4: {  	v13 =	vld.idx.msk [tilespmem:v6+s19+$0x0], $0xffff  }
0x1f5: {  	v2 =	vadd.f32 v3, v2;
	v3 =	vmul.f32 v4, v10;
	v4 =	vld.idx.msk [tilespmem:v6+s20+$0x0], $0xffff;
	v6 =	vor.u32 v26, v1  }
0x1f6: {  	v10 =	vld.idx.msk [tilespmem:v8+s19+$0x0], $0xffff  }
0x1f7: {  	v2 =	vadd.f32 v3, v2;
	v3 =	vmul.f32 v7, v11;
	v7 =	vld.idx.msk [tilespmem:v8+s20+$0x0], $0xffff;
	v8 =	vor.u32 v27, v1  }
0x1f8: {  	v11 =	vld.idx.msk [tilespmem:v9+s19+$0x0], $0xffff  }
0x1f9: {  	v2 =	vadd.f32 v3, v2;
	v3 =	vmul.f32 v5, v12;
	v5 =	vld.idx.msk [tilespmem:v9+s20+$0x0], $0xffff;
	v9 =	vor.u32 v28, v1  }
0x1fa: {  	v12 =	vld.idx.msk [tilespmem:v6+s19+$0x0], $0xffff  }
0x1fb: {  	v2 =	vadd.f32 v3, v2;
	v3 =	vmul.f32 v4, v13;
	v4 =	vld.idx.msk [tilespmem:v6+s20+$0x0], $0xffff;
	v6 =	vor.u32 v29, v1  }
0x1fc: {  	v13 =	vld.idx.msk [tilespmem:v8+s19+$0x0], $0xffff  }
0x1fd: {  	v2 =	vadd.f32 v3, v2;
	v3 =	vmul.f32 v7, v10;
	v7 =	vld.idx.msk [tilespmem:v8+s20+$0x0], $0xffff;
	v8 =	vor.u32 v30, v1  }
0x1fe: {  	v10 =	vld.idx.msk [tilespmem:v9+s19+$0x0], $0xffff  }
0x1ff: {  	v2 =	vadd.f32 v3, v2;
	v3 =	vmul.f32 v5, v11;
	v5 =	vld.idx.msk [tilespmem:v9+s20+$0x0], $0xffff;
	v9 =	vor.u32 v31, v1  }
0x200: {  	v11 =	vld.idx.msk [tilespmem:v6+s19+$0x0], $0xffff  }
0x201: {  	v2 =	vadd.f32 v3, v2;
	v3 =	vmul.f32 v4, v12;
	v4 =	vld.idx.msk [tilespmem:v6+s20+$0x0], $0xffff;
	v6 =	vor.u32 v32, v1  }
0x202: {  	v12 =	vld.idx.msk [tilespmem:v8+s19+$0x0], $0xffff  }
0x203: {  	v2 =	vadd.f32 v3, v2;
	v3 =	vmul.f32 v7, v13;
	v7 =	vld.idx.msk [tilespmem:v8+s20+$0x0], $0xffff;
	v8 =	vor.u32 v33, v1  }
0x204: {  	v13 =	vld.idx.msk [tilespmem:v9+s19+$0x0], $0xffff  }
0x205: {  	v2 =	vadd.f32 v3, v2;
	v3 =	vmul.f32 v5, v10;
	v5 =	vld.idx.msk [tilespmem:v9+s20+$0x0], $0xffff;
	v9 =	vor.u32 v34, v1  }
0x206: {  	v10 =	vld.idx.msk [tilespmem:v6+s19+$0x0], $0xffff  }
0x207: {  	v2 =	vadd.f32 v3, v2;
	v3 =	vmul.f32 v4, v11;
	v4 =	vld.idx.msk [tilespmem:v6+s20+$0x0], $0xffff;
	v6 =	vor.u32 v35, v1  }
0x208: {  	v11 =	vld.idx.msk [tilespmem:v8+s19+$0x0], $0xffff  }
0x209: {  	v2 =	vadd.f32 v3, v2;
	v3 =	vmul.f32 v7, v12;
	v7 =	vld.idx.msk [tilespmem:v8+s20+$0x0], $0xffff;
	v8 =	vor.u32 v36, v1  }
0x20a: {  	v12 =	vld.idx.msk [tilespmem:v9+s19+$0x0], $0xffff  }
0x20b: {  	v2 =	vadd.f32 v3, v2;
	v3 =	vmul.f32 v5, v13;
	v5 =	vld.idx.msk [tilespmem:v9+s20+$0x0], $0xffff;
	v9 =	vor.u32 v39, v1  }
0x20c: {  	v13 =	vld.idx.msk [tilespmem:v6+s19+$0x0], $0xffff  }
0x20d: {  	v2 =	vadd.f32 v3, v2;
	v3 =	vmul.f32 v4, v10;
	v4 =	vld.idx.msk [tilespmem:v6+s20+$0x0], $0xffff;
	v6 =	vor.u32 v19, v1  }
0x20e: {  	v10 =	vld.idx.msk [tilespmem:v8+s19+$0x0], $0xffff  }
0x20f: {  	v2 =	vadd.f32 v3, v2;
	v3 =	vmul.f32 v7, v11;
	v7 =	vld.idx.msk [tilespmem:v8+s20+$0x0], $0xffff;
	v8 =	vor.u32 v43, v1  }
0x210: {  	v11 =	vld.idx.msk [tilespmem:v9+s19+$0x0], $0xffff  }
0x211: {  	v2 =	vadd.f32 v3, v2;
	v3 =	vmul.f32 v5, v12;
	v5 =	vld.idx.msk [tilespmem:v9+s20+$0x0], $0xffff;
	v9 =	vor.u32 v17, v1  }
0x212: {  	v12 =	vld.idx.msk [tilespmem:v6+s19+$0x0], $0xffff  }
0x213: {  	v2 =	vadd.f32 v3, v2;
	v3 =	vmul.f32 v4, v13;
	v4 =	vld.idx.msk [tilespmem:v6+s20+$0x0], $0xffff;
	v6 =	vor.u32 v57, v1  }
0x214: {  	v13 =	vld.idx.msk [tilespmem:v8+s19+$0x0], $0xffff  }
0x215: {  	v2 =	vadd.f32 v3, v2;
	v3 =	vmul.f32 v7, v10;
	v7 =	vld.idx.msk [tilespmem:v8+s20+$0x0], $0xffff;
	v8 =	vor.u32 v47, v1  }
0x216: {  	v10 =	vld.idx.msk [tilespmem:v9+s19+$0x0], $0xffff  }
0x217: {  	v2 =	vadd.f32 v3, v2;
	v3 =	vmul.f32 v5, v11;
	v5 =	vld.idx.msk [tilespmem:v9+s20+$0x0], $0xffff;
	v9 =	vor.u32 v52, v1  }
0x218: {  	v11 =	vld.idx.msk [tilespmem:v6+s19+$0x0], $0xffff  }
0x219: {  	v2 =	vadd.f32 v3, v2;
	v3 =	vmul.f32 v4, v12;
	v4 =	vld.idx.msk [tilespmem:v6+s20+$0x0], $0xffff;
	v6 =	vor.u32 v54, v1  }
0x21a: {  	v12 =	vld.idx.msk [tilespmem:v8+s19+$0x0], $0xffff  }
0x21b: {  	v2 =	vadd.f32 v3, v2;
	v3 =	vmul.f32 v7, v13;
	v7 =	vld.idx.msk [tilespmem:v8+s20+$0x0], $0xffff;
	v8 =	vor.u32 v16, v1  }
0x21c: {  	v13 =	vld.idx.msk [tilespmem:v9+s19+$0x0], $0xffff  }
0x21d: {  	v2 =	vadd.f32 v3, v2;
	v3 =	vmul.f32 v5, v10;
	v5 =	vld.idx.msk [tilespmem:v9+s20+$0x0], $0xffff;
	v9 =	vor.u32 v56, v1  }
0x21e: {  	v10 =	vld.idx.msk [tilespmem:v6+s19+$0x0], $0xffff  }
0x21f: {  	v2 =	vadd.f32 v3, v2;
	v3 =	vmul.f32 v4, v11;
	v4 =	vld.idx.msk [tilespmem:v6+s20+$0x0], $0xffff;
	v6 =	vor.u32 v49, v1  }
0x220: {  	v11 =	vld.idx.msk [tilespmem:v8+s19+$0x0], $0xffff  }
0x221: {  	v2 =	vadd.f32 v3, v2;
	v3 =	vmul.f32 v7, v12;
	v7 =	vld.idx.msk [tilespmem:v8+s20+$0x0], $0xffff  }
0x222: {  	v8 =	vor.u32 v40, v1;
	v12 =	vld.idx.msk [tilespmem:v9+s19+$0x0], $0xffff  }
0x223: {  	v2 =	vadd.f32 v3, v2;
	v3 =	vmul.f32 v5, v13;
	v5 =	vld.idx.msk [tilespmem:v9+s20+$0x0], $0xffff  }
0x224: {  	v9 =	vor.u32 v51, v1;
	v13 =	vld.idx.msk [tilespmem:v6+s19+$0x0], $0xffff  }
0x225: {  	v2 =	vadd.f32 v3, v2;
	v3 =	vmul.f32 v4, v10;
	v4 =	vld.idx.msk [tilespmem:v6+s20+$0x0], $0xffff;
	v6 =	vor.u32 v46, v1  }
0x226: {  	v0 =	vld [tilespmem:$0x1FD20]  }
0x227: {  	v10 =	vld.idx.msk [tilespmem:v8+s19+$0x0], $0xffff;
	v2 =	vadd.f32 v3, v2;
	v3 =	vmul.f32 v7, v11  }
0x228: {  	v7 =	vld.idx.msk [tilespmem:v8+s20+$0x0], $0xffff  }
0x229: {  	v11 =	vld.idx.msk [tilespmem:v9+s19+$0x0], $0xffff;
	v2 =	vadd.f32 v3, v2;
	v3 =	vmul.f32 v5, v12  }
0x22a: {  	v8 =	vor.u32 v62, v1;
	v12 =	vld.idx.msk [tilespmem:v6+s19+$0x0], $0xffff  }
0x22b: {  	v2 =	vadd.f32 v3, v2;
	v3 =	vmul.f32 v4, v13;
	v4 =	vld.idx.msk [tilespmem:v6+s20+$0x0], $0xffff  }
0x22c: {  	v6 =	vor.u32 v0, v1;
	v0 =	vld [tilespmem:$0x1FD10]  }
0x22d: {  	v5 =	vld.idx.msk [tilespmem:v9+s20+$0x0], $0xffff;
	v9 =	vor.u32 v18, v1;
	_ =	sdelay $0x1  }
0x22e: {  	v13 =	vld.idx.msk [tilespmem:v8+s19+$0x0], $0xffff  }
0x22f: {  	v2 =	vadd.f32 v3, v2;
	v3 =	vmul.f32 v7, v10;
	v7 =	vld.idx.msk [tilespmem:v8+s20+$0x0], $0xffff  }
0x230: {  	v8 =	vor.u32 v0, v1;
	v0 =	vld [tilespmem:$0x1FD00]  }
0x231: {  	v10 =	vld.idx.msk [tilespmem:v9+s19+$0x0], $0xffff  }
0x232: {  	v2 =	vadd.f32 v3, v2;
	v3 =	vmul.f32 v5, v11;
	v5 =	vld.idx.msk [tilespmem:v9+s20+$0x0], $0xffff  }
0x233: {  	v11 =	vld.idx.msk [tilespmem:v6+s19+$0x0], $0xffff  }
0x234: {  	v2 =	vadd.f32 v3, v2;
	v3 =	vmul.f32 v4, v12;
	v4 =	vld.idx.msk [tilespmem:v6+s20+$0x0], $0xffff  }
0x235: {  	v9 =	vor.u32 v0, v1;
	v0 =	vld [tilespmem:$0x1FCF0]  }
0x236: {  	v12 =	vld.idx.msk [tilespmem:v8+s19+$0x0], $0xffff  }
0x237: {  	v2 =	vadd.f32 v3, v2;
	v3 =	vmul.f32 v7, v13;
	v7 =	vld.idx.msk [tilespmem:v8+s20+$0x0], $0xffff;
	v8 =	vor.u32 v50, v1;
	_ =	sdelay $0x1  }
0x238: {  	v2 =	vadd.f32 v3, v2;
	v3 =	vmul.f32 v5, v10  }
0x239: {  	v6 =	vor.u32 v0, v1;
	v13 =	vld.idx.msk [tilespmem:v9+s19+$0x0], $0xffff  }
0x23a: {  	v2 =	vadd.f32 v3, v2;
	v3 =	vmul.f32 v4, v11;
	v5 =	vld.idx.msk [tilespmem:v9+s20+$0x0], $0xffff  }
0x23b: {  	v9 =	vor.u32 v63, v1;
	v11 =	vld.idx.msk [tilespmem:v8+s19+$0x0], $0xffff  }
0x23c: {  	v2 =	vadd.f32 v3, v2;
	v3 =	vmul.f32 v7, v12;
	v7 =	vld.idx.msk [tilespmem:v8+s20+$0x0], $0xffff  }
0x23d: {  	v0 =	vld [tilespmem:$0x1FCE0]  }
0x23e: {  	v10 =	vld.idx.msk [tilespmem:v6+s19+$0x0], $0xffff  }
0x23f: {  	v4 =	vld.idx.msk [tilespmem:v6+s20+$0x0], $0xffff  }
0x240: {  	v6 =	vor.u32 v60, v1;
	v12 =	vld.idx.msk [tilespmem:v9+s19+$0x0], $0xffff  }
0x241: {  	v2 =	vadd.f32 v3, v2;
	v3 =	vmul.f32 v5, v13;
	v5 =	vld.idx.msk [tilespmem:v9+s20+$0x0], $0xffff  }
0x242: {  	v8 =	vor.u32 v42, v1;
	v9 =	vor.u32 v0, v1;
	v0 =	vld [tilespmem:$0x1FCD0];
	_ =	sdelay $0x2  }
0x243: {  	v13 =	vld.idx.msk [tilespmem:v6+s19+$0x0], $0xffff  }
0x244: {  	v2 =	vadd.f32 v3, v2;
	v3 =	vmul.f32 v4, v10;
	v4 =	vld.idx.msk [tilespmem:v6+s20+$0x0], $0xffff  }
0x245: {  	v6 =	vor.u32 v0, v1;
	v10 =	vld.idx.msk [tilespmem:v8+s19+$0x0], $0xffff  }
0x246: {  	v0 =	vld [tilespmem:$0x1FB40]  }
0x247: {  	v2 =	vadd.f32 v3, v2;
	v3 =	vmul.f32 v7, v11;
	v7 =	vld.idx.msk [tilespmem:v8+s20+$0x0], $0xffff  }
0x248: {  	v11 =	vld.idx.msk [tilespmem:v9+s19+$0x0], $0xffff  }
0x249: {  	v8 =	vor.u32 v44, v1;
	v2 =	vadd.f32 v3, v2;
	v3 =	vmul.f32 v5, v12;
	v5 =	vld.idx.msk [tilespmem:v9+s20+$0x0], $0xffff  }
0x24a: {  	v9 =	vor.u32 v53, v1;
	v12 =	vld.idx.msk [tilespmem:v6+s19+$0x0], $0xffff  }
0x24b: {  	v2 =	vadd.f32 v3, v2;
	v3 =	vmul.f32 v4, v13;
	v4 =	vld.idx.msk [tilespmem:v6+s20+$0x0], $0xffff  }
0x24c: {  	v6 =	vor.u32 v0, v1;
	v0 =	vld [tilespmem:$0x1FB50];
	_ =	sdelay $0x1  }
0x24d: {  	v13 =	vld.idx.msk [tilespmem:v8+s19+$0x0], $0xffff;
	v2 =	vadd.f32 v3, v2;
	v3 =	vmul.f32 v7, v10  }
0x24e: {  	v10 =	vld.idx.msk [tilespmem:v9+s19+$0x0], $0xffff  }
0x24f: {  	v2 =	vadd.f32 v3, v2;
	v3 =	vmul.f32 v5, v11;
	v5 =	vld.idx.msk [tilespmem:v9+s20+$0x0], $0xffff  }
0x250: {  	v9 =	vor.u32 v0, v1;
	v0 =	vld [tilespmem:$0x1FB60]  }
0x251: {  	v7 =	vld.idx.msk [tilespmem:v8+s20+$0x0], $0xffff;
	v8 =	vor.u32 v15, v1;
	_ =	sdelay $0x1  }
0x252: {  	v11 =	vld.idx.msk [tilespmem:v6+s19+$0x0], $0xffff  }
0x253: {  	v2 =	vadd.f32 v3, v2;
	v3 =	vmul.f32 v4, v12;
	v4 =	vld.idx.msk [tilespmem:v6+s20+$0x0], $0xffff  }
0x254: {  	v6 =	vor.u32 v0, v1;
	v0 =	vld [tilespmem:$0x1FB70]  }
0x255: {  	v12 =	vld.idx.msk [tilespmem:v8+s19+$0x0], $0xffff  }
0x256: {  	v2 =	vadd.f32 v3, v2;
	v3 =	vmul.f32 v7, v13;
	v7 =	vld.idx.msk [tilespmem:v8+s20+$0x0], $0xffff  }
0x257: {  	v13 =	vld.idx.msk [tilespmem:v9+s19+$0x0], $0xffff  }
0x258: {  	v2 =	vadd.f32 v3, v2;
	v3 =	vmul.f32 v5, v10;
	v5 =	vld.idx.msk [tilespmem:v9+s20+$0x0], $0xffff;
	v9 =	vor.u32 v38, v1  }
0x259: {  	v8 =	vor.u32 v0, v1  }
0x25a: {  	v10 =	vld.idx.msk [tilespmem:v6+s19+$0x0], $0xffff  }
0x25b: {  	v2 =	vadd.f32 v3, v2;
	v3 =	vmul.f32 v4, v11;
	v4 =	vld.idx.msk [tilespmem:v6+s20+$0x0], $0xffff  }
0x25c: {  	v0 =	vld [tilespmem:$0x1FB80]  }
0x25d: {  	v2 =	vadd.f32 v3, v2;
	v3 =	vmul.f32 v7, v12;
	v12 =	vld.idx.msk [tilespmem:v9+s19+$0x0], $0xffff  }
0x25e: {  	v11 =	vld.idx.msk [tilespmem:v8+s19+$0x0], $0xffff  }
0x25f: {  	v7 =	vld.idx.msk [tilespmem:v8+s20+$0x0], $0xffff;
	v8 =	vor.u32 v45, v1  }
0x260: {  	v2 =	vadd.f32 v3, v2;
	v3 =	vmul.f32 v5, v13;
	v5 =	vld.idx.msk [tilespmem:v9+s20+$0x0], $0xffff  }
0x261: {  	v9 =	vor.u32 v0, v1;
	v0 =	vld [tilespmem:$0x1FD70]  }
0x262: {  	v6 =	vor.u32 v55, v1  }
0x263: {  	v2 =	vadd.f32 v3, v2;
	v3 =	vmul.f32 v4, v10  }
0x264: {  	v10 =	vld.idx.msk [tilespmem:v8+s19+$0x0], $0xffff  }
0x265: {  	v2 =	vadd.f32 v3, v2;
	v3 =	vmul.f32 v7, v11;
	v7 =	vld.idx.msk [tilespmem:v8+s20+$0x0], $0xffff  }
0x266: {  	v8 =	vor.u32 v0, v1;
	v0 =	vld [tilespmem:$0x1FCC0]  }
0x267: {  	v13 =	vld.idx.msk [tilespmem:v6+s19+$0x0], $0xffff  }
0x268: {  	v4 =	vld.idx.msk [tilespmem:v6+s20+$0x0], $0xffff  }
0x269: {  	v11 =	vld.idx.msk [tilespmem:v9+s19+$0x0], $0xffff  }
0x26a: {  	v6 =	vor.u32 v48, v1;
	v2 =	vadd.f32 v3, v2;
	v3 =	vmul.f32 v5, v12;
	v5 =	vld.idx.msk [tilespmem:v9+s20+$0x0], $0xffff  }
0x26b: {  	v9 =	vor.u32 v0, v1;
	v0 =	vld [tilespmem:$0x1FCB0];
	_ =	sdelay $0x3  }
0x26c: {  	v12 =	vld.idx.msk [tilespmem:v6+s19+$0x0], $0xffff;
	v2 =	vadd.f32 v3, v2;
	v3 =	vmul.f32 v4, v13  }
0x26d: {  	v4 =	vld.idx.msk [tilespmem:v6+s20+$0x0], $0xffff;
	v1 =	vor.u32 v0, v1  }
0x26e: {  	v6 =	vld.idx.msk [tilespmem:v8+s19+$0x0], $0xffff;
	v2 =	vadd.f32 v3, v2;
	v3 =	vmul.f32 v7, v10  }
0x26f: {  	v7 =	vld.idx.msk [tilespmem:v8+s20+$0x0], $0xffff  }
0x270: {  	v2 =	vadd.f32 v3, v2;
	v3 =	vmul.f32 v5, v11;
	v8 =	vld.idx.msk [tilespmem:v9+s19+$0x0], $0xffff  }
0x271: {  	v5 =	vld.idx.msk [tilespmem:v9+s20+$0x0], $0xffff  }
0x272: {  	v2 =	vadd.f32 v3, v2;
	v3 =	vmul.f32 v4, v12;
	v9 =	vld.idx.msk [tilespmem:v1+s19+$0x0], $0xffff  }
0x273: {  	v1 =	vld.idx.msk [tilespmem:v1+s20+$0x0], $0xffff  }
0x274: {  	v2 =	vadd.f32 v3, v2;
	v3 =	vmul.f32 v7, v6;
	_ =	sdelay $0x1  }
0x275: {  	v2 =	vadd.f32 v3, v2;
	v3 =	vmul.f32 v5, v8;
	_ =	sdelay $0x1  }
0x276: {  	v0 =	vadd.f32 v3, v2;
	v1 =	vmul.f32 v1, v9;
	_ =	sdelay $0x1  }
0x277: {  	v1 =	vadd.f32 v1, v0;
	_ =	sdelay $0x1  }
0x278: {  	v1 =	vsub.f32 $0.0e+00, v1;
	_ =	sdelay $0x1  }
0x279: {  	v1 =	vmul.f32 $1.442695020e+00, v1;
	_ =	sdelay $0x1  }
0x27a: {  	(erf) = vpow2.f32 v1;
	_ =	sdelay $0x7  }
0x27b: {  	p1 =	sne.s32 s12, $0x140  }
.Ltmp0:
0x27c: {  	v1 =	vpop (erf);
	(pc) =	sbr.rel @p1 .LBB2_3-.Ltmp0, $3  }
0x27d: {  	v1 =	vadd.f32 $1.000000000e+00, v1;
	_ =	sdelay $0x1  }
0x27e: {  	(erf) = vrcp.f32 v1;
	v1 =	vmov s12  }
0x27f: {  	v13 =	vlaneseq.u32;
	v2 =	vmov v14;
	s12 =	sadd.s32 $0x10, s12;
	v1 =	vshll.u32 v1, $0x6  }
0x280: {  	_ =	sdelay $0x2  }
0x281: {  	v1 =	vor.u32 v2, v1  }
0x282: {  	v14 =	vmov v2;
	v2 =	vor.u32 v13, v1;
	_ =	sdelay $0x1  }
0x283: {  	v3 =	vor.u32 v41, v1  }
0x284: {  	s11 =	sadd.s32 $0x10, s11;
	v4 =	vpop (erf)  }
0x285: {  	v0 =	vld [tilespmem:$0x1FD20];
	v5 =	vor.u32 v58, v1;
	[tilespmem:s11+$0x0] =	vst v4  }
0x286: {  	v4 =	vld.idx.msk [tilespmem:v2+s20+$0x0], $0xffff  }
0x287: {  	v6 =	vor.u32 v37, v1;
	v2 =	vld.idx.msk [tilespmem:v2+s19+$0x0], $0xffff  }
0x288: {  	v8 =	vor.u32 v61, v1;
	v7 =	vld.idx.msk [tilespmem:v3+s19+$0x0], $0xffff  }
0x289: {  	v3 =	vld.idx.msk [tilespmem:v3+s20+$0x0], $0xffff  }
0x28a: {  	v9 =	vld.idx.msk [tilespmem:v5+s19+$0x0], $0xffff  }
0x28b: {  	v10 =	vor.u32 v59, v1;
	v5 =	vld.idx.msk [tilespmem:v5+s20+$0x0], $0xffff  }
0x28c: {  	v58 =	vor.u32 v21, v1;
	v11 =	vld.idx.msk [tilespmem:v6+s19+$0x0], $0xffff  }
0x28d: {  	v12 =	vld.idx.msk [tilespmem:v8+s19+$0x0], $0xffff;
	v2 =	vmul.f32 v4, v2  }
0x28e: {  	v4 =	vld.idx.msk [tilespmem:v6+s20+$0x0], $0xffff;
	v6 =	vor.u32 v20, v1  }
0x28f: {  	v3 =	vmul.f32 v3, v7;
	v7 =	vld.idx.msk [tilespmem:v8+s20+$0x0], $0xffff;
	v2 =	vadd.f32 $0.0e+00, v2  }
0x290: {  	v5 =	vmul.f32 v5, v9;
	v9 =	vld.idx.msk [tilespmem:v10+s20+$0x0], $0xffff  }
0x291: {  	v8 =	vld.idx.msk [tilespmem:v58+s20+$0x0], $0xffff;
	v2 =	vadd.f32 v3, v2  }
0x292: {  	v3 =	vld.idx.msk [tilespmem:v10+s19+$0x0], $0xffff;
	v10 =	vor.u32 v22, v1  }
0x293: {  	v2 =	vadd.f32 v5, v2;
	v5 =	vld.idx.msk [tilespmem:v6+s19+$0x0], $0xffff  }
0x294: {  	v4 =	vmul.f32 v4, v11;
	v11 =	vor.u32 v23, v1;
	v6 =	vld.idx.msk [tilespmem:v6+s20+$0x0], $0xffff  }
0x295: {  	v20 =	vld [tilespmem:$0x1FB80]  }
0x296: {  	v7 =	vmul.f32 v7, v12;
	v12 =	vor.u32 v24, v1;
	v2 =	vadd.f32 v4, v2;
	v4 =	vld.idx.msk [tilespmem:v58+s19+$0x0], $0xffff  }
0x297: {  	v3 =	vmul.f32 v9, v3;
	v9 =	vld.idx.msk [tilespmem:v10+s20+$0x0], $0xffff  }
0x298: {  	v2 =	vadd.f32 v7, v2;
	v7 =	vld.idx.msk [tilespmem:v10+s19+$0x0], $0xffff;
	v10 =	vor.u32 v25, v1  }
0x299: {  	v5 =	vmul.f32 v6, v5;
	v6 =	vld.idx.msk [tilespmem:v11+s20+$0x0], $0xffff  }
0x29a: {  	v2 =	vadd.f32 v3, v2;
	v3 =	vld.idx.msk [tilespmem:v11+s19+$0x0], $0xffff;
	v11 =	vor.u32 v26, v1  }
0x29b: {  	v4 =	vmul.f32 v8, v4;
	v8 =	vld.idx.msk [tilespmem:v12+s20+$0x0], $0xffff  }
0x29c: {  	v2 =	vadd.f32 v5, v2;
	v5 =	vld.idx.msk [tilespmem:v12+s19+$0x0], $0xffff;
	v12 =	vor.u32 v27, v1  }
0x29d: {  	v7 =	vmul.f32 v9, v7;
	v9 =	vld.idx.msk [tilespmem:v10+s20+$0x0], $0xffff  }
0x29e: {  	v2 =	vadd.f32 v4, v2;
	v4 =	vld.idx.msk [tilespmem:v10+s19+$0x0], $0xffff;
	v10 =	vor.u32 v28, v1  }
0x29f: {  	v3 =	vmul.f32 v6, v3;
	v6 =	vld.idx.msk [tilespmem:v11+s20+$0x0], $0xffff  }
0x2a0: {  	v2 =	vadd.f32 v7, v2;
	v7 =	vld.idx.msk [tilespmem:v11+s19+$0x0], $0xffff;
	v11 =	vor.u32 v29, v1  }
0x2a1: {  	v5 =	vmul.f32 v8, v5;
	v8 =	vld.idx.msk [tilespmem:v12+s20+$0x0], $0xffff  }
0x2a2: {  	v2 =	vadd.f32 v3, v2;
	v3 =	vld.idx.msk [tilespmem:v12+s19+$0x0], $0xffff;
	v12 =	vor.u32 v30, v1  }
0x2a3: {  	v4 =	vmul.f32 v9, v4;
	v9 =	vld.idx.msk [tilespmem:v10+s20+$0x0], $0xffff  }
0x2a4: {  	v2 =	vadd.f32 v5, v2;
	v5 =	vld.idx.msk [tilespmem:v10+s19+$0x0], $0xffff;
	v10 =	vor.u32 v31, v1  }
0x2a5: {  	v6 =	vmul.f32 v6, v7;
	v7 =	vld.idx.msk [tilespmem:v11+s20+$0x0], $0xffff  }
0x2a6: {  	v32 =	vor.u32 v32, v1;
	v2 =	vadd.f32 v4, v2;
	v4 =	vld.idx.msk [tilespmem:v11+s19+$0x0], $0xffff  }
0x2a7: {  	v3 =	vmul.f32 v8, v3;
	v8 =	vld.idx.msk [tilespmem:v12+s20+$0x0], $0xffff  }
0x2a8: {  	v2 =	vadd.f32 v6, v2;
	v6 =	vld.idx.msk [tilespmem:v12+s19+$0x0], $0xffff;
	v12 =	vor.u32 v33, v1  }
0x2a9: {  	v5 =	vmul.f32 v9, v5;
	v9 =	vld.idx.msk [tilespmem:v10+s20+$0x0], $0xffff  }
0x2aa: {  	v2 =	vadd.f32 v3, v2;
	v3 =	vld.idx.msk [tilespmem:v10+s19+$0x0], $0xffff;
	v10 =	vor.u32 v34, v1  }
0x2ab: {  	v4 =	vmul.f32 v7, v4;
	v7 =	vld.idx.msk [tilespmem:v32+s20+$0x0], $0xffff  }
0x2ac: {  	v2 =	vadd.f32 v5, v2;
	v5 =	vld.idx.msk [tilespmem:v32+s19+$0x0], $0xffff;
	v32 =	vor.u32 v35, v1  }
0x2ad: {  	v33 =	vld.idx.msk [tilespmem:v12+s19+$0x0], $0xffff  }
0x2ae: {  	v6 =	vmul.f32 v8, v6;
	v34 =	vld.idx.msk [tilespmem:v12+s20+$0x0], $0xffff;
	v12 =	vor.u32 v36, v1;
	v2 =	vadd.f32 v4, v2  }
0x2af: {  	v35 =	vld.idx.msk [tilespmem:v10+s19+$0x0], $0xffff  }
0x2b0: {  	v39 =	vor.u32 v39, v1;
	v3 =	vmul.f32 v9, v3;
	v36 =	vld.idx.msk [tilespmem:v10+s20+$0x0], $0xffff;
	v2 =	vadd.f32 v6, v2  }
0x2b1: {  	v11 =	vor.u32 v19, v1;
	v5 =	vmul.f32 v7, v5;
	v7 =	vld.idx.msk [tilespmem:v32+s20+$0x0], $0xffff  }
0x2b2: {  	v2 =	vadd.f32 v3, v2;
	v3 =	vld.idx.msk [tilespmem:v32+s19+$0x0], $0xffff  }
0x2b3: {  	v32 =	vld.idx.msk [tilespmem:v12+s19+$0x0], $0xffff  }
0x2b4: {  	v4 =	vmul.f32 v34, v33;
	v33 =	vld.idx.msk [tilespmem:v12+s20+$0x0], $0xffff;
	v12 =	vor.u32 v43, v1;
	v2 =	vadd.f32 v5, v2  }
0x2b5: {  	v34 =	vld.idx.msk [tilespmem:v39+s19+$0x0], $0xffff  }
0x2b6: {  	v43 =	vld.idx.msk [tilespmem:v11+s20+$0x0], $0xffff;
	v6 =	vmul.f32 v36, v35;
	v36 =	vor.u32 v17, v1;
	v2 =	vadd.f32 v4, v2  }
0x2b7: {  	v35 =	vld.idx.msk [tilespmem:v39+s20+$0x0], $0xffff  }
0x2b8: {  	v57 =	vor.u32 v57, v1;
	v39 =	vld.idx.msk [tilespmem:v11+s19+$0x0], $0xffff;
	v3 =	vmul.f32 v7, v3;
	v2 =	vadd.f32 v6, v2  }
0x2b9: {  	v5 =	vmul.f32 v33, v32;
	v32 =	vld.idx.msk [tilespmem:v12+s20+$0x0], $0xffff  }
0x2ba: {  	v2 =	vadd.f32 v3, v2;
	v3 =	vld.idx.msk [tilespmem:v12+s19+$0x0], $0xffff;
	v12 =	vor.u32 v47, v1  }
0x2bb: {  	v33 =	vld.idx.msk [tilespmem:v36+s19+$0x0], $0xffff  }
0x2bc: {  	v4 =	vmul.f32 v35, v34;
	v34 =	vld.idx.msk [tilespmem:v36+s20+$0x0], $0xffff;
	v35 =	vor.u32 v52, v1  }
0x2bd: {  	v36 =	vld.idx.msk [tilespmem:v57+s19+$0x0], $0xffff;
	v6 =	vmul.f32 v43, v39;
	v43 =	vor.u32 v54, v1  }
0x2be: {  	v39 =	vld.idx.msk [tilespmem:v57+s20+$0x0], $0xffff;
	v2 =	vadd.f32 v5, v2  }
0x2bf: {  	v52 =	vld.idx.msk [tilespmem:v12+s19+$0x0], $0xffff  }
0x2c0: {  	v2 =	vadd.f32 v4, v2;
	v54 =	vld.idx.msk [tilespmem:v12+s20+$0x0], $0xffff;
	v12 =	vor.u32 v16, v1  }
0x2c1: {  	v57 =	vld.idx.msk [tilespmem:v35+s20+$0x0], $0xffff  }
0x2c2: {  	v5 =	vmul.f32 v34, v33;
	v33 =	vld.idx.msk [tilespmem:v43+s19+$0x0], $0xffff;
	v3 =	vmul.f32 v32, v3;
	v2 =	vadd.f32 v6, v2  }
0x2c3: {  	v34 =	vld.idx.msk [tilespmem:v43+s20+$0x0], $0xffff;
	v32 =	vor.u32 v56, v1  }
0x2c4: {  	v2 =	vadd.f32 v3, v2;
	v3 =	vld.idx.msk [tilespmem:v35+s19+$0x0], $0xffff  }
0x2c5: {  	v4 =	vmul.f32 v39, v36;
	v35 =	vor.u32 v49, v1;
	v36 =	vld.idx.msk [tilespmem:v12+s19+$0x0], $0xffff  }
0x2c6: {  	v39 =	vld.idx.msk [tilespmem:v12+s20+$0x0], $0xffff;
	v12 =	vor.u32 v40, v1  }
0x2c7: {  	v16 =	vld [tilespmem:$0x1FCE0];
	v2 =	vadd.f32 v5, v2;
	v6 =	vmul.f32 v54, v52;
	v52 =	vor.u32 v51, v1  }
0x2c8: {  	v40 =	vld.idx.msk [tilespmem:v32+s19+$0x0], $0xffff  }
0x2c9: {  	v43 =	vld.idx.msk [tilespmem:v32+s20+$0x0], $0xffff;
	v2 =	vadd.f32 v4, v2  }
0x2ca: {  	v32 =	vld.idx.msk [tilespmem:v35+s20+$0x0], $0xffff  }
0x2cb: {  	v5 =	vmul.f32 v34, v33;
	v3 =	vmul.f32 v57, v3;
	v2 =	vadd.f32 v6, v2;
	v34 =	vld.idx.msk [tilespmem:v12+s19+$0x0], $0xffff  }
0x2cc: {  	v4 =	vmul.f32 v39, v36;
	v36 =	vld.idx.msk [tilespmem:v52+s19+$0x0], $0xffff  }
0x2cd: {  	v33 =	vor.u32 v46, v1;
	v39 =	vld.idx.msk [tilespmem:v52+s20+$0x0], $0xffff;
	v2 =	vadd.f32 v3, v2  }
0x2ce: {  	v3 =	vld.idx.msk [tilespmem:v35+s19+$0x0], $0xffff  }
0x2cf: {  	v35 =	vld.idx.msk [tilespmem:v12+s20+$0x0], $0xffff;
	v12 =	vor.u32 v62, v1;
	v2 =	vadd.f32 v5, v2  }
0x2d0: {  	v52 =	vor.u32 v0, v1;
	v0 =	vld [tilespmem:$0x1FD10]  }
0x2d1: {  	v19 =	vmovc v18;
	v6 =	vmul.f32 v43, v40;
	v40 =	vor.u32 v18, v1;
	v18 =	vld [tilespmem:$0x1FD00];
	v2 =	vadd.f32 v4, v2  }
0x2d2: {  	v43 =	vld.idx.msk [tilespmem:v33+s19+$0x0], $0xffff  }
0x2d3: {  	v56 =	vmov v51;
	v51 =	vld.idx.msk [tilespmem:v33+s20+$0x0], $0xffff;
	v3 =	vmul.f32 v32, v3;
	v2 =	vadd.f32 v6, v2  }
0x2d4: {  	v54 =	vld.idx.msk [tilespmem:v12+s20+$0x0], $0xffff  }
0x2d5: {  	v2 =	vadd.f32 v3, v2;
	v3 =	vld.idx.msk [tilespmem:v12+s19+$0x0], $0xffff  }
0x2d6: {  	v33 =	vor.u32 v18, v1;
	v12 =	vor.u32 v0, v1;
	v0 =	vld [tilespmem:$0x1FCF0]  }
0x2d7: {  	v57 =	vld.idx.msk [tilespmem:v40+s19+$0x0], $0xffff;
	v5 =	vmul.f32 v35, v34  }
0x2d8: {  	v32 =	vld.idx.msk [tilespmem:v40+s20+$0x0], $0xffff  }
0x2d9: {  	v4 =	vmul.f32 v39, v36;
	v34 =	vld.idx.msk [tilespmem:v52+s19+$0x0], $0xffff;
	v2 =	vadd.f32 v5, v2  }
0x2da: {  	v35 =	vld.idx.msk [tilespmem:v52+s20+$0x0], $0xffff  }
0x2db: {  	v6 =	vmul.f32 v51, v43;
	v43 =	vld.idx.msk [tilespmem:v33+s20+$0x0], $0xffff;
	v2 =	vadd.f32 v4, v2;
	v36 =	vor.u32 v0, v1  }
0x2dc: {  	v39 =	vld.idx.msk [tilespmem:v12+s19+$0x0], $0xffff  }
0x2dd: {  	v3 =	vmul.f32 v54, v3;
	v40 =	vld.idx.msk [tilespmem:v12+s20+$0x0], $0xffff;
	v12 =	vor.u32 v50, v1;
	v2 =	vadd.f32 v6, v2  }
0x2de: {  	v0 =	vld [tilespmem:$0x1FB40]  }
0x2df: {  	v50 =	vor.u32 v63, v1;
	v2 =	vadd.f32 v3, v2;
	v3 =	vld.idx.msk [tilespmem:v33+s19+$0x0], $0xffff  }
0x2e0: {  	v51 =	vld.idx.msk [tilespmem:v36+s19+$0x0], $0xffff  }
0x2e1: {  	v52 =	vld.idx.msk [tilespmem:v36+s20+$0x0], $0xffff  }
0x2e2: {  	v5 =	vmul.f32 v32, v57;
	v54 =	vor.u32 v60, v1;
	v57 =	vld.idx.msk [tilespmem:v12+s19+$0x0], $0xffff  }
0x2e3: {  	v33 =	vor.u32 v16, v1;
	v60 =	vld.idx.msk [tilespmem:v12+s20+$0x0], $0xffff  }
0x2e4: {  	v4 =	vmul.f32 v35, v34;
	v2 =	vadd.f32 v5, v2;
	v63 =	vld.idx.msk [tilespmem:v50+s19+$0x0], $0xffff  }
0x2e5: {  	v12 =	vor.u32 v42, v1;
	v32 =	vld.idx.msk [tilespmem:v50+s20+$0x0], $0xffff  }
0x2e6: {  	v6 =	vmul.f32 v40, v39;
	v50 =	vld [tilespmem:$0x1FCD0];
	v2 =	vadd.f32 v4, v2  }
0x2e7: {  	v34 =	vld.idx.msk [tilespmem:v54+s20+$0x0], $0xffff  }
0x2e8: {  	v3 =	vmul.f32 v43, v3;
	v40 =	vld.idx.msk [tilespmem:v33+s19+$0x0], $0xffff;
	v2 =	vadd.f32 v6, v2  }
0x2e9: {  	v42 =	vld.idx.msk [tilespmem:v33+s20+$0x0], $0xffff;
	v43 =	vor.u32 v53, v1  }
0x2ea: {  	v5 =	vmul.f32 v52, v51;
	v36 =	vld.idx.msk [tilespmem:v12+s19+$0x0], $0xffff;
	v2 =	vadd.f32 v3, v2  }
0x2eb: {  	v35 =	vor.u32 v50, v1;
	v3 =	vld.idx.msk [tilespmem:v54+s19+$0x0], $0xffff  }
0x2ec: {  	v4 =	vmul.f32 v60, v57;
	v39 =	vld.idx.msk [tilespmem:v12+s20+$0x0], $0xffff;
	v12 =	vor.u32 v44, v1;
	v2 =	vadd.f32 v5, v2  }
0x2ed: {  	v52 =	vor.u32 v0, v1;
	v0 =	vld [tilespmem:$0x1FB60]  }
0x2ee: {  	v6 =	vmul.f32 v32, v63;
	v54 =	vld.idx.msk [tilespmem:v43+s19+$0x0], $0xffff;
	v2 =	vadd.f32 v4, v2  }
0x2ef: {  	v57 =	vld.idx.msk [tilespmem:v43+s20+$0x0], $0xffff  }
0x2f0: {  	v44 =	vld.idx.msk [tilespmem:v35+s19+$0x0], $0xffff;
	v3 =	vmul.f32 v34, v3;
	v2 =	vadd.f32 v6, v2  }
0x2f1: {  	v53 =	vld.idx.msk [tilespmem:v12+s20+$0x0], $0xffff  }
0x2f2: {  	v2 =	vadd.f32 v3, v2;
	v3 =	vld.idx.msk [tilespmem:v12+s19+$0x0], $0xffff  }
0x2f3: {  	v33 =	vor.u32 v0, v1;
	v12 =	vor.u32 v15, v1;
	v15 =	vld [tilespmem:$0x1FB50]  }
0x2f4: {  	v51 =	vld.idx.msk [tilespmem:v35+s20+$0x0], $0xffff  }
0x2f5: {  	v5 =	vmul.f32 v39, v36;
	v63 =	vld.idx.msk [tilespmem:v52+s19+$0x0], $0xffff;
	v39 =	vor.u32 v38, v1  }
0x2f6: {  	v32 =	vld.idx.msk [tilespmem:v52+s20+$0x0], $0xffff  }
0x2f7: {  	v4 =	vmul.f32 v42, v40;
	v0 =	vld [tilespmem:$0x1FB70];
	v2 =	vadd.f32 v5, v2  }
0x2f8: {  	v40 =	vld.idx.msk [tilespmem:v33+s19+$0x0], $0xffff;
	v60 =	vor.u32 v15, v1  }
0x2f9: {  	v6 =	vmul.f32 v51, v44;
	v42 =	vld.idx.msk [tilespmem:v33+s20+$0x0], $0xffff;
	v2 =	vadd.f32 v4, v2  }
0x2fa: {  	v43 =	vor.u32 v55, v1;
	v5 =	vmul.f32 v57, v54;
	v54 =	vmov v55;
	v55 =	vld.idx.msk [tilespmem:v39+s20+$0x0], $0xffff  }
0x2fb: {  	v34 =	vld.idx.msk [tilespmem:v12+s19+$0x0], $0xffff;
	v3 =	vmul.f32 v53, v3;
	v2 =	vadd.f32 v6, v2  }
0x2fc: {  	v35 =	vld.idx.msk [tilespmem:v12+s20+$0x0], $0xffff;
	v12 =	vor.u32 v0, v1  }
0x2fd: {  	v2 =	vadd.f32 v3, v2;
	v3 =	vld.idx.msk [tilespmem:v60+s19+$0x0], $0xffff  }
0x2fe: {  	v36 =	vld.idx.msk [tilespmem:v60+s20+$0x0], $0xffff  }
0x2ff: {  	v4 =	vmul.f32 v32, v63;
	v53 =	vld.idx.msk [tilespmem:v39+s19+$0x0], $0xffff;
	v2 =	vadd.f32 v5, v2  }
0x300: {  	v0 =	vld [tilespmem:$0x1FD70]  }
0x301: {  	v51 =	vld.idx.msk [tilespmem:v12+s19+$0x0], $0xffff;
	v6 =	vmul.f32 v35, v34;
	v2 =	vadd.f32 v4, v2  }
0x302: {  	v52 =	vld.idx.msk [tilespmem:v12+s20+$0x0], $0xffff;
	v12 =	vor.u32 v45, v1  }
0x303: {  	v60 =	vld.idx.msk [tilespmem:v43+s20+$0x0], $0xffff;
	v2 =	vadd.f32 v6, v2;
	v3 =	vmul.f32 v36, v3  }
0x304: {  	v57 =	vor.u32 v20, v1;
	v6 =	vmul.f32 v55, v53;
	v55 =	vld [tilespmem:$0x1FCC0]  }
0x305: {  	v5 =	vmul.f32 v42, v40;
	v53 =	vld [tilespmem:$0x1FCB0];
	v2 =	vadd.f32 v3, v2  }
0x306: {  	v63 =	vor.u32 v48, v1;
	v3 =	vld.idx.msk [tilespmem:v43+s19+$0x0], $0xffff  }
0x307: {  	v32 =	vld.idx.msk [tilespmem:v12+s19+$0x0], $0xffff;
	v4 =	vmul.f32 v52, v51;
	v2 =	vadd.f32 v5, v2  }
0x308: {  	v33 =	vld.idx.msk [tilespmem:v12+s20+$0x0], $0xffff;
	v12 =	vor.u32 v0, v1  }
0x309: {  	v34 =	vld.idx.msk [tilespmem:v57+s19+$0x0], $0xffff;
	v2 =	vadd.f32 v4, v2  }
0x30a: {  	v35 =	vld.idx.msk [tilespmem:v57+s20+$0x0], $0xffff;
	v36 =	vor.u32 v55, v1  }
0x30b: {  	v39 =	vld.idx.msk [tilespmem:v63+s20+$0x0], $0xffff;
	v3 =	vmul.f32 v60, v3;
	v2 =	vadd.f32 v6, v2  }
0x30c: {  	[tilespmem:$0x1FA50] =	vst v38;
	v45 =	vmov v38;
	v38 =	vld.idx.msk [tilespmem:v63+s19+$0x0], $0xffff;
	v1 =	vor.u32 v53, v1  }
0x30d: {  	v40 =	vld.idx.msk [tilespmem:v12+s19+$0x0], $0xffff;
	v2 =	vadd.f32 v3, v2;
	v3 =	vmul.f32 v33, v32  }
0x30e: {  	v42 =	vld.idx.msk [tilespmem:v12+s20+$0x0], $0xffff  }
0x30f: {  	v43 =	vld.idx.msk [tilespmem:v36+s19+$0x0], $0xffff;
	v2 =	vadd.f32 v3, v2;
	v3 =	vmul.f32 v35, v34  }
0x310: {  	v44 =	vld.idx.msk [tilespmem:v36+s20+$0x0], $0xffff  }
0x311: {  	v48 =	vld.idx.msk [tilespmem:v1+s19+$0x0], $0xffff;
	v2 =	vadd.f32 v3, v2;
	v3 =	vmul.f32 v39, v38  }
0x312: {  	v1 =	vld.idx.msk [tilespmem:v1+s20+$0x0], $0xffff  }
0x313: {  	v2 =	vadd.f32 v3, v2;
	v3 =	vmul.f32 v42, v40;
	_ =	sdelay $0x1  }
0x314: {  	v2 =	vadd.f32 v3, v2;
	v3 =	vmul.f32 v44, v43;
	_ =	sdelay $0x1  }
0x315: {  	v1 =	vmul.f32 v1, v48;
	v2 =	vadd.f32 v3, v2;
	_ =	sdelay $0x1  }
0x316: {  	v1 =	vadd.f32 v1, v2;
	_ =	sdelay $0x1  }
0x317: {  	v1 =	vsub.f32 $0.0e+00, v1;
	_ =	sdelay $0x1  }
0x318: {  	v1 =	vmul.f32 $1.442695020e+00, v1;
	_ =	sdelay $0x1  }
0x319: {  	(erf) = vpow2.f32 v1;
	_ =	sdelay $0x8  }
0x31a: {  	v1 =	vpop (erf)  }
0x31b: {  	v1 =	vadd.f32 $1.000000000e+00, v1;
	_ =	sdelay $0x1  }
0x31c: {  	(erf) = vrcp.f32 v1;
	_ =	sdelay $0x5  }
0x31d: {  	s12 =	sadd.s32 s4, s9  }
0x31e: {  	s8 =	smov.u32 s17;
	p1 =	slt.s32 s12, s17  }
0x31f: {  	s8 =	smov.u32 @p1 s12  }
0x320: {  	s8 =	sshrl.u32 s8, $0x3;
	s11 =	sadd.s32 $0x10, s11;
	v1 =	vpop (erf)  }
0x321: {  	p1 =	seq.s32 s0, $0x6;
	s8 =	sadd.s32 s2, s8;
	[tilespmem:s11+$0x0] =	vst v1  }
0x322: {  	[hbm4b:s8+s3] =	stream.linear.scatter [tilespmem:s25], [sflag:$0x5], $0x150, $0x38;
	[tilespmem:$0x17740] =	vst v63  }
0x323: {  	s8 =	sadd.s32 @!p1 s9, s14  }
0x324: {  	p2 =	slt.s32 @!p1 s8, s17  }
0x325: {  	p2 =	por !p2, p1  }
0x326: {  	s8 =	smov.u32 @p2 s17  }
0x327: {  	s11 =	simm.s32 @!p1 $0x24A0;
	s9 =	simm.s32 @!p1 $0x150;
	s8 =	ssub.s32 @!p1 s8, s6  }
0x328: {  	[tilespmem:s11], [sflag:$0x1] =	stream.indirect.gather @!p1 [hbm4b:s5+s9], $0x40, s8, s9, $0xb8;
	[tilespmem:$0x17740] =	vst v63  }
0x329: {  	s8 =	sadd.s32 @!p1 $0x1250, s8;
	s11 =	simm.s32 @!p1 $0xCCA0  }
0x32a: {  	[tilespmem:s11], [sflag:$0x3] =	stream.indirect.gather @!p1 [hbm4b:s7+s9], $0x40, s8, s9, $0xb8;
	[tilespmem:$0x17740] =	vst v63  }
0x32b: {  	_ =	swait.ge [sflag:s26], $0x5400  }
0x32c: {  	[sflag:s26] =	ssyncset.done $0x0  }
0x32d: {  	[sflag:s26] =	ssyncadd.s32 $0xFFFFAC00  }
0x32e: {  	_ =	swait.ge [sflag:s28], $0x5400  }
0x32f: {  	s9 =	simm.s32 $0x0;
	[sflag:s28] =	ssyncset.done $0x0  }
0x330: {  	s8 =	simm.s32 @!p0 $0x6;
	v1 =	vmov s9;
	[sflag:s28] =	ssyncadd.s32 $0xFFFFAC00  }
0x331: {  	v1 =	vshll.u32 v1, $0x6;
	_ =	swait.ge @!p0 [sflag:s8], $0x150  }
0x332: {  	v21 =	vmov v27;
	v27 =	vmov v28;
	v1 =	vor.u32 v14, v1;
	v28 =	vld [tilespmem:$0x1FDA0]  }
0x333: {  	v2 =	vor.u32 v13, v1;
	v23 =	vld [tilespmem:$0x1FBA0]  }
0x334: {  	v58 =	vmov v24;
	v24 =	vld [tilespmem:$0x1FBB0]  }
0x335: {  	v3 =	vor.u32 v41, v1;
	v26 =	vld [tilespmem:$0x1FDB0]  }
0x336: {  	[sflag:s8] =	ssyncset.done @!p0 $0x0;
	v29 =	vld [tilespmem:$0x1FDC0]  }
0x337: {  	v57 =	vor.u32 v37, v1;
	v30 =	vld [tilespmem:$0x1FDD0];
	[sflag:s8] =	ssyncadd.s32 @!p0 $0xFFFFFEB0  }
0x338: {  	v52 =	vld.idx.msk [tilespmem:v2+s22+$0x0], $0xffff  }
0x339: {  	v63 =	vor.u32 v61, v1;
	v2 =	vld.idx.msk [tilespmem:v2+s21+$0x0], $0xffff  }
0x33a: {  	v60 =	vld.idx.msk [tilespmem:v3+s21+$0x0], $0xffff  }
0x33b: {  	v33 =	vor.u32 v59, v1;
	v3 =	vld.idx.msk [tilespmem:v3+s22+$0x0], $0xffff  }
0x33c: {  	v42 =	vor.u32 v22, v1;
	v34 =	vld.idx.msk [tilespmem:v57+s21+$0x0], $0xffff  }
0x33d: {  	v35 =	vld.idx.msk [tilespmem:v57+s22+$0x0], $0xffff  }
0x33e: {  	v12 =	vld.idx.msk [tilespmem:v63+s21+$0x0], $0xffff  }
0x33f: {  	v38 =	vld.idx.msk [tilespmem:v63+s22+$0x0], $0xffff;
	v51 =	vor.u32 v28, v1  }
0x340: {  	v40 =	vld.idx.msk [tilespmem:v33+s22+$0x0], $0xffff  }
0x341: {  	v36 =	vor.u32 v23, v1;
	v2 =	vmul.f32 v52, v2;
	v52 =	vld.idx.msk [tilespmem:v42+s22+$0x0], $0xffff  }
0x342: {  	v5 =	vmul.f32 v35, v34;
	v34 =	vld [tilespmem:$0x1FDF0]  }
0x343: {  	v39 =	vor.u32 v24, v1;
	v35 =	vld [tilespmem:$0x1FE00]  }
0x344: {  	v32 =	vld.idx.msk [tilespmem:v51+s21+$0x0], $0xffff  }
0x345: {  	v4 =	vld.idx.msk [tilespmem:v51+s22+$0x0], $0xffff  }
0x346: {  	v44 =	vor.u32 v26, v1;
	v43 =	vld.idx.msk [tilespmem:v36+s21+$0x0], $0xffff  }
0x347: {  	v6 =	vld.idx.msk [tilespmem:v36+s22+$0x0], $0xffff  }
0x348: {  	v57 =	vor.u32 v29, v1;
	v48 =	vld.idx.msk [tilespmem:v39+s21+$0x0], $0xffff  }
0x349: {  	v3 =	vmul.f32 v3, v60;
	v2 =	vadd.f32 $0.0e+00, v2;
	v8 =	vld.idx.msk [tilespmem:v39+s22+$0x0], $0xffff  }
0x34a: {  	v7 =	vmul.f32 v38, v12;
	v12 =	vor.u32 v58, v1;
	v51 =	vld.idx.msk [tilespmem:v42+s21+$0x0], $0xffff  }
0x34b: {  	v60 =	vld.idx.msk [tilespmem:v44+s22+$0x0], $0xffff;
	v2 =	vadd.f32 v3, v2;
	v4 =	vmul.f32 v4, v32  }
0x34c: {  	v3 =	vld.idx.msk [tilespmem:v33+s21+$0x0], $0xffff  }
0x34d: {  	v39 =	vld.idx.msk [tilespmem:v57+s21+$0x0], $0xffff;
	v2 =	vadd.f32 v4, v2  }
0x34e: {  	v42 =	vor.u32 v27, v1;
	v33 =	vld [tilespmem:$0x1FDE0]  }
0x34f: {  	v36 =	vld.idx.msk [tilespmem:v12+s21+$0x0], $0xffff;
	v2 =	vadd.f32 v5, v2  }
0x350: {  	v63 =	vor.u32 v30, v1;
	v38 =	vld.idx.msk [tilespmem:v12+s22+$0x0], $0xffff  }
0x351: {  	v31 =	vmovc v21;
	v12 =	vor.u32 v21, v1;
	v21 =	vld [tilespmem:$0x1FEA0];
	v3 =	vmul.f32 v40, v3;
	v2 =	vadd.f32 v7, v2  }
0x352: {  	v40 =	vld.idx.msk [tilespmem:v57+s22+$0x0], $0xffff  }
0x353: {  	v57 =	vld.idx.msk [tilespmem:v42+s22+$0x0], $0xffff;
	v4 =	vmul.f32 v6, v43;
	v2 =	vadd.f32 v3, v2  }
0x354: {  	v3 =	vld.idx.msk [tilespmem:v44+s21+$0x0], $0xffff  }
0x355: {  	v43 =	vld.idx.msk [tilespmem:v63+s21+$0x0], $0xffff;
	v5 =	vmul.f32 v8, v48;
	v2 =	vadd.f32 v4, v2  }
0x356: {  	v7 =	vmul.f32 v52, v51;
	v51 =	vld.idx.msk [tilespmem:v12+s22+$0x0], $0xffff  }
0x357: {  	v44 =	vld.idx.msk [tilespmem:v63+s22+$0x0], $0xffff;
	v2 =	vadd.f32 v5, v2  }
0x358: {  	v4 =	vmul.f32 v38, v36;
	v36 =	vld [tilespmem:$0x1FE10]  }
0x359: {  	v48 =	vor.u32 v33, v1;
	v52 =	vld.idx.msk [tilespmem:v42+s21+$0x0], $0xffff;
	v3 =	vmul.f32 v60, v3;
	v2 =	vadd.f32 v7, v2  }
0x35a: {  	v5 =	vmul.f32 v40, v39;
	v39 =	vld [tilespmem:$0x1FE20]  }
0x35b: {  	v2 =	vadd.f32 v3, v2;
	v3 =	vld.idx.msk [tilespmem:v12+s21+$0x0], $0xffff;
	v12 =	vor.u32 v34, v1  }
0x35c: {  	v6 =	vmul.f32 v44, v43;
	v43 =	vld [tilespmem:$0x1FE30]  }
0x35d: {  	v44 =	vld [tilespmem:$0x1FE40];
	v63 =	vor.u32 v36, v1;
	v2 =	vadd.f32 v4, v2  }
0x35e: {  	v7 =	vld.idx.msk [tilespmem:v48+s22+$0x0], $0xffff  }
0x35f: {  	v60 =	vor.u32 v35, v1;
	v2 =	vadd.f32 v5, v2;
	v5 =	vld.idx.msk [tilespmem:v48+s21+$0x0], $0xffff  }
0x360: {  	v48 =	vld.idx.msk [tilespmem:v12+s21+$0x0], $0xffff  }
0x361: {  	v3 =	vmul.f32 v51, v3;
	v51 =	vld.idx.msk [tilespmem:v12+s22+$0x0], $0xffff;
	v12 =	vor.u32 v39, v1  }
0x362: {  	v4 =	vmul.f32 v57, v52;
	v52 =	vld.idx.msk [tilespmem:v63+s21+$0x0], $0xffff  }
0x363: {  	v63 =	vld.idx.msk [tilespmem:v63+s22+$0x0], $0xffff;
	v2 =	vadd.f32 v6, v2  }
0x364: {  	v57 =	vld.idx.msk [tilespmem:v60+s22+$0x0], $0xffff  }
0x365: {  	v2 =	vadd.f32 v3, v2;
	v3 =	vld.idx.msk [tilespmem:v60+s21+$0x0], $0xffff  }
0x366: {  	v60 =	vor.u32 v43, v1;
	v8 =	vld.idx.msk [tilespmem:v12+s22+$0x0], $0xffff  }
0x367: {  	v5 =	vmul.f32 v7, v5;
	v2 =	vadd.f32 v4, v2;
	v6 =	vmul.f32 v51, v48;
	v48 =	vld [tilespmem:$0x1FE50]  }
0x368: {  	v38 =	vor.u32 v44, v1;
	v4 =	vmul.f32 v63, v52;
	v52 =	vld [tilespmem:$0x1FE90]  }
0x369: {  	v2 =	vadd.f32 v5, v2;
	v5 =	vld.idx.msk [tilespmem:v12+s21+$0x0], $0xffff  }
0x36a: {  	v3 =	vmul.f32 v57, v3;
	v57 =	vld [tilespmem:$0x1FE80]  }
0x36b: {  	v40 =	vld.idx.msk [tilespmem:v60+s21+$0x0], $0xffff  }
0x36c: {  	v42 =	vld.idx.msk [tilespmem:v60+s22+$0x0], $0xffff;
	v2 =	vadd.f32 v6, v2;
	v12 =	vor.u32 v48, v1  }
0x36d: {  	v63 =	vld.idx.msk [tilespmem:v38+s22+$0x0], $0xffff  }
0x36e: {  	v2 =	vadd.f32 v3, v2;
	v3 =	vld.idx.msk [tilespmem:v38+s21+$0x0], $0xffff;
	v38 =	vor.u32 v52, v1  }
0x36f: {  	v25 =	vmov v22;
	v22 =	vld [tilespmem:$0x1FEB0];
	v60 =	vor.u32 v57, v1  }
0x370: {  	v0 =	vld [tilespmem:$0x1FD30];
	v5 =	vmul.f32 v8, v5  }
0x371: {  	v2 =	vadd.f32 v4, v2;
	v6 =	vmul.f32 v42, v40;
	v42 =	vor.u32 v17, v1;
	v4 =	vld.idx.msk [tilespmem:v12+s21+$0x0], $0xffff  }
0x372: {  	v51 =	vld.idx.msk [tilespmem:v12+s22+$0x0], $0xffff;
	v12 =	vor.u32 v21, v1  }
0x373: {  	v2 =	vadd.f32 v5, v2;
	v3 =	vmul.f32 v63, v3;
	v63 =	vld.idx.msk [tilespmem:v38+s22+$0x0], $0xffff  }
0x374: {  	v5 =	vld.idx.msk [tilespmem:v60+s21+$0x0], $0xffff  }
0x375: {  	v2 =	vadd.f32 v6, v2;
	v40 =	vld.idx.msk [tilespmem:v60+s22+$0x0], $0xffff  }
0x376: {  	v9 =	vld.idx.msk [tilespmem:v42+s22+$0x0], $0xffff  }
0x377: {  	v2 =	vadd.f32 v3, v2;
	v3 =	vld.idx.msk [tilespmem:v12+s21+$0x0], $0xffff;
	v4 =	vmul.f32 v51, v4  }
0x378: {  	v51 =	vld.idx.msk [tilespmem:v12+s22+$0x0], $0xffff  }
0x379: {  	v2 =	vadd.f32 v4, v2;
	v4 =	vld.idx.msk [tilespmem:v42+s21+$0x0], $0xffff  }
0x37a: {  	v42 =	vld [tilespmem:$0x1FE60]  }
0x37b: {  	v60 =	vld.idx.msk [tilespmem:v38+s21+$0x0], $0xffff;
	v38 =	vor.u32 v22, v1  }
0x37c: {  	v5 =	vmul.f32 v40, v5;
	v40 =	vld [tilespmem:$0x1FE70]  }
0x37d: {  	v32 =	vmov v27;
	v27 =	vld [tilespmem:$0x1FED0];
	v12 =	vor.u32 v47, v1  }
0x37e: {  	v3 =	vmul.f32 v51, v3;
	v51 =	vld [tilespmem:$0x1FEC0]  }
0x37f: {  	v17 =	vld [tilespmem:$0x1FF10];
	v10 =	vor.u32 v42, v1  }
0x380: {  	v6 =	vmul.f32 v63, v60;
	v60 =	vld.idx.msk [tilespmem:v38+s22+$0x0], $0xffff;
	v2 =	vadd.f32 v5, v2  }
0x381: {  	v5 =	vld.idx.msk [tilespmem:v38+s21+$0x0], $0xffff;
	v63 =	vor.u32 v40, v1  }
0x382: {  	v38 =	vld.idx.msk [tilespmem:v12+s22+$0x0], $0xffff;
	v2 =	vadd.f32 v6, v2  }
0x383: {  	v6 =	vld.idx.msk [tilespmem:v12+s21+$0x0], $0xffff;
	v12 =	vor.u32 v51, v1  }
0x384: {  	v4 =	vmul.f32 v9, v4;
	v2 =	vadd.f32 v3, v2;
	v3 =	vld.idx.msk [tilespmem:v10+s21+$0x0], $0xffff  }
0x385: {  	v9 =	vld.idx.msk [tilespmem:v10+s22+$0x0], $0xffff;
	v10 =	vor.u32 v27, v1  }
0x386: {  	v5 =	vmul.f32 v60, v5;
	v2 =	vadd.f32 v4, v2;
	v4 =	vld.idx.msk [tilespmem:v63+s21+$0x0], $0xffff  }
0x387: {  	v60 =	vld.idx.msk [tilespmem:v63+s22+$0x0], $0xffff;
	v63 =	vor.u32 v49, v1  }
0x388: {  	v6 =	vmul.f32 v38, v6;
	v2 =	vadd.f32 v5, v2;
	v5 =	vld.idx.msk [tilespmem:v12+s21+$0x0], $0xffff  }
0x389: {  	v38 =	vld.idx.msk [tilespmem:v12+s22+$0x0], $0xffff;
	v12 =	vor.u32 v0, v1  }
0x38a: {  	v2 =	vadd.f32 v6, v2;
	v6 =	vld.idx.msk [tilespmem:v10+s21+$0x0], $0xffff  }
0x38b: {  	v3 =	vmul.f32 v9, v3;
	v9 =	vld.idx.msk [tilespmem:v10+s22+$0x0], $0xffff  }
0x38c: {  	v10 =	vor.u32 v56, v1;
	v4 =	vmul.f32 v60, v4;
	v60 =	vld.idx.msk [tilespmem:v63+s22+$0x0], $0xffff  }
0x38d: {  	v2 =	vadd.f32 v3, v2;
	v3 =	vld.idx.msk [tilespmem:v63+s21+$0x0], $0xffff  }
0x38e: {  	v63 =	vor.u32 v46, v1;
	v5 =	vmul.f32 v38, v5;
	v38 =	vld.idx.msk [tilespmem:v12+s22+$0x0], $0xffff  }
0x38f: {  	v2 =	vadd.f32 v4, v2;
	v4 =	vld.idx.msk [tilespmem:v12+s21+$0x0], $0xffff  }
0x390: {  	v56 =	vmov v62;
	v12 =	vor.u32 v62, v1;
	v62 =	vld [tilespmem:$0x1FD20]  }
0x391: {  	v6 =	vmul.f32 v9, v6;
	v9 =	vld.idx.msk [tilespmem:v10+s22+$0x0], $0xffff  }
0x392: {  	v2 =	vadd.f32 v5, v2;
	v5 =	vld.idx.msk [tilespmem:v10+s21+$0x0], $0xffff  }
0x393: {  	v7 =	vld.idx.msk [tilespmem:v63+s22+$0x0], $0xffff  }
0x394: {  	v10 =	vor.u32 v19, v1;
	v2 =	vadd.f32 v6, v2;
	v6 =	vld.idx.msk [tilespmem:v63+s21+$0x0], $0xffff  }
0x395: {  	v63 =	vld [tilespmem:$0x1FD10]  }
0x396: {  	v3 =	vmul.f32 v60, v3;
	v60 =	vld [tilespmem:$0x1FCF0]  }
0x397: {  	v4 =	vmul.f32 v38, v4;
	v38 =	vld.idx.msk [tilespmem:v12+s22+$0x0], $0xffff  }
0x398: {  	v46 =	vor.u32 v62, v1;
	v2 =	vadd.f32 v3, v2;
	v3 =	vld.idx.msk [tilespmem:v12+s21+$0x0], $0xffff  }
0x399: {  	v5 =	vmul.f32 v9, v5;
	v9 =	vld.idx.msk [tilespmem:v10+s22+$0x0], $0xffff  }
0x39a: {  	v2 =	vadd.f32 v4, v2;
	v4 =	vld.idx.msk [tilespmem:v10+s21+$0x0], $0xffff;
	v12 =	vor.u32 v63, v1  }
0x39b: {  	v10 =	vor.u32 v18, v1;
	v18 =	vld [tilespmem:$0x1FF20]  }
0x39c: {  	v19 =	vld [tilespmem:$0x1FF30]  }
0x39d: {  	v6 =	vmul.f32 v7, v6;
	v2 =	vadd.f32 v5, v2;
	v5 =	vld.idx.msk [tilespmem:v46+s21+$0x0], $0xffff  }
0x39e: {  	v7 =	vld.idx.msk [tilespmem:v46+s22+$0x0], $0xffff;
	v46 =	vor.u32 v60, v1  }
0x39f: {  	v3 =	vmul.f32 v38, v3;
	v2 =	vadd.f32 v6, v2;
	v6 =	vld.idx.msk [tilespmem:v12+s21+$0x0], $0xffff  }
0x3a0: {  	v38 =	vld.idx.msk [tilespmem:v12+s22+$0x0], $0xffff;
	v12 =	vor.u32 v18, v1  }
0x3a1: {  	v4 =	vmul.f32 v9, v4;
	v9 =	vld.idx.msk [tilespmem:v10+s22+$0x0], $0xffff;
	v2 =	vadd.f32 v3, v2  }
0x3a2: {  	v3 =	vld.idx.msk [tilespmem:v10+s21+$0x0], $0xffff  }
0x3a3: {  	v5 =	vmul.f32 v7, v5;
	v7 =	vld.idx.msk [tilespmem:v46+s22+$0x0], $0xffff;
	v2 =	vadd.f32 v4, v2  }
0x3a4: {  	v10 =	vor.u32 v17, v1;
	v4 =	vld.idx.msk [tilespmem:v46+s21+$0x0], $0xffff  }
0x3a5: {  	v46 =	vor.u32 v19, v1;
	v2 =	vadd.f32 v5, v2;
	v5 =	vld.idx.msk [tilespmem:v12+s21+$0x0], $0xffff  }
0x3a6: {  	v6 =	vmul.f32 v38, v6;
	v38 =	vld.idx.msk [tilespmem:v12+s22+$0x0], $0xffff  }
0x3a7: {  	v12 =	vld [tilespmem:$0x1FD80];
	_ =	sdelay $0x1  }
0x3a8: {  	v3 =	vmul.f32 v9, v3;
	v9 =	vld.idx.msk [tilespmem:v10+s22+$0x0], $0xffff;
	v2 =	vadd.f32 v6, v2  }
0x3a9: {  	v4 =	vmul.f32 v7, v4;
	v7 =	vld.idx.msk [tilespmem:v46+s22+$0x0], $0xffff  }
0x3aa: {  	v2 =	vadd.f32 v3, v2;
	v3 =	vld.idx.msk [tilespmem:v46+s21+$0x0], $0xffff;
	v46 =	vor.u32 v50, v1  }
0x3ab: {  	v6 =	vld.idx.msk [tilespmem:v10+s21+$0x0], $0xffff;
	v12 =	vor.u32 v12, v1;
	_ =	sdelay $0x1  }
0x3ac: {  	v5 =	vmul.f32 v38, v5;
	v38 =	vld [tilespmem:$0x1FEE0]  }
0x3ad: {  	v50 =	vld [tilespmem:$0x1FD60];
	v2 =	vadd.f32 v4, v2  }
0x3ae: {  	v10 =	vor.u32 v16, v1;
	v3 =	vmul.f32 v7, v3;
	v7 =	vld.idx.msk [tilespmem:v46+s22+$0x0], $0xffff  }
0x3af: {  	v6 =	vmul.f32 v9, v6;
	v2 =	vadd.f32 v5, v2;
	v4 =	vld.idx.msk [tilespmem:v12+s21+$0x0], $0xffff  }
0x3b0: {  	v8 =	vld.idx.msk [tilespmem:v12+s22+$0x0], $0xffff  }
0x3b1: {  	v12 =	vor.u32 v38, v1;
	v2 =	vadd.f32 v6, v2;
	v6 =	vld.idx.msk [tilespmem:v46+s21+$0x0], $0xffff  }
0x3b2: {  	v46 =	vld [tilespmem:$0x1FB40]  }
0x3b3: {  	v9 =	vld.idx.msk [tilespmem:v10+s22+$0x0], $0xffff  }
0x3b4: {  	v5 =	vld.idx.msk [tilespmem:v10+s21+$0x0], $0xffff;
	v10 =	vor.u32 v50, v1;
	_ =	sdelay $0x1  }
0x3b5: {  	v2 =	vadd.f32 v3, v2;
	v3 =	vld.idx.msk [tilespmem:v12+s21+$0x0], $0xffff  }
0x3b6: {  	v11 =	vor.u32 v46, v1;
	v46 =	vld.idx.msk [tilespmem:v12+s22+$0x0], $0xffff  }
0x3b7: {  	v4 =	vmul.f32 v8, v4;
	v12 =	vld [tilespmem:$0x1FD90]  }
0x3b8: {  	v5 =	vmul.f32 v9, v5;
	v9 =	vld.idx.msk [tilespmem:v10+s22+$0x0], $0xffff  }
0x3b9: {  	v2 =	vadd.f32 v4, v2;
	v4 =	vld.idx.msk [tilespmem:v10+s21+$0x0], $0xffff  }
0x3ba: {  	v10 =	vor.u32 v15, v1;
	v15 =	vld [tilespmem:$0x1FB60];
	_ =	sdelay $0x1  }
0x3bb: {  	v16 =	vld [tilespmem:$0x1FB70];
	v6 =	vmul.f32 v7, v6;
	v2 =	vadd.f32 v5, v2;
	v12 =	vor.u32 v12, v1  }
0x3bc: {  	v5 =	vld.idx.msk [tilespmem:v11+s21+$0x0], $0xffff  }
0x3bd: {  	v7 =	vld.idx.msk [tilespmem:v11+s22+$0x0], $0xffff;
	v3 =	vmul.f32 v46, v3;
	v2 =	vadd.f32 v6, v2  }
0x3be: {  	v11 =	vor.u32 v15, v1;
	v4 =	vmul.f32 v9, v4;
	v9 =	vld.idx.msk [tilespmem:v10+s22+$0x0], $0xffff  }
0x3bf: {  	v2 =	vadd.f32 v3, v2;
	v3 =	vld.idx.msk [tilespmem:v10+s21+$0x0], $0xffff  }
0x3c0: {  	v6 =	vld.idx.msk [tilespmem:v12+s21+$0x0], $0xffff  }
0x3c1: {  	v10 =	vor.u32 v45, v1;
	v46 =	vld.idx.msk [tilespmem:v12+s22+$0x0], $0xffff  }
0x3c2: {  	v12 =	vor.u32 v16, v1  }
0x3c3: {  	v2 =	vadd.f32 v4, v2;
	v4 =	vld.idx.msk [tilespmem:v11+s21+$0x0], $0xffff  }
0x3c4: {  	v54 =	vor.u32 v54, v1;
	v5 =	vmul.f32 v7, v5;
	v7 =	vld.idx.msk [tilespmem:v11+s22+$0x0], $0xffff  }
0x3c5: {  	v45 =	vld [tilespmem:$0x1FEF0]  }
0x3c6: {  	v2 =	vadd.f32 v5, v2;
	v3 =	vmul.f32 v9, v3;
	v9 =	vld.idx.msk [tilespmem:v10+s22+$0x0], $0xffff;
	v6 =	vmul.f32 v46, v6  }
0x3c7: {  	v5 =	vld.idx.msk [tilespmem:v12+s21+$0x0], $0xffff  }
0x3c8: {  	v8 =	vld.idx.msk [tilespmem:v12+s22+$0x0], $0xffff;
	v2 =	vadd.f32 v6, v2  }
0x3c9: {  	v4 =	vmul.f32 v7, v4;
	v7 =	vld.idx.msk [tilespmem:v54+s22+$0x0], $0xffff  }
0x3ca: {  	v2 =	vadd.f32 v3, v2;
	v3 =	vld.idx.msk [tilespmem:v54+s21+$0x0], $0xffff  }
0x3cb: {  	v54 =	vld [tilespmem:$0x1FF00]  }
0x3cc: {  	v12 =	vor.u32 v45, v1;
	v6 =	vld.idx.msk [tilespmem:v10+s21+$0x0], $0xffff  }
0x3cd: {  	v10 =	vor.u32 v20, v1;
	v20 =	vld [tilespmem:$0x1FD70];
	_ =	sdelay $0x2  }
0x3ce: {  	v11 =	vor.u32 v54, v1  }
0x3cf: {  	v5 =	vmul.f32 v8, v5;
	v46 =	vld.idx.msk [tilespmem:v12+s22+$0x0], $0xffff;
	v2 =	vadd.f32 v4, v2  }
0x3d0: {  	v4 =	vld.idx.msk [tilespmem:v12+s21+$0x0], $0xffff;
	v12 =	vor.u32 v20, v1  }
0x3d1: {  	v6 =	vmul.f32 v9, v6;
	v9 =	vld.idx.msk [tilespmem:v10+s22+$0x0], $0xffff;
	v2 =	vadd.f32 v5, v2  }
0x3d2: {  	v55 =	vor.u32 v55, v1;
	v5 =	vld.idx.msk [tilespmem:v10+s21+$0x0], $0xffff  }
0x3d3: {  	v3 =	vmul.f32 v7, v3;
	v2 =	vadd.f32 v6, v2;
	v6 =	vld.idx.msk [tilespmem:v11+s21+$0x0], $0xffff  }
0x3d4: {  	v1 =	vor.u32 v53, v1;
	v7 =	vld.idx.msk [tilespmem:v11+s22+$0x0], $0xffff  }
0x3d5: {  	v2 =	vadd.f32 v3, v2;
	v3 =	vmul.f32 v46, v4;
	v4 =	vld.idx.msk [tilespmem:v12+s22+$0x0], $0xffff  }
0x3d6: {  	v11 =	vld.idx.msk [tilespmem:v12+s21+$0x0], $0xffff  }
0x3d7: {  	v53 =	vld.idx.msk [tilespmem:v55+s22+$0x0], $0xffff;
	v2 =	vadd.f32 v3, v2;
	v3 =	vmul.f32 v9, v5  }
0x3d8: {  	v46 =	vld.idx.msk [tilespmem:v55+s21+$0x0], $0xffff  }
0x3d9: {  	v55 =	vld.idx.msk [tilespmem:v1+s21+$0x0], $0xffff;
	v2 =	vadd.f32 v3, v2;
	v3 =	vmul.f32 v7, v6  }
0x3da: {  	v1 =	vld.idx.msk [tilespmem:v1+s22+$0x0], $0xffff  }
0x3db: {  	v2 =	vadd.f32 v3, v2;
	v3 =	vmul.f32 v4, v11;
	_ =	sdelay $0x1  }
0x3dc: {  	v2 =	vadd.f32 v3, v2;
	v3 =	vmul.f32 v53, v46;
	_ =	sdelay $0x1  }
0x3dd: {  	v1 =	vmul.f32 v1, v55;
	v2 =	vadd.f32 v3, v2;
	_ =	sdelay $0x1  }
0x3de: {  	v1 =	vadd.f32 v1, v2;
	_ =	sdelay $0x1  }
0x3df: {  	v1 =	vsub.f32 $0.0e+00, v1;
	_ =	sdelay $0x1  }
0x3e0: {  	v1 =	vmul.f32 $1.442695020e+00, v1;
	_ =	sdelay $0x1  }
0x3e1: {  	(erf) = vpow2.f32 v1;
	_ =	sdelay $0x8  }
0x3e2: {  	v1 =	vpop (erf)  }
0x3e3: {  	v1 =	vadd.f32 $1.000000000e+00, v1;
	_ =	sdelay $0x1  }
0x3e4: {  	(erf) = vrcp.f32 v1;
	_ =	sdelay $0x1  }
0x3e5: {  	s11 =	simm.s32 $0x10  }
0x3e6: {  	v1 =	vmov s11  }
0x3e7: {  	v1 =	vshll.u32 v1, $0x6  }
0x3e8: {  	v1 =	vor.u32 v14, v1  }
0x3e9: {  	v2 =	vor.u32 v13, v1;
	_ =	sdelay $0x1  }
0x3ea: {  	v3 =	vor.u32 v41, v1  }
0x3eb: {  	s9 =	simm.s32 $0x175F0;
	v46 =	vpop (erf)  }
0x3ec: {  	v53 =	vor.u32 v28, v1;
	[tilespmem:s9+$0x0] =	vst v46  }
0x3ed: {  	v4 =	vld.idx.msk [tilespmem:v2+s22+$0x0], $0xffff  }
0x3ee: {  	v55 =	vor.u32 v37, v1;
	v2 =	vld.idx.msk [tilespmem:v2+s21+$0x0], $0xffff  }
0x3ef: {  	v7 =	vld.idx.msk [tilespmem:v3+s21+$0x0], $0xffff  }
0x3f0: {  	v37 =	vor.u32 v61, v1;
	v3 =	vld.idx.msk [tilespmem:v3+s22+$0x0], $0xffff  }
0x3f1: {  	v41 =	vld.idx.msk [tilespmem:v53+s21+$0x0], $0xffff  }
0x3f2: {  	v61 =	vor.u32 v24, v1;
	v5 =	vld.idx.msk [tilespmem:v53+s22+$0x0], $0xffff  }
0x3f3: {  	v46 =	vor.u32 v59, v1;
	v11 =	vld.idx.msk [tilespmem:v55+s21+$0x0], $0xffff  }
0x3f4: {  	v53 =	vld.idx.msk [tilespmem:v55+s22+$0x0], $0xffff;
	v55 =	vor.u32 v23, v1  }
0x3f5: {  	v12 =	vld.idx.msk [tilespmem:v37+s21+$0x0], $0xffff  }
0x3f6: {  	v59 =	vld.idx.msk [tilespmem:v37+s22+$0x0], $0xffff;
	v2 =	vmul.f32 v4, v2  }
0x3f7: {  	v8 =	vld.idx.msk [tilespmem:v61+s22+$0x0], $0xffff  }
0x3f8: {  	v37 =	vld.idx.msk [tilespmem:v46+s22+$0x0], $0xffff;
	v3 =	vmul.f32 v3, v7;
	v2 =	vadd.f32 $0.0e+00, v2  }
0x3f9: {  	v5 =	vmul.f32 v5, v41;
	v41 =	vor.u32 v25, v1;
	v6 =	vld.idx.msk [tilespmem:v55+s22+$0x0], $0xffff  }
0x3fa: {  	v2 =	vadd.f32 v3, v2;
	v3 =	vld.idx.msk [tilespmem:v46+s21+$0x0], $0xffff  }
0x3fb: {  	v4 =	vmul.f32 v53, v11;
	v53 =	vor.u32 v26, v1;
	v46 =	vld.idx.msk [tilespmem:v55+s21+$0x0], $0xffff  }
0x3fc: {  	v7 =	vmul.f32 v59, v12;
	v12 =	vor.u32 v58, v1;
	v55 =	vld.idx.msk [tilespmem:v61+s21+$0x0], $0xffff;
	v2 =	vadd.f32 v5, v2;
	_ =	sdelay $0x1  }
0x3fd: {  	v59 =	vld.idx.msk [tilespmem:v41+s21+$0x0], $0xffff;
	v2 =	vadd.f32 v4, v2  }
0x3fe: {  	v61 =	vld.idx.msk [tilespmem:v41+s22+$0x0], $0xffff;
	v3 =	vmul.f32 v37, v3;
	v37 =	vor.u32 v29, v1  }
0x3ff: {  	v41 =	vld.idx.msk [tilespmem:v53+s22+$0x0], $0xffff;
	v2 =	vadd.f32 v7, v2  }
0x400: {  	v5 =	vmul.f32 v6, v46;
	v46 =	vor.u32 v30, v1;
	v4 =	vmul.f32 v8, v55;
	v55 =	vld.idx.msk [tilespmem:v12+s22+$0x0], $0xffff  }
0x401: {  	v2 =	vadd.f32 v3, v2;
	v3 =	vld.idx.msk [tilespmem:v53+s21+$0x0], $0xffff  }
0x402: {  	v24 =	vmov v58;
	v53 =	vld.idx.msk [tilespmem:v12+s21+$0x0], $0xffff;
	v12 =	vor.u32 v31, v1  }
0x403: {  	v7 =	vmul.f32 v61, v59;
	v61 =	vor.u32 v32, v1;
	v2 =	vadd.f32 v5, v2;
	v58 =	vld.idx.msk [tilespmem:v37+s21+$0x0], $0xffff  }
0x404: {  	v59 =	vld.idx.msk [tilespmem:v37+s22+$0x0], $0xffff  }
0x405: {  	v37 =	vld.idx.msk [tilespmem:v46+s21+$0x0], $0xffff;
	v2 =	vadd.f32 v4, v2  }
0x406: {  	v3 =	vmul.f32 v41, v3;
	v41 =	vld.idx.msk [tilespmem:v46+s22+$0x0], $0xffff;
	v46 =	vor.u32 v33, v1  }
0x407: {  	v5 =	vmul.f32 v55, v53;
	v53 =	vld.idx.msk [tilespmem:v12+s22+$0x0], $0xffff;
	v2 =	vadd.f32 v7, v2  }
0x408: {  	v55 =	vld.idx.msk [tilespmem:v61+s21+$0x0], $0xffff  }
0x409: {  	v2 =	vadd.f32 v3, v2;
	v3 =	vld.idx.msk [tilespmem:v12+s21+$0x0], $0xffff;
	v12 =	vor.u32 v34, v1  }
0x40a: {  	v4 =	vmul.f32 v59, v58;
	v58 =	vld.idx.msk [tilespmem:v61+s22+$0x0], $0xffff  }
0x40b: {  	v59 =	vor.u32 v35, v1;
	v61 =	vld.idx.msk [tilespmem:v46+s21+$0x0], $0xffff  }
0x40c: {  	v2 =	vadd.f32 v5, v2;
	v6 =	vmul.f32 v41, v37;
	v37 =	vld.idx.msk [tilespmem:v46+s22+$0x0], $0xffff;
	v41 =	vor.u32 v36, v1;
	_ =	sdelay $0x1  }
0x40d: {  	v2 =	vadd.f32 v4, v2;
	v46 =	vld.idx.msk [tilespmem:v12+s21+$0x0], $0xffff  }
0x40e: {  	v3 =	vmul.f32 v53, v3;
	v53 =	vld.idx.msk [tilespmem:v12+s22+$0x0], $0xffff;
	v12 =	vor.u32 v39, v1  }
0x40f: {  	v5 =	vmul.f32 v58, v55;
	v55 =	vld.idx.msk [tilespmem:v59+s22+$0x0], $0xffff;
	v2 =	vadd.f32 v6, v2  }
0x410: {  	v25 =	vmovc v29;
	v29 =	vmov v33;
	v58 =	vor.u32 v43, v1;
	v4 =	vmul.f32 v37, v61;
	v61 =	vld.idx.msk [tilespmem:v41+s22+$0x0], $0xffff  }
0x411: {  	v33 =	vmovc v39;
	v39 =	vmov v57;
	v57 =	vor.u32 v57, v1;
	v2 =	vadd.f32 v3, v2;
	v3 =	vld.idx.msk [tilespmem:v59+s21+$0x0], $0xffff  }
0x412: {  	v23 =	vmov v26;
	v26 =	vmov v30;
	v59 =	vld.idx.msk [tilespmem:v41+s21+$0x0], $0xffff  }
0x413: {  	v30 =	vmovc v34;
	v31 =	vmovc v35;
	v35 =	vmov v44;
	v34 =	vmov v43;
	v43 =	vor.u32 v44, v1;
	v44 =	vld.idx.msk [tilespmem:v12+s21+$0x0], $0xffff  }
0x414: {  	v2 =	vadd.f32 v5, v2;
	v6 =	vmul.f32 v53, v46;
	v46 =	vld.idx.msk [tilespmem:v12+s22+$0x0], $0xffff;
	v12 =	vor.u32 v48, v1  }
0x415: {  	v53 =	vld.idx.msk [tilespmem:v58+s21+$0x0], $0xffff  }
0x416: {  	v37 =	vld.idx.msk [tilespmem:v57+s21+$0x0], $0xffff;
	v2 =	vadd.f32 v4, v2  }
0x417: {  	v3 =	vmul.f32 v55, v3;
	v55 =	vld.idx.msk [tilespmem:v58+s22+$0x0], $0xffff  }
0x418: {  	v58 =	vld.idx.msk [tilespmem:v43+s22+$0x0], $0xffff;
	v2 =	vadd.f32 v6, v2  }
0x419: {  	v5 =	vmul.f32 v61, v59;
	v61 =	vld.idx.msk [tilespmem:v12+s22+$0x0], $0xffff  }
0x41a: {  	v59 =	vor.u32 v52, v1;
	v4 =	vmul.f32 v46, v44;
	v46 =	vld [tilespmem:$0x1FF70];
	v2 =	vadd.f32 v3, v2  }
0x41b: {  	v3 =	vld.idx.msk [tilespmem:v43+s21+$0x0], $0xffff  }
0x41c: {  	v2 =	vadd.f32 v5, v2;
	v5 =	vld.idx.msk [tilespmem:v12+s21+$0x0], $0xffff;
	v12 =	vor.u32 v21, v1  }
0x41d: {  	v41 =	vld.idx.msk [tilespmem:v57+s22+$0x0], $0xffff;
	v6 =	vmul.f32 v55, v53;
	v55 =	vor.u32 v22, v1;
	_ =	sdelay $0x1  }
0x41e: {  	v28 =	vmov v32;
	v32 =	vmov v36;
	v36 =	vmov v48;
	v48 =	vld.idx.msk [tilespmem:v59+s21+$0x0], $0xffff  }
0x41f: {  	v53 =	vld.idx.msk [tilespmem:v59+s22+$0x0], $0xffff;
	v2 =	vadd.f32 v4, v2;
	v44 =	vor.u32 v46, v1  }
0x420: {  	v3 =	vmul.f32 v58, v3;
	v58 =	vld.idx.msk [tilespmem:v12+s22+$0x0], $0xffff  }
0x421: {  	v4 =	vmul.f32 v41, v37;
	v37 =	vor.u32 v42, v1;
	v2 =	vadd.f32 v6, v2;
	v41 =	vld.idx.msk [tilespmem:v55+s21+$0x0], $0xffff  }
0x422: {  	v42 =	vld.idx.msk [tilespmem:v55+s22+$0x0], $0xffff;
	v55 =	vor.u32 v27, v1  }
0x423: {  	v5 =	vmul.f32 v61, v5;
	v2 =	vadd.f32 v3, v2;
	v3 =	vld.idx.msk [tilespmem:v12+s21+$0x0], $0xffff;
	v12 =	vor.u32 v47, v1  }
0x424: {  	v59 =	vld.idx.msk [tilespmem:v44+s21+$0x0], $0xffff  }
0x425: {  	v61 =	vld.idx.msk [tilespmem:v44+s22+$0x0], $0xffff;
	v44 =	vor.u32 v40, v1;
	v2 =	vadd.f32 v5, v2  }
0x426: {  	v6 =	vmul.f32 v53, v48;
	v53 =	vld.idx.msk [tilespmem:v37+s22+$0x0], $0xffff  }
0x427: {  	v2 =	vadd.f32 v4, v2;
	v4 =	vmul.f32 v42, v41;
	v42 =	vld.idx.msk [tilespmem:v55+s21+$0x0], $0xffff  }
0x428: {  	v47 =	vld.idx.msk [tilespmem:v12+s21+$0x0], $0xffff  }
0x429: {  	v48 =	vld.idx.msk [tilespmem:v12+s22+$0x0], $0xffff;
	v12 =	vor.u32 v51, v1  }
0x42a: {  	v3 =	vmul.f32 v58, v3;
	v2 =	vadd.f32 v6, v2;
	v5 =	vmul.f32 v61, v59;
	v59 =	vld.idx.msk [tilespmem:v44+s21+$0x0], $0xffff  }
0x42b: {  	v61 =	vld.idx.msk [tilespmem:v44+s22+$0x0], $0xffff  }
0x42c: {  	v2 =	vadd.f32 v3, v2;
	v3 =	vld.idx.msk [tilespmem:v37+s21+$0x0], $0xffff  }
0x42d: {  	v44 =	vld.idx.msk [tilespmem:v55+s22+$0x0], $0xffff  }
0x42e: {  	v40 =	vld.idx.msk [tilespmem:v12+s21+$0x0], $0xffff  }
0x42f: {  	v37 =	vor.u32 v49, v1;
	v6 =	vmul.f32 v48, v47;
	v47 =	vld [tilespmem:$0x1FD40]  }
0x430: {  	v2 =	vadd.f32 v5, v2;
	v41 =	vld.idx.msk [tilespmem:v12+s22+$0x0], $0xffff  }
0x431: {  	v12 =	vor.u32 v0, v1;
	v3 =	vmul.f32 v53, v3;
	v53 =	vld [tilespmem:$0x1FF90]  }
0x432: {  	v2 =	vadd.f32 v4, v2  }
0x433: {  	v0 =	vld [tilespmem:$0x1FD00]  }
0x434: {  	v49 =	vld.idx.msk [tilespmem:v37+s22+$0x0], $0xffff;
	v2 =	vadd.f32 v6, v2;
	v48 =	vor.u32 v47, v1  }
0x435: {  	v6 =	vmul.f32 v44, v42;
	v42 =	vld [tilespmem:$0x1FD50]  }
0x436: {  	v5 =	vmul.f32 v61, v59;
	v61 =	vld.idx.msk [tilespmem:v12+s21+$0x0], $0xffff;
	v2 =	vadd.f32 v3, v2;
	v59 =	vor.u32 v53, v1  }
0x437: {  	v3 =	vld.idx.msk [tilespmem:v37+s21+$0x0], $0xffff  }
0x438: {  	v4 =	vmul.f32 v41, v40;
	v37 =	vld.idx.msk [tilespmem:v12+s22+$0x0], $0xffff;
	v12 =	vor.u32 v56, v1;
	v2 =	vadd.f32 v5, v2  }
0x439: {  	v40 =	vld.idx.msk [tilespmem:v48+s21+$0x0], $0xffff  }
0x43a: {  	v55 =	vor.u32 v62, v1;
	v2 =	vadd.f32 v4, v2;
	v41 =	vld.idx.msk [tilespmem:v48+s22+$0x0], $0xffff  }
0x43b: {  	v47 =	vor.u32 v42, v1;
	v48 =	vld.idx.msk [tilespmem:v59+s21+$0x0], $0xffff  }
0x43c: {  	v3 =	vmul.f32 v49, v3;
	v2 =	vadd.f32 v6, v2;
	v49 =	vld.idx.msk [tilespmem:v59+s22+$0x0], $0xffff  }
0x43d: {  	v59 =	vld.idx.msk [tilespmem:v12+s22+$0x0], $0xffff  }
0x43e: {  	v2 =	vadd.f32 v3, v2;
	v3 =	vld.idx.msk [tilespmem:v12+s21+$0x0], $0xffff;
	v12 =	vor.u32 v63, v1  }
0x43f: {  	v44 =	vld.idx.msk [tilespmem:v55+s22+$0x0], $0xffff  }
0x440: {  	v5 =	vmul.f32 v37, v61;
	v61 =	vld.idx.msk [tilespmem:v47+s21+$0x0], $0xffff;
	v63 =	vor.u32 v0, v1  }
0x441: {  	v62 =	vld.idx.msk [tilespmem:v47+s22+$0x0], $0xffff;
	v47 =	vor.u32 v60, v1  }
0x442: {  	v37 =	vld.idx.msk [tilespmem:v55+s21+$0x0], $0xffff;
	v4 =	vmul.f32 v41, v40;
	v2 =	vadd.f32 v5, v2  }
0x443: {  	v6 =	vmul.f32 v49, v48;
	v48 =	vld.idx.msk [tilespmem:v12+s21+$0x0], $0xffff  }
0x444: {  	v2 =	vadd.f32 v4, v2;
	v49 =	vld.idx.msk [tilespmem:v12+s22+$0x0], $0xffff;
	v12 =	vor.u32 v18, v1  }
0x445: {  	v55 =	vld.idx.msk [tilespmem:v63+s22+$0x0], $0xffff  }
0x446: {  	v3 =	vmul.f32 v59, v3;
	v60 =	vld.idx.msk [tilespmem:v47+s21+$0x0], $0xffff;
	v2 =	vadd.f32 v6, v2  }
0x447: {  	v5 =	vmul.f32 v62, v61;
	v59 =	vor.u32 v17, v1;
	v61 =	vld.idx.msk [tilespmem:v47+s22+$0x0], $0xffff  }
0x448: {  	v2 =	vadd.f32 v3, v2;
	v3 =	vld.idx.msk [tilespmem:v63+s21+$0x0], $0xffff  }
0x449: {  	v63 =	vld.idx.msk [tilespmem:v12+s21+$0x0], $0xffff  }
0x44a: {  	v42 =	vld.idx.msk [tilespmem:v12+s22+$0x0], $0xffff  }
0x44b: {  	v12 =	vld [tilespmem:$0x1FD80]  }
0x44c: {  	v4 =	vmul.f32 v44, v37;
	v62 =	vor.u32 v19, v1;
	v44 =	vld.idx.msk [tilespmem:v59+s21+$0x0], $0xffff  }
0x44d: {  	v47 =	vld.idx.msk [tilespmem:v59+s22+$0x0], $0xffff  }
0x44e: {  	v2 =	vadd.f32 v5, v2;
	v5 =	vmul.f32 v61, v60;
	v60 =	vld [tilespmem:$0x1FCD0];
	_ =	sdelay $0x1  }
0x44f: {  	v6 =	vmul.f32 v49, v48  }
0x450: {  	v59 =	vld.idx.msk [tilespmem:v62+s22+$0x0], $0xffff;
	v2 =	vadd.f32 v4, v2;
	v37 =	vmov v12;
	v12 =	vor.u32 v12, v1  }
0x451: {  	v3 =	vmul.f32 v55, v3;
	v55 =	vld [tilespmem:$0x1FCE0]  }
0x452: {  	v2 =	vadd.f32 v6, v2;
	v11 =	vor.u32 v60, v1;
	v6 =	vmul.f32 v47, v44;
	v47 =	vld [tilespmem:$0x1FB40]  }
0x453: {  	v4 =	vmul.f32 v42, v63;
	v42 =	vor.u32 v50, v1;
	v50 =	vld [tilespmem:$0x1FD90]  }
0x454: {  	v2 =	vadd.f32 v3, v2;
	v3 =	vld.idx.msk [tilespmem:v62+s21+$0x0], $0xffff  }
0x455: {  	v61 =	vld.idx.msk [tilespmem:v12+s21+$0x0], $0xffff  }
0x456: {  	v10 =	vor.u32 v55, v1;
	v2 =	vadd.f32 v5, v2;
	v62 =	vld.idx.msk [tilespmem:v12+s22+$0x0], $0xffff  }
0x457: {  	v44 =	vld.idx.msk [tilespmem:v11+s22+$0x0], $0xffff  }
0x458: {  	v12 =	vor.u32 v38, v1;
	v2 =	vadd.f32 v4, v2;
	v49 =	vld.idx.msk [tilespmem:v42+s21+$0x0], $0xffff  }
0x459: {  	v55 =	vld.idx.msk [tilespmem:v42+s22+$0x0], $0xffff  }
0x45a: {  	v2 =	vadd.f32 v6, v2;
	v6 =	vld.idx.msk [tilespmem:v11+s21+$0x0], $0xffff;
	v11 =	vor.u32 v47, v1  }
0x45b: {  	v3 =	vmul.f32 v59, v3;
	v63 =	vld.idx.msk [tilespmem:v10+s21+$0x0], $0xffff  }
0x45c: {  	v48 =	vmov v38;
	v38 =	vld.idx.msk [tilespmem:v10+s22+$0x0], $0xffff  }
0x45d: {  	v2 =	vadd.f32 v3, v2;
	v3 =	vld.idx.msk [tilespmem:v12+s21+$0x0], $0xffff  }
0x45e: {  	v8 =	vld.idx.msk [tilespmem:v12+s22+$0x0], $0xffff  }
0x45f: {  	v42 =	vld.idx.msk [tilespmem:v11+s21+$0x0], $0xffff  }
0x460: {  	v5 =	vmul.f32 v62, v61;
	v6 =	vmul.f32 v44, v6;
	v44 =	vld.idx.msk [tilespmem:v11+s22+$0x0], $0xffff  }
0x461: {  	v4 =	vmul.f32 v38, v63;
	v38 =	vld [tilespmem:$0x1FB50]  }
0x462: {  	v12 =	vor.u32 v50, v1;
	v2 =	vadd.f32 v5, v2;
	_ =	sdelay $0x1  }
0x463: {  	v59 =	vmov v47;
	v47 =	vor.u32 v15, v1;
	v2 =	vadd.f32 v4, v2  }
0x464: {  	v5 =	vmul.f32 v55, v49;
	v49 =	vld [tilespmem:$0x1FA50];
	v3 =	vmul.f32 v8, v3  }
0x465: {  	v2 =	vadd.f32 v6, v2;
	v4 =	vmul.f32 v44, v42;
	v44 =	vld [tilespmem:$0x1FF80];
	v10 =	vor.u32 v38, v1  }
0x466: {  	v8 =	vld.idx.msk [tilespmem:v12+s22+$0x0], $0xffff  }
0x467: {  	v6 =	vld.idx.msk [tilespmem:v12+s21+$0x0], $0xffff;
	v12 =	vor.u32 v16, v1;
	v2 =	vadd.f32 v3, v2  }
0x468: {  	v55 =	vld.idx.msk [tilespmem:v47+s22+$0x0], $0xffff  }
0x469: {  	v2 =	vadd.f32 v5, v2;
	v5 =	vld.idx.msk [tilespmem:v47+s21+$0x0], $0xffff  }
0x46a: {  	v61 =	vmov v38;
	v38 =	vor.u32 v44, v1;
	v3 =	vld.idx.msk [tilespmem:v10+s21+$0x0], $0xffff  }
0x46b: {  	v9 =	vld.idx.msk [tilespmem:v10+s22+$0x0], $0xffff;
	v10 =	vor.u32 v49, v1  }
0x46c: {  	v42 =	vld.idx.msk [tilespmem:v12+s21+$0x0], $0xffff  }
0x46d: {  	v47 =	vld.idx.msk [tilespmem:v12+s22+$0x0], $0xffff  }
0x46e: {  	v60 =	vmov v49;
	v6 =	vmul.f32 v8, v6;
	v2 =	vadd.f32 v4, v2;
	v49 =	vld [tilespmem:$0x1FB80]  }
0x46f: {  	v7 =	vld.idx.msk [tilespmem:v38+s22+$0x0], $0xffff  }
0x470: {  	v12 =	vor.u32 v45, v1;
	v2 =	vadd.f32 v6, v2;
	v6 =	vld.idx.msk [tilespmem:v10+s21+$0x0], $0xffff;
	v3 =	vmul.f32 v9, v3  }
0x471: {  	v9 =	vld.idx.msk [tilespmem:v10+s22+$0x0], $0xffff  }
0x472: {  	v5 =	vmul.f32 v55, v5;
	v55 =	vor.u32 v54, v1;
	v2 =	vadd.f32 v3, v2;
	v3 =	vld.idx.msk [tilespmem:v38+s21+$0x0], $0xffff;
	_ =	sdelay $0x1  }
0x473: {  	v4 =	vmul.f32 v47, v42;
	v2 =	vadd.f32 v5, v2  }
0x474: {  	v47 =	vld.idx.msk [tilespmem:v12+s22+$0x0], $0xffff  }
0x475: {  	v10 =	vor.u32 v49, v1;
	v49 =	vld [tilespmem:$0x1FCC0];
	v6 =	vmul.f32 v9, v6;
	v2 =	vadd.f32 v4, v2  }
0x476: {  	v3 =	vmul.f32 v7, v3;
	v7 =	vld.idx.msk [tilespmem:v55+s22+$0x0], $0xffff  }
0x477: {  	v2 =	vadd.f32 v6, v2;
	v6 =	vld.idx.msk [tilespmem:v55+s21+$0x0], $0xffff  }
0x478: {  	v55 =	vld [tilespmem:$0x1FCB0]  }
0x479: {  	v38 =	vld.idx.msk [tilespmem:v12+s21+$0x0], $0xffff;
	v12 =	vor.u32 v20, v1  }
0x47a: {  	v9 =	vld.idx.msk [tilespmem:v10+s22+$0x0], $0xffff  }
0x47b: {  	v4 =	vld.idx.msk [tilespmem:v10+s21+$0x0], $0xffff;
	v10 =	vor.u32 v49, v1;
	_ =	sdelay $0x1  }
0x47c: {  	v1 =	vor.u32 v55, v1  }
0x47d: {  	v2 =	vadd.f32 v3, v2;
	v3 =	vmul.f32 v47, v38;
	v38 =	vld.idx.msk [tilespmem:v12+s21+$0x0], $0xffff  }
0x47e: {  	v47 =	vld.idx.msk [tilespmem:v12+s22+$0x0], $0xffff  }
0x47f: {  	v49 =	vld.idx.msk [tilespmem:v10+s21+$0x0], $0xffff;
	v2 =	vadd.f32 v3, v2;
	v3 =	vmul.f32 v9, v4  }
0x480: {  	v55 =	vld.idx.msk [tilespmem:v10+s22+$0x0], $0xffff  }
0x481: {  	v2 =	vadd.f32 v3, v2;
	v3 =	vmul.f32 v7, v6;
	v10 =	vld.idx.msk [tilespmem:v1+s21+$0x0], $0xffff  }
0x482: {  	v1 =	vld.idx.msk [tilespmem:v1+s22+$0x0], $0xffff  }
0x483: {  	v2 =	vadd.f32 v3, v2;
	v3 =	vmul.f32 v47, v38;
	_ =	sdelay $0x1  }
0x484: {  	v2 =	vadd.f32 v3, v2;
	v3 =	vmul.f32 v55, v49;
	_ =	sdelay $0x1  }
0x485: {  	v2 =	vadd.f32 v3, v2;
	v1 =	vmul.f32 v1, v10;
	_ =	sdelay $0x1  }
0x486: {  	v1 =	vadd.f32 v1, v2;
	_ =	sdelay $0x1  }
0x487: {  	v1 =	vsub.f32 $0.0e+00, v1;
	_ =	sdelay $0x1  }
0x488: {  	v1 =	vmul.f32 $1.442695020e+00, v1;
	_ =	sdelay $0x1  }
0x489: {  	(erf) = vpow2.f32 v1  }
0x48a: {  	v43 =	vmov v21;
	v21 =	vld [tilespmem:$0x1FBB0]  }
0x48b: {  	v57 =	vmov v22;
	v22 =	vld [tilespmem:$0x1FFB0]  }
0x48c: {  	v58 =	vmov v27;
	v27 =	vld [tilespmem:$0x1FFC0]  }
0x48d: {  	v40 =	vmov v17;
	v17 =	vld [tilespmem:$0x1FFA0]  }
0x48e: {  	v41 =	vmov v18;
	v18 =	vld [tilespmem:$0x1FF40]  }
0x48f: {  	v0 =	vmov v19;
	v19 =	vld [tilespmem:$0x1FB90]  }
0x490: {  	v62 =	vmov v15;
	v15 =	vld [tilespmem:$0x1FF50]  }
0x491: {  	s12 =	simm.s32 $0x20;
	v11 =	vmov v48;
	v48 =	vld [tilespmem:$0x1FE70]  }
0x492: {  	v63 =	vmov v16;
	v16 =	vld [tilespmem:$0x1FDA0];
	v2 =	vmov s12;
	v1 =	vpop (erf)  }
0x493: {  	v42 =	vmov v20;
	v20 =	vld [tilespmem:$0x1FBA0];
	v1 =	vadd.f32 $1.000000000e+00, v1  }
0x494: {  	v47 =	vld [tilespmem:$0x1FFD0]  }
0x495: {  	v38 =	vmovc v52;
	v52 =	vld [tilespmem:$0x1FE60];
	(erf) = vrcp.f32 v1;
	v1 =	vshll.u32 v2, $0x6;
	v2 =	vmov v42  }
0x496: {  	s11 =	simm.s32 $0x30;
	v49 =	vld [tilespmem:$0x1FFE0];
	v42 =	vmov v53;
	v53 =	vmov v11;
	v55 =	vmov v2  }
.LBB2_5:
0x497: {  	_ =	sdelay $0x2  }
0x498: {  	v1 =	vor.u32 v14, v1  }
0x499: {  	v2 =	vor.u32 v13, v1;
	_ =	sdelay $0x1  }
0x49a: {  	v3 =	vor.u32 v15, v1  }
0x49b: {  	s9 =	sadd.s32 $0x10, s9;
	v4 =	vpop (erf)  }
0x49c: {  	v5 =	vor.u32 v16, v1;
	[tilespmem:s9+$0x0] =	vst v4  }
0x49d: {  	v4 =	vld.idx.msk [tilespmem:v2+s22+$0x0], $0xffff  }
0x49e: {  	v6 =	vor.u32 v17, v1;
	v2 =	vld.idx.msk [tilespmem:v2+s21+$0x0], $0xffff  }
0x49f: {  	v7 =	vld.idx.msk [tilespmem:v3+s21+$0x0], $0xffff  }
0x4a0: {  	v8 =	vor.u32 v18, v1;
	v3 =	vld.idx.msk [tilespmem:v3+s22+$0x0], $0xffff  }
0x4a1: {  	v9 =	vld.idx.msk [tilespmem:v5+s21+$0x0], $0xffff  }
0x4a2: {  	v10 =	vor.u32 v19, v1;
	v5 =	vld.idx.msk [tilespmem:v5+s22+$0x0], $0xffff  }
0x4a3: {  	v11 =	vld.idx.msk [tilespmem:v6+s21+$0x0], $0xffff  }
0x4a4: {  	v2 =	vmul.f32 v4, v2;
	v4 =	vld.idx.msk [tilespmem:v6+s22+$0x0], $0xffff;
	v6 =	vor.u32 v20, v1  }
0x4a5: {  	v12 =	vld.idx.msk [tilespmem:v8+s21+$0x0], $0xffff  }
0x4a6: {  	v3 =	vmul.f32 v3, v7;
	v7 =	vld.idx.msk [tilespmem:v8+s22+$0x0], $0xffff;
	v8 =	vor.u32 v21, v1;
	v2 =	vadd.f32 $0.0e+00, v2  }
0x4a7: {  	v13 =	vld.idx.msk [tilespmem:v10+s21+$0x0], $0xffff  }
0x4a8: {  	v2 =	vadd.f32 v3, v2;
	v3 =	vmul.f32 v5, v9;
	v5 =	vld.idx.msk [tilespmem:v10+s22+$0x0], $0xffff;
	v9 =	vor.u32 v22, v1  }
0x4a9: {  	v10 =	vld.idx.msk [tilespmem:v6+s21+$0x0], $0xffff  }
0x4aa: {  	v2 =	vadd.f32 v3, v2;
	v3 =	vmul.f32 v4, v11;
	v4 =	vld.idx.msk [tilespmem:v6+s22+$0x0], $0xffff;
	v6 =	vor.u32 v23, v1  }
0x4ab: {  	v11 =	vld.idx.msk [tilespmem:v8+s21+$0x0], $0xffff  }
0x4ac: {  	v2 =	vadd.f32 v3, v2;
	v3 =	vmul.f32 v7, v12;
	v7 =	vld.idx.msk [tilespmem:v8+s22+$0x0], $0xffff;
	v8 =	vor.u32 v24, v1  }
0x4ad: {  	v12 =	vld.idx.msk [tilespmem:v9+s21+$0x0], $0xffff  }
0x4ae: {  	v2 =	vadd.f32 v3, v2;
	v3 =	vmul.f32 v5, v13;
	v5 =	vld.idx.msk [tilespmem:v9+s22+$0x0], $0xffff;
	v9 =	vor.u32 v25, v1  }
0x4af: {  	v13 =	vld.idx.msk [tilespmem:v6+s21+$0x0], $0xffff  }
0x4b0: {  	v2 =	vadd.f32 v3, v2;
	v3 =	vmul.f32 v4, v10;
	v4 =	vld.idx.msk [tilespmem:v6+s22+$0x0], $0xffff;
	v6 =	vor.u32 v26, v1  }
0x4b1: {  	v10 =	vld.idx.msk [tilespmem:v8+s21+$0x0], $0xffff  }
0x4b2: {  	v2 =	vadd.f32 v3, v2;
	v3 =	vmul.f32 v7, v11;
	v7 =	vld.idx.msk [tilespmem:v8+s22+$0x0], $0xffff;
	v8 =	vor.u32 v27, v1  }
0x4b3: {  	v11 =	vld.idx.msk [tilespmem:v9+s21+$0x0], $0xffff  }
0x4b4: {  	v2 =	vadd.f32 v3, v2;
	v3 =	vmul.f32 v5, v12;
	v5 =	vld.idx.msk [tilespmem:v9+s22+$0x0], $0xffff;
	v9 =	vor.u32 v28, v1  }
0x4b5: {  	v12 =	vld.idx.msk [tilespmem:v6+s21+$0x0], $0xffff  }
0x4b6: {  	v2 =	vadd.f32 v3, v2;
	v3 =	vmul.f32 v4, v13;
	v4 =	vld.idx.msk [tilespmem:v6+s22+$0x0], $0xffff;
	v6 =	vor.u32 v29, v1  }
0x4b7: {  	v13 =	vld.idx.msk [tilespmem:v8+s21+$0x0], $0xffff  }
0x4b8: {  	v2 =	vadd.f32 v3, v2;
	v3 =	vmul.f32 v7, v10;
	v7 =	vld.idx.msk [tilespmem:v8+s22+$0x0], $0xffff;
	v8 =	vor.u32 v30, v1  }
0x4b9: {  	v10 =	vld.idx.msk [tilespmem:v9+s21+$0x0], $0xffff  }
0x4ba: {  	v2 =	vadd.f32 v3, v2;
	v3 =	vmul.f32 v5, v11;
	v5 =	vld.idx.msk [tilespmem:v9+s22+$0x0], $0xffff;
	v9 =	vor.u32 v31, v1  }
0x4bb: {  	v11 =	vld.idx.msk [tilespmem:v6+s21+$0x0], $0xffff  }
0x4bc: {  	v2 =	vadd.f32 v3, v2;
	v3 =	vmul.f32 v4, v12;
	v4 =	vld.idx.msk [tilespmem:v6+s22+$0x0], $0xffff;
	v6 =	vor.u32 v32, v1  }
0x4bd: {  	v12 =	vld.idx.msk [tilespmem:v8+s21+$0x0], $0xffff  }
0x4be: {  	v2 =	vadd.f32 v3, v2;
	v3 =	vmul.f32 v7, v13;
	v7 =	vld.idx.msk [tilespmem:v8+s22+$0x0], $0xffff;
	v8 =	vor.u32 v33, v1  }
0x4bf: {  	v13 =	vld.idx.msk [tilespmem:v9+s21+$0x0], $0xffff  }
0x4c0: {  	v2 =	vadd.f32 v3, v2;
	v3 =	vmul.f32 v5, v10;
	v5 =	vld.idx.msk [tilespmem:v9+s22+$0x0], $0xffff;
	v9 =	vor.u32 v34, v1  }
0x4c1: {  	v10 =	vld.idx.msk [tilespmem:v6+s21+$0x0], $0xffff  }
0x4c2: {  	v2 =	vadd.f32 v3, v2;
	v3 =	vmul.f32 v4, v11;
	v4 =	vld.idx.msk [tilespmem:v6+s22+$0x0], $0xffff;
	v6 =	vor.u32 v35, v1  }
0x4c3: {  	v11 =	vld.idx.msk [tilespmem:v8+s21+$0x0], $0xffff  }
0x4c4: {  	v2 =	vadd.f32 v3, v2;
	v3 =	vmul.f32 v7, v12;
	v7 =	vld.idx.msk [tilespmem:v8+s22+$0x0], $0xffff;
	v8 =	vor.u32 v36, v1  }
0x4c5: {  	v12 =	vld.idx.msk [tilespmem:v9+s21+$0x0], $0xffff  }
0x4c6: {  	v2 =	vadd.f32 v3, v2;
	v3 =	vmul.f32 v5, v13;
	v5 =	vld.idx.msk [tilespmem:v9+s22+$0x0], $0xffff;
	v9 =	vor.u32 v39, v1  }
0x4c7: {  	v13 =	vld.idx.msk [tilespmem:v6+s21+$0x0], $0xffff  }
0x4c8: {  	v2 =	vadd.f32 v3, v2;
	v3 =	vmul.f32 v4, v10;
	v4 =	vld.idx.msk [tilespmem:v6+s22+$0x0], $0xffff;
	v6 =	vor.u32 v38, v1  }
0x4c9: {  	v10 =	vld.idx.msk [tilespmem:v8+s21+$0x0], $0xffff  }
0x4ca: {  	v2 =	vadd.f32 v3, v2;
	v3 =	vmul.f32 v7, v11;
	v7 =	vld.idx.msk [tilespmem:v8+s22+$0x0], $0xffff;
	v8 =	vor.u32 v43, v1  }
0x4cb: {  	v11 =	vld.idx.msk [tilespmem:v9+s21+$0x0], $0xffff  }
0x4cc: {  	v2 =	vadd.f32 v3, v2;
	v3 =	vmul.f32 v5, v12;
	v5 =	vld.idx.msk [tilespmem:v9+s22+$0x0], $0xffff;
	v9 =	vor.u32 v46, v1  }
0x4cd: {  	v12 =	vld.idx.msk [tilespmem:v6+s21+$0x0], $0xffff  }
0x4ce: {  	v2 =	vadd.f32 v3, v2;
	v3 =	vmul.f32 v4, v13;
	v4 =	vld.idx.msk [tilespmem:v6+s22+$0x0], $0xffff;
	v6 =	vor.u32 v57, v1  }
0x4cf: {  	v13 =	vld.idx.msk [tilespmem:v8+s21+$0x0], $0xffff  }
0x4d0: {  	v2 =	vadd.f32 v3, v2;
	v3 =	vmul.f32 v7, v10;
	v7 =	vld.idx.msk [tilespmem:v8+s22+$0x0], $0xffff;
	v8 =	vor.u32 v47, v1  }
0x4d1: {  	v10 =	vld.idx.msk [tilespmem:v9+s21+$0x0], $0xffff  }
0x4d2: {  	v2 =	vadd.f32 v3, v2;
	v3 =	vmul.f32 v5, v11;
	v5 =	vld.idx.msk [tilespmem:v9+s22+$0x0], $0xffff;
	v9 =	vor.u32 v52, v1  }
0x4d3: {  	v11 =	vld.idx.msk [tilespmem:v6+s21+$0x0], $0xffff  }
0x4d4: {  	v2 =	vadd.f32 v3, v2;
	v3 =	vmul.f32 v4, v12;
	v4 =	vld.idx.msk [tilespmem:v6+s22+$0x0], $0xffff  }
0x4d5: {  	v12 =	vld.idx.msk [tilespmem:v8+s21+$0x0], $0xffff  }
0x4d6: {  	v6 =	vor.u32 v48, v1;
	v2 =	vadd.f32 v3, v2;
	v3 =	vmul.f32 v7, v13;
	v7 =	vld.idx.msk [tilespmem:v8+s22+$0x0], $0xffff  }
0x4d7: {  	v13 =	vld.idx.msk [tilespmem:v9+s21+$0x0], $0xffff  }
0x4d8: {  	v2 =	vadd.f32 v3, v2;
	v3 =	vmul.f32 v5, v10;
	v5 =	vld.idx.msk [tilespmem:v9+s22+$0x0], $0xffff;
	v9 =	vor.u32 v58, v1;
	_ =	sdelay $0x1  }
0x4d9: {  	v2 =	vadd.f32 v3, v2;
	v3 =	vmul.f32 v4, v11  }
0x4da: {  	v8 =	vor.u32 v51, v1;
	v10 =	vld.idx.msk [tilespmem:v6+s21+$0x0], $0xffff  }
0x4db: {  	v4 =	vld.idx.msk [tilespmem:v6+s22+$0x0], $0xffff;
	v2 =	vadd.f32 v3, v2;
	v3 =	vmul.f32 v7, v12  }
0x4dc: {  	v12 =	vld.idx.msk [tilespmem:v9+s21+$0x0], $0xffff  }
0x4dd: {  	v2 =	vadd.f32 v3, v2;
	v3 =	vmul.f32 v5, v13;
	v5 =	vld.idx.msk [tilespmem:v9+s22+$0x0], $0xffff  }
0x4de: {  	v9 =	vld [tilespmem:$0x1FD40]  }
0x4df: {  	v11 =	vld.idx.msk [tilespmem:v8+s21+$0x0], $0xffff  }
0x4e0: {  	v7 =	vld.idx.msk [tilespmem:v8+s22+$0x0], $0xffff  }
0x4e1: {  	v6 =	vor.u32 v49, v1;
	v8 =	vld [tilespmem:$0x1FD30];
	_ =	sdelay $0x1  }
0x4e2: {  	v9 =	vor.u32 v9, v1;
	_ =	sdelay $0x1  }
0x4e3: {  	v2 =	vadd.f32 v3, v2;
	v3 =	vmul.f32 v4, v10  }
0x4e4: {  	v13 =	vld.idx.msk [tilespmem:v6+s21+$0x0], $0xffff;
	v8 =	vor.u32 v8, v1  }
0x4e5: {  	v4 =	vld.idx.msk [tilespmem:v6+s22+$0x0], $0xffff;
	v2 =	vadd.f32 v3, v2;
	v3 =	vmul.f32 v7, v11  }
0x4e6: {  	v11 =	vld.idx.msk [tilespmem:v9+s21+$0x0], $0xffff  }
0x4e7: {  	v6 =	vor.u32 v42, v1;
	v2 =	vadd.f32 v3, v2;
	v3 =	vmul.f32 v5, v12;
	v5 =	vld.idx.msk [tilespmem:v9+s22+$0x0], $0xffff  }
0x4e8: {  	v9 =	vld [tilespmem:$0x1FD50]  }
0x4e9: {  	v10 =	vld.idx.msk [tilespmem:v8+s21+$0x0], $0xffff  }
0x4ea: {  	v7 =	vld.idx.msk [tilespmem:v8+s22+$0x0], $0xffff;
	v8 =	vor.u32 v56, v1;
	_ =	sdelay $0x1  }
0x4eb: {  	v12 =	vld.idx.msk [tilespmem:v6+s21+$0x0], $0xffff  }
0x4ec: {  	v2 =	vadd.f32 v3, v2;
	v3 =	vmul.f32 v4, v13;
	v4 =	vld.idx.msk [tilespmem:v6+s22+$0x0], $0xffff;
	v9 =	vor.u32 v9, v1  }
0x4ed: {  	v6 =	vld [tilespmem:$0x1FD20]  }
0x4ee: {  	v13 =	vld.idx.msk [tilespmem:v8+s21+$0x0], $0xffff  }
0x4ef: {  	v2 =	vadd.f32 v3, v2;
	v3 =	vmul.f32 v7, v10;
	v7 =	vld.idx.msk [tilespmem:v8+s22+$0x0], $0xffff  }
0x4f0: {  	v8 =	vld [tilespmem:$0x1FD10]  }
0x4f1: {  	v10 =	vld.idx.msk [tilespmem:v9+s21+$0x0], $0xffff  }
0x4f2: {  	v2 =	vadd.f32 v3, v2;
	v3 =	vmul.f32 v5, v11;
	v5 =	vld.idx.msk [tilespmem:v9+s22+$0x0], $0xffff  }
0x4f3: {  	v6 =	vor.u32 v6, v1;
	v9 =	vld [tilespmem:$0x1FD00];
	_ =	sdelay $0x2  }
0x4f4: {  	v8 =	vor.u32 v8, v1;
	_ =	sdelay $0x1  }
0x4f5: {  	v11 =	vld.idx.msk [tilespmem:v6+s21+$0x0], $0xffff;
	v9 =	vor.u32 v9, v1  }
0x4f6: {  	v2 =	vadd.f32 v3, v2;
	v3 =	vmul.f32 v4, v12;
	v4 =	vld.idx.msk [tilespmem:v6+s22+$0x0], $0xffff  }
0x4f7: {  	v6 =	vld [tilespmem:$0x1FCF0]  }
0x4f8: {  	v12 =	vld.idx.msk [tilespmem:v8+s21+$0x0], $0xffff  }
0x4f9: {  	v2 =	vadd.f32 v3, v2;
	v3 =	vmul.f32 v7, v13;
	v7 =	vld.idx.msk [tilespmem:v8+s22+$0x0], $0xffff  }
0x4fa: {  	v13 =	vld.idx.msk [tilespmem:v9+s21+$0x0], $0xffff  }
0x4fb: {  	v2 =	vadd.f32 v3, v2;
	v3 =	vmul.f32 v5, v10;
	v5 =	vld.idx.msk [tilespmem:v9+s22+$0x0], $0xffff;
	v9 =	vor.u32 v40, v1;
	_ =	sdelay $0x1  }
0x4fc: {  	v2 =	vadd.f32 v3, v2;
	v3 =	vmul.f32 v4, v11  }
0x4fd: {  	v6 =	vor.u32 v6, v1  }
0x4fe: {  	v2 =	vadd.f32 v3, v2;
	v3 =	vmul.f32 v7, v12  }
0x4ff: {  	v8 =	vor.u32 v41, v1;
	v12 =	vld.idx.msk [tilespmem:v9+s21+$0x0], $0xffff  }
0x500: {  	v2 =	vadd.f32 v3, v2;
	v3 =	vmul.f32 v5, v13;
	v5 =	vld.idx.msk [tilespmem:v9+s22+$0x0], $0xffff  }
0x501: {  	v9 =	vld [tilespmem:$0x1FCE0]  }
0x502: {  	v10 =	vld.idx.msk [tilespmem:v6+s21+$0x0], $0xffff  }
0x503: {  	v4 =	vld.idx.msk [tilespmem:v6+s22+$0x0], $0xffff  }
0x504: {  	v11 =	vld.idx.msk [tilespmem:v8+s21+$0x0], $0xffff  }
0x505: {  	v6 =	vor.u32 v0, v1;
	v7 =	vld.idx.msk [tilespmem:v8+s22+$0x0], $0xffff  }
0x506: {  	v9 =	vor.u32 v9, v1;
	_ =	sdelay $0x1  }
0x507: {  	v2 =	vadd.f32 v3, v2;
	v3 =	vmul.f32 v4, v10  }
0x508: {  	v10 =	vld [tilespmem:$0x1FCD0]  }
0x509: {  	v8 =	vor.u32 v37, v1;
	v13 =	vld.idx.msk [tilespmem:v6+s21+$0x0], $0xffff;
	v2 =	vadd.f32 v3, v2;
	v3 =	vmul.f32 v7, v11  }
0x50a: {  	v11 =	vld.idx.msk [tilespmem:v9+s21+$0x0], $0xffff  }
0x50b: {  	v2 =	vadd.f32 v3, v2;
	v3 =	vmul.f32 v5, v12;
	v5 =	vld.idx.msk [tilespmem:v9+s22+$0x0], $0xffff  }
0x50c: {  	v9 =	vld [tilespmem:$0x1FD60]  }
0x50d: {  	v4 =	vld.idx.msk [tilespmem:v6+s22+$0x0], $0xffff;
	v6 =	vor.u32 v10, v1  }
0x50e: {  	v7 =	vld.idx.msk [tilespmem:v8+s22+$0x0], $0xffff  }
0x50f: {  	v10 =	vld.idx.msk [tilespmem:v8+s21+$0x0], $0xffff;
	v8 =	vor.u32 v53, v1;
	_ =	sdelay $0x1  }
0x510: {  	v9 =	vor.u32 v9, v1  }
0x511: {  	v12 =	vld.idx.msk [tilespmem:v6+s21+$0x0], $0xffff  }
0x512: {  	v2 =	vadd.f32 v3, v2;
	v3 =	vmul.f32 v4, v13;
	v4 =	vld.idx.msk [tilespmem:v6+s22+$0x0], $0xffff;
	v6 =	vor.u32 v59, v1  }
0x513: {  	v13 =	vld.idx.msk [tilespmem:v8+s21+$0x0], $0xffff  }
0x514: {  	v2 =	vadd.f32 v3, v2;
	v3 =	vmul.f32 v7, v10;
	v7 =	vld.idx.msk [tilespmem:v8+s22+$0x0], $0xffff;
	v8 =	vor.u32 v50, v1  }
0x515: {  	v10 =	vld.idx.msk [tilespmem:v9+s21+$0x0], $0xffff  }
0x516: {  	v2 =	vadd.f32 v3, v2;
	v3 =	vmul.f32 v5, v11;
	v5 =	vld.idx.msk [tilespmem:v9+s22+$0x0], $0xffff;
	v9 =	vor.u32 v61, v1  }
0x517: {  	v11 =	vld.idx.msk [tilespmem:v6+s21+$0x0], $0xffff  }
0x518: {  	v2 =	vadd.f32 v3, v2;
	v3 =	vmul.f32 v4, v12;
	v4 =	vld.idx.msk [tilespmem:v6+s22+$0x0], $0xffff  }
0x519: {  	v12 =	vld.idx.msk [tilespmem:v8+s21+$0x0], $0xffff  }
0x51a: {  	v6 =	vor.u32 v62, v1;
	v2 =	vadd.f32 v3, v2;
	v3 =	vmul.f32 v7, v13;
	v7 =	vld.idx.msk [tilespmem:v8+s22+$0x0], $0xffff  }
0x51b: {  	v13 =	vld.idx.msk [tilespmem:v9+s21+$0x0], $0xffff  }
0x51c: {  	v2 =	vadd.f32 v3, v2;
	v3 =	vmul.f32 v5, v10;
	v5 =	vld.idx.msk [tilespmem:v9+s22+$0x0], $0xffff;
	v9 =	vor.u32 v60, v1;
	_ =	sdelay $0x1  }
0x51d: {  	v2 =	vadd.f32 v3, v2;
	v3 =	vmul.f32 v4, v11  }
0x51e: {  	v8 =	vor.u32 v63, v1;
	v10 =	vld.idx.msk [tilespmem:v6+s21+$0x0], $0xffff  }
0x51f: {  	v4 =	vld.idx.msk [tilespmem:v6+s22+$0x0], $0xffff;
	v2 =	vadd.f32 v3, v2;
	v3 =	vmul.f32 v7, v12  }
0x520: {  	v6 =	vor.u32 v44, v1;
	v12 =	vld.idx.msk [tilespmem:v9+s21+$0x0], $0xffff  }
0x521: {  	v2 =	vadd.f32 v3, v2;
	v3 =	vmul.f32 v5, v13;
	v5 =	vld.idx.msk [tilespmem:v9+s22+$0x0], $0xffff  }
0x522: {  	v9 =	vld [tilespmem:$0x1FB80]  }
0x523: {  	v11 =	vld.idx.msk [tilespmem:v8+s21+$0x0], $0xffff  }
0x524: {  	v7 =	vld.idx.msk [tilespmem:v8+s22+$0x0], $0xffff  }
0x525: {  	v8 =	vor.u32 v45, v1;
	v13 =	vld.idx.msk [tilespmem:v6+s21+$0x0], $0xffff  }
0x526: {  	v2 =	vadd.f32 v3, v2;
	v3 =	vmul.f32 v4, v10;
	v4 =	vld.idx.msk [tilespmem:v6+s22+$0x0], $0xffff;
	v6 =	vor.u32 v54, v1  }
0x527: {  	v9 =	vor.u32 v9, v1;
	_ =	sdelay $0x1  }
0x528: {  	v2 =	vadd.f32 v3, v2;
	v3 =	vmul.f32 v7, v11  }
0x529: {  	v10 =	vld.idx.msk [tilespmem:v8+s21+$0x0], $0xffff  }
0x52a: {  	v2 =	vadd.f32 v3, v2;
	v3 =	vmul.f32 v5, v12;
	v12 =	vld.idx.msk [tilespmem:v6+s21+$0x0], $0xffff  }
0x52b: {  	v11 =	vld.idx.msk [tilespmem:v9+s21+$0x0], $0xffff  }
0x52c: {  	v5 =	vld.idx.msk [tilespmem:v9+s22+$0x0], $0xffff  }
0x52d: {  	v9 =	vld [tilespmem:$0x1FCC0]  }
0x52e: {  	v2 =	vadd.f32 v3, v2;
	v3 =	vmul.f32 v4, v13;
	v4 =	vld.idx.msk [tilespmem:v6+s22+$0x0], $0xffff  }
0x52f: {  	v6 =	vld [tilespmem:$0x1FCB0]  }
0x530: {  	v7 =	vld.idx.msk [tilespmem:v8+s22+$0x0], $0xffff;
	v8 =	vor.u32 v55, v1;
	_ =	sdelay $0x1  }
0x531: {  	v9 =	vor.u32 v9, v1;
	_ =	sdelay $0x1  }
0x532: {  	v1 =	vor.u32 v6, v1  }
0x533: {  	v2 =	vadd.f32 v3, v2;
	v3 =	vmul.f32 v7, v10;
	v7 =	vld.idx.msk [tilespmem:v8+s22+$0x0], $0xffff  }
0x534: {  	v6 =	vld.idx.msk [tilespmem:v8+s21+$0x0], $0xffff  }
0x535: {  	v2 =	vadd.f32 v3, v2;
	v3 =	vmul.f32 v5, v11;
	v8 =	vld.idx.msk [tilespmem:v9+s21+$0x0], $0xffff  }
0x536: {  	v5 =	vld.idx.msk [tilespmem:v9+s22+$0x0], $0xffff  }
0x537: {  	v2 =	vadd.f32 v3, v2;
	v3 =	vmul.f32 v4, v12;
	v9 =	vld.idx.msk [tilespmem:v1+s21+$0x0], $0xffff  }
0x538: {  	v1 =	vld.idx.msk [tilespmem:v1+s22+$0x0], $0xffff  }
0x539: {  	v2 =	vadd.f32 v3, v2;
	v3 =	vmul.f32 v7, v6;
	_ =	sdelay $0x1  }
0x53a: {  	v2 =	vadd.f32 v3, v2;
	v3 =	vmul.f32 v5, v8;
	_ =	sdelay $0x1  }
0x53b: {  	v1 =	vmul.f32 v1, v9;
	v2 =	vadd.f32 v3, v2;
	_ =	sdelay $0x1  }
0x53c: {  	v1 =	vadd.f32 v1, v2;
	_ =	sdelay $0x1  }
0x53d: {  	v1 =	vsub.f32 $0.0e+00, v1;
	_ =	sdelay $0x1  }
0x53e: {  	v1 =	vmul.f32 $1.442695020e+00, v1;
	_ =	sdelay $0x1  }
0x53f: {  	(erf) = vpow2.f32 v1;
	_ =	sdelay $0x7  }
0x540: {  	p0 =	sne.s32 s11, $0x140  }
.Ltmp1:
0x541: {  	v1 =	vpop (erf);
	(pc) =	sbr.rel @p0 .LBB2_5-.Ltmp1, $3  }
0x542: {  	v1 =	vadd.f32 $1.000000000e+00, v1;
	_ =	sdelay $0x1  }
0x543: {  	(erf) = vrcp.f32 v1;
	v1 =	vmov s11  }
0x544: {  	v13 =	vlaneseq.u32;
	s11 =	sadd.s32 $0x10, s11;
	v1 =	vshll.u32 v1, $0x6  }
0x545: {  	_ =	sdelay $0x2  }
0x546: {  	v1 =	vor.u32 v14, v1  }
0x547: {  	v2 =	vor.u32 v13, v1;
	_ =	sdelay $0x1  }
0x548: {  	v3 =	vor.u32 v15, v1  }
0x549: {  	s9 =	sadd.s32 $0x10, s9;
	v4 =	vpop (erf)  }
0x54a: {  	v5 =	vor.u32 v16, v1;
	[tilespmem:s9+$0x0] =	vst v4  }
0x54b: {  	v4 =	vld.idx.msk [tilespmem:v2+s22+$0x0], $0xffff  }
0x54c: {  	v6 =	vor.u32 v17, v1;
	v2 =	vld.idx.msk [tilespmem:v2+s21+$0x0], $0xffff  }
0x54d: {  	v7 =	vld.idx.msk [tilespmem:v3+s21+$0x0], $0xffff  }
0x54e: {  	v8 =	vor.u32 v18, v1;
	v3 =	vld.idx.msk [tilespmem:v3+s22+$0x0], $0xffff  }
0x54f: {  	v9 =	vld.idx.msk [tilespmem:v5+s21+$0x0], $0xffff  }
0x550: {  	v10 =	vor.u32 v19, v1;
	v5 =	vld.idx.msk [tilespmem:v5+s22+$0x0], $0xffff  }
0x551: {  	v11 =	vld.idx.msk [tilespmem:v6+s21+$0x0], $0xffff;
	v2 =	vmul.f32 v4, v2  }
0x552: {  	v4 =	vld.idx.msk [tilespmem:v6+s22+$0x0], $0xffff;
	v6 =	vor.u32 v20, v1  }
0x553: {  	v12 =	vld.idx.msk [tilespmem:v8+s21+$0x0], $0xffff;
	v3 =	vmul.f32 v3, v7;
	v2 =	vadd.f32 $0.0e+00, v2  }
0x554: {  	v7 =	vld.idx.msk [tilespmem:v8+s22+$0x0], $0xffff;
	v8 =	vor.u32 v21, v1  }
0x555: {  	v5 =	vmul.f32 v5, v9;
	v9 =	vld.idx.msk [tilespmem:v10+s22+$0x0], $0xffff;
	v2 =	vadd.f32 v3, v2  }
0x556: {  	v3 =	vld.idx.msk [tilespmem:v10+s21+$0x0], $0xffff;
	v10 =	vor.u32 v22, v1  }
0x557: {  	v4 =	vmul.f32 v4, v11;
	v2 =	vadd.f32 v5, v2;
	v5 =	vld.idx.msk [tilespmem:v6+s21+$0x0], $0xffff  }
0x558: {  	v11 =	vor.u32 v23, v1;
	v6 =	vld.idx.msk [tilespmem:v6+s22+$0x0], $0xffff  }
0x559: {  	v2 =	vadd.f32 v4, v2;
	v4 =	vld.idx.msk [tilespmem:v8+s21+$0x0], $0xffff  }
0x55a: {  	v7 =	vmul.f32 v7, v12;
	v12 =	vor.u32 v24, v1;
	v8 =	vld.idx.msk [tilespmem:v8+s22+$0x0], $0xffff  }
0x55b: {  	v3 =	vmul.f32 v9, v3;
	v9 =	vld.idx.msk [tilespmem:v10+s22+$0x0], $0xffff  }
0x55c: {  	v2 =	vadd.f32 v7, v2;
	v7 =	vld.idx.msk [tilespmem:v10+s21+$0x0], $0xffff;
	v10 =	vor.u32 v25, v1  }
0x55d: {  	v5 =	vmul.f32 v6, v5;
	v6 =	vld.idx.msk [tilespmem:v11+s22+$0x0], $0xffff  }
0x55e: {  	v2 =	vadd.f32 v3, v2;
	v3 =	vld.idx.msk [tilespmem:v11+s21+$0x0], $0xffff;
	v11 =	vor.u32 v26, v1  }
0x55f: {  	v4 =	vmul.f32 v8, v4;
	v8 =	vld.idx.msk [tilespmem:v12+s22+$0x0], $0xffff  }
0x560: {  	v2 =	vadd.f32 v5, v2;
	v5 =	vld.idx.msk [tilespmem:v12+s21+$0x0], $0xffff;
	v12 =	vor.u32 v27, v1  }
0x561: {  	v7 =	vmul.f32 v9, v7;
	v9 =	vld.idx.msk [tilespmem:v10+s22+$0x0], $0xffff  }
0x562: {  	v2 =	vadd.f32 v4, v2;
	v4 =	vld.idx.msk [tilespmem:v10+s21+$0x0], $0xffff;
	v10 =	vor.u32 v28, v1  }
0x563: {  	v3 =	vmul.f32 v6, v3;
	v6 =	vld.idx.msk [tilespmem:v11+s22+$0x0], $0xffff  }
0x564: {  	v2 =	vadd.f32 v7, v2;
	v7 =	vld.idx.msk [tilespmem:v11+s21+$0x0], $0xffff;
	v11 =	vor.u32 v29, v1  }
0x565: {  	v5 =	vmul.f32 v8, v5;
	v8 =	vld.idx.msk [tilespmem:v12+s22+$0x0], $0xffff  }
0x566: {  	v2 =	vadd.f32 v3, v2;
	v3 =	vld.idx.msk [tilespmem:v12+s21+$0x0], $0xffff;
	v12 =	vor.u32 v30, v1  }
0x567: {  	v4 =	vmul.f32 v9, v4;
	v9 =	vld.idx.msk [tilespmem:v10+s22+$0x0], $0xffff  }
0x568: {  	v2 =	vadd.f32 v5, v2;
	v5 =	vld.idx.msk [tilespmem:v10+s21+$0x0], $0xffff;
	v10 =	vor.u32 v31, v1  }
0x569: {  	v6 =	vmul.f32 v6, v7;
	v7 =	vld.idx.msk [tilespmem:v11+s22+$0x0], $0xffff  }
0x56a: {  	v2 =	vadd.f32 v4, v2;
	v4 =	vld.idx.msk [tilespmem:v11+s21+$0x0], $0xffff;
	v11 =	vor.u32 v32, v1  }
0x56b: {  	v3 =	vmul.f32 v8, v3;
	v8 =	vld.idx.msk [tilespmem:v12+s22+$0x0], $0xffff  }
0x56c: {  	v2 =	vadd.f32 v6, v2;
	v6 =	vld.idx.msk [tilespmem:v12+s21+$0x0], $0xffff;
	v12 =	vor.u32 v33, v1  }
0x56d: {  	v5 =	vmul.f32 v9, v5;
	v9 =	vld.idx.msk [tilespmem:v10+s22+$0x0], $0xffff  }
0x56e: {  	v2 =	vadd.f32 v3, v2;
	v3 =	vld.idx.msk [tilespmem:v10+s21+$0x0], $0xffff;
	v10 =	vor.u32 v34, v1  }
0x56f: {  	v4 =	vmul.f32 v7, v4;
	v7 =	vld.idx.msk [tilespmem:v11+s22+$0x0], $0xffff  }
0x570: {  	v2 =	vadd.f32 v5, v2;
	v5 =	vld.idx.msk [tilespmem:v11+s21+$0x0], $0xffff;
	v11 =	vor.u32 v35, v1  }
0x571: {  	v6 =	vmul.f32 v8, v6;
	v8 =	vld.idx.msk [tilespmem:v12+s22+$0x0], $0xffff  }
0x572: {  	v2 =	vadd.f32 v4, v2;
	v4 =	vld.idx.msk [tilespmem:v12+s21+$0x0], $0xffff;
	v12 =	vor.u32 v36, v1  }
0x573: {  	v3 =	vmul.f32 v9, v3;
	v9 =	vld.idx.msk [tilespmem:v10+s22+$0x0], $0xffff  }
0x574: {  	v2 =	vadd.f32 v6, v2;
	v6 =	vld.idx.msk [tilespmem:v10+s21+$0x0], $0xffff;
	v10 =	vor.u32 v39, v1  }
0x575: {  	v5 =	vmul.f32 v7, v5;
	v7 =	vld.idx.msk [tilespmem:v11+s22+$0x0], $0xffff  }
0x576: {  	v2 =	vadd.f32 v3, v2;
	v3 =	vld.idx.msk [tilespmem:v11+s21+$0x0], $0xffff;
	v11 =	vor.u32 v38, v1  }
0x577: {  	v4 =	vmul.f32 v8, v4;
	v8 =	vld.idx.msk [tilespmem:v12+s22+$0x0], $0xffff  }
0x578: {  	v2 =	vadd.f32 v5, v2;
	v5 =	vld.idx.msk [tilespmem:v12+s21+$0x0], $0xffff;
	v12 =	vor.u32 v43, v1  }
0x579: {  	v6 =	vmul.f32 v9, v6;
	v9 =	vld.idx.msk [tilespmem:v10+s22+$0x0], $0xffff  }
0x57a: {  	v2 =	vadd.f32 v4, v2;
	v4 =	vld.idx.msk [tilespmem:v10+s21+$0x0], $0xffff;
	v10 =	vor.u32 v46, v1  }
0x57b: {  	v3 =	vmul.f32 v7, v3;
	v7 =	vld.idx.msk [tilespmem:v11+s22+$0x0], $0xffff  }
0x57c: {  	v2 =	vadd.f32 v6, v2;
	v6 =	vld.idx.msk [tilespmem:v11+s21+$0x0], $0xffff;
	v11 =	vor.u32 v57, v1  }
0x57d: {  	v5 =	vmul.f32 v8, v5;
	v8 =	vld.idx.msk [tilespmem:v12+s22+$0x0], $0xffff  }
0x57e: {  	v2 =	vadd.f32 v3, v2;
	v3 =	vld.idx.msk [tilespmem:v12+s21+$0x0], $0xffff;
	v12 =	vor.u32 v47, v1  }
0x57f: {  	v4 =	vmul.f32 v9, v4;
	v9 =	vld.idx.msk [tilespmem:v10+s22+$0x0], $0xffff  }
0x580: {  	v2 =	vadd.f32 v5, v2;
	v5 =	vld.idx.msk [tilespmem:v10+s21+$0x0], $0xffff;
	v10 =	vor.u32 v52, v1  }
0x581: {  	v6 =	vmul.f32 v7, v6;
	v7 =	vld.idx.msk [tilespmem:v11+s22+$0x0], $0xffff  }
0x582: {  	v2 =	vadd.f32 v4, v2;
	v4 =	vld.idx.msk [tilespmem:v11+s21+$0x0], $0xffff;
	v11 =	vor.u32 v48, v1  }
0x583: {  	v3 =	vmul.f32 v8, v3;
	v8 =	vld.idx.msk [tilespmem:v12+s22+$0x0], $0xffff  }
0x584: {  	v2 =	vadd.f32 v6, v2;
	v6 =	vld.idx.msk [tilespmem:v12+s21+$0x0], $0xffff;
	v12 =	vor.u32 v51, v1  }
0x585: {  	v5 =	vmul.f32 v9, v5;
	v9 =	vld.idx.msk [tilespmem:v10+s22+$0x0], $0xffff  }
0x586: {  	v2 =	vadd.f32 v3, v2;
	v3 =	vld.idx.msk [tilespmem:v10+s21+$0x0], $0xffff  }
0x587: {  	v10 =	vor.u32 v58, v1;
	v4 =	vmul.f32 v7, v4;
	v7 =	vld.idx.msk [tilespmem:v11+s22+$0x0], $0xffff  }
0x588: {  	v2 =	vadd.f32 v5, v2;
	v5 =	vld.idx.msk [tilespmem:v11+s21+$0x0], $0xffff  }
0x589: {  	v6 =	vmul.f32 v8, v6;
	v8 =	vld.idx.msk [tilespmem:v12+s22+$0x0], $0xffff  }
0x58a: {  	v11 =	vor.u32 v49, v1;
	v2 =	vadd.f32 v4, v2;
	v4 =	vld.idx.msk [tilespmem:v12+s21+$0x0], $0xffff  }
0x58b: {  	v12 =	vld [tilespmem:$0x1FD30]  }
0x58c: {  	v3 =	vmul.f32 v9, v3;
	v9 =	vld.idx.msk [tilespmem:v10+s22+$0x0], $0xffff  }
0x58d: {  	v2 =	vadd.f32 v6, v2;
	v6 =	vld.idx.msk [tilespmem:v10+s21+$0x0], $0xffff  }
0x58e: {  	v10 =	vld [tilespmem:$0x1FD40]  }
0x58f: {  	v5 =	vmul.f32 v7, v5;
	v7 =	vld.idx.msk [tilespmem:v11+s22+$0x0], $0xffff  }
0x590: {  	v2 =	vadd.f32 v3, v2;
	v3 =	vld.idx.msk [tilespmem:v11+s21+$0x0], $0xffff;
	v11 =	vor.u32 v42, v1  }
0x591: {  	v12 =	vor.u32 v12, v1;
	_ =	sdelay $0x2  }
0x592: {  	v4 =	vmul.f32 v8, v4;
	v2 =	vadd.f32 v5, v2  }
0x593: {  	v10 =	vor.u32 v10, v1;
	v3 =	vmul.f32 v7, v3;
	v7 =	vld.idx.msk [tilespmem:v11+s22+$0x0], $0xffff  }
0x594: {  	v6 =	vmul.f32 v9, v6;
	v2 =	vadd.f32 v4, v2;
	v5 =	vld.idx.msk [tilespmem:v12+s21+$0x0], $0xffff  }
0x595: {  	v8 =	vld.idx.msk [tilespmem:v12+s22+$0x0], $0xffff  }
0x596: {  	v2 =	vadd.f32 v6, v2;
	v6 =	vld.idx.msk [tilespmem:v11+s21+$0x0], $0xffff  }
0x597: {  	v11 =	vld [tilespmem:$0x1FD20]  }
0x598: {  	v4 =	vld.idx.msk [tilespmem:v10+s21+$0x0], $0xffff  }
0x599: {  	v12 =	vor.u32 v56, v1;
	v9 =	vld.idx.msk [tilespmem:v10+s22+$0x0], $0xffff  }
0x59a: {  	v10 =	vld [tilespmem:$0x1FD50];
	_ =	sdelay $0x1  }
0x59b: {  	v11 =	vor.u32 v11, v1  }
0x59c: {  	v2 =	vadd.f32 v3, v2;
	v5 =	vmul.f32 v8, v5  }
0x59d: {  	v3 =	vld.idx.msk [tilespmem:v12+s21+$0x0], $0xffff  }
0x59e: {  	v8 =	vld.idx.msk [tilespmem:v12+s22+$0x0], $0xffff;
	v10 =	vor.u32 v10, v1;
	v2 =	vadd.f32 v5, v2;
	v4 =	vmul.f32 v9, v4  }
0x59f: {  	v12 =	vld [tilespmem:$0x1FD10]  }
0x5a0: {  	v2 =	vadd.f32 v4, v2;
	v4 =	vld.idx.msk [tilespmem:v11+s21+$0x0], $0xffff  }
0x5a1: {  	v6 =	vmul.f32 v7, v6;
	v7 =	vld.idx.msk [tilespmem:v11+s22+$0x0], $0xffff  }
0x5a2: {  	v11 =	vld [tilespmem:$0x1FCF0]  }
0x5a3: {  	v5 =	vld.idx.msk [tilespmem:v10+s21+$0x0], $0xffff  }
0x5a4: {  	v9 =	vld.idx.msk [tilespmem:v10+s22+$0x0], $0xffff  }
0x5a5: {  	v12 =	vor.u32 v12, v1;
	v10 =	vld [tilespmem:$0x1FD00];
	_ =	sdelay $0x2  }
0x5a6: {  	v11 =	vor.u32 v11, v1  }
0x5a7: {  	v3 =	vmul.f32 v8, v3;
	v2 =	vadd.f32 v6, v2  }
0x5a8: {  	v6 =	vld.idx.msk [tilespmem:v12+s21+$0x0], $0xffff;
	v10 =	vor.u32 v10, v1  }
0x5a9: {  	v2 =	vadd.f32 v3, v2;
	v8 =	vld.idx.msk [tilespmem:v12+s22+$0x0], $0xffff;
	v5 =	vmul.f32 v9, v5  }
0x5aa: {  	v12 =	vor.u32 v41, v1;
	v41 =	vld [tilespmem:$0x1FCD0]  }
0x5ab: {  	v2 =	vadd.f32 v5, v2;
	v5 =	vld.idx.msk [tilespmem:v11+s21+$0x0], $0xffff  }
0x5ac: {  	v4 =	vmul.f32 v7, v4;
	v7 =	vld.idx.msk [tilespmem:v11+s22+$0x0], $0xffff  }
0x5ad: {  	v3 =	vld.idx.msk [tilespmem:v10+s21+$0x0], $0xffff  }
0x5ae: {  	v9 =	vld.idx.msk [tilespmem:v10+s22+$0x0], $0xffff;
	v10 =	vor.u32 v40, v1  }
0x5af: {  	v40 =	vld [tilespmem:$0x1FCE0]  }
0x5b0: {  	v11 =	vor.u32 v0, v1;
	v6 =	vmul.f32 v8, v6;
	v8 =	vld.idx.msk [tilespmem:v12+s22+$0x0], $0xffff  }
0x5b1: {  	v2 =	vadd.f32 v4, v2;
	v4 =	vld.idx.msk [tilespmem:v12+s21+$0x0], $0xffff;
	v12 =	vor.u32 v37, v1  }
0x5b2: {  	v0 =	vld [tilespmem:$0x1FD60]  }
0x5b3: {  	v2 =	vadd.f32 v6, v2;
	v6 =	vld.idx.msk [tilespmem:v10+s21+$0x0], $0xffff  }
0x5b4: {  	v3 =	vmul.f32 v9, v3;
	v9 =	vld.idx.msk [tilespmem:v10+s22+$0x0], $0xffff;
	v10 =	vor.u32 v40, v1  }
0x5b5: {  	v5 =	vmul.f32 v7, v5;
	v7 =	vld.idx.msk [tilespmem:v11+s22+$0x0], $0xffff  }
0x5b6: {  	v4 =	vmul.f32 v8, v4;
	v8 =	vld.idx.msk [tilespmem:v12+s22+$0x0], $0xffff;
	v2 =	vadd.f32 v3, v2  }
0x5b7: {  	v3 =	vld.idx.msk [tilespmem:v11+s21+$0x0], $0xffff;
	v11 =	vor.u32 v41, v1  }
0x5b8: {  	v2 =	vadd.f32 v5, v2;
	v5 =	vld.idx.msk [tilespmem:v12+s21+$0x0], $0xffff  }
0x5b9: {  	v12 =	vor.u32 v53, v1;
	v6 =	vmul.f32 v9, v6;
	v9 =	vld.idx.msk [tilespmem:v10+s22+$0x0], $0xffff  }
0x5ba: {  	v2 =	vadd.f32 v4, v2;
	v4 =	vld.idx.msk [tilespmem:v10+s21+$0x0], $0xffff  }
0x5bb: {  	v10 =	vor.u32 v0, v1;
	v0 =	vld [tilespmem:$0x1FB80]  }
0x5bc: {  	v3 =	vmul.f32 v7, v3;
	v7 =	vld.idx.msk [tilespmem:v11+s22+$0x0], $0xffff;
	v2 =	vadd.f32 v6, v2  }
0x5bd: {  	v6 =	vld.idx.msk [tilespmem:v11+s21+$0x0], $0xffff;
	v11 =	vor.u32 v59, v1  }
0x5be: {  	v5 =	vmul.f32 v8, v5;
	v8 =	vld.idx.msk [tilespmem:v12+s22+$0x0], $0xffff;
	v2 =	vadd.f32 v3, v2  }
0x5bf: {  	v3 =	vld.idx.msk [tilespmem:v12+s21+$0x0], $0xffff;
	v12 =	vor.u32 v50, v1  }
0x5c0: {  	v4 =	vmul.f32 v9, v4;
	v9 =	vld.idx.msk [tilespmem:v10+s22+$0x0], $0xffff;
	v2 =	vadd.f32 v5, v2  }
0x5c1: {  	v5 =	vld.idx.msk [tilespmem:v10+s21+$0x0], $0xffff;
	v10 =	vor.u32 v61, v1  }
0x5c2: {  	v2 =	vadd.f32 v4, v2;
	v4 =	vmul.f32 v7, v6;
	v6 =	vld.idx.msk [tilespmem:v11+s21+$0x0], $0xffff  }
0x5c3: {  	v7 =	vld.idx.msk [tilespmem:v11+s22+$0x0], $0xffff;
	v11 =	vor.u32 v62, v1  }
0x5c4: {  	v3 =	vmul.f32 v8, v3;
	v8 =	vld.idx.msk [tilespmem:v12+s22+$0x0], $0xffff;
	v2 =	vadd.f32 v4, v2  }
0x5c5: {  	v4 =	vld.idx.msk [tilespmem:v12+s21+$0x0], $0xffff;
	v12 =	vor.u32 v63, v1  }
0x5c6: {  	v2 =	vadd.f32 v3, v2;
	v3 =	vmul.f32 v9, v5;
	v5 =	vld.idx.msk [tilespmem:v10+s21+$0x0], $0xffff  }
0x5c7: {  	v9 =	vld.idx.msk [tilespmem:v10+s22+$0x0], $0xffff;
	v10 =	vor.u32 v60, v1  }
0x5c8: {  	v6 =	vmul.f32 v7, v6;
	v7 =	vld.idx.msk [tilespmem:v11+s22+$0x0], $0xffff;
	v2 =	vadd.f32 v3, v2  }
0x5c9: {  	v3 =	vld.idx.msk [tilespmem:v11+s21+$0x0], $0xffff;
	v11 =	vor.u32 v44, v1  }
0x5ca: {  	v4 =	vmul.f32 v8, v4;
	v8 =	vld.idx.msk [tilespmem:v12+s22+$0x0], $0xffff;
	v2 =	vadd.f32 v6, v2  }
0x5cb: {  	v6 =	vld.idx.msk [tilespmem:v12+s21+$0x0], $0xffff  }
0x5cc: {  	v12 =	vor.u32 v45, v1;
	v2 =	vadd.f32 v4, v2;
	v4 =	vmul.f32 v9, v5;
	v5 =	vld.idx.msk [tilespmem:v10+s21+$0x0], $0xffff  }
0x5cd: {  	v9 =	vld.idx.msk [tilespmem:v10+s22+$0x0], $0xffff  }
0x5ce: {  	v3 =	vmul.f32 v7, v3;
	v7 =	vld.idx.msk [tilespmem:v11+s22+$0x0], $0xffff  }
0x5cf: {  	v10 =	vor.u32 v54, v1;
	v2 =	vadd.f32 v4, v2;
	v4 =	vld.idx.msk [tilespmem:v11+s21+$0x0], $0xffff;
	_ =	sdelay $0x1  }
0x5d0: {  	v6 =	vmul.f32 v8, v6;
	v8 =	vld.idx.msk [tilespmem:v12+s22+$0x0], $0xffff;
	v2 =	vadd.f32 v3, v2  }
0x5d1: {  	v3 =	vld.idx.msk [tilespmem:v12+s21+$0x0], $0xffff  }
0x5d2: {  	v0 =	vor.u32 v0, v1;
	v12 =	vld [tilespmem:$0x1FCC0];
	v5 =	vmul.f32 v9, v5;
	v2 =	vadd.f32 v6, v2  }
0x5d3: {  	v4 =	vmul.f32 v7, v4;
	v7 =	vld.idx.msk [tilespmem:v10+s22+$0x0], $0xffff  }
0x5d4: {  	v2 =	vadd.f32 v5, v2;
	v5 =	vld.idx.msk [tilespmem:v10+s21+$0x0], $0xffff  }
0x5d5: {  	v10 =	vld [tilespmem:$0x1FCB0]  }
0x5d6: {  	v11 =	vor.u32 v55, v1  }
0x5d7: {  	v6 =	vld.idx.msk [tilespmem:v0+s21+$0x0], $0xffff  }
0x5d8: {  	v0 =	vld.idx.msk [tilespmem:v0+s22+$0x0], $0xffff;
	v9 =	vor.u32 v12, v1;
	_ =	sdelay $0x1  }
0x5d9: {  	v1 =	vor.u32 v10, v1  }
0x5da: {  	v3 =	vmul.f32 v8, v3;
	v8 =	vld.idx.msk [tilespmem:v11+s22+$0x0], $0xffff;
	v2 =	vadd.f32 v4, v2  }
0x5db: {  	v4 =	vld.idx.msk [tilespmem:v11+s21+$0x0], $0xffff  }
0x5dc: {  	v0 =	vmul.f32 v0, v6;
	v2 =	vadd.f32 v3, v2;
	v3 =	vld.idx.msk [tilespmem:v9+s21+$0x0], $0xffff  }
0x5dd: {  	v6 =	vld.idx.msk [tilespmem:v9+s22+$0x0], $0xffff  }
0x5de: {  	v0 =	vadd.f32 v0, v2;
	v2 =	vmul.f32 v7, v5;
	v5 =	vld.idx.msk [tilespmem:v1+s21+$0x0], $0xffff  }
0x5df: {  	v1 =	vld.idx.msk [tilespmem:v1+s22+$0x0], $0xffff  }
0x5e0: {  	v0 =	vadd.f32 v2, v0;
	v2 =	vmul.f32 v8, v4;
	_ =	sdelay $0x1  }
0x5e1: {  	v0 =	vadd.f32 v2, v0;
	v2 =	vmul.f32 v6, v3;
	_ =	sdelay $0x1  }
0x5e2: {  	v0 =	vadd.f32 v2, v0;
	v1 =	vmul.f32 v1, v5;
	_ =	sdelay $0x1  }
0x5e3: {  	v0 =	vadd.f32 v1, v0;
	_ =	sdelay $0x1  }
0x5e4: {  	v0 =	vsub.f32 $0.0e+00, v0;
	_ =	sdelay $0x1  }
0x5e5: {  	v0 =	vmul.f32 $1.442695020e+00, v0;
	_ =	sdelay $0x1  }
0x5e6: {  	(erf) = vpow2.f32 v0;
	_ =	sdelay $0x8  }
0x5e7: {  	v0 =	vpop (erf)  }
0x5e8: {  	v0 =	vadd.f32 $1.000000000e+00, v0;
	_ =	sdelay $0x1  }
0x5e9: {  	(erf) = vrcp.f32 v0;
	_ =	sdelay $0x3  }
0x5ea: {  	v14 =	vmov v37;
	v37 =	vld [tilespmem:$0x1FCF0]  }
0x5eb: {  	s0 =	sadd.s32 $0x1, s0;
	v59 =	vld [tilespmem:$0x1FD00];
	v62 =	vmov v15;
	v15 =	vmov v50  }
0x5ec: {  	p0 =	sne.s32 s0, $0x7;
	v60 =	vld [tilespmem:$0x1FD10];
	v10 =	vmovc v40;
	v40 =	vmovc v21;
	v21 =	vmov v22;
	v22 =	vmov v23;
	v23 =	vmov v24  }
.Ltmp2:
0x5ed: {  	v11 =	vld [tilespmem:$0x1FF10];
	v24 =	vmovc v25;
	v25 =	vmovc v26;
	v26 =	vmov v27;
	v27 =	vmov v28;
	v28 =	vmov v29;
	(pc) =	sbr.rel @p0 .LBB2_2-.Ltmp2, $4  }
0x5ee: {  	v29 =	vmovc v30;
	v30 =	vmovc v31;
	v31 =	vmov v32;
	v32 =	vmov v33;
	v33 =	vmov v34;
	v9 =	vld [tilespmem:$0x1FF30]  }
0x5ef: {  	s12 =	sshrl.u32 s15, $0x3;
	s8 =	sadd.s32 $0x10, s9;
	v34 =	vmov v35;
	v35 =	vmov v36;
	v36 =	vmov v39;
	v6 =	vld [tilespmem:$0x1FF20];
	v0 =	vpop (erf)  }
0x5f0: {  	s15 =	sadd.s32 s2, s12;
	v39 =	vmovc v38;
	v8 =	vmovc v45;
	v45 =	vmov v55;
	v4 =	vmov v42;
	v55 =	vmov v44;
	v2 =	vld [tilespmem:$0x1FF60];
	[tilespmem:s8+$0x0] =	vst v0  }
0x5f1: {  	v3 =	vmovc v19;
	v19 =	vmovc v20;
	v5 =	vmov v12;
	v12 =	vmov v53;
	v53 =	vmov v56;
	v0 =	vld [tilespmem:$0x1FD20];
	[hbm4b:s15+s3] =	stream.linear.scatter [tilespmem:s29], [sflag:$0x6], $0x150, $0x38  }
0x5f2: {  	_ =	swait.ge [sflag:s30], $0x150  }
0x5f3: {  	[sflag:s30] =	ssyncset.done $0x0  }
0x5f4: {  	[sflag:s30] =	ssyncadd.s32 $0xFFFFFEB0  }
0x5f5: {  	_ =	swait.ge [sflag:s31], $0x150  }
0x5f6: {  	s1 =	sadd.s32 $0x1, s1;
	s0 =	rddreg [dreg:$0x8]  }
0x5f7: {  	p0 =	sne.s32 s1, s0  }
.Ltmp3:
0x5f8: {  	_ = 	snop;
	(pc) =	sbr.rel @p0 .LBB2_1-.Ltmp3, $3  }
0x5f9: {  	_ =	sdelay $0x1  }
0x5fa: {  	v20 =	vmov v60;
	v38 =	vmov v59;
	v19 =	vmov v5;
	[sflag:s31] =	ssyncset.done $0x0  }
0x5fb: {  	v50 =	vmovc v52;
	v3 =	vmovc v49;
	v61 =	vmov v48;
	v59 =	vmov v47;
	v44 =	vmov v46;
	[sflag:s31] =	ssyncadd.s32 $0xFFFFFEB0  }
0x5fc: {  	_ =	sfence.sel $0x180000  }
0x5fd: {  	[bflag:$0x0] =	sbarrier.arrive $0xFFFF  }
0x5fe: {  	_ =	strace $0x90000047  }
0x5ff: {  	s0 =	stileid.u32;
	[bflag:$0x2] =	sbarrier.arrive $0xFFFF  }
0x600: {  	p0 =	sne.s32 s0, $0x0;
	s0 =	rddreg [dreg:$0x4]  }
0x601: {  	s0 =	sadd.s32 @!p0 $0x100000, s0  }
0x602: {  	[sflag:s0] =	ssyncadd.tile.s32 @!p0 $0x1;
	_ =	shalt  }
.Lfunc_end2:
_tile_overlayer_lowered:
.L_overlay_start_2:
0x603: {  	(tag) =	ssettag $0x2  }
0x604: {  	s0 =	rddreg [dreg:$0x0];
	s2 =	stileid.u32  }
0x605: {  	s1 =	rddreg [dreg:$0x1];
	p0 =	sne.s32 s2, $0x0  }
0x606: {  	s3 =	rddreg [dreg:$0x2];
	[bflag:$0x3] =	sbarrier.arrive $0xFFFF;
	s2 =	simm.s32 @!p0 $0x1C07  }
0x607: {  	[timem:s3], [sflag:s2] =	dma.local @!p0 [hbm:s0], s1  }
0x608: {  	s0 =	simm.s32 @!p0 $0x7  }
0x609: {  	_ =	swait.ge @!p0 [sflag:s0], s1  }
0x60a: {  	s1 =	ssub.s32 @!p0 $0x0, s1;
	[sflag:s0] =	ssyncset.done @!p0 $0x0  }
0x60b: {  	[sflag:s0] =	ssyncadd.s32 @!p0 s1  }
0x60c: {  	[bflag:$0x3] =	sbarrier.arrive $0xFFFF  }
0x60d: {  	_ =	shalt  }

</sc_bundles>
